<compile_context>
chip_gen: v7x
topology: tpu7x:2x2x1
jax: 0.10.2.dev20260603
libtpu: 0.0.44.dev20260713+nightly
codegen_flags: <defaults>
</compile_context>

<pallas_src>
import functools

import jax
import jax.numpy as jnp
from jax import lax
from jax.experimental import pallas as pl
from jax.experimental.pallas import tpu as pltpu
from jax.experimental.pallas import tpu_sc as plsc

H = 8
C = 16
D = 128

NC = 2
NS = 16
NW = NC * NS
K = 112
ZB = 80


def _proj_body(x_ref, w_ref, asrc_ref, adst_ref, wedge_ref, aedge_ref,
               xw_ref, as_ref, ad_ref, s_ref):
    xw = jnp.dot(x_ref[...], w_ref[...], preferred_element_type=jnp.float32)
    xw_ref[...] = xw
    jj = lax.broadcasted_iota(jnp.int32, (D, H), 0) // C
    hh = lax.broadcasted_iota(jnp.int32, (D, H), 1)
    sel = (jj == hh).astype(jnp.float32)
    as_ref[...] = jnp.dot(xw * asrc_ref[...], sel,
                          preferred_element_type=jnp.float32)
    ad_ref[...] = jnp.dot(xw * adst_ref[...], sel,
                          preferred_element_type=jnp.float32)
    s_ref[...] = jnp.dot(wedge_ref[...] * aedge_ref[...], sel,
                         preferred_element_type=jnp.float32)


def _project(x, w, asrc_flat, adst_flat, wedge, aedge_flat, n):
    bn = 1000
    grid = (n // bn,)
    return pl.pallas_call(
        _proj_body,
        grid=grid,
        in_specs=[
            pl.BlockSpec((bn, D), lambda i: (i, 0)),
            pl.BlockSpec((D, D), lambda i: (0, 0)),
            pl.BlockSpec((1, D), lambda i: (0, 0)),
            pl.BlockSpec((1, D), lambda i: (0, 0)),
            pl.BlockSpec((1, D), lambda i: (0, 0)),
            pl.BlockSpec((1, D), lambda i: (0, 0)),
        ],
        out_specs=[
            pl.BlockSpec((bn, D), lambda i: (i, 0)),
            pl.BlockSpec((bn, H), lambda i: (i, 0)),
            pl.BlockSpec((bn, H), lambda i: (i, 0)),
            pl.BlockSpec((1, H), lambda i: (0, 0)),
        ],
        out_shape=[
            jax.ShapeDtypeStruct((n, D), jnp.float32),
            jax.ShapeDtypeStruct((n, H), jnp.float32),
            jax.ShapeDtypeStruct((n, H), jnp.float32),
            jax.ShapeDtypeStruct((1, H), jnp.float32),
        ],
    )(x, w, asrc_flat, adst_flat, wedge, aedge_flat)


def _make_sc_edge_pass(n, n_pad, e):
    total_chunks = -(-e // K)
    chunks_per_tile = -(-total_chunks // NW)
    chunks_per_tile += chunks_per_tile % 2
    rem = e % K
    e_floor = (e // K) * K
    rows_per_tile = n_pad // NS
    mesh = plsc.VectorSubcoreMesh(core_axis_name="c", subcore_axis_name="s")

    def body(ei_hbm, attr_hbm, asrc_hbm, adst_hbm, xw_hbm, svec_hbm,
             outp_hbm, denp_hbm,
             src_v, dst_v, attr_v, as_v, ad_v, xw_v, p_v, svec_v, stage_v,
             out_sh, den_sh, sem_ld, sem_g, sem_sc):
        cid = lax.axis_index("c")
        sid = lax.axis_index("s")
        wid = cid * NS + sid
        nch = chunks_per_tile

        pltpu.sync_copy(svec_hbm, svec_v)

        zeros16 = jnp.zeros((16,), jnp.float32)

        def zero_row(i, _):
            for j in range(D // 16):
                xw_v[0][i, pl.ds(j * 16, 16)] = zeros16
            p_v[0][i, pl.ds(0, 16)] = zeros16
            return 0

        rbase = sid * rows_per_tile

        def zero_stripe(j, _):
            pltpu.async_copy(xw_v[0].at[pl.ds(0, ZB)],
                             out_sh.at[pl.ds(rbase + j * ZB, ZB)], sem_sc[0])
            pltpu.async_copy(p_v[0].at[pl.ds(0, ZB)],
                             den_sh.at[pl.ds(rbase + j * ZB, ZB)], sem_sc[1])
            return 0

        def zero_drain(j, _):
            pltpu.make_async_copy(xw_v[0].at[pl.ds(0, ZB)],
                                  out_sh.at[pl.ds(rbase + j * ZB, ZB)],
                                  sem_sc[0]).wait()
            pltpu.make_async_copy(p_v[0].at[pl.ds(0, ZB)],
                                  den_sh.at[pl.ds(rbase + j * ZB, ZB)],
                                  sem_sc[1]).wait()
            return 0

        lanes = lax.iota(jnp.int32, 16)
        ones16 = jnp.full((16,), 1.0, jnp.float32)
        col8 = jnp.full((16,), 8, jnp.int32)
        col9 = jnp.full((16,), 9, jnp.int32)

        def chunk_base(k):
            return (k * NW + wid) * K

        def load_idx(k, b):
            ebase = chunk_base(k)
            pltpu.async_copy(ei_hbm.at[pl.ds(ebase, K)], src_v[b],
                             sem_ld[0])
            pltpu.async_copy(ei_hbm.at[pl.ds(e + ebase, K)], dst_v[b],
                             sem_ld[0])
            pltpu.async_copy(attr_hbm.at[pl.ds(ebase, K)], attr_v[b],
                             sem_ld[0])

        def wait_idx(b):
            pltpu.make_async_copy(ei_hbm.at[pl.ds(0, K)], src_v[b],
                                  sem_ld[0]).wait()
            pltpu.make_async_copy(ei_hbm.at[pl.ds(0, K)], dst_v[b],
                                  sem_ld[0]).wait()
            pltpu.make_async_copy(attr_hbm.at[pl.ds(0, K)], attr_v[b],
                                  sem_ld[0]).wait()

        def load_stage(k):
            ebase = chunk_base(k)

            @pl.when(ebase + K <= e)
            def _full():
                pltpu.async_copy(ei_hbm.at[pl.ds(ebase, K)], stage_v[0],
                                 sem_ld[1])
                pltpu.async_copy(ei_hbm.at[pl.ds(e + ebase, K)], stage_v[1],
                                 sem_ld[1])
                pltpu.async_copy(attr_hbm.at[pl.ds(ebase, K)], stage_v[2],
                                 sem_ld[1])

            if rem:
                @pl.when(ebase == e_floor)
                def _partial():
                    pltpu.async_copy(ei_hbm.at[pl.ds(ebase, rem)],
                                     stage_v[0].at[pl.ds(0, rem)], sem_ld[1])
                    pltpu.async_copy(ei_hbm.at[pl.ds(e + ebase, rem)],
                                     stage_v[1].at[pl.ds(0, rem)], sem_ld[1])
                    pltpu.async_copy(attr_hbm.at[pl.ds(ebase, rem)],
                                     stage_v[2].at[pl.ds(0, rem)], sem_ld[1])

        def unstage(b, k):
            ebase = chunk_base(k)

            @pl.when(ebase + K <= e)
            def _full():
                pltpu.make_async_copy(ei_hbm.at[pl.ds(0, K)], stage_v[0],
                                      sem_ld[1]).wait()
                pltpu.make_async_copy(ei_hbm.at[pl.ds(0, K)], stage_v[1],
                                      sem_ld[1]).wait()
                pltpu.make_async_copy(attr_hbm.at[pl.ds(0, K)], stage_v[2],
                                      sem_ld[1]).wait()

            if rem:
                @pl.when(ebase == e_floor)
                def _partial():
                    pltpu.make_async_copy(ei_hbm.at[pl.ds(0, rem)],
                                          stage_v[0].at[pl.ds(0, rem)],
                                          sem_ld[1]).wait()
                    pltpu.make_async_copy(ei_hbm.at[pl.ds(0, rem)],
                                          stage_v[1].at[pl.ds(0, rem)],
                                          sem_ld[1]).wait()
                    pltpu.make_async_copy(attr_hbm.at[pl.ds(0, rem)],
                                          stage_v[2].at[pl.ds(0, rem)],
                                          sem_ld[1]).wait()

            @plsc.parallel_loop(0, K // 16, 1, unroll=2)
            def cp(g):
                sl = pl.ds(g * 16, 16)
                src_v[b][sl] = stage_v[0][sl]
                dst_v[b][sl] = stage_v[1][sl]
                attr_v[b][sl] = stage_v[2][sl]

        def start_gathers(b):
            pltpu.async_copy(asrc_hbm.at[src_v[b]], as_v[b], sem_g[b])
            pltpu.async_copy(adst_hbm.at[dst_v[b]], ad_v[b], sem_g[b])
            pltpu.async_copy(xw_hbm.at[src_v[b]], xw_v[b], sem_g[b])

        def wait_scatters(b, k):
            @pl.when(chunk_base(k) < e)
            def _():
                pltpu.make_async_copy(xw_v[b], out_sh.at[dst_v[b]],
                                      sem_sc[b]).wait()
                pltpu.make_async_copy(p_v[b], den_sh.at[dst_v[b]],
                                      sem_sc[b]).wait()

        def process(k, b):
            nb = 1 - b
            @pl.when(k + 1 < nch)
            def _prefetch():
                @pl.when(k >= 1)
                def _drain():
                    wait_scatters(nb, k - 1)

                unstage(nb, k + 1)

                @pl.when(chunk_base(k + 1) < e)
                def _gather():
                    start_gathers(nb)

            @pl.when(k + 2 < nch)
            def _stage():
                load_stage(k + 2)

            ebase = chunk_base(k)

            @pl.when(ebase < e)
            def _active():
                pltpu.make_async_copy(asrc_hbm.at[pl.ds(0, K)], as_v[b],
                                      sem_g[b]).wait()
                pltpu.make_async_copy(adst_hbm.at[pl.ds(0, K)], ad_v[b],
                                      sem_g[b]).wait()

                @plsc.parallel_loop(0, K // 16, 1, unroll=2)
                def grp(g):
                    eids = lanes + g * 16
                    valid = (ebase + eids) < e
                    att16 = attr_v[b][pl.ds(g * 16, 16)]
                    s_all = svec_v[pl.ds(0, 16)]
                    for h in range(H):
                        hv = jnp.full((16,), h, jnp.int32)
                        a_s = plsc.load_gather(as_v[b], [eids, hv])
                        a_d = plsc.load_gather(ad_v[b], [eids, hv])
                        al = a_s + a_d + att16 * s_all[h]
                        al = jnp.where(al >= 0.0, al, al * 0.2)
                        p = jnp.where(valid, jnp.exp(al), 0.0)
                        plsc.store_scatter(p_v[b], [eids, hv], p)
                    plsc.store_scatter(p_v[b], [eids, col8],
                                       jnp.where(valid, ones16, 0.0))
                    plsc.store_scatter(p_v[b], [eids, col9], att16)

                pltpu.make_async_copy(xw_hbm.at[pl.ds(0, K)], xw_v[b],
                                      sem_g[b]).wait()

                @plsc.parallel_loop(0, K, 1, unroll=4)
                def edge_mul(i):
                    prow = p_v[b][i, pl.ds(0, 16)]
                    for h in range(H):
                        xw_v[b][i, pl.ds(h * 16, 16)] = (
                            xw_v[b][i, pl.ds(h * 16, 16)] * prow[h])

                pltpu.async_copy(xw_v[b], out_sh.at[dst_v[b]], sem_sc[b],
                                 add=True)
                pltpu.async_copy(p_v[b], den_sh.at[dst_v[b]], sem_sc[b],
                                 add=True)

        load_idx(0, 0)
        load_stage(1)
        lax.fori_loop(0, K, zero_row, 0)
        lax.fori_loop(0, rows_per_tile // ZB, zero_stripe, 0)
        lax.fori_loop(0, rows_per_tile // ZB, zero_drain, 0)
        plsc.subcore_barrier()
        wait_idx(0)
        start_gathers(0)

        def pair_body(j, _):
            process(2 * j, 0)
            process(2 * j + 1, 1)
            return 0

        lax.fori_loop(0, nch // 2, pair_body, 0)
        wait_scatters(0, nch - 2)
        wait_scatters(1, nch - 1)
        plsc.subcore_barrier()

        pltpu.sync_copy(out_sh.at[pl.ds(rbase, rows_per_tile)],
                        outp_hbm.at[cid, pl.ds(rbase, rows_per_tile)])
        pltpu.sync_copy(den_sh.at[pl.ds(rbase, rows_per_tile)],
                        denp_hbm.at[cid, pl.ds(rbase, rows_per_tile)])

    return pl.kernel(
        body,
        out_type=[
            jax.ShapeDtypeStruct((NC, n_pad, D), jnp.float32),
            jax.ShapeDtypeStruct((NC, n_pad, 16), jnp.float32),
        ],
        mesh=mesh,
        compiler_params=pltpu.CompilerParams(
            needs_layout_passes=False, use_tc_tiling_on_sc=False),
        scratch_types=[
            (pltpu.VMEM((K,), jnp.int32), pltpu.VMEM((K,), jnp.int32)),
            (pltpu.VMEM((K,), jnp.int32), pltpu.VMEM((K,), jnp.int32)),
            (pltpu.VMEM((K,), jnp.float32), pltpu.VMEM((K,), jnp.float32)),
            (pltpu.VMEM((K, H), jnp.float32), pltpu.VMEM((K, H), jnp.float32)),
            (pltpu.VMEM((K, H), jnp.float32), pltpu.VMEM((K, H), jnp.float32)),
            (pltpu.VMEM((K, D), jnp.float32), pltpu.VMEM((K, D), jnp.float32)),
            (pltpu.VMEM((K, 16), jnp.float32), pltpu.VMEM((K, 16), jnp.float32)),
            pltpu.VMEM((16,), jnp.float32),
            (pltpu.VMEM((K,), jnp.int32), pltpu.VMEM((K,), jnp.int32),
             pltpu.VMEM((K,), jnp.float32)),
            pltpu.VMEM_SHARED((n_pad, D), jnp.float32),
            pltpu.VMEM_SHARED((n_pad, 16), jnp.float32),
            (pltpu.SemaphoreType.DMA, pltpu.SemaphoreType.DMA),
            (pltpu.SemaphoreType.DMA, pltpu.SemaphoreType.DMA),
            (pltpu.SemaphoreType.DMA, pltpu.SemaphoreType.DMA),
        ],
    )


def _final_body(outp_ref, denp_ref, xw_ref, as_ref, ad_ref, s_ref,
                bias_ref, gamma_ref, beta_ref, out_ref):
    den = denp_ref[0] + denp_ref[1]
    acc = outp_ref[0] + outp_ref[1]
    denh = den[:, 0:H]
    deg = den[:, H:H + 1]
    asum = den[:, H + 1:H + 2]
    loop_attr = asum / jnp.maximum(deg, 1.0)
    al = as_ref[...] + ad_ref[...] + loop_attr * s_ref[...]
    al = jnp.where(al >= 0.0, al, al * 0.2)
    p_loop = jnp.exp(al)
    denom = denh + p_loop
    hh = lax.broadcasted_iota(jnp.int32, (H, D), 0)
    jj = lax.broadcasted_iota(jnp.int32, (H, D), 1) // C
    sel = (hh == jj).astype(jnp.float32)
    acc = acc + jnp.dot(p_loop, sel, preferred_element_type=jnp.float32) * xw_ref[...]
    acc = acc / (jnp.dot(denom, sel, preferred_element_type=jnp.float32) + 1e-16)
    acc = (acc + bias_ref[...]) * (gamma_ref[...] * (1.0 / jnp.sqrt(1.0 + 1e-5))) + beta_ref[...]
    out_ref[...] = jnp.where(acc > 0.0, acc, jnp.exp(acc) - 1.0)


def _finalize(outp, denp, xw, a_src, a_dst, s_row, bias, gamma, beta, n):
    bn = 1000
    grid = (n // bn,)
    return pl.pallas_call(
        _final_body,
        grid=grid,
        in_specs=[
            pl.BlockSpec((NC, bn, D), lambda i: (0, i, 0)),
            pl.BlockSpec((NC, bn, 16), lambda i: (0, i, 0)),
            pl.BlockSpec((bn, D), lambda i: (i, 0)),
            pl.BlockSpec((bn, H), lambda i: (i, 0)),
            pl.BlockSpec((bn, H), lambda i: (i, 0)),
            pl.BlockSpec((1, H), lambda i: (0, 0)),
            pl.BlockSpec((1, D), lambda i: (0, 0)),
            pl.BlockSpec((1, D), lambda i: (0, 0)),
            pl.BlockSpec((1, D), lambda i: (0, 0)),
        ],
        out_specs=pl.BlockSpec((bn, D), lambda i: (i, 0)),
        out_shape=jax.ShapeDtypeStruct((n, D), jnp.float32),
    )(outp, denp, xw, a_src, a_dst, s_row, bias, gamma, beta)


@jax.jit
def kernel(x, edge_index, edge_attr, W, att_src, att_dst, W_edge, att_edge,
           bias, bn_gamma, bn_beta):
    n = x.shape[0]
    e = edge_index.shape[1]

    ei = edge_index.astype(jnp.int32)

    asrc_flat = att_src.reshape(1, D)
    adst_flat = att_dst.reshape(1, D)
    aedge_flat = att_edge.reshape(1, D)

    xw, a_src, a_dst, s_row = _project(x, W, asrc_flat, adst_flat,
                                       W_edge, aedge_flat, n)

    s16 = jnp.concatenate([s_row.reshape(H), jnp.zeros((16 - H,), jnp.float32)])
    n_pad = ((n + NS * ZB - 1) // (NS * ZB)) * (NS * ZB)
    outp, denp = _make_sc_edge_pass(n, n_pad, e)(
        ei.reshape(2 * e), edge_attr.reshape(e), a_src, a_dst, xw, s16)

    return _finalize(outp, denp, xw, a_src, a_dst, s_row,
                     bias.reshape(1, D), bn_gamma.reshape(1, D),
                     bn_beta.reshape(1, D), n)

# --- scband reference (transcript-rebuilt; emitter-appended) ---
"""Pipeline reference for scband-multi-head-gatlayer-45243185496498 (READ-ONLY COPY).

The authoritative reference and input builder live on the scoring server;
editing this copy changes nothing except your own understanding.
"""

import jax, jax.numpy as jnp
import numpy as np

N = 10000
E = 320000
D_IN = 128
H = 8
C = 16

def setup_inputs(seed: int = 0) -> dict:
    key = jax.random.key(seed)
    ks = jax.random.split(key, 12)
    x = jax.random.normal(ks[0], (N, D_IN), dtype=jnp.float32)
    edge_index = jax.random.randint(ks[1], (2, E), 0, N, dtype=jnp.int64)
    edge_attr = jax.random.uniform(ks[2], (E, 1), dtype=jnp.float32)
    W = jax.random.normal(ks[3], (D_IN, H * C), dtype=jnp.float32) * 0.1
    att_src = jax.random.normal(ks[4], (H, C), dtype=jnp.float32) * 0.1
    att_dst = jax.random.normal(ks[5], (H, C), dtype=jnp.float32) * 0.1
    W_edge = jax.random.normal(ks[6], (1, H * C), dtype=jnp.float32) * 0.1
    att_edge = jax.random.normal(ks[7], (H, C), dtype=jnp.float32) * 0.1
    bias = jnp.zeros((H * C,), dtype=jnp.float32)
    bn_gamma = jnp.ones((H * C,), dtype=jnp.float32)
    bn_beta = jnp.zeros((H * C,), dtype=jnp.float32)
    return {"x": x, "edge_index": edge_index, "edge_attr": edge_attr, "W": W,
            "att_src": att_src, "att_dst": att_dst, "W_edge": W_edge,
            "att_edge": att_edge, "bias": bias, "bn_gamma": bn_gamma, "bn_beta": bn_beta}

def reference(x, edge_index, edge_attr, W, att_src, att_dst, W_edge, att_edge, bias, bn_gamma, bn_beta):
    n = x.shape[0]
    src, dst = edge_index[0], edge_index[1]
    # PyG GATConv default add_self_loops=True with fill_value='mean' for edge_attr:
    # self-loop attr for node i = mean of edge_attr over edges with dst == i (0 if none)
    deg = jnp.zeros((n,), dtype=jnp.float32).at[dst].add(1.0)
    loop_attr = jnp.zeros((n, edge_attr.shape[1]), dtype=jnp.float32).at[dst].add(edge_attr)
    loop_attr = loop_attr / jnp.clip(deg, 1.0)[:, None]
    loop_idx = jnp.arange(n, dtype=src.dtype)
    src_f = jnp.concatenate([src, loop_idx])
    dst_f = jnp.concatenate([dst, loop_idx])
    ea = jnp.concatenate([edge_attr, loop_attr], axis=0)
    # linear projections
    xw = (x @ W).reshape(n, H, C)
    a_src = (xw * att_src[None, :, :]).sum(-1)  # [n, H]
    a_dst = (xw * att_dst[None, :, :]).sum(-1)  # [n, H]
    ew = (ea @ W_edge).reshape(-1, H, C)
    a_edge = (ew * att_edge[None, :, :]).sum(-1)  # [E', H]
    alpha = a_src[src_f] + a_dst[dst_f] + a_edge
    alpha = jax.nn.leaky_relu(alpha, negative_slope=0.2)
    # softmax over incoming edges per dst node (numerically stable)
    amax = jax.ops.segment_max(alpha, dst_f, num_segments=n)
    amax = jnp.where(jnp.isfinite(amax), amax, 0.0)
    ex = jnp.exp(alpha - amax[dst_f])
    denom = jax.ops.segment_sum(ex, dst_f, num_segments=n)
    att = ex / (denom[dst_f] + 1e-16)
    # message passing: weighted sum of source features (attention dropout skipped: eval mode)
    msg = xw[src_f] * att[:, :, None]
    out = jax.ops.segment_sum(msg, dst_f, num_segments=n).reshape(n, H * C)
    out = out + bias
    # BatchNorm1d eval mode: running_mean=0, running_var=1, eps=1e-5
    out = (out - 0.0) / jnp.sqrt(1.0 + 1e-5) * bn_gamma + bn_beta
    out = jax.nn.elu(out)
    # final feature dropout skipped (eval mode)
    return out

if __name__ == "__main__":
    import jax
    _d = setup_inputs()
    print(jax.jit(kernel)(*tuple(_d.values())))

</pallas_src>

<mosaic_0001>
#map = affine_map<(d0, d1) -> (0)>
#map1 = affine_map<(d0, d1) -> (0, 0)>
#map2 = affine_map<(d0, d1) -> (0, 0, 0)>
module attributes {stable_mosaic.version = 14 : i64} {
  func.func @body(%arg0: i32, %arg1: i32, %arg2: memref<640000xi32, #tpu.memory_space<hbm>>, %arg3: memref<320000xf32, #tpu.memory_space<hbm>>, %arg4: memref<10000x8xf32, #tpu.memory_space<hbm>>, %arg5: memref<10000x8xf32, #tpu.memory_space<hbm>>, %arg6: memref<10000x128xf32, #tpu.memory_space<hbm>>, %arg7: memref<16xf32, #tpu.memory_space<hbm>>, %arg8: memref<2x10240x128xf32, #tpu.memory_space<hbm>>, %arg9: memref<2x10240x16xf32, #tpu.memory_space<hbm>>, %arg10: memref<112xi32, #tpu.memory_space<vmem>>, %arg11: memref<112xi32, #tpu.memory_space<vmem>>, %arg12: memref<112xi32, #tpu.memory_space<vmem>>, %arg13: memref<112xi32, #tpu.memory_space<vmem>>, %arg14: memref<112xf32, #tpu.memory_space<vmem>>, %arg15: memref<112xf32, #tpu.memory_space<vmem>>, %arg16: memref<112x8xf32, #tpu.memory_space<vmem>>, %arg17: memref<112x8xf32, #tpu.memory_space<vmem>>, %arg18: memref<112x8xf32, #tpu.memory_space<vmem>>, %arg19: memref<112x8xf32, #tpu.memory_space<vmem>>, %arg20: memref<112x128xf32, #tpu.memory_space<vmem>>, %arg21: memref<112x128xf32, #tpu.memory_space<vmem>>, %arg22: memref<112x16xf32, #tpu.memory_space<vmem>>, %arg23: memref<112x16xf32, #tpu.memory_space<vmem>>, %arg24: memref<16xf32, #tpu.memory_space<vmem>>, %arg25: memref<112xi32, #tpu.memory_space<vmem>>, %arg26: memref<112xi32, #tpu.memory_space<vmem>>, %arg27: memref<112xf32, #tpu.memory_space<vmem>>, %arg28: memref<10240x128xf32, #tpu.memory_space<vmem_shared>>, %arg29: memref<10240x16xf32, #tpu.memory_space<vmem_shared>>, %arg30: memref<!tpu.dma_semaphore, #tpu.memory_space<semaphore_mem>>, %arg31: memref<!tpu.dma_semaphore, #tpu.memory_space<semaphore_mem>>, %arg32: memref<!tpu.dma_semaphore, #tpu.memory_space<semaphore_mem>>, %arg33: memref<!tpu.dma_semaphore, #tpu.memory_space<semaphore_mem>>, %arg34: memref<!tpu.dma_semaphore, #tpu.memory_space<semaphore_mem>>, %arg35: memref<!tpu.dma_semaphore, #tpu.memory_space<semaphore_mem>>) attributes {dimension_semantics = [#tpu.dimension_semantics<core_parallel>, #tpu.dimension_semantics<subcore_parallel>], iteration_bounds = array<i64: 2, 16>, scalar_prefetch = 0 : i64, scratch_operands = 26 : i64, tpu.core_type = #tpu.core_type<sc_vector_subcore>, window_params = [{transform_indices = #map}, {transform_indices = #map}, {transform_indices = #map1}, {transform_indices = #map1}, {transform_indices = #map1}, {transform_indices = #map}, {transform_indices = #map2}, {transform_indices = #map2}]} {
    %mul3A = arith.constant 16 : i32
    %mul3A_0 = arith.muli %arg0, %mul3A : i32
    %add3A = arith.addi %mul3A_0, %arg1 : i32
    "tpu.region"() ({
      %run_scoped3A = tpu.sem_alloc : memref<!tpu.dma_semaphore, #tpu.memory_space<semaphore_mem>>
      tpu.enqueue_dma source(%arg7 : memref<16xf32, #tpu.memory_space<hbm>>) target(%arg24 : memref<16xf32, #tpu.memory_space<vmem>>) target_semaphore(%run_scoped3A : memref<!tpu.dma_semaphore, #tpu.memory_space<semaphore_mem>>)
      tpu.wait_dma2 semaphore(%run_scoped3A : memref<!tpu.dma_semaphore, #tpu.memory_space<semaphore_mem>>) src(%arg7 : memref<16xf32, #tpu.memory_space<hbm>>) dst(%arg24 : memref<16xf32, #tpu.memory_space<vmem>>)
      tpu.yield
    }) : () -> ()
    %broadcast_in_dim3A = arith.constant 0.000000e+00 : f32
    %broadcast_in_dim3A_1 = vector.broadcast %broadcast_in_dim3A : f32 to vector<16xf32>
    %mul3A_2 = arith.constant 640 : i32
    %mul3A_3 = arith.muli %arg1, %mul3A_2 : i32
    %iota3A = tpu.iota {dimensions = array<i32: 0>} : vector<16xi32>
    %broadcast_in_dim3A_4 = arith.constant 1.000000e+00 : f32
    %broadcast_in_dim3A_5 = vector.broadcast %broadcast_in_dim3A_4 : f32 to vector<16xf32>
    %broadcast_in_dim3A_6 = arith.constant 8 : i32
    %broadcast_in_dim3A_7 = vector.broadcast %broadcast_in_dim3A_6 : i32 to vector<16xi32>
    %broadcast_in_dim3A_8 = arith.constant 9 : i32
    %broadcast_in_dim3A_9 = vector.broadcast %broadcast_in_dim3A_8 : i32 to vector<16xi32>
    %add3A_10 = arith.constant 0 : i32
    %add3A_11 = arith.addi %add3A_10, %add3A : i32
    %mul3A_12 = arith.constant 112 : i32
    %mul3A_13 = arith.muli %add3A_11, %mul3A_12 : i32
    %dma_start3A = tpu.memref_slice %arg2[%mul3A_13] : memref<640000xi32, #tpu.memory_space<hbm>> -> memref<112xi32, #tpu.memory_space<hbm>>
    %dma_start3A_14 = tpu.memref_slice %arg2[%mul3A_13] : memref<640000xi32, #tpu.memory_space<hbm>> -> memref<112xi32, #tpu.memory_space<hbm>>
    tpu.enqueue_dma source(%dma_start3A_14 : memref<112xi32, #tpu.memory_space<hbm>>) target(%arg10 : memref<112xi32, #tpu.memory_space<vmem>>) target_semaphore(%arg30 : memref<!tpu.dma_semaphore, #tpu.memory_space<semaphore_mem>>)
    %add3A_15 = arith.constant 320000 : i32
    %add3A_16 = arith.addi %add3A_15, %mul3A_13 : i32
    %dma_start3A_17 = tpu.memref_slice %arg2[%add3A_16] : memref<640000xi32, #tpu.memory_space<hbm>> -> memref<112xi32, #tpu.memory_space<hbm>>
    %dma_start3A_18 = tpu.memref_slice %arg2[%add3A_16] : memref<640000xi32, #tpu.memory_space<hbm>> -> memref<112xi32, #tpu.memory_space<hbm>>
    tpu.enqueue_dma source(%dma_start3A_18 : memref<112xi32, #tpu.memory_space<hbm>>) target(%arg12 : memref<112xi32, #tpu.memory_space<vmem>>) target_semaphore(%arg30 : memref<!tpu.dma_semaphore, #tpu.memory_space<semaphore_mem>>)
    %dma_start3A_19 = tpu.memref_slice %arg3[%mul3A_13] : memref<320000xf32, #tpu.memory_space<hbm>> -> memref<112xf32, #tpu.memory_space<hbm>>
    %dma_start3A_20 = tpu.memref_slice %arg3[%mul3A_13] : memref<320000xf32, #tpu.memory_space<hbm>> -> memref<112xf32, #tpu.memory_space<hbm>>
    tpu.enqueue_dma source(%dma_start3A_20 : memref<112xf32, #tpu.memory_space<hbm>>) target(%arg14 : memref<112xf32, #tpu.memory_space<vmem>>) target_semaphore(%arg30 : memref<!tpu.dma_semaphore, #tpu.memory_space<semaphore_mem>>)
    %add3A_21 = arith.constant 32 : i32
    %add3A_22 = arith.addi %add3A_21, %add3A : i32
    %mul3A_23 = arith.constant 112 : i32
    %mul3A_24 = arith.muli %add3A_22, %mul3A_23 : i32
    %add3A_25 = arith.constant 112 : i32
    %add3A_26 = arith.addi %mul3A_24, %add3A_25 : i32
    %le3A = arith.constant 320000 : i32
    %le3A_27 = arith.cmpi sle, %add3A_26, %le3A : i32
    %convert_element_type3A = arith.extui %le3A_27 : i1 to i32
    %cond3A = arith.constant 0 : i32
    %cond3A_28 = arith.cmpi ne, %convert_element_type3A, %cond3A : i32
    scf.if %cond3A_28 {
      %dma_start3A_98 = tpu.memref_slice %arg2[%mul3A_24] : memref<640000xi32, #tpu.memory_space<hbm>> -> memref<112xi32, #tpu.memory_space<hbm>>
      %dma_start3A_99 = tpu.memref_slice %arg2[%mul3A_24] : memref<640000xi32, #tpu.memory_space<hbm>> -> memref<112xi32, #tpu.memory_space<hbm>>
      tpu.enqueue_dma source(%dma_start3A_99 : memref<112xi32, #tpu.memory_space<hbm>>) target(%arg25 : memref<112xi32, #tpu.memory_space<vmem>>) target_semaphore(%arg31 : memref<!tpu.dma_semaphore, #tpu.memory_space<semaphore_mem>>)
      %add3A_100 = arith.constant 320000 : i32
      %add3A_101 = arith.addi %add3A_100, %mul3A_24 : i32
      %dma_start3A_102 = tpu.memref_slice %arg2[%add3A_101] : memref<640000xi32, #tpu.memory_space<hbm>> -> memref<112xi32, #tpu.memory_space<hbm>>
      %dma_start3A_103 = tpu.memref_slice %arg2[%add3A_101] : memref<640000xi32, #tpu.memory_space<hbm>> -> memref<112xi32, #tpu.memory_space<hbm>>
      tpu.enqueue_dma source(%dma_start3A_103 : memref<112xi32, #tpu.memory_space<hbm>>) target(%arg26 : memref<112xi32, #tpu.memory_space<vmem>>) target_semaphore(%arg31 : memref<!tpu.dma_semaphore, #tpu.memory_space<semaphore_mem>>)
      %dma_start3A_104 = tpu.memref_slice %arg3[%mul3A_24] : memref<320000xf32, #tpu.memory_space<hbm>> -> memref<112xf32, #tpu.memory_space<hbm>>
      %dma_start3A_105 = tpu.memref_slice %arg3[%mul3A_24] : memref<320000xf32, #tpu.memory_space<hbm>> -> memref<112xf32, #tpu.memory_space<hbm>>
      tpu.enqueue_dma source(%dma_start3A_105 : memref<112xf32, #tpu.memory_space<hbm>>) target(%arg27 : memref<112xf32, #tpu.memory_space<vmem>>) target_semaphore(%arg31 : memref<!tpu.dma_semaphore, #tpu.memory_space<semaphore_mem>>)
    } else {
    }
    %eq3A = arith.constant 319984 : i32
    %eq3A_29 = arith.cmpi eq, %mul3A_24, %eq3A : i32
    %convert_element_type3A_30 = arith.extui %eq3A_29 : i1 to i32
    %cond3A_31 = arith.constant 0 : i32
    %cond3A_32 = arith.cmpi ne, %convert_element_type3A_30, %cond3A_31 : i32
    scf.if %cond3A_32 {
      %dma_start3A_98 = arith.constant 0 : i32
      %dma_start3A_99 = tpu.memref_slice %arg25[%dma_start3A_98] : memref<112xi32, #tpu.memory_space<vmem>> -> memref<16xi32, #tpu.memory_space<vmem>>
      %dma_start3A_100 = tpu.memref_slice %arg2[%mul3A_24] : memref<640000xi32, #tpu.memory_space<hbm>> -> memref<16xi32, #tpu.memory_space<hbm>>
      %dma_start3A_101 = arith.constant 0 : i32
      %dma_start3A_102 = tpu.memref_slice %arg25[%dma_start3A_101] : memref<112xi32, #tpu.memory_space<vmem>> -> memref<16xi32, #tpu.memory_space<vmem>>
      %dma_start3A_103 = tpu.memref_slice %arg2[%mul3A_24] : memref<640000xi32, #tpu.memory_space<hbm>> -> memref<16xi32, #tpu.memory_space<hbm>>
      tpu.enqueue_dma source(%dma_start3A_103 : memref<16xi32, #tpu.memory_space<hbm>>) target(%dma_start3A_102 : memref<16xi32, #tpu.memory_space<vmem>>) target_semaphore(%arg31 : memref<!tpu.dma_semaphore, #tpu.memory_space<semaphore_mem>>)
      %add3A_104 = arith.constant 320000 : i32
      %add3A_105 = arith.addi %add3A_104, %mul3A_24 : i32
      %dma_start3A_106 = arith.constant 0 : i32
      %dma_start3A_107 = tpu.memref_slice %arg26[%dma_start3A_106] : memref<112xi32, #tpu.memory_space<vmem>> -> memref<16xi32, #tpu.memory_space<vmem>>
      %dma_start3A_108 = tpu.memref_slice %arg2[%add3A_105] : memref<640000xi32, #tpu.memory_space<hbm>> -> memref<16xi32, #tpu.memory_space<hbm>>
      %dma_start3A_109 = arith.constant 0 : i32
      %dma_start3A_110 = tpu.memref_slice %arg26[%dma_start3A_109] : memref<112xi32, #tpu.memory_space<vmem>> -> memref<16xi32, #tpu.memory_space<vmem>>
      %dma_start3A_111 = tpu.memref_slice %arg2[%add3A_105] : memref<640000xi32, #tpu.memory_space<hbm>> -> memref<16xi32, #tpu.memory_space<hbm>>
      tpu.enqueue_dma source(%dma_start3A_111 : memref<16xi32, #tpu.memory_space<hbm>>) target(%dma_start3A_110 : memref<16xi32, #tpu.memory_space<vmem>>) target_semaphore(%arg31 : memref<!tpu.dma_semaphore, #tpu.memory_space<semaphore_mem>>)
      %dma_start3A_112 = arith.constant 0 : i32
      %dma_start3A_113 = tpu.memref_slice %arg27[%dma_start3A_112] : memref<112xf32, #tpu.memory_space<vmem>> -> memref<16xf32, #tpu.memory_space<vmem>>
      %dma_start3A_114 = tpu.memref_slice %arg3[%mul3A_24] : memref<320000xf32, #tpu.memory_space<hbm>> -> memref<16xf32, #tpu.memory_space<hbm>>
      %dma_start3A_115 = arith.constant 0 : i32
      %dma_start3A_116 = tpu.memref_slice %arg27[%dma_start3A_115] : memref<112xf32, #tpu.memory_space<vmem>> -> memref<16xf32, #tpu.memory_space<vmem>>
      %dma_start3A_117 = tpu.memref_slice %arg3[%mul3A_24] : memref<320000xf32, #tpu.memory_space<hbm>> -> memref<16xf32, #tpu.memory_space<hbm>>
      tpu.enqueue_dma source(%dma_start3A_117 : memref<16xf32, #tpu.memory_space<hbm>>) target(%dma_start3A_116 : memref<16xf32, #tpu.memory_space<vmem>>) target_semaphore(%arg31 : memref<!tpu.dma_semaphore, #tpu.memory_space<semaphore_mem>>)
    } else {
    }
    %scan3A = arith.constant 0 : i32
    %scan3A_33 = arith.constant 0 : i32
    %scan3A_34 = arith.constant 112 : i32
    %scan3A_35 = arith.addi %scan3A_33, %scan3A_34 : i32
    %scan3A_36 = arith.constant 1 : i32
    %scan3A_37 = scf.for %scan3A_98 = %scan3A_33 to %scan3A_35 step %scan3A_36 iter_args(%scan3A_99 = %scan3A) -> (i32)  : i32 {
      %swap3A = arith.index_cast %scan3A_98 : i32 to index
      %swap3A_100 = arith.constant 0 : index
      %swap3A_101 = tpu.vector_load %arg20[%swap3A, %swap3A_100] {strides = array<i32>} : memref<112x128xf32, #tpu.memory_space<vmem>>, vector<16xf32>,
      tpu.vector_store %arg20[%swap3A, %swap3A_100], %broadcast_in_dim3A_1 {strides = array<i32>} : memref<112x128xf32, #tpu.memory_space<vmem>>, vector<16xf32>,
      %swap3A_102 = arith.index_cast %scan3A_98 : i32 to index
      %swap3A_103 = arith.constant 16 : index
      %swap3A_104 = tpu.vector_load %arg20[%swap3A_102, %swap3A_103] {strides = array<i32>} : memref<112x128xf32, #tpu.memory_space<vmem>>, vector<16xf32>,
      tpu.vector_store %arg20[%swap3A_102, %swap3A_103], %broadcast_in_dim3A_1 {strides = array<i32>} : memref<112x128xf32, #tpu.memory_space<vmem>>, vector<16xf32>,
      %swap3A_105 = arith.index_cast %scan3A_98 : i32 to index
      %swap3A_106 = arith.constant 32 : index
      %swap3A_107 = tpu.vector_load %arg20[%swap3A_105, %swap3A_106] {strides = array<i32>} : memref<112x128xf32, #tpu.memory_space<vmem>>, vector<16xf32>,
      tpu.vector_store %arg20[%swap3A_105, %swap3A_106], %broadcast_in_dim3A_1 {strides = array<i32>} : memref<112x128xf32, #tpu.memory_space<vmem>>, vector<16xf32>,
      %swap3A_108 = arith.index_cast %scan3A_98 : i32 to index
      %swap3A_109 = arith.constant 48 : index
      %swap3A_110 = tpu.vector_load %arg20[%swap3A_108, %swap3A_109] {strides = array<i32>} : memref<112x128xf32, #tpu.memory_space<vmem>>, vector<16xf32>,
      tpu.vector_store %arg20[%swap3A_108, %swap3A_109], %broadcast_in_dim3A_1 {strides = array<i32>} : memref<112x128xf32, #tpu.memory_space<vmem>>, vector<16xf32>,
      %swap3A_111 = arith.index_cast %scan3A_98 : i32 to index
      %swap3A_112 = arith.constant 64 : index
      %swap3A_113 = tpu.vector_load %arg20[%swap3A_111, %swap3A_112] {strides = array<i32>} : memref<112x128xf32, #tpu.memory_space<vmem>>, vector<16xf32>,
      tpu.vector_store %arg20[%swap3A_111, %swap3A_112], %broadcast_in_dim3A_1 {strides = array<i32>} : memref<112x128xf32, #tpu.memory_space<vmem>>, vector<16xf32>,
      %swap3A_114 = arith.index_cast %scan3A_98 : i32 to index
      %swap3A_115 = arith.constant 80 : index
      %swap3A_116 = tpu.vector_load %arg20[%swap3A_114, %swap3A_115] {strides = array<i32>} : memref<112x128xf32, #tpu.memory_space<vmem>>, vector<16xf32>,
      tpu.vector_store %arg20[%swap3A_114, %swap3A_115], %broadcast_in_dim3A_1 {strides = array<i32>} : memref<112x128xf32, #tpu.memory_space<vmem>>, vector<16xf32>,
      %swap3A_117 = arith.index_cast %scan3A_98 : i32 to index
      %swap3A_118 = arith.constant 96 : index
      %swap3A_119 = tpu.vector_load %arg20[%swap3A_117, %swap3A_118] {strides = array<i32>} : memref<112x128xf32, #tpu.memory_space<vmem>>, vector<16xf32>,
      tpu.vector_store %arg20[%swap3A_117, %swap3A_118], %broadcast_in_dim3A_1 {strides = array<i32>} : memref<112x128xf32, #tpu.memory_space<vmem>>, vector<16xf32>,
      %swap3A_120 = arith.index_cast %scan3A_98 : i32 to index
      %swap3A_121 = arith.constant 112 : index
      %swap3A_122 = tpu.vector_load %arg20[%swap3A_120, %swap3A_121] {strides = array<i32>} : memref<112x128xf32, #tpu.memory_space<vmem>>, vector<16xf32>,
      tpu.vector_store %arg20[%swap3A_120, %swap3A_121], %broadcast_in_dim3A_1 {strides = array<i32>} : memref<112x128xf32, #tpu.memory_space<vmem>>, vector<16xf32>,
      %swap3A_123 = arith.index_cast %scan3A_98 : i32 to index
      %swap3A_124 = arith.constant 0 : index
      %swap3A_125 = tpu.vector_load %arg22[%swap3A_123, %swap3A_124] {strides = array<i32>} : memref<112x16xf32, #tpu.memory_space<vmem>>, vector<16xf32>,
      tpu.vector_store %arg22[%swap3A_123, %swap3A_124], %broadcast_in_dim3A_1 {strides = array<i32>} : memref<112x16xf32, #tpu.memory_space<vmem>>, vector<16xf32>,
      %scan3A_126 = arith.constant 0 : i32
      scf.yield %scan3A_126 : i32
    }
    %scan3A_38 = arith.constant 112 : i32
    %scan3A_39 = arith.constant 0 : i32
    %scan3A_40 = arith.constant 0 : i32
    %scan3A_41 = arith.constant 8 : i32
    %scan3A_42 = arith.addi %scan3A_40, %scan3A_41 : i32
    %scan3A_43 = arith.constant 1 : i32
    %scan3A_44 = scf.for %scan3A_98 = %scan3A_40 to %scan3A_42 step %scan3A_43 iter_args(%scan3A_99 = %scan3A_39) -> (i32)  : i32 {
      %mul3A_100 = arith.constant 80 : i32
      %mul3A_101 = arith.muli %scan3A_98, %mul3A_100 : i32
      %add3A_102 = arith.addi %mul3A_3, %mul3A_101 : i32
      %dma_start3A_103 = arith.constant 0 : i32
      %dma_start3A_104 = arith.constant 0 : i32
      %dma_start3A_105 = tpu.memref_slice %arg20[%dma_start3A_103, %dma_start3A_104] : memref<112x128xf32, #tpu.memory_space<vmem>> -> memref<80x128xf32, #tpu.memory_space<vmem>>
      %dma_start3A_106 = arith.constant 0 : i32
      %dma_start3A_107 = tpu.memref_slice %arg28[%add3A_102, %dma_start3A_106] : memref<10240x128xf32, #tpu.memory_space<vmem_shared>> -> memref<80x128xf32, #tpu.memory_space<vmem_shared>>
      %dma_start3A_108 = arith.constant 0 : i32
      %dma_start3A_109 = tpu.memref_slice %arg28[%add3A_102, %dma_start3A_108] : memref<10240x128xf32, #tpu.memory_space<vmem_shared>> -> memref<80x128xf32, #tpu.memory_space<vmem_shared>>
      %dma_start3A_110 = arith.constant 0 : i32
      %dma_start3A_111 = arith.constant 0 : i32
      %dma_start3A_112 = tpu.memref_slice %arg20[%dma_start3A_110, %dma_start3A_111] : memref<112x128xf32, #tpu.memory_space<vmem>> -> memref<80x128xf32, #tpu.memory_space<vmem>>
      tpu.enqueue_dma source(%dma_start3A_112 : memref<80x128xf32, #tpu.memory_space<vmem>>) target(%dma_start3A_109 : memref<80x128xf32, #tpu.memory_space<vmem_shared>>) target_semaphore(%arg34 : memref<!tpu.dma_semaphore, #tpu.memory_space<semaphore_mem>>)
      %mul3A_113 = arith.constant 80 : i32
      %mul3A_114 = arith.muli %scan3A_98, %mul3A_113 : i32
      %add3A_115 = arith.addi %mul3A_3, %mul3A_114 : i32
      %dma_start3A_116 = arith.constant 0 : i32
      %dma_start3A_117 = arith.constant 0 : i32
      %dma_start3A_118 = tpu.memref_slice %arg22[%dma_start3A_116, %dma_start3A_117] : memref<112x16xf32, #tpu.memory_space<vmem>> -> memref<80x16xf32, #tpu.memory_space<vmem>>
      %dma_start3A_119 = arith.constant 0 : i32
      %dma_start3A_120 = tpu.memref_slice %arg29[%add3A_115, %dma_start3A_119] : memref<10240x16xf32, #tpu.memory_space<vmem_shared>> -> memref<80x16xf32, #tpu.memory_space<vmem_shared>>
      %dma_start3A_121 = arith.constant 0 : i32
      %dma_start3A_122 = tpu.memref_slice %arg29[%add3A_115, %dma_start3A_121] : memref<10240x16xf32, #tpu.memory_space<vmem_shared>> -> memref<80x16xf32, #tpu.memory_space<vmem_shared>>
      %dma_start3A_123 = arith.constant 0 : i32
      %dma_start3A_124 = arith.constant 0 : i32
      %dma_start3A_125 = tpu.memref_slice %arg22[%dma_start3A_123, %dma_start3A_124] : memref<112x16xf32, #tpu.memory_space<vmem>> -> memref<80x16xf32, #tpu.memory_space<vmem>>
      tpu.enqueue_dma source(%dma_start3A_125 : memref<80x16xf32, #tpu.memory_space<vmem>>) target(%dma_start3A_122 : memref<80x16xf32, #tpu.memory_space<vmem_shared>>) target_semaphore(%arg35 : memref<!tpu.dma_semaphore, #tpu.memory_space<semaphore_mem>>)
      %scan3A_126 = arith.constant 0 : i32
      scf.yield %scan3A_126 : i32
    }
    %scan3A_45 = arith.constant 8 : i32
    %scan3A_46 = arith.constant 0 : i32
    %scan3A_47 = arith.constant 0 : i32
    %scan3A_48 = arith.constant 8 : i32
    %scan3A_49 = arith.addi %scan3A_47, %scan3A_48 : i32
    %scan3A_50 = arith.constant 1 : i32
    %scan3A_51 = scf.for %scan3A_98 = %scan3A_47 to %scan3A_49 step %scan3A_50 iter_args(%scan3A_99 = %scan3A_46) -> (i32)  : i32 {
      %mul3A_100 = arith.constant 80 : i32
      %mul3A_101 = arith.muli %scan3A_98, %mul3A_100 : i32
      %add3A_102 = arith.addi %mul3A_3, %mul3A_101 : i32
      %dma_wait3A_103 = arith.constant 0 : i32
      %dma_wait3A_104 = arith.constant 0 : i32
      %dma_wait3A_105 = tpu.memref_slice %arg20[%dma_wait3A_103, %dma_wait3A_104] : memref<112x128xf32, #tpu.memory_space<vmem>> -> memref<80x128xf32, #tpu.memory_space<vmem>>
      %dma_wait3A_106 = arith.constant 0 : i32
      %dma_wait3A_107 = tpu.memref_slice %arg28[%add3A_102, %dma_wait3A_106] : memref<10240x128xf32, #tpu.memory_space<vmem_shared>> -> memref<80x128xf32, #tpu.memory_space<vmem_shared>>
      %dma_wait3A_108 = arith.constant 0 : i32
      %dma_wait3A_109 = tpu.memref_slice %arg28[%add3A_102, %dma_wait3A_108] : memref<10240x128xf32, #tpu.memory_space<vmem_shared>> -> memref<80x128xf32, #tpu.memory_space<vmem_shared>>
      %dma_wait3A_110 = arith.constant 0 : i32
      %dma_wait3A_111 = arith.constant 0 : i32
      %dma_wait3A_112 = tpu.memref_slice %arg20[%dma_wait3A_110, %dma_wait3A_111] : memref<112x128xf32, #tpu.memory_space<vmem>> -> memref<80x128xf32, #tpu.memory_space<vmem>>
      tpu.wait_dma2 semaphore(%arg34 : memref<!tpu.dma_semaphore, #tpu.memory_space<semaphore_mem>>) src(%dma_wait3A_112 : memref<80x128xf32, #tpu.memory_space<vmem>>) dst(%dma_wait3A_109 : memref<80x128xf32, #tpu.memory_space<vmem_shared>>)
      %mul3A_113 = arith.constant 80 : i32
      %mul3A_114 = arith.muli %scan3A_98, %mul3A_113 : i32
      %add3A_115 = arith.addi %mul3A_3, %mul3A_114 : i32
      %dma_wait3A_116 = arith.constant 0 : i32
      %dma_wait3A_117 = arith.constant 0 : i32
      %dma_wait3A_118 = tpu.memref_slice %arg22[%dma_wait3A_116, %dma_wait3A_117] : memref<112x16xf32, #tpu.memory_space<vmem>> -> memref<80x16xf32, #tpu.memory_space<vmem>>
      %dma_wait3A_119 = arith.constant 0 : i32
      %dma_wait3A_120 = tpu.memref_slice %arg29[%add3A_115, %dma_wait3A_119] : memref<10240x16xf32, #tpu.memory_space<vmem_shared>> -> memref<80x16xf32, #tpu.memory_space<vmem_shared>>
      %dma_wait3A_121 = arith.constant 0 : i32
      %dma_wait3A_122 = tpu.memref_slice %arg29[%add3A_115, %dma_wait3A_121] : memref<10240x16xf32, #tpu.memory_space<vmem_shared>> -> memref<80x16xf32, #tpu.memory_space<vmem_shared>>
      %dma_wait3A_123 = arith.constant 0 : i32
      %dma_wait3A_124 = arith.constant 0 : i32
      %dma_wait3A_125 = tpu.memref_slice %arg22[%dma_wait3A_123, %dma_wait3A_124] : memref<112x16xf32, #tpu.memory_space<vmem>> -> memref<80x16xf32, #tpu.memory_space<vmem>>
      tpu.wait_dma2 semaphore(%arg35 : memref<!tpu.dma_semaphore, #tpu.memory_space<semaphore_mem>>) src(%dma_wait3A_125 : memref<80x16xf32, #tpu.memory_space<vmem>>) dst(%dma_wait3A_122 : memref<80x16xf32, #tpu.memory_space<vmem_shared>>)
      %scan3A_126 = arith.constant 0 : i32
      scf.yield %scan3A_126 : i32
    }
    %scan3A_52 = arith.constant 8 : i32
    %barrier3A = arith.constant 0 : index
    tpu.barrier barrier_id(%barrier3A)
    %dma_wait3A = arith.constant 0 : i32
    %dma_wait3A_53 = tpu.memref_slice %arg2[%dma_wait3A] : memref<640000xi32, #tpu.memory_space<hbm>> -> memref<112xi32, #tpu.memory_space<hbm>>
    %dma_wait3A_54 = arith.constant 0 : i32
    %dma_wait3A_55 = tpu.memref_slice %arg2[%dma_wait3A_54] : memref<640000xi32, #tpu.memory_space<hbm>> -> memref<112xi32, #tpu.memory_space<hbm>>
    tpu.wait_dma2 semaphore(%arg30 : memref<!tpu.dma_semaphore, #tpu.memory_space<semaphore_mem>>) src(%dma_wait3A_55 : memref<112xi32, #tpu.memory_space<hbm>>) dst(%arg10 : memref<112xi32, #tpu.memory_space<vmem>>)
    %dma_wait3A_56 = arith.constant 0 : i32
    %dma_wait3A_57 = tpu.memref_slice %arg2[%dma_wait3A_56] : memref<640000xi32, #tpu.memory_space<hbm>> -> memref<112xi32, #tpu.memory_space<hbm>>
    %dma_wait3A_58 = arith.constant 0 : i32
    %dma_wait3A_59 = tpu.memref_slice %arg2[%dma_wait3A_58] : memref<640000xi32, #tpu.memory_space<hbm>> -> memref<112xi32, #tpu.memory_space<hbm>>
    tpu.wait_dma2 semaphore(%arg30 : memref<!tpu.dma_semaphore, #tpu.memory_space<semaphore_mem>>) src(%dma_wait3A_59 : memref<112xi32, #tpu.memory_space<hbm>>) dst(%arg12 : memref<112xi32, #tpu.memory_space<vmem>>)
    %dma_wait3A_60 = arith.constant 0 : i32
    %dma_wait3A_61 = tpu.memref_slice %arg3[%dma_wait3A_60] : memref<320000xf32, #tpu.memory_space<hbm>> -> memref<112xf32, #tpu.memory_space<hbm>>
    %dma_wait3A_62 = arith.constant 0 : i32
    %dma_wait3A_63 = tpu.memref_slice %arg3[%dma_wait3A_62] : memref<320000xf32, #tpu.memory_space<hbm>> -> memref<112xf32, #tpu.memory_space<hbm>>
    tpu.wait_dma2 semaphore(%arg30 : memref<!tpu.dma_semaphore, #tpu.memory_space<semaphore_mem>>) src(%dma_wait3A_63 : memref<112xf32, #tpu.memory_space<hbm>>) dst(%arg14 : memref<112xf32, #tpu.memory_space<vmem>>)
    %dma_start3A_64 = arith.constant 0 : i32
    %dma_start3A_65 = arith.constant 0 : i32
    %dma_start3A_66 = tpu.memref_slice %arg4[%dma_start3A_64, %dma_start3A_65] : memref<10000x8xf32, #tpu.memory_space<hbm>> -> memref<10000x8xf32, #tpu.memory_space<hbm>>
    tpu.enqueue_indirect_dma source(%dma_start3A_66 : memref<10000x8xf32, #tpu.memory_space<hbm>>) target(%arg16 : memref<112x8xf32, #tpu.memory_space<vmem>>) offsets(%arg10 : memref<112xi32, #tpu.memory_space<vmem>>) semaphore(%arg32 : memref<!tpu.dma_semaphore, #tpu.memory_space<semaphore_mem>>)
    %dma_start3A_67 = arith.constant 0 : i32
    %dma_start3A_68 = arith.constant 0 : i32
    %dma_start3A_69 = tpu.memref_slice %arg5[%dma_start3A_67, %dma_start3A_68] : memref<10000x8xf32, #tpu.memory_space<hbm>> -> memref<10000x8xf32, #tpu.memory_space<hbm>>
    tpu.enqueue_indirect_dma source(%dma_start3A_69 : memref<10000x8xf32, #tpu.memory_space<hbm>>) target(%arg18 : memref<112x8xf32, #tpu.memory_space<vmem>>) offsets(%arg12 : memref<112xi32, #tpu.memory_space<vmem>>) semaphore(%arg32 : memref<!tpu.dma_semaphore, #tpu.memory_space<semaphore_mem>>)
    %dma_start3A_70 = arith.constant 0 : i32
    %dma_start3A_71 = arith.constant 0 : i32
    %dma_start3A_72 = tpu.memref_slice %arg6[%dma_start3A_70, %dma_start3A_71] : memref<10000x128xf32, #tpu.memory_space<hbm>> -> memref<10000x128xf32, #tpu.memory_space<hbm>>
    tpu.enqueue_indirect_dma source(%dma_start3A_72 : memref<10000x128xf32, #tpu.memory_space<hbm>>) target(%arg20 : memref<112x128xf32, #tpu.memory_space<vmem>>) offsets(%arg10 : memref<112xi32, #tpu.memory_space<vmem>>) semaphore(%arg32 : memref<!tpu.dma_semaphore, #tpu.memory_space<semaphore_mem>>)
    %scan3A_73 = arith.constant 0 : i32
    %scan3A_74 = arith.constant 0 : i32
    %scan3A_75 = arith.constant 45 : i32
    %scan3A_76 = arith.addi %scan3A_74, %scan3A_75 : i32
    %scan3A_77 = arith.constant 1 : i32
    %scan3A_78 = scf.for %scan3A_98 = %scan3A_74 to %scan3A_76 step %scan3A_77 iter_args(%scan3A_99 = %scan3A_73) -> (i32)  : i32 {
      %mul3A_100 = arith.constant 2 : i32
      %mul3A_101 = arith.muli %mul3A_100, %scan3A_98 : i32
      %add3A_102 = arith.constant 1 : i32
      %add3A_103 = arith.addi %mul3A_101, %add3A_102 : i32
      %lt3A_104 = arith.constant 90 : i32
      %lt3A_105 = arith.cmpi slt, %add3A_103, %lt3A_104 : i32
      %convert_element_type3A_106 = arith.extui %lt3A_105 : i1 to i32
      %cond3A_107 = arith.constant 0 : i32
      %cond3A_108 = arith.cmpi ne, %convert_element_type3A_106, %cond3A_107 : i32
      scf.if %cond3A_108 {
        %ge3A = arith.constant 1 : i32
        %ge3A_155 = arith.cmpi sge, %mul3A_101, %ge3A : i32
        %convert_element_type3A_156 = arith.extui %ge3A_155 : i1 to i32
        %cond3A_157 = arith.constant 0 : i32
        %cond3A_158 = arith.cmpi ne, %convert_element_type3A_156, %cond3A_157 : i32
        scf.if %cond3A_158 {
          %sub3A = arith.constant 1 : i32
          %sub3A_192 = arith.subi %mul3A_101, %sub3A : i32
          %mul3A_193 = arith.constant 32 : i32
          %mul3A_194 = arith.muli %sub3A_192, %mul3A_193 : i32
          %add3A_195 = arith.addi %mul3A_194, %add3A : i32
          %mul3A_196 = arith.constant 112 : i32
          %mul3A_197 = arith.muli %add3A_195, %mul3A_196 : i32
          %lt3A_198 = arith.constant 320000 : i32
          %lt3A_199 = arith.cmpi slt, %mul3A_197, %lt3A_198 : i32
          %convert_element_type3A_200 = arith.extui %lt3A_199 : i1 to i32
          %cond3A_201 = arith.constant 0 : i32
          %cond3A_202 = arith.cmpi ne, %convert_element_type3A_200, %cond3A_201 : i32
          scf.if %cond3A_202 {
            %dma_wait3A_203 = arith.constant 0 : i32
            %dma_wait3A_204 = arith.constant 0 : i32
            %dma_wait3A_205 = tpu.memref_slice %arg28[%dma_wait3A_203, %dma_wait3A_204] : memref<10240x128xf32, #tpu.memory_space<vmem_shared>> -> memref<10240x128xf32, #tpu.memory_space<vmem_shared>>
            tpu.wait_indirect_dma semaphore(%arg35 : memref<!tpu.dma_semaphore, #tpu.memory_space<semaphore_mem>>) src(%arg21 : memref<112x128xf32, #tpu.memory_space<vmem>>) dst(%dma_wait3A_205 : memref<10240x128xf32, #tpu.memory_space<vmem_shared>>)
            %dma_wait3A_206 = arith.constant 0 : i32
            %dma_wait3A_207 = arith.constant 0 : i32
            %dma_wait3A_208 = tpu.memref_slice %arg29[%dma_wait3A_206, %dma_wait3A_207] : memref<10240x16xf32, #tpu.memory_space<vmem_shared>> -> memref<10240x16xf32, #tpu.memory_space<vmem_shared>>
            tpu.wait_indirect_dma semaphore(%arg35 : memref<!tpu.dma_semaphore, #tpu.memory_space<semaphore_mem>>) src(%arg23 : memref<112x16xf32, #tpu.memory_space<vmem>>) dst(%dma_wait3A_208 : memref<10240x16xf32, #tpu.memory_space<vmem_shared>>)
          } else {
          }
        } else {
        }
        %add3A_159 = arith.constant 1 : i32
        %add3A_160 = arith.addi %mul3A_101, %add3A_159 : i32
        %mul3A_161 = arith.constant 32 : i32
        %mul3A_162 = arith.muli %add3A_160, %mul3A_161 : i32
        %add3A_163 = arith.addi %mul3A_162, %add3A : i32
        %mul3A_164 = arith.constant 112 : i32
        %mul3A_165 = arith.muli %add3A_163, %mul3A_164 : i32
        %add3A_166 = arith.constant 112 : i32
        %add3A_167 = arith.addi %mul3A_165, %add3A_166 : i32
        %le3A_168 = arith.constant 320000 : i32
        %le3A_169 = arith.cmpi sle, %add3A_167, %le3A_168 : i32
        %convert_element_type3A_170 = arith.extui %le3A_169 : i1 to i32
        %cond3A_171 = arith.constant 0 : i32
        %cond3A_172 = arith.cmpi ne, %convert_element_type3A_170, %cond3A_171 : i32
        scf.if %cond3A_172 {
          %dma_wait3A_192 = arith.constant 0 : i32
          %dma_wait3A_193 = tpu.memref_slice %arg2[%dma_wait3A_192] : memref<640000xi32, #tpu.memory_space<hbm>> -> memref<112xi32, #tpu.memory_space<hbm>>
          %dma_wait3A_194 = arith.constant 0 : i32
          %dma_wait3A_195 = tpu.memref_slice %arg2[%dma_wait3A_194] : memref<640000xi32, #tpu.memory_space<hbm>> -> memref<112xi32, #tpu.memory_space<hbm>>
          tpu.wait_dma2 semaphore(%arg31 : memref<!tpu.dma_semaphore, #tpu.memory_space<semaphore_mem>>) src(%dma_wait3A_195 : memref<112xi32, #tpu.memory_space<hbm>>) dst(%arg25 : memref<112xi32, #tpu.memory_space<vmem>>)
          %dma_wait3A_196 = arith.constant 0 : i32
          %dma_wait3A_197 = tpu.memref_slice %arg2[%dma_wait3A_196] : memref<640000xi32, #tpu.memory_space<hbm>> -> memref<112xi32, #tpu.memory_space<hbm>>
          %dma_wait3A_198 = arith.constant 0 : i32
          %dma_wait3A_199 = tpu.memref_slice %arg2[%dma_wait3A_198] : memref<640000xi32, #tpu.memory_space<hbm>> -> memref<112xi32, #tpu.memory_space<hbm>>
          tpu.wait_dma2 semaphore(%arg31 : memref<!tpu.dma_semaphore, #tpu.memory_space<semaphore_mem>>) src(%dma_wait3A_199 : memref<112xi32, #tpu.memory_space<hbm>>) dst(%arg26 : memref<112xi32, #tpu.memory_space<vmem>>)
          %dma_wait3A_200 = arith.constant 0 : i32
          %dma_wait3A_201 = tpu.memref_slice %arg3[%dma_wait3A_200] : memref<320000xf32, #tpu.memory_space<hbm>> -> memref<112xf32, #tpu.memory_space<hbm>>
          %dma_wait3A_202 = arith.constant 0 : i32
          %dma_wait3A_203 = tpu.memref_slice %arg3[%dma_wait3A_202] : memref<320000xf32, #tpu.memory_space<hbm>> -> memref<112xf32, #tpu.memory_space<hbm>>
          tpu.wait_dma2 semaphore(%arg31 : memref<!tpu.dma_semaphore, #tpu.memory_space<semaphore_mem>>) src(%dma_wait3A_203 : memref<112xf32, #tpu.memory_space<hbm>>) dst(%arg27 : memref<112xf32, #tpu.memory_space<vmem>>)
        } else {
        }
        %eq3A_173 = arith.constant 319984 : i32
        %eq3A_174 = arith.cmpi eq, %mul3A_165, %eq3A_173 : i32
        %convert_element_type3A_175 = arith.extui %eq3A_174 : i1 to i32
        %cond3A_176 = arith.constant 0 : i32
        %cond3A_177 = arith.cmpi ne, %convert_element_type3A_175, %cond3A_176 : i32
        scf.if %cond3A_177 {
          %dma_wait3A_192 = arith.constant 0 : i32
          %dma_wait3A_193 = tpu.memref_slice %arg25[%dma_wait3A_192] : memref<112xi32, #tpu.memory_space<vmem>> -> memref<16xi32, #tpu.memory_space<vmem>>
          %dma_wait3A_194 = arith.constant 0 : i32
          %dma_wait3A_195 = tpu.memref_slice %arg2[%dma_wait3A_194] : memref<640000xi32, #tpu.memory_space<hbm>> -> memref<16xi32, #tpu.memory_space<hbm>>
          %dma_wait3A_196 = arith.constant 0 : i32
          %dma_wait3A_197 = tpu.memref_slice %arg25[%dma_wait3A_196] : memref<112xi32, #tpu.memory_space<vmem>> -> memref<16xi32, #tpu.memory_space<vmem>>
          %dma_wait3A_198 = arith.constant 0 : i32
          %dma_wait3A_199 = tpu.memref_slice %arg2[%dma_wait3A_198] : memref<640000xi32, #tpu.memory_space<hbm>> -> memref<16xi32, #tpu.memory_space<hbm>>
          tpu.wait_dma2 semaphore(%arg31 : memref<!tpu.dma_semaphore, #tpu.memory_space<semaphore_mem>>) src(%dma_wait3A_199 : memref<16xi32, #tpu.memory_space<hbm>>) dst(%dma_wait3A_197 : memref<16xi32, #tpu.memory_space<vmem>>)
          %dma_wait3A_200 = arith.constant 0 : i32
          %dma_wait3A_201 = tpu.memref_slice %arg26[%dma_wait3A_200] : memref<112xi32, #tpu.memory_space<vmem>> -> memref<16xi32, #tpu.memory_space<vmem>>
          %dma_wait3A_202 = arith.constant 0 : i32
          %dma_wait3A_203 = tpu.memref_slice %arg2[%dma_wait3A_202] : memref<640000xi32, #tpu.memory_space<hbm>> -> memref<16xi32, #tpu.memory_space<hbm>>
          %dma_wait3A_204 = arith.constant 0 : i32
          %dma_wait3A_205 = tpu.memref_slice %arg26[%dma_wait3A_204] : memref<112xi32, #tpu.memory_space<vmem>> -> memref<16xi32, #tpu.memory_space<vmem>>
          %dma_wait3A_206 = arith.constant 0 : i32
          %dma_wait3A_207 = tpu.memref_slice %arg2[%dma_wait3A_206] : memref<640000xi32, #tpu.memory_space<hbm>> -> memref<16xi32, #tpu.memory_space<hbm>>
          tpu.wait_dma2 semaphore(%arg31 : memref<!tpu.dma_semaphore, #tpu.memory_space<semaphore_mem>>) src(%dma_wait3A_207 : memref<16xi32, #tpu.memory_space<hbm>>) dst(%dma_wait3A_205 : memref<16xi32, #tpu.memory_space<vmem>>)
          %dma_wait3A_208 = arith.constant 0 : i32
          %dma_wait3A_209 = tpu.memref_slice %arg27[%dma_wait3A_208] : memref<112xf32, #tpu.memory_space<vmem>> -> memref<16xf32, #tpu.memory_space<vmem>>
          %dma_wait3A_210 = arith.constant 0 : i32
          %dma_wait3A_211 = tpu.memref_slice %arg3[%dma_wait3A_210] : memref<320000xf32, #tpu.memory_space<hbm>> -> memref<16xf32, #tpu.memory_space<hbm>>
          %dma_wait3A_212 = arith.constant 0 : i32
          %dma_wait3A_213 = tpu.memref_slice %arg27[%dma_wait3A_212] : memref<112xf32, #tpu.memory_space<vmem>> -> memref<16xf32, #tpu.memory_space<vmem>>
          %dma_wait3A_214 = arith.constant 0 : i32
          %dma_wait3A_215 = tpu.memref_slice %arg3[%dma_wait3A_214] : memref<320000xf32, #tpu.memory_space<hbm>> -> memref<16xf32, #tpu.memory_space<hbm>>
          tpu.wait_dma2 semaphore(%arg31 : memref<!tpu.dma_semaphore, #tpu.memory_space<semaphore_mem>>) src(%dma_wait3A_215 : memref<16xf32, #tpu.memory_space<hbm>>) dst(%dma_wait3A_213 : memref<16xf32, #tpu.memory_space<vmem>>)
        } else {
        }
        %parallel_loop3A = arith.constant 0 : i32
        %parallel_loop3A_178 = arith.constant 7 : i32
        %parallel_loop3A_179 = arith.constant 1 : i32
        scf.for %parallel_loop3A_192 = %parallel_loop3A to %parallel_loop3A_178 step %parallel_loop3A_179  : i32 {
          %parallel_loop3A_193 = arith.constant 16 : i32
          %parallel_loop3A_194 = arith.muli %parallel_loop3A_192, %parallel_loop3A_193 : i32
          %parallel_loop3A_195 = arith.index_cast %parallel_loop3A_194 : i32 to index
          %parallel_loop3A_196 = tpu.vector_load %arg25[%parallel_loop3A_195] {strides = array<i32>} : memref<112xi32, #tpu.memory_space<vmem>>, vector<16xi32>,
          %parallel_loop3A_197 = arith.index_cast %parallel_loop3A_194 : i32 to index
          %parallel_loop3A_198 = tpu.vector_load %arg11[%parallel_loop3A_197] {strides = array<i32>} : memref<112xi32, #tpu.memory_space<vmem>>, vector<16xi32>,
          tpu.vector_store %arg11[%parallel_loop3A_197], %parallel_loop3A_196 {strides = array<i32>} : memref<112xi32, #tpu.memory_space<vmem>>, vector<16xi32>,
          %parallel_loop3A_199 = arith.index_cast %parallel_loop3A_194 : i32 to index
          %parallel_loop3A_200 = tpu.vector_load %arg26[%parallel_loop3A_199] {strides = array<i32>} : memref<112xi32, #tpu.memory_space<vmem>>, vector<16xi32>,
          %parallel_loop3A_201 = arith.index_cast %parallel_loop3A_194 : i32 to index
          %parallel_loop3A_202 = tpu.vector_load %arg13[%parallel_loop3A_201] {strides = array<i32>} : memref<112xi32, #tpu.memory_space<vmem>>, vector<16xi32>,
          tpu.vector_store %arg13[%parallel_loop3A_201], %parallel_loop3A_200 {strides = array<i32>} : memref<112xi32, #tpu.memory_space<vmem>>, vector<16xi32>,
          %parallel_loop3A_203 = arith.index_cast %parallel_loop3A_194 : i32 to index
          %parallel_loop3A_204 = tpu.vector_load %arg27[%parallel_loop3A_203] {strides = array<i32>} : memref<112xf32, #tpu.memory_space<vmem>>, vector<16xf32>,
          %parallel_loop3A_205 = arith.index_cast %parallel_loop3A_194 : i32 to index
          %parallel_loop3A_206 = tpu.vector_load %arg15[%parallel_loop3A_205] {strides = array<i32>} : memref<112xf32, #tpu.memory_space<vmem>>, vector<16xf32>,
          tpu.vector_store %arg15[%parallel_loop3A_205], %parallel_loop3A_204 {strides = array<i32>} : memref<112xf32, #tpu.memory_space<vmem>>, vector<16xf32>,
        } {sc.loop_unroll_factor = 2 : i64, sc.parallel_access}
        %add3A_180 = arith.constant 1 : i32
        %add3A_181 = arith.addi %mul3A_101, %add3A_180 : i32
        %mul3A_182 = arith.constant 32 : i32
        %mul3A_183 = arith.muli %add3A_181, %mul3A_182 : i32
        %add3A_184 = arith.addi %mul3A_183, %add3A : i32
        %mul3A_185 = arith.constant 112 : i32
        %mul3A_186 = arith.muli %add3A_184, %mul3A_185 : i32
        %lt3A_187 = arith.constant 320000 : i32
        %lt3A_188 = arith.cmpi slt, %mul3A_186, %lt3A_187 : i32
        %convert_element_type3A_189 = arith.extui %lt3A_188 : i1 to i32
        %cond3A_190 = arith.constant 0 : i32
        %cond3A_191 = arith.cmpi ne, %convert_element_type3A_189, %cond3A_190 : i32
        scf.if %cond3A_191 {
          %dma_start3A_192 = arith.constant 0 : i32
          %dma_start3A_193 = arith.constant 0 : i32
          %dma_start3A_194 = tpu.memref_slice %arg4[%dma_start3A_192, %dma_start3A_193] : memref<10000x8xf32, #tpu.memory_space<hbm>> -> memref<10000x8xf32, #tpu.memory_space<hbm>>
          tpu.enqueue_indirect_dma source(%dma_start3A_194 : memref<10000x8xf32, #tpu.memory_space<hbm>>) target(%arg17 : memref<112x8xf32, #tpu.memory_space<vmem>>) offsets(%arg11 : memref<112xi32, #tpu.memory_space<vmem>>) semaphore(%arg33 : memref<!tpu.dma_semaphore, #tpu.memory_space<semaphore_mem>>)
          %dma_start3A_195 = arith.constant 0 : i32
          %dma_start3A_196 = arith.constant 0 : i32
          %dma_start3A_197 = tpu.memref_slice %arg5[%dma_start3A_195, %dma_start3A_196] : memref<10000x8xf32, #tpu.memory_space<hbm>> -> memref<10000x8xf32, #tpu.memory_space<hbm>>
          tpu.enqueue_indirect_dma source(%dma_start3A_197 : memref<10000x8xf32, #tpu.memory_space<hbm>>) target(%arg19 : memref<112x8xf32, #tpu.memory_space<vmem>>) offsets(%arg13 : memref<112xi32, #tpu.memory_space<vmem>>) semaphore(%arg33 : memref<!tpu.dma_semaphore, #tpu.memory_space<semaphore_mem>>)
          %dma_start3A_198 = arith.constant 0 : i32
          %dma_start3A_199 = arith.constant 0 : i32
          %dma_start3A_200 = tpu.memref_slice %arg6[%dma_start3A_198, %dma_start3A_199] : memref<10000x128xf32, #tpu.memory_space<hbm>> -> memref<10000x128xf32, #tpu.memory_space<hbm>>
          tpu.enqueue_indirect_dma source(%dma_start3A_200 : memref<10000x128xf32, #tpu.memory_space<hbm>>) target(%arg21 : memref<112x128xf32, #tpu.memory_space<vmem>>) offsets(%arg11 : memref<112xi32, #tpu.memory_space<vmem>>) semaphore(%arg33 : memref<!tpu.dma_semaphore, #tpu.memory_space<semaphore_mem>>)
        } else {
        }
      } else {
      }
      %add3A_109 = arith.constant 2 : i32
      %add3A_110 = arith.addi %mul3A_101, %add3A_109 : i32
      %lt3A_111 = arith.constant 90 : i32
      %lt3A_112 = arith.cmpi slt, %add3A_110, %lt3A_111 : i32
      %convert_element_type3A_113 = arith.extui %lt3A_112 : i1 to i32
      %cond3A_114 = arith.constant 0 : i32
      %cond3A_115 = arith.cmpi ne, %convert_element_type3A_113, %cond3A_114 : i32
      scf.if %cond3A_115 {
        %add3A_155 = arith.constant 2 : i32
        %add3A_156 = arith.addi %mul3A_101, %add3A_155 : i32
        %mul3A_157 = arith.constant 32 : i32
        %mul3A_158 = arith.muli %add3A_156, %mul3A_157 : i32
        %add3A_159 = arith.addi %mul3A_158, %add3A : i32
        %mul3A_160 = arith.constant 112 : i32
        %mul3A_161 = arith.muli %add3A_159, %mul3A_160 : i32
        %add3A_162 = arith.constant 112 : i32
        %add3A_163 = arith.addi %mul3A_161, %add3A_162 : i32
        %le3A_164 = arith.constant 320000 : i32
        %le3A_165 = arith.cmpi sle, %add3A_163, %le3A_164 : i32
        %convert_element_type3A_166 = arith.extui %le3A_165 : i1 to i32
        %cond3A_167 = arith.constant 0 : i32
        %cond3A_168 = arith.cmpi ne, %convert_element_type3A_166, %cond3A_167 : i32
        scf.if %cond3A_168 {
          %dma_start3A_174 = tpu.memref_slice %arg2[%mul3A_161] : memref<640000xi32, #tpu.memory_space<hbm>> -> memref<112xi32, #tpu.memory_space<hbm>>
          %dma_start3A_175 = tpu.memref_slice %arg2[%mul3A_161] : memref<640000xi32, #tpu.memory_space<hbm>> -> memref<112xi32, #tpu.memory_space<hbm>>
          tpu.enqueue_dma source(%dma_start3A_175 : memref<112xi32, #tpu.memory_space<hbm>>) target(%arg25 : memref<112xi32, #tpu.memory_space<vmem>>) target_semaphore(%arg31 : memref<!tpu.dma_semaphore, #tpu.memory_space<semaphore_mem>>)
          %add3A_176 = arith.constant 320000 : i32
          %add3A_177 = arith.addi %add3A_176, %mul3A_161 : i32
          %dma_start3A_178 = tpu.memref_slice %arg2[%add3A_177] : memref<640000xi32, #tpu.memory_space<hbm>> -> memref<112xi32, #tpu.memory_space<hbm>>
          %dma_start3A_179 = tpu.memref_slice %arg2[%add3A_177] : memref<640000xi32, #tpu.memory_space<hbm>> -> memref<112xi32, #tpu.memory_space<hbm>>
          tpu.enqueue_dma source(%dma_start3A_179 : memref<112xi32, #tpu.memory_space<hbm>>) target(%arg26 : memref<112xi32, #tpu.memory_space<vmem>>) target_semaphore(%arg31 : memref<!tpu.dma_semaphore, #tpu.memory_space<semaphore_mem>>)
          %dma_start3A_180 = tpu.memref_slice %arg3[%mul3A_161] : memref<320000xf32, #tpu.memory_space<hbm>> -> memref<112xf32, #tpu.memory_space<hbm>>
          %dma_start3A_181 = tpu.memref_slice %arg3[%mul3A_161] : memref<320000xf32, #tpu.memory_space<hbm>> -> memref<112xf32, #tpu.memory_space<hbm>>
          tpu.enqueue_dma source(%dma_start3A_181 : memref<112xf32, #tpu.memory_space<hbm>>) target(%arg27 : memref<112xf32, #tpu.memory_space<vmem>>) target_semaphore(%arg31 : memref<!tpu.dma_semaphore, #tpu.memory_space<semaphore_mem>>)
        } else {
        }
        %eq3A_169 = arith.constant 319984 : i32
        %eq3A_170 = arith.cmpi eq, %mul3A_161, %eq3A_169 : i32
        %convert_element_type3A_171 = arith.extui %eq3A_170 : i1 to i32
        %cond3A_172 = arith.constant 0 : i32
        %cond3A_173 = arith.cmpi ne, %convert_element_type3A_171, %cond3A_172 : i32
        scf.if %cond3A_173 {
          %dma_start3A_174 = arith.constant 0 : i32
          %dma_start3A_175 = tpu.memref_slice %arg25[%dma_start3A_174] : memref<112xi32, #tpu.memory_space<vmem>> -> memref<16xi32, #tpu.memory_space<vmem>>
          %dma_start3A_176 = tpu.memref_slice %arg2[%mul3A_161] : memref<640000xi32, #tpu.memory_space<hbm>> -> memref<16xi32, #tpu.memory_space<hbm>>
          %dma_start3A_177 = arith.constant 0 : i32
          %dma_start3A_178 = tpu.memref_slice %arg25[%dma_start3A_177] : memref<112xi32, #tpu.memory_space<vmem>> -> memref<16xi32, #tpu.memory_space<vmem>>
          %dma_start3A_179 = tpu.memref_slice %arg2[%mul3A_161] : memref<640000xi32, #tpu.memory_space<hbm>> -> memref<16xi32, #tpu.memory_space<hbm>>
          tpu.enqueue_dma source(%dma_start3A_179 : memref<16xi32, #tpu.memory_space<hbm>>) target(%dma_start3A_178 : memref<16xi32, #tpu.memory_space<vmem>>) target_semaphore(%arg31 : memref<!tpu.dma_semaphore, #tpu.memory_space<semaphore_mem>>)
          %add3A_180 = arith.constant 320000 : i32
          %add3A_181 = arith.addi %add3A_180, %mul3A_161 : i32
          %dma_start3A_182 = arith.constant 0 : i32
          %dma_start3A_183 = tpu.memref_slice %arg26[%dma_start3A_182] : memref<112xi32, #tpu.memory_space<vmem>> -> memref<16xi32, #tpu.memory_space<vmem>>
          %dma_start3A_184 = tpu.memref_slice %arg2[%add3A_181] : memref<640000xi32, #tpu.memory_space<hbm>> -> memref<16xi32, #tpu.memory_space<hbm>>
          %dma_start3A_185 = arith.constant 0 : i32
          %dma_start3A_186 = tpu.memref_slice %arg26[%dma_start3A_185] : memref<112xi32, #tpu.memory_space<vmem>> -> memref<16xi32, #tpu.memory_space<vmem>>
          %dma_start3A_187 = tpu.memref_slice %arg2[%add3A_181] : memref<640000xi32, #tpu.memory_space<hbm>> -> memref<16xi32, #tpu.memory_space<hbm>>
          tpu.enqueue_dma source(%dma_start3A_187 : memref<16xi32, #tpu.memory_space<hbm>>) target(%dma_start3A_186 : memref<16xi32, #tpu.memory_space<vmem>>) target_semaphore(%arg31 : memref<!tpu.dma_semaphore, #tpu.memory_space<semaphore_mem>>)
          %dma_start3A_188 = arith.constant 0 : i32
          %dma_start3A_189 = tpu.memref_slice %arg27[%dma_start3A_188] : memref<112xf32, #tpu.memory_space<vmem>> -> memref<16xf32, #tpu.memory_space<vmem>>
          %dma_start3A_190 = tpu.memref_slice %arg3[%mul3A_161] : memref<320000xf32, #tpu.memory_space<hbm>> -> memref<16xf32, #tpu.memory_space<hbm>>
          %dma_start3A_191 = arith.constant 0 : i32
          %dma_start3A_192 = tpu.memref_slice %arg27[%dma_start3A_191] : memref<112xf32, #tpu.memory_space<vmem>> -> memref<16xf32, #tpu.memory_space<vmem>>
          %dma_start3A_193 = tpu.memref_slice %arg3[%mul3A_161] : memref<320000xf32, #tpu.memory_space<hbm>> -> memref<16xf32, #tpu.memory_space<hbm>>
          tpu.enqueue_dma source(%dma_start3A_193 : memref<16xf32, #tpu.memory_space<hbm>>) target(%dma_start3A_192 : memref<16xf32, #tpu.memory_space<vmem>>) target_semaphore(%arg31 : memref<!tpu.dma_semaphore, #tpu.memory_space<semaphore_mem>>)
        } else {
        }
      } else {
      }
      %mul3A_116 = arith.constant 32 : i32
      %mul3A_117 = arith.muli %mul3A_101, %mul3A_116 : i32
      %add3A_118 = arith.addi %mul3A_117, %add3A : i32
      %mul3A_119 = arith.constant 112 : i32
      %mul3A_120 = arith.muli %add3A_118, %mul3A_119 : i32
      %lt3A_121 = arith.constant 320000 : i32
      %lt3A_122 = arith.cmpi slt, %mul3A_120, %lt3A_121 : i32
      %convert_element_type3A_123 = arith.extui %lt3A_122 : i1 to i32
      %cond3A_124 = arith.constant 0 : i32
      %cond3A_125 = arith.cmpi ne, %convert_element_type3A_123, %cond3A_124 : i32
      scf.if %cond3A_125 {
        %dma_wait3A_155 = arith.constant 0 : i32
        %dma_wait3A_156 = arith.constant 0 : i32
        %dma_wait3A_157 = tpu.memref_slice %arg4[%dma_wait3A_155, %dma_wait3A_156] : memref<10000x8xf32, #tpu.memory_space<hbm>> -> memref<112x8xf32, #tpu.memory_space<hbm>>
        %dma_wait3A_158 = arith.constant 0 : i32
        %dma_wait3A_159 = arith.constant 0 : i32
        %dma_wait3A_160 = tpu.memref_slice %arg4[%dma_wait3A_158, %dma_wait3A_159] : memref<10000x8xf32, #tpu.memory_space<hbm>> -> memref<112x8xf32, #tpu.memory_space<hbm>>
        tpu.wait_dma2 semaphore(%arg32 : memref<!tpu.dma_semaphore, #tpu.memory_space<semaphore_mem>>) src(%dma_wait3A_160 : memref<112x8xf32, #tpu.memory_space<hbm>>) dst(%arg16 : memref<112x8xf32, #tpu.memory_space<vmem>>)
        %dma_wait3A_161 = arith.constant 0 : i32
        %dma_wait3A_162 = arith.constant 0 : i32
        %dma_wait3A_163 = tpu.memref_slice %arg5[%dma_wait3A_161, %dma_wait3A_162] : memref<10000x8xf32, #tpu.memory_space<hbm>> -> memref<112x8xf32, #tpu.memory_space<hbm>>
        %dma_wait3A_164 = arith.constant 0 : i32
        %dma_wait3A_165 = arith.constant 0 : i32
        %dma_wait3A_166 = tpu.memref_slice %arg5[%dma_wait3A_164, %dma_wait3A_165] : memref<10000x8xf32, #tpu.memory_space<hbm>> -> memref<112x8xf32, #tpu.memory_space<hbm>>
        tpu.wait_dma2 semaphore(%arg32 : memref<!tpu.dma_semaphore, #tpu.memory_space<semaphore_mem>>) src(%dma_wait3A_166 : memref<112x8xf32, #tpu.memory_space<hbm>>) dst(%arg18 : memref<112x8xf32, #tpu.memory_space<vmem>>)
        %parallel_loop3A = arith.constant 0 : i32
        %parallel_loop3A_167 = arith.constant 7 : i32
        %parallel_loop3A_168 = arith.constant 1 : i32
        scf.for %parallel_loop3A_184 = %parallel_loop3A to %parallel_loop3A_167 step %parallel_loop3A_168  : i32 {
          %parallel_loop3A_185 = arith.constant 16 : i32
          %parallel_loop3A_186 = arith.muli %parallel_loop3A_184, %parallel_loop3A_185 : i32
          %parallel_loop3A_187 = vector.broadcast %parallel_loop3A_186 : i32 to vector<16xi32>
          %parallel_loop3A_188 = arith.addi %iota3A, %parallel_loop3A_187 : vector<16xi32>
          %parallel_loop3A_189 = vector.broadcast %mul3A_120 : i32 to vector<16xi32>
          %parallel_loop3A_190 = arith.addi %parallel_loop3A_189, %parallel_loop3A_188 : vector<16xi32>
          %parallel_loop3A_191 = arith.constant 320000 : i32
          %parallel_loop3A_192 = vector.broadcast %parallel_loop3A_191 : i32 to vector<16xi32>
          %parallel_loop3A_193 = arith.cmpi slt, %parallel_loop3A_190, %parallel_loop3A_192 : vector<16xi32>
          %parallel_loop3A_194 = arith.constant 16 : i32
          %parallel_loop3A_195 = arith.muli %parallel_loop3A_184, %parallel_loop3A_194 : i32
          %parallel_loop3A_196 = arith.index_cast %parallel_loop3A_195 : i32 to index
          %parallel_loop3A_197 = tpu.vector_load %arg14[%parallel_loop3A_196] {strides = array<i32>} : memref<112xf32, #tpu.memory_space<vmem>>, vector<16xf32>,
          %parallel_loop3A_198 = arith.constant 0 : index
          %parallel_loop3A_199 = tpu.vector_load %arg24[%parallel_loop3A_198] {strides = array<i32>} : memref<16xf32, #tpu.memory_space<vmem>>, vector<16xf32>,
          %parallel_loop3A_200 = arith.constant 0 : i32
          %parallel_loop3A_201 = vector.broadcast %parallel_loop3A_200 : i32 to vector<16xi32>
          %parallel_loop3A_202 = tpu.vector_load_idx %arg16[%parallel_loop3A_188, %parallel_loop3A_201] : memref<112x8xf32, #tpu.memory_space<vmem>>[vector<16xi32>, vector<16xi32>], vector<16xf32>,
          %parallel_loop3A_203 = tpu.vector_load_idx %arg18[%parallel_loop3A_188, %parallel_loop3A_201] : memref<112x8xf32, #tpu.memory_space<vmem>>[vector<16xi32>, vector<16xi32>], vector<16xf32>,
          %parallel_loop3A_204 = arith.addf %parallel_loop3A_202, %parallel_loop3A_203 : vector<16xf32>
          %parallel_loop3A_205 = vector.extract_strided_slice %parallel_loop3A_199 {offsets = [0], sizes = [1], strides = [1]} : vector<16xf32> to vector<1xf32>
          %parallel_loop3A_206 = vector.extract %parallel_loop3A_205[0] : f32 from vector<1xf32>
          %parallel_loop3A_207 = vector.broadcast %parallel_loop3A_206 : f32 to vector<16xf32>
          %parallel_loop3A_208 = arith.mulf %parallel_loop3A_197, %parallel_loop3A_207 : vector<16xf32>
          %parallel_loop3A_209 = arith.addf %parallel_loop3A_204, %parallel_loop3A_208 : vector<16xf32>
          %parallel_loop3A_210 = arith.constant 0.000000e+00 : f32
          %parallel_loop3A_211 = vector.broadcast %parallel_loop3A_210 : f32 to vector<16xf32>
          %parallel_loop3A_212 = arith.cmpf oge, %parallel_loop3A_209, %parallel_loop3A_211 : vector<16xf32>
          %parallel_loop3A_213 = arith.constant 2.000000e-01 : f32
          %parallel_loop3A_214 = vector.broadcast %parallel_loop3A_213 : f32 to vector<16xf32>
          %parallel_loop3A_215 = arith.mulf %parallel_loop3A_209, %parallel_loop3A_214 : vector<16xf32>
          %parallel_loop3A_216 = arith.select %parallel_loop3A_212, %parallel_loop3A_209, %parallel_loop3A_215 : vector<16xi1>, vector<16xf32>
          %parallel_loop3A_217 = math.exp %parallel_loop3A_216 : vector<16xf32>
          %parallel_loop3A_218 = arith.constant 0.000000e+00 : f32
          %parallel_loop3A_219 = vector.broadcast %parallel_loop3A_218 : f32 to vector<16xf32>
          %parallel_loop3A_220 = arith.select %parallel_loop3A_193, %parallel_loop3A_217, %parallel_loop3A_219 : vector<16xi1>, vector<16xf32>
          tpu.vector_store_idx %arg22[%parallel_loop3A_188, %parallel_loop3A_201], %parallel_loop3A_220 : memref<112x16xf32, #tpu.memory_space<vmem>>[vector<16xi32>, vector<16xi32>], vector<16xf32>,
          %parallel_loop3A_221 = arith.constant 1 : i32
          %parallel_loop3A_222 = vector.broadcast %parallel_loop3A_221 : i32 to vector<16xi32>
          %parallel_loop3A_223 = tpu.vector_load_idx %arg16[%parallel_loop3A_188, %parallel_loop3A_222] : memref<112x8xf32, #tpu.memory_space<vmem>>[vector<16xi32>, vector<16xi32>], vector<16xf32>,
          %parallel_loop3A_224 = tpu.vector_load_idx %arg18[%parallel_loop3A_188, %parallel_loop3A_222] : memref<112x8xf32, #tpu.memory_space<vmem>>[vector<16xi32>, vector<16xi32>], vector<16xf32>,
          %parallel_loop3A_225 = arith.addf %parallel_loop3A_223, %parallel_loop3A_224 : vector<16xf32>
          %parallel_loop3A_226 = vector.extract_strided_slice %parallel_loop3A_199 {offsets = [1], sizes = [1], strides = [1]} : vector<16xf32> to vector<1xf32>
          %parallel_loop3A_227 = vector.extract %parallel_loop3A_226[0] : f32 from vector<1xf32>
          %parallel_loop3A_228 = vector.broadcast %parallel_loop3A_227 : f32 to vector<16xf32>
          %parallel_loop3A_229 = arith.mulf %parallel_loop3A_197, %parallel_loop3A_228 : vector<16xf32>
          %parallel_loop3A_230 = arith.addf %parallel_loop3A_225, %parallel_loop3A_229 : vector<16xf32>
          %parallel_loop3A_231 = arith.constant 0.000000e+00 : f32
          %parallel_loop3A_232 = vector.broadcast %parallel_loop3A_231 : f32 to vector<16xf32>
          %parallel_loop3A_233 = arith.cmpf oge, %parallel_loop3A_230, %parallel_loop3A_232 : vector<16xf32>
          %parallel_loop3A_234 = arith.constant 2.000000e-01 : f32
          %parallel_loop3A_235 = vector.broadcast %parallel_loop3A_234 : f32 to vector<16xf32>
          %parallel_loop3A_236 = arith.mulf %parallel_loop3A_230, %parallel_loop3A_235 : vector<16xf32>
          %parallel_loop3A_237 = arith.select %parallel_loop3A_233, %parallel_loop3A_230, %parallel_loop3A_236 : vector<16xi1>, vector<16xf32>
          %parallel_loop3A_238 = math.exp %parallel_loop3A_237 : vector<16xf32>
          %parallel_loop3A_239 = arith.constant 0.000000e+00 : f32
          %parallel_loop3A_240 = vector.broadcast %parallel_loop3A_239 : f32 to vector<16xf32>
          %parallel_loop3A_241 = arith.select %parallel_loop3A_193, %parallel_loop3A_238, %parallel_loop3A_240 : vector<16xi1>, vector<16xf32>
          tpu.vector_store_idx %arg22[%parallel_loop3A_188, %parallel_loop3A_222], %parallel_loop3A_241 : memref<112x16xf32, #tpu.memory_space<vmem>>[vector<16xi32>, vector<16xi32>], vector<16xf32>,
          %parallel_loop3A_242 = arith.constant 2 : i32
          %parallel_loop3A_243 = vector.broadcast %parallel_loop3A_242 : i32 to vector<16xi32>
          %parallel_loop3A_244 = tpu.vector_load_idx %arg16[%parallel_loop3A_188, %parallel_loop3A_243] : memref<112x8xf32, #tpu.memory_space<vmem>>[vector<16xi32>, vector<16xi32>], vector<16xf32>,
          %parallel_loop3A_245 = tpu.vector_load_idx %arg18[%parallel_loop3A_188, %parallel_loop3A_243] : memref<112x8xf32, #tpu.memory_space<vmem>>[vector<16xi32>, vector<16xi32>], vector<16xf32>,
          %parallel_loop3A_246 = arith.addf %parallel_loop3A_244, %parallel_loop3A_245 : vector<16xf32>
          %parallel_loop3A_247 = vector.extract_strided_slice %parallel_loop3A_199 {offsets = [2], sizes = [1], strides = [1]} : vector<16xf32> to vector<1xf32>
          %parallel_loop3A_248 = vector.extract %parallel_loop3A_247[0] : f32 from vector<1xf32>
          %parallel_loop3A_249 = vector.broadcast %parallel_loop3A_248 : f32 to vector<16xf32>
          %parallel_loop3A_250 = arith.mulf %parallel_loop3A_197, %parallel_loop3A_249 : vector<16xf32>
          %parallel_loop3A_251 = arith.addf %parallel_loop3A_246, %parallel_loop3A_250 : vector<16xf32>
          %parallel_loop3A_252 = arith.constant 0.000000e+00 : f32
          %parallel_loop3A_253 = vector.broadcast %parallel_loop3A_252 : f32 to vector<16xf32>
          %parallel_loop3A_254 = arith.cmpf oge, %parallel_loop3A_251, %parallel_loop3A_253 : vector<16xf32>
          %parallel_loop3A_255 = arith.constant 2.000000e-01 : f32
          %parallel_loop3A_256 = vector.broadcast %parallel_loop3A_255 : f32 to vector<16xf32>
          %parallel_loop3A_257 = arith.mulf %parallel_loop3A_251, %parallel_loop3A_256 : vector<16xf32>
          %parallel_loop3A_258 = arith.select %parallel_loop3A_254, %parallel_loop3A_251, %parallel_loop3A_257 : vector<16xi1>, vector<16xf32>
          %parallel_loop3A_259 = math.exp %parallel_loop3A_258 : vector<16xf32>
          %parallel_loop3A_260 = arith.constant 0.000000e+00 : f32
          %parallel_loop3A_261 = vector.broadcast %parallel_loop3A_260 : f32 to vector<16xf32>
          %parallel_loop3A_262 = arith.select %parallel_loop3A_193, %parallel_loop3A_259, %parallel_loop3A_261 : vector<16xi1>, vector<16xf32>
          tpu.vector_store_idx %arg22[%parallel_loop3A_188, %parallel_loop3A_243], %parallel_loop3A_262 : memref<112x16xf32, #tpu.memory_space<vmem>>[vector<16xi32>, vector<16xi32>], vector<16xf32>,
          %parallel_loop3A_263 = arith.constant 3 : i32
          %parallel_loop3A_264 = vector.broadcast %parallel_loop3A_263 : i32 to vector<16xi32>
          %parallel_loop3A_265 = tpu.vector_load_idx %arg16[%parallel_loop3A_188, %parallel_loop3A_264] : memref<112x8xf32, #tpu.memory_space<vmem>>[vector<16xi32>, vector<16xi32>], vector<16xf32>,
          %parallel_loop3A_266 = tpu.vector_load_idx %arg18[%parallel_loop3A_188, %parallel_loop3A_264] : memref<112x8xf32, #tpu.memory_space<vmem>>[vector<16xi32>, vector<16xi32>], vector<16xf32>,
          %parallel_loop3A_267 = arith.addf %parallel_loop3A_265, %parallel_loop3A_266 : vector<16xf32>
          %parallel_loop3A_268 = vector.extract_strided_slice %parallel_loop3A_199 {offsets = [3], sizes = [1], strides = [1]} : vector<16xf32> to vector<1xf32>
          %parallel_loop3A_269 = vector.extract %parallel_loop3A_268[0] : f32 from vector<1xf32>
          %parallel_loop3A_270 = vector.broadcast %parallel_loop3A_269 : f32 to vector<16xf32>
          %parallel_loop3A_271 = arith.mulf %parallel_loop3A_197, %parallel_loop3A_270 : vector<16xf32>
          %parallel_loop3A_272 = arith.addf %parallel_loop3A_267, %parallel_loop3A_271 : vector<16xf32>
          %parallel_loop3A_273 = arith.constant 0.000000e+00 : f32
          %parallel_loop3A_274 = vector.broadcast %parallel_loop3A_273 : f32 to vector<16xf32>
          %parallel_loop3A_275 = arith.cmpf oge, %parallel_loop3A_272, %parallel_loop3A_274 : vector<16xf32>
          %parallel_loop3A_276 = arith.constant 2.000000e-01 : f32
          %parallel_loop3A_277 = vector.broadcast %parallel_loop3A_276 : f32 to vector<16xf32>
          %parallel_loop3A_278 = arith.mulf %parallel_loop3A_272, %parallel_loop3A_277 : vector<16xf32>
          %parallel_loop3A_279 = arith.select %parallel_loop3A_275, %parallel_loop3A_272, %parallel_loop3A_278 : vector<16xi1>, vector<16xf32>
          %parallel_loop3A_280 = math.exp %parallel_loop3A_279 : vector<16xf32>
          %parallel_loop3A_281 = arith.constant 0.000000e+00 : f32
          %parallel_loop3A_282 = vector.broadcast %parallel_loop3A_281 : f32 to vector<16xf32>
          %parallel_loop3A_283 = arith.select %parallel_loop3A_193, %parallel_loop3A_280, %parallel_loop3A_282 : vector<16xi1>, vector<16xf32>
          tpu.vector_store_idx %arg22[%parallel_loop3A_188, %parallel_loop3A_264], %parallel_loop3A_283 : memref<112x16xf32, #tpu.memory_space<vmem>>[vector<16xi32>, vector<16xi32>], vector<16xf32>,
          %parallel_loop3A_284 = arith.constant 4 : i32
          %parallel_loop3A_285 = vector.broadcast %parallel_loop3A_284 : i32 to vector<16xi32>
          %parallel_loop3A_286 = tpu.vector_load_idx %arg16[%parallel_loop3A_188, %parallel_loop3A_285] : memref<112x8xf32, #tpu.memory_space<vmem>>[vector<16xi32>, vector<16xi32>], vector<16xf32>,
          %parallel_loop3A_287 = tpu.vector_load_idx %arg18[%parallel_loop3A_188, %parallel_loop3A_285] : memref<112x8xf32, #tpu.memory_space<vmem>>[vector<16xi32>, vector<16xi32>], vector<16xf32>,
          %parallel_loop3A_288 = arith.addf %parallel_loop3A_286, %parallel_loop3A_287 : vector<16xf32>
          %parallel_loop3A_289 = vector.extract_strided_slice %parallel_loop3A_199 {offsets = [4], sizes = [1], strides = [1]} : vector<16xf32> to vector<1xf32>
          %parallel_loop3A_290 = vector.extract %parallel_loop3A_289[0] : f32 from vector<1xf32>
          %parallel_loop3A_291 = vector.broadcast %parallel_loop3A_290 : f32 to vector<16xf32>
          %parallel_loop3A_292 = arith.mulf %parallel_loop3A_197, %parallel_loop3A_291 : vector<16xf32>
          %parallel_loop3A_293 = arith.addf %parallel_loop3A_288, %parallel_loop3A_292 : vector<16xf32>
          %parallel_loop3A_294 = arith.constant 0.000000e+00 : f32
          %parallel_loop3A_295 = vector.broadcast %parallel_loop3A_294 : f32 to vector<16xf32>
          %parallel_loop3A_296 = arith.cmpf oge, %parallel_loop3A_293, %parallel_loop3A_295 : vector<16xf32>
          %parallel_loop3A_297 = arith.constant 2.000000e-01 : f32
          %parallel_loop3A_298 = vector.broadcast %parallel_loop3A_297 : f32 to vector<16xf32>
          %parallel_loop3A_299 = arith.mulf %parallel_loop3A_293, %parallel_loop3A_298 : vector<16xf32>
          %parallel_loop3A_300 = arith.select %parallel_loop3A_296, %parallel_loop3A_293, %parallel_loop3A_299 : vector<16xi1>, vector<16xf32>
          %parallel_loop3A_301 = math.exp %parallel_loop3A_300 : vector<16xf32>
          %parallel_loop3A_302 = arith.constant 0.000000e+00 : f32
          %parallel_loop3A_303 = vector.broadcast %parallel_loop3A_302 : f32 to vector<16xf32>
          %parallel_loop3A_304 = arith.select %parallel_loop3A_193, %parallel_loop3A_301, %parallel_loop3A_303 : vector<16xi1>, vector<16xf32>
          tpu.vector_store_idx %arg22[%parallel_loop3A_188, %parallel_loop3A_285], %parallel_loop3A_304 : memref<112x16xf32, #tpu.memory_space<vmem>>[vector<16xi32>, vector<16xi32>], vector<16xf32>,
          %parallel_loop3A_305 = arith.constant 5 : i32
          %parallel_loop3A_306 = vector.broadcast %parallel_loop3A_305 : i32 to vector<16xi32>
          %parallel_loop3A_307 = tpu.vector_load_idx %arg16[%parallel_loop3A_188, %parallel_loop3A_306] : memref<112x8xf32, #tpu.memory_space<vmem>>[vector<16xi32>, vector<16xi32>], vector<16xf32>,
          %parallel_loop3A_308 = tpu.vector_load_idx %arg18[%parallel_loop3A_188, %parallel_loop3A_306] : memref<112x8xf32, #tpu.memory_space<vmem>>[vector<16xi32>, vector<16xi32>], vector<16xf32>,
          %parallel_loop3A_309 = arith.addf %parallel_loop3A_307, %parallel_loop3A_308 : vector<16xf32>
          %parallel_loop3A_310 = vector.extract_strided_slice %parallel_loop3A_199 {offsets = [5], sizes = [1], strides = [1]} : vector<16xf32> to vector<1xf32>
          %parallel_loop3A_311 = vector.extract %parallel_loop3A_310[0] : f32 from vector<1xf32>
          %parallel_loop3A_312 = vector.broadcast %parallel_loop3A_311 : f32 to vector<16xf32>
          %parallel_loop3A_313 = arith.mulf %parallel_loop3A_197, %parallel_loop3A_312 : vector<16xf32>
          %parallel_loop3A_314 = arith.addf %parallel_loop3A_309, %parallel_loop3A_313 : vector<16xf32>
          %parallel_loop3A_315 = arith.constant 0.000000e+00 : f32
          %parallel_loop3A_316 = vector.broadcast %parallel_loop3A_315 : f32 to vector<16xf32>
          %parallel_loop3A_317 = arith.cmpf oge, %parallel_loop3A_314, %parallel_loop3A_316 : vector<16xf32>
          %parallel_loop3A_318 = arith.constant 2.000000e-01 : f32
          %parallel_loop3A_319 = vector.broadcast %parallel_loop3A_318 : f32 to vector<16xf32>
          %parallel_loop3A_320 = arith.mulf %parallel_loop3A_314, %parallel_loop3A_319 : vector<16xf32>
          %parallel_loop3A_321 = arith.select %parallel_loop3A_317, %parallel_loop3A_314, %parallel_loop3A_320 : vector<16xi1>, vector<16xf32>
          %parallel_loop3A_322 = math.exp %parallel_loop3A_321 : vector<16xf32>
          %parallel_loop3A_323 = arith.constant 0.000000e+00 : f32
          %parallel_loop3A_324 = vector.broadcast %parallel_loop3A_323 : f32 to vector<16xf32>
          %parallel_loop3A_325 = arith.select %parallel_loop3A_193, %parallel_loop3A_322, %parallel_loop3A_324 : vector<16xi1>, vector<16xf32>
          tpu.vector_store_idx %arg22[%parallel_loop3A_188, %parallel_loop3A_306], %parallel_loop3A_325 : memref<112x16xf32, #tpu.memory_space<vmem>>[vector<16xi32>, vector<16xi32>], vector<16xf32>,
          %parallel_loop3A_326 = arith.constant 6 : i32
          %parallel_loop3A_327 = vector.broadcast %parallel_loop3A_326 : i32 to vector<16xi32>
          %parallel_loop3A_328 = tpu.vector_load_idx %arg16[%parallel_loop3A_188, %parallel_loop3A_327] : memref<112x8xf32, #tpu.memory_space<vmem>>[vector<16xi32>, vector<16xi32>], vector<16xf32>,
          %parallel_loop3A_329 = tpu.vector_load_idx %arg18[%parallel_loop3A_188, %parallel_loop3A_327] : memref<112x8xf32, #tpu.memory_space<vmem>>[vector<16xi32>, vector<16xi32>], vector<16xf32>,
          %parallel_loop3A_330 = arith.addf %parallel_loop3A_328, %parallel_loop3A_329 : vector<16xf32>
          %parallel_loop3A_331 = vector.extract_strided_slice %parallel_loop3A_199 {offsets = [6], sizes = [1], strides = [1]} : vector<16xf32> to vector<1xf32>
          %parallel_loop3A_332 = vector.extract %parallel_loop3A_331[0] : f32 from vector<1xf32>
          %parallel_loop3A_333 = vector.broadcast %parallel_loop3A_332 : f32 to vector<16xf32>
          %parallel_loop3A_334 = arith.mulf %parallel_loop3A_197, %parallel_loop3A_333 : vector<16xf32>
          %parallel_loop3A_335 = arith.addf %parallel_loop3A_330, %parallel_loop3A_334 : vector<16xf32>
          %parallel_loop3A_336 = arith.constant 0.000000e+00 : f32
          %parallel_loop3A_337 = vector.broadcast %parallel_loop3A_336 : f32 to vector<16xf32>
          %parallel_loop3A_338 = arith.cmpf oge, %parallel_loop3A_335, %parallel_loop3A_337 : vector<16xf32>
          %parallel_loop3A_339 = arith.constant 2.000000e-01 : f32
          %parallel_loop3A_340 = vector.broadcast %parallel_loop3A_339 : f32 to vector<16xf32>
          %parallel_loop3A_341 = arith.mulf %parallel_loop3A_335, %parallel_loop3A_340 : vector<16xf32>
          %parallel_loop3A_342 = arith.select %parallel_loop3A_338, %parallel_loop3A_335, %parallel_loop3A_341 : vector<16xi1>, vector<16xf32>
          %parallel_loop3A_343 = math.exp %parallel_loop3A_342 : vector<16xf32>
          %parallel_loop3A_344 = arith.constant 0.000000e+00 : f32
          %parallel_loop3A_345 = vector.broadcast %parallel_loop3A_344 : f32 to vector<16xf32>
          %parallel_loop3A_346 = arith.select %parallel_loop3A_193, %parallel_loop3A_343, %parallel_loop3A_345 : vector<16xi1>, vector<16xf32>
          tpu.vector_store_idx %arg22[%parallel_loop3A_188, %parallel_loop3A_327], %parallel_loop3A_346 : memref<112x16xf32, #tpu.memory_space<vmem>>[vector<16xi32>, vector<16xi32>], vector<16xf32>,
          %parallel_loop3A_347 = arith.constant 7 : i32
          %parallel_loop3A_348 = vector.broadcast %parallel_loop3A_347 : i32 to vector<16xi32>
          %parallel_loop3A_349 = tpu.vector_load_idx %arg16[%parallel_loop3A_188, %parallel_loop3A_348] : memref<112x8xf32, #tpu.memory_space<vmem>>[vector<16xi32>, vector<16xi32>], vector<16xf32>,
          %parallel_loop3A_350 = tpu.vector_load_idx %arg18[%parallel_loop3A_188, %parallel_loop3A_348] : memref<112x8xf32, #tpu.memory_space<vmem>>[vector<16xi32>, vector<16xi32>], vector<16xf32>,
          %parallel_loop3A_351 = arith.addf %parallel_loop3A_349, %parallel_loop3A_350 : vector<16xf32>
          %parallel_loop3A_352 = vector.extract_strided_slice %parallel_loop3A_199 {offsets = [7], sizes = [1], strides = [1]} : vector<16xf32> to vector<1xf32>
          %parallel_loop3A_353 = vector.extract %parallel_loop3A_352[0] : f32 from vector<1xf32>
          %parallel_loop3A_354 = vector.broadcast %parallel_loop3A_353 : f32 to vector<16xf32>
          %parallel_loop3A_355 = arith.mulf %parallel_loop3A_197, %parallel_loop3A_354 : vector<16xf32>
          %parallel_loop3A_356 = arith.addf %parallel_loop3A_351, %parallel_loop3A_355 : vector<16xf32>
          %parallel_loop3A_357 = arith.constant 0.000000e+00 : f32
          %parallel_loop3A_358 = vector.broadcast %parallel_loop3A_357 : f32 to vector<16xf32>
          %parallel_loop3A_359 = arith.cmpf oge, %parallel_loop3A_356, %parallel_loop3A_358 : vector<16xf32>
          %parallel_loop3A_360 = arith.constant 2.000000e-01 : f32
          %parallel_loop3A_361 = vector.broadcast %parallel_loop3A_360 : f32 to vector<16xf32>
          %parallel_loop3A_362 = arith.mulf %parallel_loop3A_356, %parallel_loop3A_361 : vector<16xf32>
          %parallel_loop3A_363 = arith.select %parallel_loop3A_359, %parallel_loop3A_356, %parallel_loop3A_362 : vector<16xi1>, vector<16xf32>
          %parallel_loop3A_364 = math.exp %parallel_loop3A_363 : vector<16xf32>
          %parallel_loop3A_365 = arith.constant 0.000000e+00 : f32
          %parallel_loop3A_366 = vector.broadcast %parallel_loop3A_365 : f32 to vector<16xf32>
          %parallel_loop3A_367 = arith.select %parallel_loop3A_193, %parallel_loop3A_364, %parallel_loop3A_366 : vector<16xi1>, vector<16xf32>
          tpu.vector_store_idx %arg22[%parallel_loop3A_188, %parallel_loop3A_348], %parallel_loop3A_367 : memref<112x16xf32, #tpu.memory_space<vmem>>[vector<16xi32>, vector<16xi32>], vector<16xf32>,
          %parallel_loop3A_368 = arith.constant 0.000000e+00 : f32
          %parallel_loop3A_369 = vector.broadcast %parallel_loop3A_368 : f32 to vector<16xf32>
          %parallel_loop3A_370 = arith.select %parallel_loop3A_193, %broadcast_in_dim3A_5, %parallel_loop3A_369 : vector<16xi1>, vector<16xf32>
          tpu.vector_store_idx %arg22[%parallel_loop3A_188, %broadcast_in_dim3A_7], %parallel_loop3A_370 : memref<112x16xf32, #tpu.memory_space<vmem>>[vector<16xi32>, vector<16xi32>], vector<16xf32>,
          tpu.vector_store_idx %arg22[%parallel_loop3A_188, %broadcast_in_dim3A_9], %parallel_loop3A_197 : memref<112x16xf32, #tpu.memory_space<vmem>>[vector<16xi32>, vector<16xi32>], vector<16xf32>,
        } {sc.loop_unroll_factor = 2 : i64, sc.parallel_access}
        %dma_wait3A_169 = arith.constant 0 : i32
        %dma_wait3A_170 = arith.constant 0 : i32
        %dma_wait3A_171 = tpu.memref_slice %arg6[%dma_wait3A_169, %dma_wait3A_170] : memref<10000x128xf32, #tpu.memory_space<hbm>> -> memref<112x128xf32, #tpu.memory_space<hbm>>
        %dma_wait3A_172 = arith.constant 0 : i32
        %dma_wait3A_173 = arith.constant 0 : i32
        %dma_wait3A_174 = tpu.memref_slice %arg6[%dma_wait3A_172, %dma_wait3A_173] : memref<10000x128xf32, #tpu.memory_space<hbm>> -> memref<112x128xf32, #tpu.memory_space<hbm>>
        tpu.wait_dma2 semaphore(%arg32 : memref<!tpu.dma_semaphore, #tpu.memory_space<semaphore_mem>>) src(%dma_wait3A_174 : memref<112x128xf32, #tpu.memory_space<hbm>>) dst(%arg20 : memref<112x128xf32, #tpu.memory_space<vmem>>)
        %parallel_loop3A_175 = arith.constant 0 : i32
        %parallel_loop3A_176 = arith.constant 112 : i32
        %parallel_loop3A_177 = arith.constant 1 : i32
        scf.for %parallel_loop3A_184 = %parallel_loop3A_175 to %parallel_loop3A_176 step %parallel_loop3A_177  : i32 {
          %parallel_loop3A_185 = arith.index_cast %parallel_loop3A_184 : i32 to index
          %parallel_loop3A_186 = arith.constant 0 : index
          %parallel_loop3A_187 = tpu.vector_load %arg22[%parallel_loop3A_185, %parallel_loop3A_186] {strides = array<i32>} : memref<112x16xf32, #tpu.memory_space<vmem>>, vector<16xf32>,
          %parallel_loop3A_188 = arith.index_cast %parallel_loop3A_184 : i32 to index
          %parallel_loop3A_189 = arith.constant 0 : index
          %parallel_loop3A_190 = tpu.vector_load %arg20[%parallel_loop3A_188, %parallel_loop3A_189] {strides = array<i32>} : memref<112x128xf32, #tpu.memory_space<vmem>>, vector<16xf32>,
          %parallel_loop3A_191 = vector.extract_strided_slice %parallel_loop3A_187 {offsets = [0], sizes = [1], strides = [1]} : vector<16xf32> to vector<1xf32>
          %parallel_loop3A_192 = vector.extract %parallel_loop3A_191[0] : f32 from vector<1xf32>
          %parallel_loop3A_193 = vector.broadcast %parallel_loop3A_192 : f32 to vector<16xf32>
          %parallel_loop3A_194 = arith.mulf %parallel_loop3A_190, %parallel_loop3A_193 : vector<16xf32>
          %parallel_loop3A_195 = arith.index_cast %parallel_loop3A_184 : i32 to index
          %parallel_loop3A_196 = arith.constant 0 : index
          %parallel_loop3A_197 = tpu.vector_load %arg20[%parallel_loop3A_195, %parallel_loop3A_196] {strides = array<i32>} : memref<112x128xf32, #tpu.memory_space<vmem>>, vector<16xf32>,
          tpu.vector_store %arg20[%parallel_loop3A_195, %parallel_loop3A_196], %parallel_loop3A_194 {strides = array<i32>} : memref<112x128xf32, #tpu.memory_space<vmem>>, vector<16xf32>,
          %parallel_loop3A_198 = arith.index_cast %parallel_loop3A_184 : i32 to index
          %parallel_loop3A_199 = arith.constant 16 : index
          %parallel_loop3A_200 = tpu.vector_load %arg20[%parallel_loop3A_198, %parallel_loop3A_199] {strides = array<i32>} : memref<112x128xf32, #tpu.memory_space<vmem>>, vector<16xf32>,
          %parallel_loop3A_201 = vector.extract_strided_slice %parallel_loop3A_187 {offsets = [1], sizes = [1], strides = [1]} : vector<16xf32> to vector<1xf32>
          %parallel_loop3A_202 = vector.extract %parallel_loop3A_201[0] : f32 from vector<1xf32>
          %parallel_loop3A_203 = vector.broadcast %parallel_loop3A_202 : f32 to vector<16xf32>
          %parallel_loop3A_204 = arith.mulf %parallel_loop3A_200, %parallel_loop3A_203 : vector<16xf32>
          %parallel_loop3A_205 = arith.index_cast %parallel_loop3A_184 : i32 to index
          %parallel_loop3A_206 = arith.constant 16 : index
          %parallel_loop3A_207 = tpu.vector_load %arg20[%parallel_loop3A_205, %parallel_loop3A_206] {strides = array<i32>} : memref<112x128xf32, #tpu.memory_space<vmem>>, vector<16xf32>,
          tpu.vector_store %arg20[%parallel_loop3A_205, %parallel_loop3A_206], %parallel_loop3A_204 {strides = array<i32>} : memref<112x128xf32, #tpu.memory_space<vmem>>, vector<16xf32>,
          %parallel_loop3A_208 = arith.index_cast %parallel_loop3A_184 : i32 to index
          %parallel_loop3A_209 = arith.constant 32 : index
          %parallel_loop3A_210 = tpu.vector_load %arg20[%parallel_loop3A_208, %parallel_loop3A_209] {strides = array<i32>} : memref<112x128xf32, #tpu.memory_space<vmem>>, vector<16xf32>,
          %parallel_loop3A_211 = vector.extract_strided_slice %parallel_loop3A_187 {offsets = [2], sizes = [1], strides = [1]} : vector<16xf32> to vector<1xf32>
          %parallel_loop3A_212 = vector.extract %parallel_loop3A_211[0] : f32 from vector<1xf32>
          %parallel_loop3A_213 = vector.broadcast %parallel_loop3A_212 : f32 to vector<16xf32>
          %parallel_loop3A_214 = arith.mulf %parallel_loop3A_210, %parallel_loop3A_213 : vector<16xf32>
          %parallel_loop3A_215 = arith.index_cast %parallel_loop3A_184 : i32 to index
          %parallel_loop3A_216 = arith.constant 32 : index
          %parallel_loop3A_217 = tpu.vector_load %arg20[%parallel_loop3A_215, %parallel_loop3A_216] {strides = array<i32>} : memref<112x128xf32, #tpu.memory_space<vmem>>, vector<16xf32>,
          tpu.vector_store %arg20[%parallel_loop3A_215, %parallel_loop3A_216], %parallel_loop3A_214 {strides = array<i32>} : memref<112x128xf32, #tpu.memory_space<vmem>>, vector<16xf32>,
          %parallel_loop3A_218 = arith.index_cast %parallel_loop3A_184 : i32 to index
          %parallel_loop3A_219 = arith.constant 48 : index
          %parallel_loop3A_220 = tpu.vector_load %arg20[%parallel_loop3A_218, %parallel_loop3A_219] {strides = array<i32>} : memref<112x128xf32, #tpu.memory_space<vmem>>, vector<16xf32>,
          %parallel_loop3A_221 = vector.extract_strided_slice %parallel_loop3A_187 {offsets = [3], sizes = [1], strides = [1]} : vector<16xf32> to vector<1xf32>
          %parallel_loop3A_222 = vector.extract %parallel_loop3A_221[0] : f32 from vector<1xf32>
          %parallel_loop3A_223 = vector.broadcast %parallel_loop3A_222 : f32 to vector<16xf32>
          %parallel_loop3A_224 = arith.mulf %parallel_loop3A_220, %parallel_loop3A_223 : vector<16xf32>
          %parallel_loop3A_225 = arith.index_cast %parallel_loop3A_184 : i32 to index
          %parallel_loop3A_226 = arith.constant 48 : index
          %parallel_loop3A_227 = tpu.vector_load %arg20[%parallel_loop3A_225, %parallel_loop3A_226] {strides = array<i32>} : memref<112x128xf32, #tpu.memory_space<vmem>>, vector<16xf32>,
          tpu.vector_store %arg20[%parallel_loop3A_225, %parallel_loop3A_226], %parallel_loop3A_224 {strides = array<i32>} : memref<112x128xf32, #tpu.memory_space<vmem>>, vector<16xf32>,
          %parallel_loop3A_228 = arith.index_cast %parallel_loop3A_184 : i32 to index
          %parallel_loop3A_229 = arith.constant 64 : index
          %parallel_loop3A_230 = tpu.vector_load %arg20[%parallel_loop3A_228, %parallel_loop3A_229] {strides = array<i32>} : memref<112x128xf32, #tpu.memory_space<vmem>>, vector<16xf32>,
          %parallel_loop3A_231 = vector.extract_strided_slice %parallel_loop3A_187 {offsets = [4], sizes = [1], strides = [1]} : vector<16xf32> to vector<1xf32>
          %parallel_loop3A_232 = vector.extract %parallel_loop3A_231[0] : f32 from vector<1xf32>
          %parallel_loop3A_233 = vector.broadcast %parallel_loop3A_232 : f32 to vector<16xf32>
          %parallel_loop3A_234 = arith.mulf %parallel_loop3A_230, %parallel_loop3A_233 : vector<16xf32>
          %parallel_loop3A_235 = arith.index_cast %parallel_loop3A_184 : i32 to index
          %parallel_loop3A_236 = arith.constant 64 : index
          %parallel_loop3A_237 = tpu.vector_load %arg20[%parallel_loop3A_235, %parallel_loop3A_236] {strides = array<i32>} : memref<112x128xf32, #tpu.memory_space<vmem>>, vector<16xf32>,
          tpu.vector_store %arg20[%parallel_loop3A_235, %parallel_loop3A_236], %parallel_loop3A_234 {strides = array<i32>} : memref<112x128xf32, #tpu.memory_space<vmem>>, vector<16xf32>,
          %parallel_loop3A_238 = arith.index_cast %parallel_loop3A_184 : i32 to index
          %parallel_loop3A_239 = arith.constant 80 : index
          %parallel_loop3A_240 = tpu.vector_load %arg20[%parallel_loop3A_238, %parallel_loop3A_239] {strides = array<i32>} : memref<112x128xf32, #tpu.memory_space<vmem>>, vector<16xf32>,
          %parallel_loop3A_241 = vector.extract_strided_slice %parallel_loop3A_187 {offsets = [5], sizes = [1], strides = [1]} : vector<16xf32> to vector<1xf32>
          %parallel_loop3A_242 = vector.extract %parallel_loop3A_241[0] : f32 from vector<1xf32>
          %parallel_loop3A_243 = vector.broadcast %parallel_loop3A_242 : f32 to vector<16xf32>
          %parallel_loop3A_244 = arith.mulf %parallel_loop3A_240, %parallel_loop3A_243 : vector<16xf32>
          %parallel_loop3A_245 = arith.index_cast %parallel_loop3A_184 : i32 to index
          %parallel_loop3A_246 = arith.constant 80 : index
          %parallel_loop3A_247 = tpu.vector_load %arg20[%parallel_loop3A_245, %parallel_loop3A_246] {strides = array<i32>} : memref<112x128xf32, #tpu.memory_space<vmem>>, vector<16xf32>,
          tpu.vector_store %arg20[%parallel_loop3A_245, %parallel_loop3A_246], %parallel_loop3A_244 {strides = array<i32>} : memref<112x128xf32, #tpu.memory_space<vmem>>, vector<16xf32>,
          %parallel_loop3A_248 = arith.index_cast %parallel_loop3A_184 : i32 to index
          %parallel_loop3A_249 = arith.constant 96 : index
          %parallel_loop3A_250 = tpu.vector_load %arg20[%parallel_loop3A_248, %parallel_loop3A_249] {strides = array<i32>} : memref<112x128xf32, #tpu.memory_space<vmem>>, vector<16xf32>,
          %parallel_loop3A_251 = vector.extract_strided_slice %parallel_loop3A_187 {offsets = [6], sizes = [1], strides = [1]} : vector<16xf32> to vector<1xf32>
          %parallel_loop3A_252 = vector.extract %parallel_loop3A_251[0] : f32 from vector<1xf32>
          %parallel_loop3A_253 = vector.broadcast %parallel_loop3A_252 : f32 to vector<16xf32>
          %parallel_loop3A_254 = arith.mulf %parallel_loop3A_250, %parallel_loop3A_253 : vector<16xf32>
          %parallel_loop3A_255 = arith.index_cast %parallel_loop3A_184 : i32 to index
          %parallel_loop3A_256 = arith.constant 96 : index
          %parallel_loop3A_257 = tpu.vector_load %arg20[%parallel_loop3A_255, %parallel_loop3A_256] {strides = array<i32>} : memref<112x128xf32, #tpu.memory_space<vmem>>, vector<16xf32>,
          tpu.vector_store %arg20[%parallel_loop3A_255, %parallel_loop3A_256], %parallel_loop3A_254 {strides = array<i32>} : memref<112x128xf32, #tpu.memory_space<vmem>>, vector<16xf32>,
          %parallel_loop3A_258 = arith.index_cast %parallel_loop3A_184 : i32 to index
          %parallel_loop3A_259 = arith.constant 112 : index
          %parallel_loop3A_260 = tpu.vector_load %arg20[%parallel_loop3A_258, %parallel_loop3A_259] {strides = array<i32>} : memref<112x128xf32, #tpu.memory_space<vmem>>, vector<16xf32>,
          %parallel_loop3A_261 = vector.extract_strided_slice %parallel_loop3A_187 {offsets = [7], sizes = [1], strides = [1]} : vector<16xf32> to vector<1xf32>
          %parallel_loop3A_262 = vector.extract %parallel_loop3A_261[0] : f32 from vector<1xf32>
          %parallel_loop3A_263 = vector.broadcast %parallel_loop3A_262 : f32 to vector<16xf32>
          %parallel_loop3A_264 = arith.mulf %parallel_loop3A_260, %parallel_loop3A_263 : vector<16xf32>
          %parallel_loop3A_265 = arith.index_cast %parallel_loop3A_184 : i32 to index
          %parallel_loop3A_266 = arith.constant 112 : index
          %parallel_loop3A_267 = tpu.vector_load %arg20[%parallel_loop3A_265, %parallel_loop3A_266] {strides = array<i32>} : memref<112x128xf32, #tpu.memory_space<vmem>>, vector<16xf32>,
          tpu.vector_store %arg20[%parallel_loop3A_265, %parallel_loop3A_266], %parallel_loop3A_264 {strides = array<i32>} : memref<112x128xf32, #tpu.memory_space<vmem>>, vector<16xf32>,
        } {sc.loop_unroll_factor = 4 : i64, sc.parallel_access}
        %dma_start3A_178 = arith.constant 0 : i32
        %dma_start3A_179 = arith.constant 0 : i32
        %dma_start3A_180 = tpu.memref_slice %arg28[%dma_start3A_178, %dma_start3A_179] : memref<10240x128xf32, #tpu.memory_space<vmem_shared>> -> memref<10240x128xf32, #tpu.memory_space<vmem_shared>>
        tpu.enqueue_indirect_dma source(%arg20 : memref<112x128xf32, #tpu.memory_space<vmem>>) target(%dma_start3A_180 : memref<10240x128xf32, #tpu.memory_space<vmem_shared>>) offsets(%arg12 : memref<112xi32, #tpu.memory_space<vmem>>) semaphore(%arg34 : memref<!tpu.dma_semaphore, #tpu.memory_space<semaphore_mem>>) {add = true}
        %dma_start3A_181 = arith.constant 0 : i32
        %dma_start3A_182 = arith.constant 0 : i32
        %dma_start3A_183 = tpu.memref_slice %arg29[%dma_start3A_181, %dma_start3A_182] : memref<10240x16xf32, #tpu.memory_space<vmem_shared>> -> memref<10240x16xf32, #tpu.memory_space<vmem_shared>>
        tpu.enqueue_indirect_dma source(%arg22 : memref<112x16xf32, #tpu.memory_space<vmem>>) target(%dma_start3A_183 : memref<10240x16xf32, #tpu.memory_space<vmem_shared>>) offsets(%arg12 : memref<112xi32, #tpu.memory_space<vmem>>) semaphore(%arg34 : memref<!tpu.dma_semaphore, #tpu.memory_space<semaphore_mem>>) {add = true}
      } else {
      }
      %mul3A_126 = arith.constant 2 : i32
      %mul3A_127 = arith.muli %mul3A_126, %scan3A_98 : i32
      %add3A_128 = arith.constant 1 : i32
      %add3A_129 = arith.addi %mul3A_127, %add3A_128 : i32
      %add3A_130 = arith.constant 1 : i32
      %add3A_131 = arith.addi %add3A_129, %add3A_130 : i32
      %lt3A_132 = arith.constant 90 : i32
      %lt3A_133 = arith.cmpi slt, %add3A_131, %lt3A_132 : i32
      %convert_element_type3A_134 = arith.extui %lt3A_133 : i1 to i32
      %cond3A_135 = arith.constant 0 : i32
      %cond3A_136 = arith.cmpi ne, %convert_element_type3A_134, %cond3A_135 : i32
      scf.if %cond3A_136 {
        %ge3A = arith.constant 1 : i32
        %ge3A_155 = arith.cmpi sge, %add3A_129, %ge3A : i32
        %convert_element_type3A_156 = arith.extui %ge3A_155 : i1 to i32
        %cond3A_157 = arith.constant 0 : i32
        %cond3A_158 = arith.cmpi ne, %convert_element_type3A_156, %cond3A_157 : i32
        scf.if %cond3A_158 {
          %sub3A = arith.constant 1 : i32
          %sub3A_192 = arith.subi %add3A_129, %sub3A : i32
          %mul3A_193 = arith.constant 32 : i32
          %mul3A_194 = arith.muli %sub3A_192, %mul3A_193 : i32
          %add3A_195 = arith.addi %mul3A_194, %add3A : i32
          %mul3A_196 = arith.constant 112 : i32
          %mul3A_197 = arith.muli %add3A_195, %mul3A_196 : i32
          %lt3A_198 = arith.constant 320000 : i32
          %lt3A_199 = arith.cmpi slt, %mul3A_197, %lt3A_198 : i32
          %convert_element_type3A_200 = arith.extui %lt3A_199 : i1 to i32
          %cond3A_201 = arith.constant 0 : i32
          %cond3A_202 = arith.cmpi ne, %convert_element_type3A_200, %cond3A_201 : i32
          scf.if %cond3A_202 {
            %dma_wait3A_203 = arith.constant 0 : i32
            %dma_wait3A_204 = arith.constant 0 : i32
            %dma_wait3A_205 = tpu.memref_slice %arg28[%dma_wait3A_203, %dma_wait3A_204] : memref<10240x128xf32, #tpu.memory_space<vmem_shared>> -> memref<10240x128xf32, #tpu.memory_space<vmem_shared>>
            tpu.wait_indirect_dma semaphore(%arg34 : memref<!tpu.dma_semaphore, #tpu.memory_space<semaphore_mem>>) src(%arg20 : memref<112x128xf32, #tpu.memory_space<vmem>>) dst(%dma_wait3A_205 : memref<10240x128xf32, #tpu.memory_space<vmem_shared>>)
            %dma_wait3A_206 = arith.constant 0 : i32
            %dma_wait3A_207 = arith.constant 0 : i32
            %dma_wait3A_208 = tpu.memref_slice %arg29[%dma_wait3A_206, %dma_wait3A_207] : memref<10240x16xf32, #tpu.memory_space<vmem_shared>> -> memref<10240x16xf32, #tpu.memory_space<vmem_shared>>
            tpu.wait_indirect_dma semaphore(%arg34 : memref<!tpu.dma_semaphore, #tpu.memory_space<semaphore_mem>>) src(%arg22 : memref<112x16xf32, #tpu.memory_space<vmem>>) dst(%dma_wait3A_208 : memref<10240x16xf32, #tpu.memory_space<vmem_shared>>)
          } else {
          }
        } else {
        }
        %add3A_159 = arith.constant 1 : i32
        %add3A_160 = arith.addi %add3A_129, %add3A_159 : i32
        %mul3A_161 = arith.constant 32 : i32
        %mul3A_162 = arith.muli %add3A_160, %mul3A_161 : i32
        %add3A_163 = arith.addi %mul3A_162, %add3A : i32
        %mul3A_164 = arith.constant 112 : i32
        %mul3A_165 = arith.muli %add3A_163, %mul3A_164 : i32
        %add3A_166 = arith.constant 112 : i32
        %add3A_167 = arith.addi %mul3A_165, %add3A_166 : i32
        %le3A_168 = arith.constant 320000 : i32
        %le3A_169 = arith.cmpi sle, %add3A_167, %le3A_168 : i32
        %convert_element_type3A_170 = arith.extui %le3A_169 : i1 to i32
        %cond3A_171 = arith.constant 0 : i32
        %cond3A_172 = arith.cmpi ne, %convert_element_type3A_170, %cond3A_171 : i32
        scf.if %cond3A_172 {
          %dma_wait3A_192 = arith.constant 0 : i32
          %dma_wait3A_193 = tpu.memref_slice %arg2[%dma_wait3A_192] : memref<640000xi32, #tpu.memory_space<hbm>> -> memref<112xi32, #tpu.memory_space<hbm>>
          %dma_wait3A_194 = arith.constant 0 : i32
          %dma_wait3A_195 = tpu.memref_slice %arg2[%dma_wait3A_194] : memref<640000xi32, #tpu.memory_space<hbm>> -> memref<112xi32, #tpu.memory_space<hbm>>
          tpu.wait_dma2 semaphore(%arg31 : memref<!tpu.dma_semaphore, #tpu.memory_space<semaphore_mem>>) src(%dma_wait3A_195 : memref<112xi32, #tpu.memory_space<hbm>>) dst(%arg25 : memref<112xi32, #tpu.memory_space<vmem>>)
          %dma_wait3A_196 = arith.constant 0 : i32
          %dma_wait3A_197 = tpu.memref_slice %arg2[%dma_wait3A_196] : memref<640000xi32, #tpu.memory_space<hbm>> -> memref<112xi32, #tpu.memory_space<hbm>>
          %dma_wait3A_198 = arith.constant 0 : i32
          %dma_wait3A_199 = tpu.memref_slice %arg2[%dma_wait3A_198] : memref<640000xi32, #tpu.memory_space<hbm>> -> memref<112xi32, #tpu.memory_space<hbm>>
          tpu.wait_dma2 semaphore(%arg31 : memref<!tpu.dma_semaphore, #tpu.memory_space<semaphore_mem>>) src(%dma_wait3A_199 : memref<112xi32, #tpu.memory_space<hbm>>) dst(%arg26 : memref<112xi32, #tpu.memory_space<vmem>>)
          %dma_wait3A_200 = arith.constant 0 : i32
          %dma_wait3A_201 = tpu.memref_slice %arg3[%dma_wait3A_200] : memref<320000xf32, #tpu.memory_space<hbm>> -> memref<112xf32, #tpu.memory_space<hbm>>
          %dma_wait3A_202 = arith.constant 0 : i32
          %dma_wait3A_203 = tpu.memref_slice %arg3[%dma_wait3A_202] : memref<320000xf32, #tpu.memory_space<hbm>> -> memref<112xf32, #tpu.memory_space<hbm>>
          tpu.wait_dma2 semaphore(%arg31 : memref<!tpu.dma_semaphore, #tpu.memory_space<semaphore_mem>>) src(%dma_wait3A_203 : memref<112xf32, #tpu.memory_space<hbm>>) dst(%arg27 : memref<112xf32, #tpu.memory_space<vmem>>)
        } else {
        }
        %eq3A_173 = arith.constant 319984 : i32
        %eq3A_174 = arith.cmpi eq, %mul3A_165, %eq3A_173 : i32
        %convert_element_type3A_175 = arith.extui %eq3A_174 : i1 to i32
        %cond3A_176 = arith.constant 0 : i32
        %cond3A_177 = arith.cmpi ne, %convert_element_type3A_175, %cond3A_176 : i32
        scf.if %cond3A_177 {
          %dma_wait3A_192 = arith.constant 0 : i32
          %dma_wait3A_193 = tpu.memref_slice %arg25[%dma_wait3A_192] : memref<112xi32, #tpu.memory_space<vmem>> -> memref<16xi32, #tpu.memory_space<vmem>>
          %dma_wait3A_194 = arith.constant 0 : i32
          %dma_wait3A_195 = tpu.memref_slice %arg2[%dma_wait3A_194] : memref<640000xi32, #tpu.memory_space<hbm>> -> memref<16xi32, #tpu.memory_space<hbm>>
          %dma_wait3A_196 = arith.constant 0 : i32
          %dma_wait3A_197 = tpu.memref_slice %arg25[%dma_wait3A_196] : memref<112xi32, #tpu.memory_space<vmem>> -> memref<16xi32, #tpu.memory_space<vmem>>
          %dma_wait3A_198 = arith.constant 0 : i32
          %dma_wait3A_199 = tpu.memref_slice %arg2[%dma_wait3A_198] : memref<640000xi32, #tpu.memory_space<hbm>> -> memref<16xi32, #tpu.memory_space<hbm>>
          tpu.wait_dma2 semaphore(%arg31 : memref<!tpu.dma_semaphore, #tpu.memory_space<semaphore_mem>>) src(%dma_wait3A_199 : memref<16xi32, #tpu.memory_space<hbm>>) dst(%dma_wait3A_197 : memref<16xi32, #tpu.memory_space<vmem>>)
          %dma_wait3A_200 = arith.constant 0 : i32
          %dma_wait3A_201 = tpu.memref_slice %arg26[%dma_wait3A_200] : memref<112xi32, #tpu.memory_space<vmem>> -> memref<16xi32, #tpu.memory_space<vmem>>
          %dma_wait3A_202 = arith.constant 0 : i32
          %dma_wait3A_203 = tpu.memref_slice %arg2[%dma_wait3A_202] : memref<640000xi32, #tpu.memory_space<hbm>> -> memref<16xi32, #tpu.memory_space<hbm>>
          %dma_wait3A_204 = arith.constant 0 : i32
          %dma_wait3A_205 = tpu.memref_slice %arg26[%dma_wait3A_204] : memref<112xi32, #tpu.memory_space<vmem>> -> memref<16xi32, #tpu.memory_space<vmem>>
          %dma_wait3A_206 = arith.constant 0 : i32
          %dma_wait3A_207 = tpu.memref_slice %arg2[%dma_wait3A_206] : memref<640000xi32, #tpu.memory_space<hbm>> -> memref<16xi32, #tpu.memory_space<hbm>>
          tpu.wait_dma2 semaphore(%arg31 : memref<!tpu.dma_semaphore, #tpu.memory_space<semaphore_mem>>) src(%dma_wait3A_207 : memref<16xi32, #tpu.memory_space<hbm>>) dst(%dma_wait3A_205 : memref<16xi32, #tpu.memory_space<vmem>>)
          %dma_wait3A_208 = arith.constant 0 : i32
          %dma_wait3A_209 = tpu.memref_slice %arg27[%dma_wait3A_208] : memref<112xf32, #tpu.memory_space<vmem>> -> memref<16xf32, #tpu.memory_space<vmem>>
          %dma_wait3A_210 = arith.constant 0 : i32
          %dma_wait3A_211 = tpu.memref_slice %arg3[%dma_wait3A_210] : memref<320000xf32, #tpu.memory_space<hbm>> -> memref<16xf32, #tpu.memory_space<hbm>>
          %dma_wait3A_212 = arith.constant 0 : i32
          %dma_wait3A_213 = tpu.memref_slice %arg27[%dma_wait3A_212] : memref<112xf32, #tpu.memory_space<vmem>> -> memref<16xf32, #tpu.memory_space<vmem>>
          %dma_wait3A_214 = arith.constant 0 : i32
          %dma_wait3A_215 = tpu.memref_slice %arg3[%dma_wait3A_214] : memref<320000xf32, #tpu.memory_space<hbm>> -> memref<16xf32, #tpu.memory_space<hbm>>
          tpu.wait_dma2 semaphore(%arg31 : memref<!tpu.dma_semaphore, #tpu.memory_space<semaphore_mem>>) src(%dma_wait3A_215 : memref<16xf32, #tpu.memory_space<hbm>>) dst(%dma_wait3A_213 : memref<16xf32, #tpu.memory_space<vmem>>)
        } else {
        }
        %parallel_loop3A = arith.constant 0 : i32
        %parallel_loop3A_178 = arith.constant 7 : i32
        %parallel_loop3A_179 = arith.constant 1 : i32
        scf.for %parallel_loop3A_192 = %parallel_loop3A to %parallel_loop3A_178 step %parallel_loop3A_179  : i32 {
          %parallel_loop3A_193 = arith.constant 16 : i32
          %parallel_loop3A_194 = arith.muli %parallel_loop3A_192, %parallel_loop3A_193 : i32
          %parallel_loop3A_195 = arith.index_cast %parallel_loop3A_194 : i32 to index
          %parallel_loop3A_196 = tpu.vector_load %arg25[%parallel_loop3A_195] {strides = array<i32>} : memref<112xi32, #tpu.memory_space<vmem>>, vector<16xi32>,
          %parallel_loop3A_197 = arith.index_cast %parallel_loop3A_194 : i32 to index
          %parallel_loop3A_198 = tpu.vector_load %arg10[%parallel_loop3A_197] {strides = array<i32>} : memref<112xi32, #tpu.memory_space<vmem>>, vector<16xi32>,
          tpu.vector_store %arg10[%parallel_loop3A_197], %parallel_loop3A_196 {strides = array<i32>} : memref<112xi32, #tpu.memory_space<vmem>>, vector<16xi32>,
          %parallel_loop3A_199 = arith.index_cast %parallel_loop3A_194 : i32 to index
          %parallel_loop3A_200 = tpu.vector_load %arg26[%parallel_loop3A_199] {strides = array<i32>} : memref<112xi32, #tpu.memory_space<vmem>>, vector<16xi32>,
          %parallel_loop3A_201 = arith.index_cast %parallel_loop3A_194 : i32 to index
          %parallel_loop3A_202 = tpu.vector_load %arg12[%parallel_loop3A_201] {strides = array<i32>} : memref<112xi32, #tpu.memory_space<vmem>>, vector<16xi32>,
          tpu.vector_store %arg12[%parallel_loop3A_201], %parallel_loop3A_200 {strides = array<i32>} : memref<112xi32, #tpu.memory_space<vmem>>, vector<16xi32>,
          %parallel_loop3A_203 = arith.index_cast %parallel_loop3A_194 : i32 to index
          %parallel_loop3A_204 = tpu.vector_load %arg27[%parallel_loop3A_203] {strides = array<i32>} : memref<112xf32, #tpu.memory_space<vmem>>, vector<16xf32>,
          %parallel_loop3A_205 = arith.index_cast %parallel_loop3A_194 : i32 to index
          %parallel_loop3A_206 = tpu.vector_load %arg14[%parallel_loop3A_205] {strides = array<i32>} : memref<112xf32, #tpu.memory_space<vmem>>, vector<16xf32>,
          tpu.vector_store %arg14[%parallel_loop3A_205], %parallel_loop3A_204 {strides = array<i32>} : memref<112xf32, #tpu.memory_space<vmem>>, vector<16xf32>,
        } {sc.loop_unroll_factor = 2 : i64, sc.parallel_access}
        %add3A_180 = arith.constant 1 : i32
        %add3A_181 = arith.addi %add3A_129, %add3A_180 : i32
        %mul3A_182 = arith.constant 32 : i32
        %mul3A_183 = arith.muli %add3A_181, %mul3A_182 : i32
        %add3A_184 = arith.addi %mul3A_183, %add3A : i32
        %mul3A_185 = arith.constant 112 : i32
        %mul3A_186 = arith.muli %add3A_184, %mul3A_185 : i32
        %lt3A_187 = arith.constant 320000 : i32
        %lt3A_188 = arith.cmpi slt, %mul3A_186, %lt3A_187 : i32
        %convert_element_type3A_189 = arith.extui %lt3A_188 : i1 to i32
        %cond3A_190 = arith.constant 0 : i32
        %cond3A_191 = arith.cmpi ne, %convert_element_type3A_189, %cond3A_190 : i32
        scf.if %cond3A_191 {
          %dma_start3A_192 = arith.constant 0 : i32
          %dma_start3A_193 = arith.constant 0 : i32
          %dma_start3A_194 = tpu.memref_slice %arg4[%dma_start3A_192, %dma_start3A_193] : memref<10000x8xf32, #tpu.memory_space<hbm>> -> memref<10000x8xf32, #tpu.memory_space<hbm>>
          tpu.enqueue_indirect_dma source(%dma_start3A_194 : memref<10000x8xf32, #tpu.memory_space<hbm>>) target(%arg16 : memref<112x8xf32, #tpu.memory_space<vmem>>) offsets(%arg10 : memref<112xi32, #tpu.memory_space<vmem>>) semaphore(%arg32 : memref<!tpu.dma_semaphore, #tpu.memory_space<semaphore_mem>>)
          %dma_start3A_195 = arith.constant 0 : i32
          %dma_start3A_196 = arith.constant 0 : i32
          %dma_start3A_197 = tpu.memref_slice %arg5[%dma_start3A_195, %dma_start3A_196] : memref<10000x8xf32, #tpu.memory_space<hbm>> -> memref<10000x8xf32, #tpu.memory_space<hbm>>
          tpu.enqueue_indirect_dma source(%dma_start3A_197 : memref<10000x8xf32, #tpu.memory_space<hbm>>) target(%arg18 : memref<112x8xf32, #tpu.memory_space<vmem>>) offsets(%arg12 : memref<112xi32, #tpu.memory_space<vmem>>) semaphore(%arg32 : memref<!tpu.dma_semaphore, #tpu.memory_space<semaphore_mem>>)
          %dma_start3A_198 = arith.constant 0 : i32
          %dma_start3A_199 = arith.constant 0 : i32
          %dma_start3A_200 = tpu.memref_slice %arg6[%dma_start3A_198, %dma_start3A_199] : memref<10000x128xf32, #tpu.memory_space<hbm>> -> memref<10000x128xf32, #tpu.memory_space<hbm>>
          tpu.enqueue_indirect_dma source(%dma_start3A_200 : memref<10000x128xf32, #tpu.memory_space<hbm>>) target(%arg20 : memref<112x128xf32, #tpu.memory_space<vmem>>) offsets(%arg10 : memref<112xi32, #tpu.memory_space<vmem>>) semaphore(%arg32 : memref<!tpu.dma_semaphore, #tpu.memory_space<semaphore_mem>>)
        } else {
        }
      } else {
      }
      %add3A_137 = arith.constant 2 : i32
      %add3A_138 = arith.addi %add3A_129, %add3A_137 : i32
      %lt3A_139 = arith.constant 90 : i32
      %lt3A_140 = arith.cmpi slt, %add3A_138, %lt3A_139 : i32
      %convert_element_type3A_141 = arith.extui %lt3A_140 : i1 to i32
      %cond3A_142 = arith.constant 0 : i32
      %cond3A_143 = arith.cmpi ne, %convert_element_type3A_141, %cond3A_142 : i32
      scf.if %cond3A_143 {
        %add3A_155 = arith.constant 2 : i32
        %add3A_156 = arith.addi %add3A_129, %add3A_155 : i32
        %mul3A_157 = arith.constant 32 : i32
        %mul3A_158 = arith.muli %add3A_156, %mul3A_157 : i32
        %add3A_159 = arith.addi %mul3A_158, %add3A : i32
        %mul3A_160 = arith.constant 112 : i32
        %mul3A_161 = arith.muli %add3A_159, %mul3A_160 : i32
        %add3A_162 = arith.constant 112 : i32
        %add3A_163 = arith.addi %mul3A_161, %add3A_162 : i32
        %le3A_164 = arith.constant 320000 : i32
        %le3A_165 = arith.cmpi sle, %add3A_163, %le3A_164 : i32
        %convert_element_type3A_166 = arith.extui %le3A_165 : i1 to i32
        %cond3A_167 = arith.constant 0 : i32
        %cond3A_168 = arith.cmpi ne, %convert_element_type3A_166, %cond3A_167 : i32
        scf.if %cond3A_168 {
          %dma_start3A_174 = tpu.memref_slice %arg2[%mul3A_161] : memref<640000xi32, #tpu.memory_space<hbm>> -> memref<112xi32, #tpu.memory_space<hbm>>
          %dma_start3A_175 = tpu.memref_slice %arg2[%mul3A_161] : memref<640000xi32, #tpu.memory_space<hbm>> -> memref<112xi32, #tpu.memory_space<hbm>>
          tpu.enqueue_dma source(%dma_start3A_175 : memref<112xi32, #tpu.memory_space<hbm>>) target(%arg25 : memref<112xi32, #tpu.memory_space<vmem>>) target_semaphore(%arg31 : memref<!tpu.dma_semaphore, #tpu.memory_space<semaphore_mem>>)
          %add3A_176 = arith.constant 320000 : i32
          %add3A_177 = arith.addi %add3A_176, %mul3A_161 : i32
          %dma_start3A_178 = tpu.memref_slice %arg2[%add3A_177] : memref<640000xi32, #tpu.memory_space<hbm>> -> memref<112xi32, #tpu.memory_space<hbm>>
          %dma_start3A_179 = tpu.memref_slice %arg2[%add3A_177] : memref<640000xi32, #tpu.memory_space<hbm>> -> memref<112xi32, #tpu.memory_space<hbm>>
          tpu.enqueue_dma source(%dma_start3A_179 : memref<112xi32, #tpu.memory_space<hbm>>) target(%arg26 : memref<112xi32, #tpu.memory_space<vmem>>) target_semaphore(%arg31 : memref<!tpu.dma_semaphore, #tpu.memory_space<semaphore_mem>>)
          %dma_start3A_180 = tpu.memref_slice %arg3[%mul3A_161] : memref<320000xf32, #tpu.memory_space<hbm>> -> memref<112xf32, #tpu.memory_space<hbm>>
          %dma_start3A_181 = tpu.memref_slice %arg3[%mul3A_161] : memref<320000xf32, #tpu.memory_space<hbm>> -> memref<112xf32, #tpu.memory_space<hbm>>
          tpu.enqueue_dma source(%dma_start3A_181 : memref<112xf32, #tpu.memory_space<hbm>>) target(%arg27 : memref<112xf32, #tpu.memory_space<vmem>>) target_semaphore(%arg31 : memref<!tpu.dma_semaphore, #tpu.memory_space<semaphore_mem>>)
        } else {
        }
        %eq3A_169 = arith.constant 319984 : i32
        %eq3A_170 = arith.cmpi eq, %mul3A_161, %eq3A_169 : i32
        %convert_element_type3A_171 = arith.extui %eq3A_170 : i1 to i32
        %cond3A_172 = arith.constant 0 : i32
        %cond3A_173 = arith.cmpi ne, %convert_element_type3A_171, %cond3A_172 : i32
        scf.if %cond3A_173 {
          %dma_start3A_174 = arith.constant 0 : i32
          %dma_start3A_175 = tpu.memref_slice %arg25[%dma_start3A_174] : memref<112xi32, #tpu.memory_space<vmem>> -> memref<16xi32, #tpu.memory_space<vmem>>
          %dma_start3A_176 = tpu.memref_slice %arg2[%mul3A_161] : memref<640000xi32, #tpu.memory_space<hbm>> -> memref<16xi32, #tpu.memory_space<hbm>>
          %dma_start3A_177 = arith.constant 0 : i32
          %dma_start3A_178 = tpu.memref_slice %arg25[%dma_start3A_177] : memref<112xi32, #tpu.memory_space<vmem>> -> memref<16xi32, #tpu.memory_space<vmem>>
          %dma_start3A_179 = tpu.memref_slice %arg2[%mul3A_161] : memref<640000xi32, #tpu.memory_space<hbm>> -> memref<16xi32, #tpu.memory_space<hbm>>
          tpu.enqueue_dma source(%dma_start3A_179 : memref<16xi32, #tpu.memory_space<hbm>>) target(%dma_start3A_178 : memref<16xi32, #tpu.memory_space<vmem>>) target_semaphore(%arg31 : memref<!tpu.dma_semaphore, #tpu.memory_space<semaphore_mem>>)
          %add3A_180 = arith.constant 320000 : i32
          %add3A_181 = arith.addi %add3A_180, %mul3A_161 : i32
          %dma_start3A_182 = arith.constant 0 : i32
          %dma_start3A_183 = tpu.memref_slice %arg26[%dma_start3A_182] : memref<112xi32, #tpu.memory_space<vmem>> -> memref<16xi32, #tpu.memory_space<vmem>>
          %dma_start3A_184 = tpu.memref_slice %arg2[%add3A_181] : memref<640000xi32, #tpu.memory_space<hbm>> -> memref<16xi32, #tpu.memory_space<hbm>>
          %dma_start3A_185 = arith.constant 0 : i32
          %dma_start3A_186 = tpu.memref_slice %arg26[%dma_start3A_185] : memref<112xi32, #tpu.memory_space<vmem>> -> memref<16xi32, #tpu.memory_space<vmem>>
          %dma_start3A_187 = tpu.memref_slice %arg2[%add3A_181] : memref<640000xi32, #tpu.memory_space<hbm>> -> memref<16xi32, #tpu.memory_space<hbm>>
          tpu.enqueue_dma source(%dma_start3A_187 : memref<16xi32, #tpu.memory_space<hbm>>) target(%dma_start3A_186 : memref<16xi32, #tpu.memory_space<vmem>>) target_semaphore(%arg31 : memref<!tpu.dma_semaphore, #tpu.memory_space<semaphore_mem>>)
          %dma_start3A_188 = arith.constant 0 : i32
          %dma_start3A_189 = tpu.memref_slice %arg27[%dma_start3A_188] : memref<112xf32, #tpu.memory_space<vmem>> -> memref<16xf32, #tpu.memory_space<vmem>>
          %dma_start3A_190 = tpu.memref_slice %arg3[%mul3A_161] : memref<320000xf32, #tpu.memory_space<hbm>> -> memref<16xf32, #tpu.memory_space<hbm>>
          %dma_start3A_191 = arith.constant 0 : i32
          %dma_start3A_192 = tpu.memref_slice %arg27[%dma_start3A_191] : memref<112xf32, #tpu.memory_space<vmem>> -> memref<16xf32, #tpu.memory_space<vmem>>
          %dma_start3A_193 = tpu.memref_slice %arg3[%mul3A_161] : memref<320000xf32, #tpu.memory_space<hbm>> -> memref<16xf32, #tpu.memory_space<hbm>>
          tpu.enqueue_dma source(%dma_start3A_193 : memref<16xf32, #tpu.memory_space<hbm>>) target(%dma_start3A_192 : memref<16xf32, #tpu.memory_space<vmem>>) target_semaphore(%arg31 : memref<!tpu.dma_semaphore, #tpu.memory_space<semaphore_mem>>)
        } else {
        }
      } else {
      }
      %mul3A_144 = arith.constant 32 : i32
      %mul3A_145 = arith.muli %add3A_129, %mul3A_144 : i32
      %add3A_146 = arith.addi %mul3A_145, %add3A : i32
      %mul3A_147 = arith.constant 112 : i32
      %mul3A_148 = arith.muli %add3A_146, %mul3A_147 : i32
      %lt3A_149 = arith.constant 320000 : i32
      %lt3A_150 = arith.cmpi slt, %mul3A_148, %lt3A_149 : i32
      %convert_element_type3A_151 = arith.extui %lt3A_150 : i1 to i32
      %cond3A_152 = arith.constant 0 : i32
      %cond3A_153 = arith.cmpi ne, %convert_element_type3A_151, %cond3A_152 : i32
      scf.if %cond3A_153 {
        %dma_wait3A_155 = arith.constant 0 : i32
        %dma_wait3A_156 = arith.constant 0 : i32
        %dma_wait3A_157 = tpu.memref_slice %arg4[%dma_wait3A_155, %dma_wait3A_156] : memref<10000x8xf32, #tpu.memory_space<hbm>> -> memref<112x8xf32, #tpu.memory_space<hbm>>
        %dma_wait3A_158 = arith.constant 0 : i32
        %dma_wait3A_159 = arith.constant 0 : i32
        %dma_wait3A_160 = tpu.memref_slice %arg4[%dma_wait3A_158, %dma_wait3A_159] : memref<10000x8xf32, #tpu.memory_space<hbm>> -> memref<112x8xf32, #tpu.memory_space<hbm>>
        tpu.wait_dma2 semaphore(%arg33 : memref<!tpu.dma_semaphore, #tpu.memory_space<semaphore_mem>>) src(%dma_wait3A_160 : memref<112x8xf32, #tpu.memory_space<hbm>>) dst(%arg17 : memref<112x8xf32, #tpu.memory_space<vmem>>)
        %dma_wait3A_161 = arith.constant 0 : i32
        %dma_wait3A_162 = arith.constant 0 : i32
        %dma_wait3A_163 = tpu.memref_slice %arg5[%dma_wait3A_161, %dma_wait3A_162] : memref<10000x8xf32, #tpu.memory_space<hbm>> -> memref<112x8xf32, #tpu.memory_space<hbm>>
        %dma_wait3A_164 = arith.constant 0 : i32
        %dma_wait3A_165 = arith.constant 0 : i32
        %dma_wait3A_166 = tpu.memref_slice %arg5[%dma_wait3A_164, %dma_wait3A_165] : memref<10000x8xf32, #tpu.memory_space<hbm>> -> memref<112x8xf32, #tpu.memory_space<hbm>>
        tpu.wait_dma2 semaphore(%arg33 : memref<!tpu.dma_semaphore, #tpu.memory_space<semaphore_mem>>) src(%dma_wait3A_166 : memref<112x8xf32, #tpu.memory_space<hbm>>) dst(%arg19 : memref<112x8xf32, #tpu.memory_space<vmem>>)
        %parallel_loop3A = arith.constant 0 : i32
        %parallel_loop3A_167 = arith.constant 7 : i32
        %parallel_loop3A_168 = arith.constant 1 : i32
        scf.for %parallel_loop3A_184 = %parallel_loop3A to %parallel_loop3A_167 step %parallel_loop3A_168  : i32 {
          %parallel_loop3A_185 = arith.constant 16 : i32
          %parallel_loop3A_186 = arith.muli %parallel_loop3A_184, %parallel_loop3A_185 : i32
          %parallel_loop3A_187 = vector.broadcast %parallel_loop3A_186 : i32 to vector<16xi32>
          %parallel_loop3A_188 = arith.addi %iota3A, %parallel_loop3A_187 : vector<16xi32>
          %parallel_loop3A_189 = vector.broadcast %mul3A_148 : i32 to vector<16xi32>
          %parallel_loop3A_190 = arith.addi %parallel_loop3A_189, %parallel_loop3A_188 : vector<16xi32>
          %parallel_loop3A_191 = arith.constant 320000 : i32
          %parallel_loop3A_192 = vector.broadcast %parallel_loop3A_191 : i32 to vector<16xi32>
          %parallel_loop3A_193 = arith.cmpi slt, %parallel_loop3A_190, %parallel_loop3A_192 : vector<16xi32>
          %parallel_loop3A_194 = arith.constant 16 : i32
          %parallel_loop3A_195 = arith.muli %parallel_loop3A_184, %parallel_loop3A_194 : i32
          %parallel_loop3A_196 = arith.index_cast %parallel_loop3A_195 : i32 to index
          %parallel_loop3A_197 = tpu.vector_load %arg15[%parallel_loop3A_196] {strides = array<i32>} : memref<112xf32, #tpu.memory_space<vmem>>, vector<16xf32>,
          %parallel_loop3A_198 = arith.constant 0 : index
          %parallel_loop3A_199 = tpu.vector_load %arg24[%parallel_loop3A_198] {strides = array<i32>} : memref<16xf32, #tpu.memory_space<vmem>>, vector<16xf32>,
          %parallel_loop3A_200 = arith.constant 0 : i32
          %parallel_loop3A_201 = vector.broadcast %parallel_loop3A_200 : i32 to vector<16xi32>
          %parallel_loop3A_202 = tpu.vector_load_idx %arg17[%parallel_loop3A_188, %parallel_loop3A_201] : memref<112x8xf32, #tpu.memory_space<vmem>>[vector<16xi32>, vector<16xi32>], vector<16xf32>,
          %parallel_loop3A_203 = tpu.vector_load_idx %arg19[%parallel_loop3A_188, %parallel_loop3A_201] : memref<112x8xf32, #tpu.memory_space<vmem>>[vector<16xi32>, vector<16xi32>], vector<16xf32>,
          %parallel_loop3A_204 = arith.addf %parallel_loop3A_202, %parallel_loop3A_203 : vector<16xf32>
          %parallel_loop3A_205 = vector.extract_strided_slice %parallel_loop3A_199 {offsets = [0], sizes = [1], strides = [1]} : vector<16xf32> to vector<1xf32>
          %parallel_loop3A_206 = vector.extract %parallel_loop3A_205[0] : f32 from vector<1xf32>
          %parallel_loop3A_207 = vector.broadcast %parallel_loop3A_206 : f32 to vector<16xf32>
          %parallel_loop3A_208 = arith.mulf %parallel_loop3A_197, %parallel_loop3A_207 : vector<16xf32>
          %parallel_loop3A_209 = arith.addf %parallel_loop3A_204, %parallel_loop3A_208 : vector<16xf32>
          %parallel_loop3A_210 = arith.constant 0.000000e+00 : f32
          %parallel_loop3A_211 = vector.broadcast %parallel_loop3A_210 : f32 to vector<16xf32>
          %parallel_loop3A_212 = arith.cmpf oge, %parallel_loop3A_209, %parallel_loop3A_211 : vector<16xf32>
          %parallel_loop3A_213 = arith.constant 2.000000e-01 : f32
          %parallel_loop3A_214 = vector.broadcast %parallel_loop3A_213 : f32 to vector<16xf32>
          %parallel_loop3A_215 = arith.mulf %parallel_loop3A_209, %parallel_loop3A_214 : vector<16xf32>
          %parallel_loop3A_216 = arith.select %parallel_loop3A_212, %parallel_loop3A_209, %parallel_loop3A_215 : vector<16xi1>, vector<16xf32>
          %parallel_loop3A_217 = math.exp %parallel_loop3A_216 : vector<16xf32>
          %parallel_loop3A_218 = arith.constant 0.000000e+00 : f32
          %parallel_loop3A_219 = vector.broadcast %parallel_loop3A_218 : f32 to vector<16xf32>
          %parallel_loop3A_220 = arith.select %parallel_loop3A_193, %parallel_loop3A_217, %parallel_loop3A_219 : vector<16xi1>, vector<16xf32>
          tpu.vector_store_idx %arg23[%parallel_loop3A_188, %parallel_loop3A_201], %parallel_loop3A_220 : memref<112x16xf32, #tpu.memory_space<vmem>>[vector<16xi32>, vector<16xi32>], vector<16xf32>,
          %parallel_loop3A_221 = arith.constant 1 : i32
          %parallel_loop3A_222 = vector.broadcast %parallel_loop3A_221 : i32 to vector<16xi32>
          %parallel_loop3A_223 = tpu.vector_load_idx %arg17[%parallel_loop3A_188, %parallel_loop3A_222] : memref<112x8xf32, #tpu.memory_space<vmem>>[vector<16xi32>, vector<16xi32>], vector<16xf32>,
          %parallel_loop3A_224 = tpu.vector_load_idx %arg19[%parallel_loop3A_188, %parallel_loop3A_222] : memref<112x8xf32, #tpu.memory_space<vmem>>[vector<16xi32>, vector<16xi32>], vector<16xf32>,
          %parallel_loop3A_225 = arith.addf %parallel_loop3A_223, %parallel_loop3A_224 : vector<16xf32>
          %parallel_loop3A_226 = vector.extract_strided_slice %parallel_loop3A_199 {offsets = [1], sizes = [1], strides = [1]} : vector<16xf32> to vector<1xf32>
          %parallel_loop3A_227 = vector.extract %parallel_loop3A_226[0] : f32 from vector<1xf32>
          %parallel_loop3A_228 = vector.broadcast %parallel_loop3A_227 : f32 to vector<16xf32>
          %parallel_loop3A_229 = arith.mulf %parallel_loop3A_197, %parallel_loop3A_228 : vector<16xf32>
          %parallel_loop3A_230 = arith.addf %parallel_loop3A_225, %parallel_loop3A_229 : vector<16xf32>
          %parallel_loop3A_231 = arith.constant 0.000000e+00 : f32
          %parallel_loop3A_232 = vector.broadcast %parallel_loop3A_231 : f32 to vector<16xf32>
          %parallel_loop3A_233 = arith.cmpf oge, %parallel_loop3A_230, %parallel_loop3A_232 : vector<16xf32>
          %parallel_loop3A_234 = arith.constant 2.000000e-01 : f32
          %parallel_loop3A_235 = vector.broadcast %parallel_loop3A_234 : f32 to vector<16xf32>
          %parallel_loop3A_236 = arith.mulf %parallel_loop3A_230, %parallel_loop3A_235 : vector<16xf32>
          %parallel_loop3A_237 = arith.select %parallel_loop3A_233, %parallel_loop3A_230, %parallel_loop3A_236 : vector<16xi1>, vector<16xf32>
          %parallel_loop3A_238 = math.exp %parallel_loop3A_237 : vector<16xf32>
          %parallel_loop3A_239 = arith.constant 0.000000e+00 : f32
          %parallel_loop3A_240 = vector.broadcast %parallel_loop3A_239 : f32 to vector<16xf32>
          %parallel_loop3A_241 = arith.select %parallel_loop3A_193, %parallel_loop3A_238, %parallel_loop3A_240 : vector<16xi1>, vector<16xf32>
          tpu.vector_store_idx %arg23[%parallel_loop3A_188, %parallel_loop3A_222], %parallel_loop3A_241 : memref<112x16xf32, #tpu.memory_space<vmem>>[vector<16xi32>, vector<16xi32>], vector<16xf32>,
          %parallel_loop3A_242 = arith.constant 2 : i32
          %parallel_loop3A_243 = vector.broadcast %parallel_loop3A_242 : i32 to vector<16xi32>
          %parallel_loop3A_244 = tpu.vector_load_idx %arg17[%parallel_loop3A_188, %parallel_loop3A_243] : memref<112x8xf32, #tpu.memory_space<vmem>>[vector<16xi32>, vector<16xi32>], vector<16xf32>,
          %parallel_loop3A_245 = tpu.vector_load_idx %arg19[%parallel_loop3A_188, %parallel_loop3A_243] : memref<112x8xf32, #tpu.memory_space<vmem>>[vector<16xi32>, vector<16xi32>], vector<16xf32>,
          %parallel_loop3A_246 = arith.addf %parallel_loop3A_244, %parallel_loop3A_245 : vector<16xf32>
          %parallel_loop3A_247 = vector.extract_strided_slice %parallel_loop3A_199 {offsets = [2], sizes = [1], strides = [1]} : vector<16xf32> to vector<1xf32>
          %parallel_loop3A_248 = vector.extract %parallel_loop3A_247[0] : f32 from vector<1xf32>
          %parallel_loop3A_249 = vector.broadcast %parallel_loop3A_248 : f32 to vector<16xf32>
          %parallel_loop3A_250 = arith.mulf %parallel_loop3A_197, %parallel_loop3A_249 : vector<16xf32>
          %parallel_loop3A_251 = arith.addf %parallel_loop3A_246, %parallel_loop3A_250 : vector<16xf32>
          %parallel_loop3A_252 = arith.constant 0.000000e+00 : f32
          %parallel_loop3A_253 = vector.broadcast %parallel_loop3A_252 : f32 to vector<16xf32>
          %parallel_loop3A_254 = arith.cmpf oge, %parallel_loop3A_251, %parallel_loop3A_253 : vector<16xf32>
          %parallel_loop3A_255 = arith.constant 2.000000e-01 : f32
          %parallel_loop3A_256 = vector.broadcast %parallel_loop3A_255 : f32 to vector<16xf32>
          %parallel_loop3A_257 = arith.mulf %parallel_loop3A_251, %parallel_loop3A_256 : vector<16xf32>
          %parallel_loop3A_258 = arith.select %parallel_loop3A_254, %parallel_loop3A_251, %parallel_loop3A_257 : vector<16xi1>, vector<16xf32>
          %parallel_loop3A_259 = math.exp %parallel_loop3A_258 : vector<16xf32>
          %parallel_loop3A_260 = arith.constant 0.000000e+00 : f32
          %parallel_loop3A_261 = vector.broadcast %parallel_loop3A_260 : f32 to vector<16xf32>
          %parallel_loop3A_262 = arith.select %parallel_loop3A_193, %parallel_loop3A_259, %parallel_loop3A_261 : vector<16xi1>, vector<16xf32>
          tpu.vector_store_idx %arg23[%parallel_loop3A_188, %parallel_loop3A_243], %parallel_loop3A_262 : memref<112x16xf32, #tpu.memory_space<vmem>>[vector<16xi32>, vector<16xi32>], vector<16xf32>,
          %parallel_loop3A_263 = arith.constant 3 : i32
          %parallel_loop3A_264 = vector.broadcast %parallel_loop3A_263 : i32 to vector<16xi32>
          %parallel_loop3A_265 = tpu.vector_load_idx %arg17[%parallel_loop3A_188, %parallel_loop3A_264] : memref<112x8xf32, #tpu.memory_space<vmem>>[vector<16xi32>, vector<16xi32>], vector<16xf32>,
          %parallel_loop3A_266 = tpu.vector_load_idx %arg19[%parallel_loop3A_188, %parallel_loop3A_264] : memref<112x8xf32, #tpu.memory_space<vmem>>[vector<16xi32>, vector<16xi32>], vector<16xf32>,
          %parallel_loop3A_267 = arith.addf %parallel_loop3A_265, %parallel_loop3A_266 : vector<16xf32>
          %parallel_loop3A_268 = vector.extract_strided_slice %parallel_loop3A_199 {offsets = [3], sizes = [1], strides = [1]} : vector<16xf32> to vector<1xf32>
          %parallel_loop3A_269 = vector.extract %parallel_loop3A_268[0] : f32 from vector<1xf32>
          %parallel_loop3A_270 = vector.broadcast %parallel_loop3A_269 : f32 to vector<16xf32>
          %parallel_loop3A_271 = arith.mulf %parallel_loop3A_197, %parallel_loop3A_270 : vector<16xf32>
          %parallel_loop3A_272 = arith.addf %parallel_loop3A_267, %parallel_loop3A_271 : vector<16xf32>
          %parallel_loop3A_273 = arith.constant 0.000000e+00 : f32
          %parallel_loop3A_274 = vector.broadcast %parallel_loop3A_273 : f32 to vector<16xf32>
          %parallel_loop3A_275 = arith.cmpf oge, %parallel_loop3A_272, %parallel_loop3A_274 : vector<16xf32>
          %parallel_loop3A_276 = arith.constant 2.000000e-01 : f32
          %parallel_loop3A_277 = vector.broadcast %parallel_loop3A_276 : f32 to vector<16xf32>
          %parallel_loop3A_278 = arith.mulf %parallel_loop3A_272, %parallel_loop3A_277 : vector<16xf32>
          %parallel_loop3A_279 = arith.select %parallel_loop3A_275, %parallel_loop3A_272, %parallel_loop3A_278 : vector<16xi1>, vector<16xf32>
          %parallel_loop3A_280 = math.exp %parallel_loop3A_279 : vector<16xf32>
          %parallel_loop3A_281 = arith.constant 0.000000e+00 : f32
          %parallel_loop3A_282 = vector.broadcast %parallel_loop3A_281 : f32 to vector<16xf32>
          %parallel_loop3A_283 = arith.select %parallel_loop3A_193, %parallel_loop3A_280, %parallel_loop3A_282 : vector<16xi1>, vector<16xf32>
          tpu.vector_store_idx %arg23[%parallel_loop3A_188, %parallel_loop3A_264], %parallel_loop3A_283 : memref<112x16xf32, #tpu.memory_space<vmem>>[vector<16xi32>, vector<16xi32>], vector<16xf32>,
          %parallel_loop3A_284 = arith.constant 4 : i32
          %parallel_loop3A_285 = vector.broadcast %parallel_loop3A_284 : i32 to vector<16xi32>
          %parallel_loop3A_286 = tpu.vector_load_idx %arg17[%parallel_loop3A_188, %parallel_loop3A_285] : memref<112x8xf32, #tpu.memory_space<vmem>>[vector<16xi32>, vector<16xi32>], vector<16xf32>,
          %parallel_loop3A_287 = tpu.vector_load_idx %arg19[%parallel_loop3A_188, %parallel_loop3A_285] : memref<112x8xf32, #tpu.memory_space<vmem>>[vector<16xi32>, vector<16xi32>], vector<16xf32>,
          %parallel_loop3A_288 = arith.addf %parallel_loop3A_286, %parallel_loop3A_287 : vector<16xf32>
          %parallel_loop3A_289 = vector.extract_strided_slice %parallel_loop3A_199 {offsets = [4], sizes = [1], strides = [1]} : vector<16xf32> to vector<1xf32>
          %parallel_loop3A_290 = vector.extract %parallel_loop3A_289[0] : f32 from vector<1xf32>
          %parallel_loop3A_291 = vector.broadcast %parallel_loop3A_290 : f32 to vector<16xf32>
          %parallel_loop3A_292 = arith.mulf %parallel_loop3A_197, %parallel_loop3A_291 : vector<16xf32>
          %parallel_loop3A_293 = arith.addf %parallel_loop3A_288, %parallel_loop3A_292 : vector<16xf32>
          %parallel_loop3A_294 = arith.constant 0.000000e+00 : f32
          %parallel_loop3A_295 = vector.broadcast %parallel_loop3A_294 : f32 to vector<16xf32>
          %parallel_loop3A_296 = arith.cmpf oge, %parallel_loop3A_293, %parallel_loop3A_295 : vector<16xf32>
          %parallel_loop3A_297 = arith.constant 2.000000e-01 : f32
          %parallel_loop3A_298 = vector.broadcast %parallel_loop3A_297 : f32 to vector<16xf32>
          %parallel_loop3A_299 = arith.mulf %parallel_loop3A_293, %parallel_loop3A_298 : vector<16xf32>
          %parallel_loop3A_300 = arith.select %parallel_loop3A_296, %parallel_loop3A_293, %parallel_loop3A_299 : vector<16xi1>, vector<16xf32>
          %parallel_loop3A_301 = math.exp %parallel_loop3A_300 : vector<16xf32>
          %parallel_loop3A_302 = arith.constant 0.000000e+00 : f32
          %parallel_loop3A_303 = vector.broadcast %parallel_loop3A_302 : f32 to vector<16xf32>
          %parallel_loop3A_304 = arith.select %parallel_loop3A_193, %parallel_loop3A_301, %parallel_loop3A_303 : vector<16xi1>, vector<16xf32>
          tpu.vector_store_idx %arg23[%parallel_loop3A_188, %parallel_loop3A_285], %parallel_loop3A_304 : memref<112x16xf32, #tpu.memory_space<vmem>>[vector<16xi32>, vector<16xi32>], vector<16xf32>,
          %parallel_loop3A_305 = arith.constant 5 : i32
          %parallel_loop3A_306 = vector.broadcast %parallel_loop3A_305 : i32 to vector<16xi32>
          %parallel_loop3A_307 = tpu.vector_load_idx %arg17[%parallel_loop3A_188, %parallel_loop3A_306] : memref<112x8xf32, #tpu.memory_space<vmem>>[vector<16xi32>, vector<16xi32>], vector<16xf32>,
          %parallel_loop3A_308 = tpu.vector_load_idx %arg19[%parallel_loop3A_188, %parallel_loop3A_306] : memref<112x8xf32, #tpu.memory_space<vmem>>[vector<16xi32>, vector<16xi32>], vector<16xf32>,
          %parallel_loop3A_309 = arith.addf %parallel_loop3A_307, %parallel_loop3A_308 : vector<16xf32>
          %parallel_loop3A_310 = vector.extract_strided_slice %parallel_loop3A_199 {offsets = [5], sizes = [1], strides = [1]} : vector<16xf32> to vector<1xf32>
          %parallel_loop3A_311 = vector.extract %parallel_loop3A_310[0] : f32 from vector<1xf32>
          %parallel_loop3A_312 = vector.broadcast %parallel_loop3A_311 : f32 to vector<16xf32>
          %parallel_loop3A_313 = arith.mulf %parallel_loop3A_197, %parallel_loop3A_312 : vector<16xf32>
          %parallel_loop3A_314 = arith.addf %parallel_loop3A_309, %parallel_loop3A_313 : vector<16xf32>
          %parallel_loop3A_315 = arith.constant 0.000000e+00 : f32
          %parallel_loop3A_316 = vector.broadcast %parallel_loop3A_315 : f32 to vector<16xf32>
          %parallel_loop3A_317 = arith.cmpf oge, %parallel_loop3A_314, %parallel_loop3A_316 : vector<16xf32>
          %parallel_loop3A_318 = arith.constant 2.000000e-01 : f32
          %parallel_loop3A_319 = vector.broadcast %parallel_loop3A_318 : f32 to vector<16xf32>
          %parallel_loop3A_320 = arith.mulf %parallel_loop3A_314, %parallel_loop3A_319 : vector<16xf32>
          %parallel_loop3A_321 = arith.select %parallel_loop3A_317, %parallel_loop3A_314, %parallel_loop3A_320 : vector<16xi1>, vector<16xf32>
          %parallel_loop3A_322 = math.exp %parallel_loop3A_321 : vector<16xf32>
          %parallel_loop3A_323 = arith.constant 0.000000e+00 : f32
          %parallel_loop3A_324 = vector.broadcast %parallel_loop3A_323 : f32 to vector<16xf32>
          %parallel_loop3A_325 = arith.select %parallel_loop3A_193, %parallel_loop3A_322, %parallel_loop3A_324 : vector<16xi1>, vector<16xf32>
          tpu.vector_store_idx %arg23[%parallel_loop3A_188, %parallel_loop3A_306], %parallel_loop3A_325 : memref<112x16xf32, #tpu.memory_space<vmem>>[vector<16xi32>, vector<16xi32>], vector<16xf32>,
          %parallel_loop3A_326 = arith.constant 6 : i32
          %parallel_loop3A_327 = vector.broadcast %parallel_loop3A_326 : i32 to vector<16xi32>
          %parallel_loop3A_328 = tpu.vector_load_idx %arg17[%parallel_loop3A_188, %parallel_loop3A_327] : memref<112x8xf32, #tpu.memory_space<vmem>>[vector<16xi32>, vector<16xi32>], vector<16xf32>,
          %parallel_loop3A_329 = tpu.vector_load_idx %arg19[%parallel_loop3A_188, %parallel_loop3A_327] : memref<112x8xf32, #tpu.memory_space<vmem>>[vector<16xi32>, vector<16xi32>], vector<16xf32>,
          %parallel_loop3A_330 = arith.addf %parallel_loop3A_328, %parallel_loop3A_329 : vector<16xf32>
          %parallel_loop3A_331 = vector.extract_strided_slice %parallel_loop3A_199 {offsets = [6], sizes = [1], strides = [1]} : vector<16xf32> to vector<1xf32>
          %parallel_loop3A_332 = vector.extract %parallel_loop3A_331[0] : f32 from vector<1xf32>
          %parallel_loop3A_333 = vector.broadcast %parallel_loop3A_332 : f32 to vector<16xf32>
          %parallel_loop3A_334 = arith.mulf %parallel_loop3A_197, %parallel_loop3A_333 : vector<16xf32>
          %parallel_loop3A_335 = arith.addf %parallel_loop3A_330, %parallel_loop3A_334 : vector<16xf32>
          %parallel_loop3A_336 = arith.constant 0.000000e+00 : f32
          %parallel_loop3A_337 = vector.broadcast %parallel_loop3A_336 : f32 to vector<16xf32>
          %parallel_loop3A_338 = arith.cmpf oge, %parallel_loop3A_335, %parallel_loop3A_337 : vector<16xf32>
          %parallel_loop3A_339 = arith.constant 2.000000e-01 : f32
          %parallel_loop3A_340 = vector.broadcast %parallel_loop3A_339 : f32 to vector<16xf32>
          %parallel_loop3A_341 = arith.mulf %parallel_loop3A_335, %parallel_loop3A_340 : vector<16xf32>
          %parallel_loop3A_342 = arith.select %parallel_loop3A_338, %parallel_loop3A_335, %parallel_loop3A_341 : vector<16xi1>, vector<16xf32>
          %parallel_loop3A_343 = math.exp %parallel_loop3A_342 : vector<16xf32>
          %parallel_loop3A_344 = arith.constant 0.000000e+00 : f32
          %parallel_loop3A_345 = vector.broadcast %parallel_loop3A_344 : f32 to vector<16xf32>
          %parallel_loop3A_346 = arith.select %parallel_loop3A_193, %parallel_loop3A_343, %parallel_loop3A_345 : vector<16xi1>, vector<16xf32>
          tpu.vector_store_idx %arg23[%parallel_loop3A_188, %parallel_loop3A_327], %parallel_loop3A_346 : memref<112x16xf32, #tpu.memory_space<vmem>>[vector<16xi32>, vector<16xi32>], vector<16xf32>,
          %parallel_loop3A_347 = arith.constant 7 : i32
          %parallel_loop3A_348 = vector.broadcast %parallel_loop3A_347 : i32 to vector<16xi32>
          %parallel_loop3A_349 = tpu.vector_load_idx %arg17[%parallel_loop3A_188, %parallel_loop3A_348] : memref<112x8xf32, #tpu.memory_space<vmem>>[vector<16xi32>, vector<16xi32>], vector<16xf32>,
          %parallel_loop3A_350 = tpu.vector_load_idx %arg19[%parallel_loop3A_188, %parallel_loop3A_348] : memref<112x8xf32, #tpu.memory_space<vmem>>[vector<16xi32>, vector<16xi32>], vector<16xf32>,
          %parallel_loop3A_351 = arith.addf %parallel_loop3A_349, %parallel_loop3A_350 : vector<16xf32>
          %parallel_loop3A_352 = vector.extract_strided_slice %parallel_loop3A_199 {offsets = [7], sizes = [1], strides = [1]} : vector<16xf32> to vector<1xf32>
          %parallel_loop3A_353 = vector.extract %parallel_loop3A_352[0] : f32 from vector<1xf32>
          %parallel_loop3A_354 = vector.broadcast %parallel_loop3A_353 : f32 to vector<16xf32>
          %parallel_loop3A_355 = arith.mulf %parallel_loop3A_197, %parallel_loop3A_354 : vector<16xf32>
          %parallel_loop3A_356 = arith.addf %parallel_loop3A_351, %parallel_loop3A_355 : vector<16xf32>
          %parallel_loop3A_357 = arith.constant 0.000000e+00 : f32
          %parallel_loop3A_358 = vector.broadcast %parallel_loop3A_357 : f32 to vector<16xf32>
          %parallel_loop3A_359 = arith.cmpf oge, %parallel_loop3A_356, %parallel_loop3A_358 : vector<16xf32>
          %parallel_loop3A_360 = arith.constant 2.000000e-01 : f32
          %parallel_loop3A_361 = vector.broadcast %parallel_loop3A_360 : f32 to vector<16xf32>
          %parallel_loop3A_362 = arith.mulf %parallel_loop3A_356, %parallel_loop3A_361 : vector<16xf32>
          %parallel_loop3A_363 = arith.select %parallel_loop3A_359, %parallel_loop3A_356, %parallel_loop3A_362 : vector<16xi1>, vector<16xf32>
          %parallel_loop3A_364 = math.exp %parallel_loop3A_363 : vector<16xf32>
          %parallel_loop3A_365 = arith.constant 0.000000e+00 : f32
          %parallel_loop3A_366 = vector.broadcast %parallel_loop3A_365 : f32 to vector<16xf32>
          %parallel_loop3A_367 = arith.select %parallel_loop3A_193, %parallel_loop3A_364, %parallel_loop3A_366 : vector<16xi1>, vector<16xf32>
          tpu.vector_store_idx %arg23[%parallel_loop3A_188, %parallel_loop3A_348], %parallel_loop3A_367 : memref<112x16xf32, #tpu.memory_space<vmem>>[vector<16xi32>, vector<16xi32>], vector<16xf32>,
          %parallel_loop3A_368 = arith.constant 0.000000e+00 : f32
          %parallel_loop3A_369 = vector.broadcast %parallel_loop3A_368 : f32 to vector<16xf32>
          %parallel_loop3A_370 = arith.select %parallel_loop3A_193, %broadcast_in_dim3A_5, %parallel_loop3A_369 : vector<16xi1>, vector<16xf32>
          tpu.vector_store_idx %arg23[%parallel_loop3A_188, %broadcast_in_dim3A_7], %parallel_loop3A_370 : memref<112x16xf32, #tpu.memory_space<vmem>>[vector<16xi32>, vector<16xi32>], vector<16xf32>,
          tpu.vector_store_idx %arg23[%parallel_loop3A_188, %broadcast_in_dim3A_9], %parallel_loop3A_197 : memref<112x16xf32, #tpu.memory_space<vmem>>[vector<16xi32>, vector<16xi32>], vector<16xf32>,
        } {sc.loop_unroll_factor = 2 : i64, sc.parallel_access}
        %dma_wait3A_169 = arith.constant 0 : i32
        %dma_wait3A_170 = arith.constant 0 : i32
        %dma_wait3A_171 = tpu.memref_slice %arg6[%dma_wait3A_169, %dma_wait3A_170] : memref<10000x128xf32, #tpu.memory_space<hbm>> -> memref<112x128xf32, #tpu.memory_space<hbm>>
        %dma_wait3A_172 = arith.constant 0 : i32
        %dma_wait3A_173 = arith.constant 0 : i32
        %dma_wait3A_174 = tpu.memref_slice %arg6[%dma_wait3A_172, %dma_wait3A_173] : memref<10000x128xf32, #tpu.memory_space<hbm>> -> memref<112x128xf32, #tpu.memory_space<hbm>>
        tpu.wait_dma2 semaphore(%arg33 : memref<!tpu.dma_semaphore, #tpu.memory_space<semaphore_mem>>) src(%dma_wait3A_174 : memref<112x128xf32, #tpu.memory_space<hbm>>) dst(%arg21 : memref<112x128xf32, #tpu.memory_space<vmem>>)
        %parallel_loop3A_175 = arith.constant 0 : i32
        %parallel_loop3A_176 = arith.constant 112 : i32
        %parallel_loop3A_177 = arith.constant 1 : i32
        scf.for %parallel_loop3A_184 = %parallel_loop3A_175 to %parallel_loop3A_176 step %parallel_loop3A_177  : i32 {
          %parallel_loop3A_185 = arith.index_cast %parallel_loop3A_184 : i32 to index
          %parallel_loop3A_186 = arith.constant 0 : index
          %parallel_loop3A_187 = tpu.vector_load %arg23[%parallel_loop3A_185, %parallel_loop3A_186] {strides = array<i32>} : memref<112x16xf32, #tpu.memory_space<vmem>>, vector<16xf32>,
          %parallel_loop3A_188 = arith.index_cast %parallel_loop3A_184 : i32 to index
          %parallel_loop3A_189 = arith.constant 0 : index
          %parallel_loop3A_190 = tpu.vector_load %arg21[%parallel_loop3A_188, %parallel_loop3A_189] {strides = array<i32>} : memref<112x128xf32, #tpu.memory_space<vmem>>, vector<16xf32>,
          %parallel_loop3A_191 = vector.extract_strided_slice %parallel_loop3A_187 {offsets = [0], sizes = [1], strides = [1]} : vector<16xf32> to vector<1xf32>
          %parallel_loop3A_192 = vector.extract %parallel_loop3A_191[0] : f32 from vector<1xf32>
          %parallel_loop3A_193 = vector.broadcast %parallel_loop3A_192 : f32 to vector<16xf32>
          %parallel_loop3A_194 = arith.mulf %parallel_loop3A_190, %parallel_loop3A_193 : vector<16xf32>
          %parallel_loop3A_195 = arith.index_cast %parallel_loop3A_184 : i32 to index
          %parallel_loop3A_196 = arith.constant 0 : index
          %parallel_loop3A_197 = tpu.vector_load %arg21[%parallel_loop3A_195, %parallel_loop3A_196] {strides = array<i32>} : memref<112x128xf32, #tpu.memory_space<vmem>>, vector<16xf32>,
          tpu.vector_store %arg21[%parallel_loop3A_195, %parallel_loop3A_196], %parallel_loop3A_194 {strides = array<i32>} : memref<112x128xf32, #tpu.memory_space<vmem>>, vector<16xf32>,
          %parallel_loop3A_198 = arith.index_cast %parallel_loop3A_184 : i32 to index
          %parallel_loop3A_199 = arith.constant 16 : index
          %parallel_loop3A_200 = tpu.vector_load %arg21[%parallel_loop3A_198, %parallel_loop3A_199] {strides = array<i32>} : memref<112x128xf32, #tpu.memory_space<vmem>>, vector<16xf32>,
          %parallel_loop3A_201 = vector.extract_strided_slice %parallel_loop3A_187 {offsets = [1], sizes = [1], strides = [1]} : vector<16xf32> to vector<1xf32>
          %parallel_loop3A_202 = vector.extract %parallel_loop3A_201[0] : f32 from vector<1xf32>
          %parallel_loop3A_203 = vector.broadcast %parallel_loop3A_202 : f32 to vector<16xf32>
          %parallel_loop3A_204 = arith.mulf %parallel_loop3A_200, %parallel_loop3A_203 : vector<16xf32>
          %parallel_loop3A_205 = arith.index_cast %parallel_loop3A_184 : i32 to index
          %parallel_loop3A_206 = arith.constant 16 : index
          %parallel_loop3A_207 = tpu.vector_load %arg21[%parallel_loop3A_205, %parallel_loop3A_206] {strides = array<i32>} : memref<112x128xf32, #tpu.memory_space<vmem>>, vector<16xf32>,
          tpu.vector_store %arg21[%parallel_loop3A_205, %parallel_loop3A_206], %parallel_loop3A_204 {strides = array<i32>} : memref<112x128xf32, #tpu.memory_space<vmem>>, vector<16xf32>,
          %parallel_loop3A_208 = arith.index_cast %parallel_loop3A_184 : i32 to index
          %parallel_loop3A_209 = arith.constant 32 : index
          %parallel_loop3A_210 = tpu.vector_load %arg21[%parallel_loop3A_208, %parallel_loop3A_209] {strides = array<i32>} : memref<112x128xf32, #tpu.memory_space<vmem>>, vector<16xf32>,
          %parallel_loop3A_211 = vector.extract_strided_slice %parallel_loop3A_187 {offsets = [2], sizes = [1], strides = [1]} : vector<16xf32> to vector<1xf32>
          %parallel_loop3A_212 = vector.extract %parallel_loop3A_211[0] : f32 from vector<1xf32>
          %parallel_loop3A_213 = vector.broadcast %parallel_loop3A_212 : f32 to vector<16xf32>
          %parallel_loop3A_214 = arith.mulf %parallel_loop3A_210, %parallel_loop3A_213 : vector<16xf32>
          %parallel_loop3A_215 = arith.index_cast %parallel_loop3A_184 : i32 to index
          %parallel_loop3A_216 = arith.constant 32 : index
          %parallel_loop3A_217 = tpu.vector_load %arg21[%parallel_loop3A_215, %parallel_loop3A_216] {strides = array<i32>} : memref<112x128xf32, #tpu.memory_space<vmem>>, vector<16xf32>,
          tpu.vector_store %arg21[%parallel_loop3A_215, %parallel_loop3A_216], %parallel_loop3A_214 {strides = array<i32>} : memref<112x128xf32, #tpu.memory_space<vmem>>, vector<16xf32>,
          %parallel_loop3A_218 = arith.index_cast %parallel_loop3A_184 : i32 to index
          %parallel_loop3A_219 = arith.constant 48 : index
          %parallel_loop3A_220 = tpu.vector_load %arg21[%parallel_loop3A_218, %parallel_loop3A_219] {strides = array<i32>} : memref<112x128xf32, #tpu.memory_space<vmem>>, vector<16xf32>,
          %parallel_loop3A_221 = vector.extract_strided_slice %parallel_loop3A_187 {offsets = [3], sizes = [1], strides = [1]} : vector<16xf32> to vector<1xf32>
          %parallel_loop3A_222 = vector.extract %parallel_loop3A_221[0] : f32 from vector<1xf32>
          %parallel_loop3A_223 = vector.broadcast %parallel_loop3A_222 : f32 to vector<16xf32>
          %parallel_loop3A_224 = arith.mulf %parallel_loop3A_220, %parallel_loop3A_223 : vector<16xf32>
          %parallel_loop3A_225 = arith.index_cast %parallel_loop3A_184 : i32 to index
          %parallel_loop3A_226 = arith.constant 48 : index
          %parallel_loop3A_227 = tpu.vector_load %arg21[%parallel_loop3A_225, %parallel_loop3A_226] {strides = array<i32>} : memref<112x128xf32, #tpu.memory_space<vmem>>, vector<16xf32>,
          tpu.vector_store %arg21[%parallel_loop3A_225, %parallel_loop3A_226], %parallel_loop3A_224 {strides = array<i32>} : memref<112x128xf32, #tpu.memory_space<vmem>>, vector<16xf32>,
          %parallel_loop3A_228 = arith.index_cast %parallel_loop3A_184 : i32 to index
          %parallel_loop3A_229 = arith.constant 64 : index
          %parallel_loop3A_230 = tpu.vector_load %arg21[%parallel_loop3A_228, %parallel_loop3A_229] {strides = array<i32>} : memref<112x128xf32, #tpu.memory_space<vmem>>, vector<16xf32>,
          %parallel_loop3A_231 = vector.extract_strided_slice %parallel_loop3A_187 {offsets = [4], sizes = [1], strides = [1]} : vector<16xf32> to vector<1xf32>
          %parallel_loop3A_232 = vector.extract %parallel_loop3A_231[0] : f32 from vector<1xf32>
          %parallel_loop3A_233 = vector.broadcast %parallel_loop3A_232 : f32 to vector<16xf32>
          %parallel_loop3A_234 = arith.mulf %parallel_loop3A_230, %parallel_loop3A_233 : vector<16xf32>
          %parallel_loop3A_235 = arith.index_cast %parallel_loop3A_184 : i32 to index
          %parallel_loop3A_236 = arith.constant 64 : index
          %parallel_loop3A_237 = tpu.vector_load %arg21[%parallel_loop3A_235, %parallel_loop3A_236] {strides = array<i32>} : memref<112x128xf32, #tpu.memory_space<vmem>>, vector<16xf32>,
          tpu.vector_store %arg21[%parallel_loop3A_235, %parallel_loop3A_236], %parallel_loop3A_234 {strides = array<i32>} : memref<112x128xf32, #tpu.memory_space<vmem>>, vector<16xf32>,
          %parallel_loop3A_238 = arith.index_cast %parallel_loop3A_184 : i32 to index
          %parallel_loop3A_239 = arith.constant 80 : index
          %parallel_loop3A_240 = tpu.vector_load %arg21[%parallel_loop3A_238, %parallel_loop3A_239] {strides = array<i32>} : memref<112x128xf32, #tpu.memory_space<vmem>>, vector<16xf32>,
          %parallel_loop3A_241 = vector.extract_strided_slice %parallel_loop3A_187 {offsets = [5], sizes = [1], strides = [1]} : vector<16xf32> to vector<1xf32>
          %parallel_loop3A_242 = vector.extract %parallel_loop3A_241[0] : f32 from vector<1xf32>
          %parallel_loop3A_243 = vector.broadcast %parallel_loop3A_242 : f32 to vector<16xf32>
          %parallel_loop3A_244 = arith.mulf %parallel_loop3A_240, %parallel_loop3A_243 : vector<16xf32>
          %parallel_loop3A_245 = arith.index_cast %parallel_loop3A_184 : i32 to index
          %parallel_loop3A_246 = arith.constant 80 : index
          %parallel_loop3A_247 = tpu.vector_load %arg21[%parallel_loop3A_245, %parallel_loop3A_246] {strides = array<i32>} : memref<112x128xf32, #tpu.memory_space<vmem>>, vector<16xf32>,
          tpu.vector_store %arg21[%parallel_loop3A_245, %parallel_loop3A_246], %parallel_loop3A_244 {strides = array<i32>} : memref<112x128xf32, #tpu.memory_space<vmem>>, vector<16xf32>,
          %parallel_loop3A_248 = arith.index_cast %parallel_loop3A_184 : i32 to index
          %parallel_loop3A_249 = arith.constant 96 : index
          %parallel_loop3A_250 = tpu.vector_load %arg21[%parallel_loop3A_248, %parallel_loop3A_249] {strides = array<i32>} : memref<112x128xf32, #tpu.memory_space<vmem>>, vector<16xf32>,
          %parallel_loop3A_251 = vector.extract_strided_slice %parallel_loop3A_187 {offsets = [6], sizes = [1], strides = [1]} : vector<16xf32> to vector<1xf32>
          %parallel_loop3A_252 = vector.extract %parallel_loop3A_251[0] : f32 from vector<1xf32>
          %parallel_loop3A_253 = vector.broadcast %parallel_loop3A_252 : f32 to vector<16xf32>
          %parallel_loop3A_254 = arith.mulf %parallel_loop3A_250, %parallel_loop3A_253 : vector<16xf32>
          %parallel_loop3A_255 = arith.index_cast %parallel_loop3A_184 : i32 to index
          %parallel_loop3A_256 = arith.constant 96 : index
          %parallel_loop3A_257 = tpu.vector_load %arg21[%parallel_loop3A_255, %parallel_loop3A_256] {strides = array<i32>} : memref<112x128xf32, #tpu.memory_space<vmem>>, vector<16xf32>,
          tpu.vector_store %arg21[%parallel_loop3A_255, %parallel_loop3A_256], %parallel_loop3A_254 {strides = array<i32>} : memref<112x128xf32, #tpu.memory_space<vmem>>, vector<16xf32>,
          %parallel_loop3A_258 = arith.index_cast %parallel_loop3A_184 : i32 to index
          %parallel_loop3A_259 = arith.constant 112 : index
          %parallel_loop3A_260 = tpu.vector_load %arg21[%parallel_loop3A_258, %parallel_loop3A_259] {strides = array<i32>} : memref<112x128xf32, #tpu.memory_space<vmem>>, vector<16xf32>,
          %parallel_loop3A_261 = vector.extract_strided_slice %parallel_loop3A_187 {offsets = [7], sizes = [1], strides = [1]} : vector<16xf32> to vector<1xf32>
          %parallel_loop3A_262 = vector.extract %parallel_loop3A_261[0] : f32 from vector<1xf32>
          %parallel_loop3A_263 = vector.broadcast %parallel_loop3A_262 : f32 to vector<16xf32>
          %parallel_loop3A_264 = arith.mulf %parallel_loop3A_260, %parallel_loop3A_263 : vector<16xf32>
          %parallel_loop3A_265 = arith.index_cast %parallel_loop3A_184 : i32 to index
          %parallel_loop3A_266 = arith.constant 112 : index
          %parallel_loop3A_267 = tpu.vector_load %arg21[%parallel_loop3A_265, %parallel_loop3A_266] {strides = array<i32>} : memref<112x128xf32, #tpu.memory_space<vmem>>, vector<16xf32>,
          tpu.vector_store %arg21[%parallel_loop3A_265, %parallel_loop3A_266], %parallel_loop3A_264 {strides = array<i32>} : memref<112x128xf32, #tpu.memory_space<vmem>>, vector<16xf32>,
        } {sc.loop_unroll_factor = 4 : i64, sc.parallel_access}
        %dma_start3A_178 = arith.constant 0 : i32
        %dma_start3A_179 = arith.constant 0 : i32
        %dma_start3A_180 = tpu.memref_slice %arg28[%dma_start3A_178, %dma_start3A_179] : memref<10240x128xf32, #tpu.memory_space<vmem_shared>> -> memref<10240x128xf32, #tpu.memory_space<vmem_shared>>
        tpu.enqueue_indirect_dma source(%arg21 : memref<112x128xf32, #tpu.memory_space<vmem>>) target(%dma_start3A_180 : memref<10240x128xf32, #tpu.memory_space<vmem_shared>>) offsets(%arg13 : memref<112xi32, #tpu.memory_space<vmem>>) semaphore(%arg35 : memref<!tpu.dma_semaphore, #tpu.memory_space<semaphore_mem>>) {add = true}
        %dma_start3A_181 = arith.constant 0 : i32
        %dma_start3A_182 = arith.constant 0 : i32
        %dma_start3A_183 = tpu.memref_slice %arg29[%dma_start3A_181, %dma_start3A_182] : memref<10240x16xf32, #tpu.memory_space<vmem_shared>> -> memref<10240x16xf32, #tpu.memory_space<vmem_shared>>
        tpu.enqueue_indirect_dma source(%arg23 : memref<112x16xf32, #tpu.memory_space<vmem>>) target(%dma_start3A_183 : memref<10240x16xf32, #tpu.memory_space<vmem_shared>>) offsets(%arg13 : memref<112xi32, #tpu.memory_space<vmem>>) semaphore(%arg35 : memref<!tpu.dma_semaphore, #tpu.memory_space<semaphore_mem>>) {add = true}
      } else {
      }
      %scan3A_154 = arith.constant 0 : i32
      scf.yield %scan3A_154 : i32
    }
    %scan3A_79 = arith.constant 45 : i32
    %add3A_80 = arith.constant 2816 : i32
    %add3A_81 = arith.addi %add3A_80, %add3A : i32
    %mul3A_82 = arith.constant 112 : i32
    %mul3A_83 = arith.muli %add3A_81, %mul3A_82 : i32
    %lt3A = arith.constant 320000 : i32
    %lt3A_84 = arith.cmpi slt, %mul3A_83, %lt3A : i32
    %convert_element_type3A_85 = arith.extui %lt3A_84 : i1 to i32
    %cond3A_86 = arith.constant 0 : i32
    %cond3A_87 = arith.cmpi ne, %convert_element_type3A_85, %cond3A_86 : i32
    scf.if %cond3A_87 {
      %dma_wait3A_98 = arith.constant 0 : i32
      %dma_wait3A_99 = arith.constant 0 : i32
      %dma_wait3A_100 = tpu.memref_slice %arg28[%dma_wait3A_98, %dma_wait3A_99] : memref<10240x128xf32, #tpu.memory_space<vmem_shared>> -> memref<10240x128xf32, #tpu.memory_space<vmem_shared>>
      tpu.wait_indirect_dma semaphore(%arg34 : memref<!tpu.dma_semaphore, #tpu.memory_space<semaphore_mem>>) src(%arg20 : memref<112x128xf32, #tpu.memory_space<vmem>>) dst(%dma_wait3A_100 : memref<10240x128xf32, #tpu.memory_space<vmem_shared>>)
      %dma_wait3A_101 = arith.constant 0 : i32
      %dma_wait3A_102 = arith.constant 0 : i32
      %dma_wait3A_103 = tpu.memref_slice %arg29[%dma_wait3A_101, %dma_wait3A_102] : memref<10240x16xf32, #tpu.memory_space<vmem_shared>> -> memref<10240x16xf32, #tpu.memory_space<vmem_shared>>
      tpu.wait_indirect_dma semaphore(%arg34 : memref<!tpu.dma_semaphore, #tpu.memory_space<semaphore_mem>>) src(%arg22 : memref<112x16xf32, #tpu.memory_space<vmem>>) dst(%dma_wait3A_103 : memref<10240x16xf32, #tpu.memory_space<vmem_shared>>)
    } else {
    }
    %add3A_88 = arith.constant 2848 : i32
    %add3A_89 = arith.addi %add3A_88, %add3A : i32
    %mul3A_90 = arith.constant 112 : i32
    %mul3A_91 = arith.muli %add3A_89, %mul3A_90 : i32
    %lt3A_92 = arith.constant 320000 : i32
    %lt3A_93 = arith.cmpi slt, %mul3A_91, %lt3A_92 : i32
    %convert_element_type3A_94 = arith.extui %lt3A_93 : i1 to i32
    %cond3A_95 = arith.constant 0 : i32
    %cond3A_96 = arith.cmpi ne, %convert_element_type3A_94, %cond3A_95 : i32
    scf.if %cond3A_96 {
      %dma_wait3A_98 = arith.constant 0 : i32
      %dma_wait3A_99 = arith.constant 0 : i32
      %dma_wait3A_100 = tpu.memref_slice %arg28[%dma_wait3A_98, %dma_wait3A_99] : memref<10240x128xf32, #tpu.memory_space<vmem_shared>> -> memref<10240x128xf32, #tpu.memory_space<vmem_shared>>
      tpu.wait_indirect_dma semaphore(%arg35 : memref<!tpu.dma_semaphore, #tpu.memory_space<semaphore_mem>>) src(%arg21 : memref<112x128xf32, #tpu.memory_space<vmem>>) dst(%dma_wait3A_100 : memref<10240x128xf32, #tpu.memory_space<vmem_shared>>)
      %dma_wait3A_101 = arith.constant 0 : i32
      %dma_wait3A_102 = arith.constant 0 : i32
      %dma_wait3A_103 = tpu.memref_slice %arg29[%dma_wait3A_101, %dma_wait3A_102] : memref<10240x16xf32, #tpu.memory_space<vmem_shared>> -> memref<10240x16xf32, #tpu.memory_space<vmem_shared>>
      tpu.wait_indirect_dma semaphore(%arg35 : memref<!tpu.dma_semaphore, #tpu.memory_space<semaphore_mem>>) src(%arg23 : memref<112x16xf32, #tpu.memory_space<vmem>>) dst(%dma_wait3A_103 : memref<10240x16xf32, #tpu.memory_space<vmem_shared>>)
    } else {
    }
    %barrier3A_97 = arith.constant 0 : index
    tpu.barrier barrier_id(%barrier3A_97)
    "tpu.region"() ({
      %run_scoped3A = tpu.sem_alloc : memref<!tpu.dma_semaphore, #tpu.memory_space<semaphore_mem>>
      %dma_start3A_98 = arith.constant 0 : i32
      %dma_start3A_99 = tpu.memref_slice %arg8[%arg0, %mul3A_3, %dma_start3A_98] : memref<2x10240x128xf32, #tpu.memory_space<hbm>> -> memref<1x640x128xf32, #tpu.memory_space<hbm>>
      %dma_start3A_100 = tpu.memref_squeeze %dma_start3A_99 : memref<1x640x128xf32, #tpu.memory_space<hbm>> -> memref<640x128xf32, #tpu.memory_space<hbm>>
      %dma_start3A_101 = arith.constant 0 : i32
      %dma_start3A_102 = tpu.memref_slice %arg28[%mul3A_3, %dma_start3A_101] : memref<10240x128xf32, #tpu.memory_space<vmem_shared>> -> memref<640x128xf32, #tpu.memory_space<vmem_shared>>
      tpu.enqueue_dma source(%dma_start3A_102 : memref<640x128xf32, #tpu.memory_space<vmem_shared>>) target(%dma_start3A_100 : memref<640x128xf32, #tpu.memory_space<hbm>>) target_semaphore(%run_scoped3A : memref<!tpu.dma_semaphore, #tpu.memory_space<semaphore_mem>>)
      %dma_wait3A_103 = arith.constant 0 : i32
      %dma_wait3A_104 = tpu.memref_slice %arg8[%arg0, %mul3A_3, %dma_wait3A_103] : memref<2x10240x128xf32, #tpu.memory_space<hbm>> -> memref<1x640x128xf32, #tpu.memory_space<hbm>>
      %dma_wait3A_105 = tpu.memref_squeeze %dma_wait3A_104 : memref<1x640x128xf32, #tpu.memory_space<hbm>> -> memref<640x128xf32, #tpu.memory_space<hbm>>
      %dma_wait3A_106 = arith.constant 0 : i32
      %dma_wait3A_107 = tpu.memref_slice %arg28[%mul3A_3, %dma_wait3A_106] : memref<10240x128xf32, #tpu.memory_space<vmem_shared>> -> memref<640x128xf32, #tpu.memory_space<vmem_shared>>
      tpu.wait_dma2 semaphore(%run_scoped3A : memref<!tpu.dma_semaphore, #tpu.memory_space<semaphore_mem>>) src(%dma_wait3A_107 : memref<640x128xf32, #tpu.memory_space<vmem_shared>>) dst(%dma_wait3A_105 : memref<640x128xf32, #tpu.memory_space<hbm>>)
      tpu.yield
    }) : () -> ()
    "tpu.region"() ({
      %run_scoped3A = tpu.sem_alloc : memref<!tpu.dma_semaphore, #tpu.memory_space<semaphore_mem>>
      %dma_start3A_98 = arith.constant 0 : i32
      %dma_start3A_99 = tpu.memref_slice %arg9[%arg0, %mul3A_3, %dma_start3A_98] : memref<2x10240x16xf32, #tpu.memory_space<hbm>> -> memref<1x640x16xf32, #tpu.memory_space<hbm>>
      %dma_start3A_100 = tpu.memref_squeeze %dma_start3A_99 : memref<1x640x16xf32, #tpu.memory_space<hbm>> -> memref<640x16xf32, #tpu.memory_space<hbm>>
      %dma_start3A_101 = arith.constant 0 : i32
      %dma_start3A_102 = tpu.memref_slice %arg29[%mul3A_3, %dma_start3A_101] : memref<10240x16xf32, #tpu.memory_space<vmem_shared>> -> memref<640x16xf32, #tpu.memory_space<vmem_shared>>
      tpu.enqueue_dma source(%dma_start3A_102 : memref<640x16xf32, #tpu.memory_space<vmem_shared>>) target(%dma_start3A_100 : memref<640x16xf32, #tpu.memory_space<hbm>>) target_semaphore(%run_scoped3A : memref<!tpu.dma_semaphore, #tpu.memory_space<semaphore_mem>>)
      %dma_wait3A_103 = arith.constant 0 : i32
      %dma_wait3A_104 = tpu.memref_slice %arg9[%arg0, %mul3A_3, %dma_wait3A_103] : memref<2x10240x16xf32, #tpu.memory_space<hbm>> -> memref<1x640x16xf32, #tpu.memory_space<hbm>>
      %dma_wait3A_105 = tpu.memref_squeeze %dma_wait3A_104 : memref<1x640x16xf32, #tpu.memory_space<hbm>> -> memref<640x16xf32, #tpu.memory_space<hbm>>
      %dma_wait3A_106 = arith.constant 0 : i32
      %dma_wait3A_107 = tpu.memref_slice %arg29[%mul3A_3, %dma_wait3A_106] : memref<10240x16xf32, #tpu.memory_space<vmem_shared>> -> memref<640x16xf32, #tpu.memory_space<vmem_shared>>
      tpu.wait_dma2 semaphore(%run_scoped3A : memref<!tpu.dma_semaphore, #tpu.memory_space<semaphore_mem>>) src(%dma_wait3A_107 : memref<640x16xf32, #tpu.memory_space<vmem_shared>>) dst(%dma_wait3A_105 : memref<640x16xf32, #tpu.memory_space<hbm>>)
      tpu.yield
    }) : () -> ()
    return
  }
}

module attributes {stable_mosaic.version = 14 : i64} {
  func.func @_proj_body(%arg0: i32, %arg1: memref<1000x128xf32, #tpu.memory_space<vmem>>, %arg2: memref<128x128xf32, #tpu.memory_space<vmem>>, %arg3: memref<1x128xf32, #tpu.memory_space<vmem>>, %arg4: memref<1x128xf32, #tpu.memory_space<vmem>>, %arg5: memref<1x128xf32, #tpu.memory_space<vmem>>, %arg6: memref<1x128xf32, #tpu.memory_space<vmem>>, %arg7: memref<1000x128xf32, #tpu.memory_space<vmem>>, %arg8: memref<1000x8xf32, #tpu.memory_space<vmem>>, %arg9: memref<1000x8xf32, #tpu.memory_space<vmem>>, %arg10: memref<1x8xf32, #tpu.memory_space<vmem>>) attributes {dimension_semantics = [#tpu.dimension_semantics<arbitrary>], iteration_bounds = array<i64: 10>, scalar_prefetch = 0 : i64, scratch_operands = 0 : i64, tpu.core_type = #tpu.core_type<tc>, window_params = [{transform_indices = @transform_0, window_bounds = array<i64: 1000, 128>}, {pipeline_mode = #tpu.pipeline_mode<synchronous>, transform_indices = @transform_1, window_bounds = array<i64: 128, 128>}, {pipeline_mode = #tpu.pipeline_mode<synchronous>, transform_indices = @transform_2, window_bounds = array<i64: 1, 128>}, {pipeline_mode = #tpu.pipeline_mode<synchronous>, transform_indices = @transform_3, window_bounds = array<i64: 1, 128>}, {pipeline_mode = #tpu.pipeline_mode<synchronous>, transform_indices = @transform_4, window_bounds = array<i64: 1, 128>}, {pipeline_mode = #tpu.pipeline_mode<synchronous>, transform_indices = @transform_5, window_bounds = array<i64: 1, 128>}, {transform_indices = @transform_6, window_bounds = array<i64: 1000, 128>}, {transform_indices = @transform_7, window_bounds = array<i64: 1000, 8>}, {transform_indices = @transform_8, window_bounds = array<i64: 1000, 8>}, {pipeline_mode = #tpu.pipeline_mode<synchronous>, transform_indices = @transform_9, window_bounds = array<i64: 1, 8>}]} {
    %get3A = arith.constant 0 : index
    %get3A_0 = arith.constant 0 : index
    %get3A_1 = vector.load %arg1[%get3A, %get3A_0] : memref<1000x128xf32, #tpu.memory_space<vmem>>, vector<1000x128xf32>
    %get3A_2 = arith.constant 0 : index
    %get3A_3 = arith.constant 0 : index
    %get3A_4 = vector.load %arg2[%get3A_2, %get3A_3] : memref<128x128xf32, #tpu.memory_space<vmem>>, vector<128x128xf32>
    %dot_general3A = arith.constant dense<0.000000e+00> : vector<1000x128xf32>
    %dot_general3A_5 = tpu.matmul %get3A_1, %get3A_4, %dot_general3A {dimension_numbers = #tpu.dot_dimension_numbers<[1], [0], [0], [1], [0, 0, 1, 1], [], []>, transpose_lhs_hint = false} : vector<1000x128xf32>, vector<128x128xf32>, vector<1000x128xf32> -> vector<1000x128xf32>
    %swap3A = arith.constant 0 : index
    %swap3A_6 = arith.constant 0 : index
    %swap3A_7 = vector.load %arg7[%swap3A, %swap3A_6] : memref<1000x128xf32, #tpu.memory_space<vmem>>, vector<1000x128xf32>
    tpu.vector_store %arg7[%swap3A, %swap3A_6], %dot_general3A_5 {strides = array<i32>} : memref<1000x128xf32, #tpu.memory_space<vmem>>, vector<1000x128xf32>,
    %iota3A = tpu.iota {dimensions = array<i32: 0>} : vector<128x8xi32>
    %jit3A = arith.constant 16 : i32
    %div3A = vector.broadcast %jit3A : i32 to vector<128x8xi32>
    %div3A_8 = arith.divsi %iota3A, %div3A : vector<128x8xi32>
    %sign3A = arith.constant 0 : i32
    %sign3A_9 = vector.broadcast %sign3A : i32 to vector<128x8xi32>
    %sign3A_10 = arith.cmpi sgt, %iota3A, %sign3A_9 : vector<128x8xi32>
    %sign3A_11 = arith.extui %sign3A_10 : vector<128x8xi1> to vector<128x8xi32>
    %sign3A_12 = arith.constant 0 : i32
    %sign3A_13 = vector.broadcast %sign3A_12 : i32 to vector<128x8xi32>
    %sign3A_14 = arith.cmpi slt, %iota3A, %sign3A_13 : vector<128x8xi32>
    %sign3A_15 = arith.extui %sign3A_14 : vector<128x8xi1> to vector<128x8xi32>
    %sign3A_16 = arith.subi %sign3A_11, %sign3A_15 : vector<128x8xi32>
    %sign3A_17 = arith.constant 0 : i32
    %sign3A_18 = arith.cmpi sgt, %jit3A, %sign3A_17 : i32
    %sign3A_19 = arith.extui %sign3A_18 : i1 to i32
    %sign3A_20 = arith.constant 0 : i32
    %sign3A_21 = arith.cmpi slt, %jit3A, %sign3A_20 : i32
    %sign3A_22 = arith.extui %sign3A_21 : i1 to i32
    %sign3A_23 = arith.subi %sign3A_19, %sign3A_22 : i32
    %ne3A = vector.broadcast %sign3A_23 : i32 to vector<128x8xi32>
    %ne3A_24 = arith.cmpi ne, %sign3A_16, %ne3A : vector<128x8xi32>
    %rem3A = vector.broadcast %jit3A : i32 to vector<128x8xi32>
    %rem3A_25 = arith.remsi %iota3A, %rem3A : vector<128x8xi32>
    %ne3A_26 = arith.constant 0 : i32
    %ne3A_27 = vector.broadcast %ne3A_26 : i32 to vector<128x8xi32>
    %ne3A_28 = arith.cmpi ne, %rem3A_25, %ne3A_27 : vector<128x8xi32>
    %and3A = arith.andi %ne3A_24, %ne3A_28 : vector<128x8xi1>
    %sub3A = arith.constant 1 : i32
    %sub3A_29 = vector.broadcast %sub3A : i32 to vector<128x8xi32>
    %sub3A_30 = arith.subi %div3A_8, %sub3A_29 : vector<128x8xi32>
    %select_n3A = arith.select %and3A, %sub3A_30, %div3A_8 : vector<128x8xi1>, vector<128x8xi32>
    %iota3A_31 = tpu.iota {dimensions = array<i32: 1>} : vector<128x8xi32>
    %eq3A = arith.cmpi eq, %select_n3A, %iota3A_31 : vector<128x8xi32>
    %convert_element_type3A = arith.extui %eq3A : vector<128x8xi1> to vector<128x8xi32>
    %convert_element_type3A_32 = arith.sitofp %convert_element_type3A : vector<128x8xi32> to vector<128x8xf32>
    %get3A_33 = arith.constant 0 : index
    %get3A_34 = arith.constant 0 : index
    %get3A_35 = vector.load %arg3[%get3A_33, %get3A_34] : memref<1x128xf32, #tpu.memory_space<vmem>>, vector<1x128xf32>
    %mul3A = vector.broadcast %get3A_35 : vector<1x128xf32> to vector<1000x128xf32>
    %mul3A_36 = arith.mulf %dot_general3A_5, %mul3A : vector<1000x128xf32>
    %dot_general3A_37 = arith.constant dense<0.000000e+00> : vector<1000x8xf32>
    %dot_general3A_38 = tpu.matmul %mul3A_36, %convert_element_type3A_32, %dot_general3A_37 {dimension_numbers = #tpu.dot_dimension_numbers<[1], [0], [0], [1], [0, 0, 1, 1], [], []>, transpose_lhs_hint = false} : vector<1000x128xf32>, vector<128x8xf32>, vector<1000x8xf32> -> vector<1000x8xf32>
    %swap3A_39 = arith.constant 0 : index
    %swap3A_40 = arith.constant 0 : index
    %swap3A_41 = vector.load %arg8[%swap3A_39, %swap3A_40] : memref<1000x8xf32, #tpu.memory_space<vmem>>, vector<1000x8xf32>
    tpu.vector_store %arg8[%swap3A_39, %swap3A_40], %dot_general3A_38 {strides = array<i32>} : memref<1000x8xf32, #tpu.memory_space<vmem>>, vector<1000x8xf32>,
    %get3A_42 = arith.constant 0 : index
    %get3A_43 = arith.constant 0 : index
    %get3A_44 = vector.load %arg4[%get3A_42, %get3A_43] : memref<1x128xf32, #tpu.memory_space<vmem>>, vector<1x128xf32>
    %mul3A_45 = vector.broadcast %get3A_44 : vector<1x128xf32> to vector<1000x128xf32>
    %mul3A_46 = arith.mulf %dot_general3A_5, %mul3A_45 : vector<1000x128xf32>
    %dot_general3A_47 = arith.constant dense<0.000000e+00> : vector<1000x8xf32>
    %dot_general3A_48 = tpu.matmul %mul3A_46, %convert_element_type3A_32, %dot_general3A_47 {dimension_numbers = #tpu.dot_dimension_numbers<[1], [0], [0], [1], [0, 0, 1, 1], [], []>, transpose_lhs_hint = false} : vector<1000x128xf32>, vector<128x8xf32>, vector<1000x8xf32> -> vector<1000x8xf32>
    %swap3A_49 = arith.constant 0 : index
    %swap3A_50 = arith.constant 0 : index
    %swap3A_51 = vector.load %arg9[%swap3A_49, %swap3A_50] : memref<1000x8xf32, #tpu.memory_space<vmem>>, vector<1000x8xf32>
    tpu.vector_store %arg9[%swap3A_49, %swap3A_50], %dot_general3A_48 {strides = array<i32>} : memref<1000x8xf32, #tpu.memory_space<vmem>>, vector<1000x8xf32>,
    %get3A_52 = arith.constant 0 : index
    %get3A_53 = arith.constant 0 : index
    %get3A_54 = vector.load %arg5[%get3A_52, %get3A_53] : memref<1x128xf32, #tpu.memory_space<vmem>>, vector<1x128xf32>
    %get3A_55 = arith.constant 0 : index
    %get3A_56 = arith.constant 0 : index
    %get3A_57 = vector.load %arg6[%get3A_55, %get3A_56] : memref<1x128xf32, #tpu.memory_space<vmem>>, vector<1x128xf32>
    %mul3A_58 = arith.mulf %get3A_54, %get3A_57 : vector<1x128xf32>
    %dot_general3A_59 = arith.constant dense<0.000000e+00> : vector<1x8xf32>
    %dot_general3A_60 = tpu.matmul %mul3A_58, %convert_element_type3A_32, %dot_general3A_59 {dimension_numbers = #tpu.dot_dimension_numbers<[1], [0], [0], [1], [0, 0, 1, 1], [], []>, transpose_lhs_hint = false} : vector<1x128xf32>, vector<128x8xf32>, vector<1x8xf32> -> vector<1x8xf32>
    %swap3A_61 = arith.constant 0 : index
    %swap3A_62 = arith.constant 0 : index
    %swap3A_63 = vector.load %arg10[%swap3A_61, %swap3A_62] : memref<1x8xf32, #tpu.memory_space<vmem>>, vector<1x8xf32>
    tpu.vector_store %arg10[%swap3A_61, %swap3A_62], %dot_general3A_60 {strides = array<i32>} : memref<1x8xf32, #tpu.memory_space<vmem>>, vector<1x8xf32>,
    return
  }
  func.func @transform_0(%arg0: i32) -> (i32, i32) {
    %c0_i32 = arith.constant 0 : i32
    %c0_i32_0 = arith.constant 0 : i32
    return %arg0, %c0_i32 : i32, i32
  }
  func.func @transform_1(%arg0: i32) -> (i32, i32) {
    %c0_i32 = arith.constant 0 : i32
    %c0_i32_0 = arith.constant 0 : i32
    %c0_i32_1 = arith.constant 0 : i32
    return %c0_i32, %c0_i32_0 : i32, i32
  }
  func.func @transform_2(%arg0: i32) -> (i32, i32) {
    %c0_i32 = arith.constant 0 : i32
    %c0_i32_0 = arith.constant 0 : i32
    %c0_i32_1 = arith.constant 0 : i32
    return %c0_i32, %c0_i32_0 : i32, i32
  }
  func.func @transform_3(%arg0: i32) -> (i32, i32) {
    %c0_i32 = arith.constant 0 : i32
    %c0_i32_0 = arith.constant 0 : i32
    %c0_i32_1 = arith.constant 0 : i32
    return %c0_i32, %c0_i32_0 : i32, i32
  }
  func.func @transform_4(%arg0: i32) -> (i32, i32) {
    %c0_i32 = arith.constant 0 : i32
    %c0_i32_0 = arith.constant 0 : i32
    %c0_i32_1 = arith.constant 0 : i32
    return %c0_i32, %c0_i32_0 : i32, i32
  }
  func.func @transform_5(%arg0: i32) -> (i32, i32) {
    %c0_i32 = arith.constant 0 : i32
    %c0_i32_0 = arith.constant 0 : i32
    %c0_i32_1 = arith.constant 0 : i32
    return %c0_i32, %c0_i32_0 : i32, i32
  }
  func.func @transform_6(%arg0: i32) -> (i32, i32) {
    %c0_i32 = arith.constant 0 : i32
    %c0_i32_0 = arith.constant 0 : i32
    return %arg0, %c0_i32 : i32, i32
  }
  func.func @transform_7(%arg0: i32) -> (i32, i32) {
    %c0_i32 = arith.constant 0 : i32
    %c0_i32_0 = arith.constant 0 : i32
    return %arg0, %c0_i32 : i32, i32
  }
  func.func @transform_8(%arg0: i32) -> (i32, i32) {
    %c0_i32 = arith.constant 0 : i32
    %c0_i32_0 = arith.constant 0 : i32
    return %arg0, %c0_i32 : i32, i32
  }
  func.func @transform_9(%arg0: i32) -> (i32, i32) {
    %c0_i32 = arith.constant 0 : i32
    %c0_i32_0 = arith.constant 0 : i32
    %c0_i32_1 = arith.constant 0 : i32
    return %c0_i32, %c0_i32_0 : i32, i32
  }
}

module attributes {stable_mosaic.version = 14 : i64} {
  func.func @_final_body(%arg0: i32, %arg1: memref<2x1000x128xf32, #tpu.memory_space<vmem>>, %arg2: memref<2x1000x16xf32, #tpu.memory_space<vmem>>, %arg3: memref<1000x128xf32, #tpu.memory_space<vmem>>, %arg4: memref<1000x8xf32, #tpu.memory_space<vmem>>, %arg5: memref<1000x8xf32, #tpu.memory_space<vmem>>, %arg6: memref<1x8xf32, #tpu.memory_space<vmem>>, %arg7: memref<1x128xf32, #tpu.memory_space<vmem>>, %arg8: memref<1x128xf32, #tpu.memory_space<vmem>>, %arg9: memref<1x128xf32, #tpu.memory_space<vmem>>, %arg10: memref<1000x128xf32, #tpu.memory_space<vmem>>) attributes {dimension_semantics = [#tpu.dimension_semantics<arbitrary>], iteration_bounds = array<i64: 10>, scalar_prefetch = 0 : i64, scratch_operands = 0 : i64, tpu.core_type = #tpu.core_type<tc>, window_params = [{transform_indices = @transform_0, window_bounds = array<i64: 2, 1000, 128>}, {transform_indices = @transform_1, window_bounds = array<i64: 2, 1000, 16>}, {transform_indices = @transform_2, window_bounds = array<i64: 1000, 128>}, {transform_indices = @transform_3, window_bounds = array<i64: 1000, 8>}, {transform_indices = @transform_4, window_bounds = array<i64: 1000, 8>}, {pipeline_mode = #tpu.pipeline_mode<synchronous>, transform_indices = @transform_5, window_bounds = array<i64: 1, 8>}, {pipeline_mode = #tpu.pipeline_mode<synchronous>, transform_indices = @transform_6, window_bounds = array<i64: 1, 128>}, {pipeline_mode = #tpu.pipeline_mode<synchronous>, transform_indices = @transform_7, window_bounds = array<i64: 1, 128>}, {pipeline_mode = #tpu.pipeline_mode<synchronous>, transform_indices = @transform_8, window_bounds = array<i64: 1, 128>}, {transform_indices = @transform_9, window_bounds = array<i64: 1000, 128>}]} {
    %get3A = arith.constant 0 : index
    %get3A_0 = arith.constant 0 : index
    %get3A_1 = arith.constant 0 : index
    %get3A_2 = vector.load %arg2[%get3A, %get3A_0, %get3A_1] : memref<2x1000x16xf32, #tpu.memory_space<vmem>>, vector<1x1000x16xf32>
    %get3A_3 = vector.shape_cast %get3A_2 : vector<1x1000x16xf32> to vector<1000x16xf32>
    %get3A_4 = arith.constant 1 : index
    %get3A_5 = arith.constant 0 : index
    %get3A_6 = arith.constant 0 : index
    %get3A_7 = vector.load %arg2[%get3A_4, %get3A_5, %get3A_6] : memref<2x1000x16xf32, #tpu.memory_space<vmem>>, vector<1x1000x16xf32>
    %get3A_8 = vector.shape_cast %get3A_7 : vector<1x1000x16xf32> to vector<1000x16xf32>
    %add3A = arith.addf %get3A_3, %get3A_8 : vector<1000x16xf32>
    %get3A_9 = arith.constant 0 : index
    %get3A_10 = arith.constant 0 : index
    %get3A_11 = arith.constant 0 : index
    %get3A_12 = vector.load %arg1[%get3A_9, %get3A_10, %get3A_11] : memref<2x1000x128xf32, #tpu.memory_space<vmem>>, vector<1x1000x128xf32>
    %get3A_13 = vector.shape_cast %get3A_12 : vector<1x1000x128xf32> to vector<1000x128xf32>
    %get3A_14 = arith.constant 1 : index
    %get3A_15 = arith.constant 0 : index
    %get3A_16 = arith.constant 0 : index
    %get3A_17 = vector.load %arg1[%get3A_14, %get3A_15, %get3A_16] : memref<2x1000x128xf32, #tpu.memory_space<vmem>>, vector<1x1000x128xf32>
    %get3A_18 = vector.shape_cast %get3A_17 : vector<1x1000x128xf32> to vector<1000x128xf32>
    %add3A_19 = arith.addf %get3A_13, %get3A_18 : vector<1000x128xf32>
    %slice3A = vector.extract_strided_slice %add3A {offsets = [0, 0], sizes = [1000, 8], strides = [1, 1]} : vector<1000x16xf32> to vector<1000x8xf32>
    %slice3A_20 = vector.extract_strided_slice %add3A {offsets = [0, 8], sizes = [1000, 1], strides = [1, 1]} : vector<1000x16xf32> to vector<1000x1xf32>
    %slice3A_21 = vector.extract_strided_slice %add3A {offsets = [0, 9], sizes = [1000, 1], strides = [1, 1]} : vector<1000x16xf32> to vector<1000x1xf32>
    %max3A = arith.constant 1.000000e+00 : f32
    %max3A_22 = vector.broadcast %max3A : f32 to vector<1000x1xf32>
    %max3A_23 = arith.maximumf %slice3A_20, %max3A_22 : vector<1000x1xf32>
    %div3A = arith.divf %slice3A_21, %max3A_23 : vector<1000x1xf32>
    %get3A_24 = arith.constant 0 : index
    %get3A_25 = arith.constant 0 : index
    %get3A_26 = vector.load %arg4[%get3A_24, %get3A_25] : memref<1000x8xf32, #tpu.memory_space<vmem>>, vector<1000x8xf32>
    %get3A_27 = arith.constant 0 : index
    %get3A_28 = arith.constant 0 : index
    %get3A_29 = vector.load %arg5[%get3A_27, %get3A_28] : memref<1000x8xf32, #tpu.memory_space<vmem>>, vector<1000x8xf32>
    %add3A_30 = arith.addf %get3A_26, %get3A_29 : vector<1000x8xf32>
    %get3A_31 = arith.constant 0 : index
    %get3A_32 = arith.constant 0 : index
    %get3A_33 = vector.load %arg6[%get3A_31, %get3A_32] : memref<1x8xf32, #tpu.memory_space<vmem>>, vector<1x8xf32>
    %mul3A = vector.broadcast %div3A : vector<1000x1xf32> to vector<1000x8xf32>
    %mul3A_34 = vector.broadcast %get3A_33 : vector<1x8xf32> to vector<1000x8xf32>
    %mul3A_35 = arith.mulf %mul3A, %mul3A_34 : vector<1000x8xf32>
    %add3A_36 = arith.addf %add3A_30, %mul3A_35 : vector<1000x8xf32>
    %ge3A = arith.constant 0.000000e+00 : f32
    %ge3A_37 = vector.broadcast %ge3A : f32 to vector<1000x8xf32>
    %ge3A_38 = arith.cmpf oge, %add3A_36, %ge3A_37 : vector<1000x8xf32>
    %mul3A_39 = arith.constant 2.000000e-01 : f32
    %mul3A_40 = vector.broadcast %mul3A_39 : f32 to vector<1000x8xf32>
    %mul3A_41 = arith.mulf %add3A_36, %mul3A_40 : vector<1000x8xf32>
    %select_n3A = arith.select %ge3A_38, %add3A_36, %mul3A_41 : vector<1000x8xi1>, vector<1000x8xf32>
    %exp3A = math.exp %select_n3A : vector<1000x8xf32>
    %add3A_42 = arith.addf %slice3A, %exp3A : vector<1000x8xf32>
    %iota3A = tpu.iota {dimensions = array<i32: 0>} : vector<8x128xi32>
    %iota3A_43 = tpu.iota {dimensions = array<i32: 1>} : vector<8x128xi32>
    %jit3A = arith.constant 16 : i32
    %div3A_44 = vector.broadcast %jit3A : i32 to vector<8x128xi32>
    %div3A_45 = arith.divsi %iota3A_43, %div3A_44 : vector<8x128xi32>
    %sign3A = arith.constant 0 : i32
    %sign3A_46 = vector.broadcast %sign3A : i32 to vector<8x128xi32>
    %sign3A_47 = arith.cmpi sgt, %iota3A_43, %sign3A_46 : vector<8x128xi32>
    %sign3A_48 = arith.extui %sign3A_47 : vector<8x128xi1> to vector<8x128xi32>
    %sign3A_49 = arith.constant 0 : i32
    %sign3A_50 = vector.broadcast %sign3A_49 : i32 to vector<8x128xi32>
    %sign3A_51 = arith.cmpi slt, %iota3A_43, %sign3A_50 : vector<8x128xi32>
    %sign3A_52 = arith.extui %sign3A_51 : vector<8x128xi1> to vector<8x128xi32>
    %sign3A_53 = arith.subi %sign3A_48, %sign3A_52 : vector<8x128xi32>
    %sign3A_54 = arith.constant 0 : i32
    %sign3A_55 = arith.cmpi sgt, %jit3A, %sign3A_54 : i32
    %sign3A_56 = arith.extui %sign3A_55 : i1 to i32
    %sign3A_57 = arith.constant 0 : i32
    %sign3A_58 = arith.cmpi slt, %jit3A, %sign3A_57 : i32
    %sign3A_59 = arith.extui %sign3A_58 : i1 to i32
    %sign3A_60 = arith.subi %sign3A_56, %sign3A_59 : i32
    %ne3A = vector.broadcast %sign3A_60 : i32 to vector<8x128xi32>
    %ne3A_61 = arith.cmpi ne, %sign3A_53, %ne3A : vector<8x128xi32>
    %rem3A = vector.broadcast %jit3A : i32 to vector<8x128xi32>
    %rem3A_62 = arith.remsi %iota3A_43, %rem3A : vector<8x128xi32>
    %ne3A_63 = arith.constant 0 : i32
    %ne3A_64 = vector.broadcast %ne3A_63 : i32 to vector<8x128xi32>
    %ne3A_65 = arith.cmpi ne, %rem3A_62, %ne3A_64 : vector<8x128xi32>
    %and3A = arith.andi %ne3A_61, %ne3A_65 : vector<8x128xi1>
    %sub3A = arith.constant 1 : i32
    %sub3A_66 = vector.broadcast %sub3A : i32 to vector<8x128xi32>
    %sub3A_67 = arith.subi %div3A_45, %sub3A_66 : vector<8x128xi32>
    %select_n3A_68 = arith.select %and3A, %sub3A_67, %div3A_45 : vector<8x128xi1>, vector<8x128xi32>
    %eq3A = arith.cmpi eq, %iota3A, %select_n3A_68 : vector<8x128xi32>
    %convert_element_type3A = arith.extui %eq3A : vector<8x128xi1> to vector<8x128xi32>
    %convert_element_type3A_69 = arith.sitofp %convert_element_type3A : vector<8x128xi32> to vector<8x128xf32>
    %dot_general3A = arith.constant dense<0.000000e+00> : vector<1000x128xf32>
    %dot_general3A_70 = tpu.matmul %exp3A, %convert_element_type3A_69, %dot_general3A {dimension_numbers = #tpu.dot_dimension_numbers<[1], [0], [0], [1], [0, 0, 1, 1], [], []>, transpose_lhs_hint = false} : vector<1000x8xf32>, vector<8x128xf32>, vector<1000x128xf32> -> vector<1000x128xf32>
    %get3A_71 = arith.constant 0 : index
    %get3A_72 = arith.constant 0 : index
    %get3A_73 = vector.load %arg3[%get3A_71, %get3A_72] : memref<1000x128xf32, #tpu.memory_space<vmem>>, vector<1000x128xf32>
    %mul3A_74 = arith.mulf %dot_general3A_70, %get3A_73 : vector<1000x128xf32>
    %add3A_75 = arith.addf %add3A_19, %mul3A_74 : vector<1000x128xf32>
    %dot_general3A_76 = arith.constant dense<0.000000e+00> : vector<1000x128xf32>
    %dot_general3A_77 = tpu.matmul %add3A_42, %convert_element_type3A_69, %dot_general3A_76 {dimension_numbers = #tpu.dot_dimension_numbers<[1], [0], [0], [1], [0, 0, 1, 1], [], []>, transpose_lhs_hint = false} : vector<1000x8xf32>, vector<8x128xf32>, vector<1000x128xf32> -> vector<1000x128xf32>
    %add3A_78 = arith.constant 1.000000e-16 : f32
    %add3A_79 = vector.broadcast %add3A_78 : f32 to vector<1000x128xf32>
    %add3A_80 = arith.addf %dot_general3A_77, %add3A_79 : vector<1000x128xf32>
    %div3A_81 = arith.divf %add3A_75, %add3A_80 : vector<1000x128xf32>
    %get3A_82 = arith.constant 0 : index
    %get3A_83 = arith.constant 0 : index
    %get3A_84 = vector.load %arg7[%get3A_82, %get3A_83] : memref<1x128xf32, #tpu.memory_space<vmem>>, vector<1x128xf32>
    %add3A_85 = vector.broadcast %get3A_84 : vector<1x128xf32> to vector<1000x128xf32>
    %add3A_86 = arith.addf %div3A_81, %add3A_85 : vector<1000x128xf32>
    %get3A_87 = arith.constant 0 : index
    %get3A_88 = arith.constant 0 : index
    %get3A_89 = vector.load %arg8[%get3A_87, %get3A_88] : memref<1x128xf32, #tpu.memory_space<vmem>>, vector<1x128xf32>
    %sqrt3A = arith.constant 1.000010e+00 : f32
    %sqrt3A_90 = math.sqrt %sqrt3A : f32
    %div3A_91 = arith.constant 1.000000e+00 : f32
    %div3A_92 = arith.divf %div3A_91, %sqrt3A_90 : f32
    %mul3A_93 = vector.broadcast %div3A_92 : f32 to vector<1x128xf32>
    %mul3A_94 = arith.mulf %get3A_89, %mul3A_93 : vector<1x128xf32>
    %mul3A_95 = vector.broadcast %mul3A_94 : vector<1x128xf32> to vector<1000x128xf32>
    %mul3A_96 = arith.mulf %add3A_86, %mul3A_95 : vector<1000x128xf32>
    %get3A_97 = arith.constant 0 : index
    %get3A_98 = arith.constant 0 : index
    %get3A_99 = vector.load %arg9[%get3A_97, %get3A_98] : memref<1x128xf32, #tpu.memory_space<vmem>>, vector<1x128xf32>
    %add3A_100 = vector.broadcast %get3A_99 : vector<1x128xf32> to vector<1000x128xf32>
    %add3A_101 = arith.addf %mul3A_96, %add3A_100 : vector<1000x128xf32>
    %gt3A = arith.constant 0.000000e+00 : f32
    %gt3A_102 = vector.broadcast %gt3A : f32 to vector<1000x128xf32>
    %gt3A_103 = arith.cmpf ogt, %add3A_101, %gt3A_102 : vector<1000x128xf32>
    %exp3A_104 = math.exp %add3A_101 : vector<1000x128xf32>
    %sub3A_105 = arith.constant 1.000000e+00 : f32
    %sub3A_106 = vector.broadcast %sub3A_105 : f32 to vector<1000x128xf32>
    %sub3A_107 = arith.subf %exp3A_104, %sub3A_106 : vector<1000x128xf32>
    %select_n3A_108 = arith.select %gt3A_103, %add3A_101, %sub3A_107 : vector<1000x128xi1>, vector<1000x128xf32>
    %swap3A = arith.constant 0 : index
    %swap3A_109 = arith.constant 0 : index
    %swap3A_110 = vector.load %arg10[%swap3A, %swap3A_109] : memref<1000x128xf32, #tpu.memory_space<vmem>>, vector<1000x128xf32>
    tpu.vector_store %arg10[%swap3A, %swap3A_109], %select_n3A_108 {strides = array<i32>} : memref<1000x128xf32, #tpu.memory_space<vmem>>, vector<1000x128xf32>,
    return
  }
  func.func @transform_0(%arg0: i32) -> (i32, i32, i32) {
    %c0_i32 = arith.constant 0 : i32
    %c0_i32_0 = arith.constant 0 : i32
    %c0_i32_1 = arith.constant 0 : i32
    return %c0_i32, %arg0, %c0_i32_0 : i32, i32, i32
  }
  func.func @transform_1(%arg0: i32) -> (i32, i32, i32) {
    %c0_i32 = arith.constant 0 : i32
    %c0_i32_0 = arith.constant 0 : i32
    %c0_i32_1 = arith.constant 0 : i32
    return %c0_i32, %arg0, %c0_i32_0 : i32, i32, i32
  }
  func.func @transform_2(%arg0: i32) -> (i32, i32) {
    %c0_i32 = arith.constant 0 : i32
    %c0_i32_0 = arith.constant 0 : i32
    return %arg0, %c0_i32 : i32, i32
  }
  func.func @transform_3(%arg0: i32) -> (i32, i32) {
    %c0_i32 = arith.constant 0 : i32
    %c0_i32_0 = arith.constant 0 : i32
    return %arg0, %c0_i32 : i32, i32
  }
  func.func @transform_4(%arg0: i32) -> (i32, i32) {
    %c0_i32 = arith.constant 0 : i32
    %c0_i32_0 = arith.constant 0 : i32
    return %arg0, %c0_i32 : i32, i32
  }
  func.func @transform_5(%arg0: i32) -> (i32, i32) {
    %c0_i32 = arith.constant 0 : i32
    %c0_i32_0 = arith.constant 0 : i32
    %c0_i32_1 = arith.constant 0 : i32
    return %c0_i32, %c0_i32_0 : i32, i32
  }
  func.func @transform_6(%arg0: i32) -> (i32, i32) {
    %c0_i32 = arith.constant 0 : i32
    %c0_i32_0 = arith.constant 0 : i32
    %c0_i32_1 = arith.constant 0 : i32
    return %c0_i32, %c0_i32_0 : i32, i32
  }
  func.func @transform_7(%arg0: i32) -> (i32, i32) {
    %c0_i32 = arith.constant 0 : i32
    %c0_i32_0 = arith.constant 0 : i32
    %c0_i32_1 = arith.constant 0 : i32
    return %c0_i32, %c0_i32_0 : i32, i32
  }
  func.func @transform_8(%arg0: i32) -> (i32, i32) {
    %c0_i32 = arith.constant 0 : i32
    %c0_i32_0 = arith.constant 0 : i32
    %c0_i32_1 = arith.constant 0 : i32
    return %c0_i32, %c0_i32_0 : i32, i32
  }
  func.func @transform_9(%arg0: i32) -> (i32, i32) {
    %c0_i32 = arith.constant 0 : i32
    %c0_i32_0 = arith.constant 0 : i32
    return %arg0, %c0_i32 : i32, i32
  }
}

</mosaic_0001>

<sc_bundles>
// kernel: kernel.5.cloned.1.call-start
scs
__scs_entry_jumppad:
0x0: {  	(pc) =	sbr.rel $0x88, $3  }
0x1: {  	(tag) =	ssettag $0x0;
	lr =	simm.s32 $0x1  }
0x2: {  	[smem:$0x3F96] =	sst lr;
	_ =	strace $0xD0000000  }
0x3: {  	_ = 	snop  }
0x4: {  	_ = 	snop  }
0x5: {  	_ = 	snop  }
0x6: {  	_ = 	snop  }
0x7: {  	_ = 	snop  }
__scs_overlays_trampoline_lowered:
0x8: {  	[smem:$0x3FA5] =	sst s0  }
0x9: {  	[smem:$0x3FA6] =	sst s1  }
0xa: {  	[smem:$0x3FA7] =	sst s2  }
0xb: {  	[smem:$0x3FA8] =	sst s3  }
0xc: {  	[smem:$0x3FA9] =	sst s4  }
0xd: {  	[smem:$0x3FAA] =	sst s5  }
0xe: {  	[smem:$0x3FAB] =	sst s6  }
0xf: {  	[smem:$0x3FAC] =	sst s7  }
0x10: {  	[smem:$0x3FAD] =	sst s8  }
0x11: {  	[smem:$0x3FAE] =	sst s9;
	s0 =	simm.s32 @!p0 $0x0  }
0x12: {  	s1 =	sld [smem:$0x3F94];
	s0 =	simm.s32 @p0 $0x1  }
0x13: {  	[smem:$0x3FAF] =	sst s0;
	s0 =	simm.s32 @!p1 $0x0  }
0x14: {  	s2 =	sld [smem:$0x3F93];
	s0 =	simm.s32 @p1 $0x1  }
0x15: {  	[smem:$0x3FB0] =	sst s0;
	s0 =	simm.s32 @!p2 $0x0  }
0x16: {  	s3 =	sld [smem:$0x3FDB];
	s0 =	simm.s32 @p2 $0x1  }
0x17: {  	s4 =	simm.s32 $0x1BF5;
	[smem:$0x3FB2] =	sst s0  }
0x18: {  	s0 =	sld [smem:$0x3F95];
	_ =	swait.ge [sflag:s4], $0x0  }
0x19: {  	s7 =	sld [smem:$0x3F96]  }
0x1a: {  	s8 =	sadd.s32 $0xFFFFE003, lr  }
0x1b: {  	s9 =	sadd.s32 $0xFFFFFEF7, lr;
	s5 =	simm.s32 $0xFFFFFFFF;
	p2 =	slt.u32 s8, $0xFFFFF086  }
0x1c: {  	p1 =	slt.u32 s9, $0xF7A;
	s5 =	simm.s32 @!p2 $0x0  }
0x1d: {  	s5 =	simm.s32 @p1 $0x1;
	p0 =	seq.s32 s7, s2  }
0x1e: {  	s7 =	smul.u32 @!p0 $0xF7A, s2;
	p2 =	seq.s32 @!p0 s5, $0x0  }
0x1f: {  	s9 =	smul.u32 $0xF7A, s1;
	s8 =	simm.s32 @!p0 $0x1BF5;
	p2 =	por !p2, p0  }
0x20: {  	[sflag:s8] =	ssyncset.s32 @!p0 $0xFFFFF086;
	s6 =	sadd.s32 @!p0 s3, s7;
	s7 =	simm.s32 @!p0 $0x108  }
0x21: {  	s3 =	sadd.s32 s3, s9;
	s6 =	sadd.s32 @!p0 $0x88, s6;
	s7 =	simm.s32 @p2 $0x1082  }
0x22: {  	[simem:s7], [sflag:s8] =	dma.local @!p0 [hbm:s6], $0xF7A  }
0x23: {  	s9 =	sor.u32 $0xD0000000, s2;
	s6 =	simm.s32 $0x108;
	_ =	swait.ge @!p0 [sflag:s8], $0x0  }
0x24: {  	s3 =	sadd.s32 $0x88, s3;
	s6 =	simm.s32 @!p1 $0x1082;
	[sflag:s4] =	ssyncset.s32 $0xFFFFF086  }
0x25: {  	[simem:s6], [sflag:s4] =	dma.local [hbm:s3], $0xF7A  }
0x26: {  	[smem:$0x3F96] =	sst s1;
	(tag) =	ssettag s2;
	_ =	strace s9  }
0x27: {  	s1 =	sld [smem:$0x3FA6]  }
0x28: {  	s2 =	sld [smem:$0x3FA7]  }
0x29: {  	s4 =	sld [smem:$0x3FA9]  }
0x2a: {  	p0 =	seq.s32 s5, $0x0;
	s5 =	sld [smem:$0x3FAA]  }
0x2b: {  	s6 =	sld [smem:$0x3FAB]  }
0x2c: {  	s7 =	sld [smem:$0x3FAC]  }
0x2d: {  	s3 =	simm.s32 $0x108;
	s8 =	sld [smem:$0x3FAD]  }
0x2e: {  	s3 =	simm.s32 @!p0 $0x1082;
	s9 =	sld [smem:$0x3FAE]  }
0x2f: {  	lr =	sadd.s32 s0, s3;
	s0 =	sld [smem:$0x3FA5]  }
0x30: {  	s3 =	sld [smem:$0x3FA8]  }
0x31: {  	[smem:$0x3FB1] =	sst s10  }
0x32: {  	s10 =	sld [smem:$0x3FAF];
	_ =	sdelay $0x3  }
0x33: {  	p0 =	seq.s32 s10, $0x1;
	s10 =	sld [smem:$0x3FB1];
	_ =	sdelay $0x3  }
0x34: {  	[smem:$0x3FB1] =	sst s10  }
0x35: {  	s10 =	sld [smem:$0x3FB0];
	_ =	sdelay $0x3  }
0x36: {  	p1 =	seq.s32 s10, $0x1;
	s10 =	sld [smem:$0x3FB1];
	_ =	sdelay $0x3  }
0x37: {  	[smem:$0x3FB1] =	sst s10  }
0x38: {  	s10 =	sld [smem:$0x3FB2]  }
0x39: {  	_ = 	snop;
	(pc) =	sbr.ind lr, $3  }
0x3a: {  	_ = 	snop  }
0x3b: {  	_ = 	snop  }
0x3c: {  	p2 =	seq.s32 s10, $0x1;
	s10 =	sld [smem:$0x3FB1]  }
0x3d: {  	_ =	shalt  }
0x3e: {  	_ =	shalt  }
0x3f: {  	_ =	shalt  }
0x40: {  	_ =	shalt  }
0x41: {  	_ =	shalt  }
0x42: {  	_ =	shalt  }
0x43: {  	_ =	shalt  }
0x44: {  	_ =	shalt  }
0x45: {  	_ =	shalt  }
0x46: {  	_ =	shalt  }
0x47: {  	_ =	shalt  }
0x48: {  	_ =	shalt  }
0x49: {  	_ =	shalt  }
0x4a: {  	_ =	shalt  }
0x4b: {  	_ =	shalt  }
0x4c: {  	_ =	shalt  }
0x4d: {  	_ =	shalt  }
0x4e: {  	_ =	shalt  }
0x4f: {  	_ =	shalt  }
0x50: {  	_ =	shalt  }
0x51: {  	_ =	shalt  }
0x52: {  	_ =	shalt  }
0x53: {  	_ =	shalt  }
0x54: {  	_ =	shalt  }
0x55: {  	_ =	shalt  }
0x56: {  	_ =	shalt  }
0x57: {  	_ =	shalt  }
0x58: {  	_ =	shalt  }
0x59: {  	_ =	shalt  }
0x5a: {  	_ =	shalt  }
0x5b: {  	_ =	shalt  }
0x5c: {  	_ =	shalt  }
0x5d: {  	_ =	shalt  }
0x5e: {  	_ =	shalt  }
0x5f: {  	_ =	shalt  }
0x60: {  	_ =	shalt  }
0x61: {  	_ =	shalt  }
0x62: {  	_ =	shalt  }
0x63: {  	_ =	shalt  }
0x64: {  	_ =	shalt  }
0x65: {  	_ =	shalt  }
0x66: {  	_ =	shalt  }
0x67: {  	_ =	shalt  }
0x68: {  	_ =	shalt  }
0x69: {  	_ =	shalt  }
0x6a: {  	_ =	shalt  }
0x6b: {  	_ =	shalt  }
0x6c: {  	_ =	shalt  }
0x6d: {  	_ =	shalt  }
0x6e: {  	_ =	shalt  }
0x6f: {  	_ =	shalt  }
0x70: {  	_ =	shalt  }
0x71: {  	_ =	shalt  }
0x72: {  	_ =	shalt  }
0x73: {  	_ =	shalt  }
0x74: {  	_ =	shalt  }
0x75: {  	_ =	shalt  }
0x76: {  	_ =	shalt  }
0x77: {  	_ =	shalt  }
0x78: {  	_ =	shalt  }
0x79: {  	_ =	shalt  }
0x7a: {  	_ =	shalt  }
0x7b: {  	_ =	shalt  }
0x7c: {  	_ =	shalt  }
0x7d: {  	_ =	shalt  }
0x7e: {  	_ =	shalt  }
0x7f: {  	_ =	shalt  }
0x80: {  	_ =	shalt  }
0x81: {  	_ =	shalt  }
0x82: {  	_ =	shalt  }
0x83: {  	_ =	shalt  }
0x84: {  	_ =	shalt  }
0x85: {  	_ =	shalt  }
0x86: {  	_ =	shalt  }
0x87: {  	_ =	shalt  }
.Lfunc_end0:
.L_simem_size_0:
called_computation_lowered:
.L_overlay_start_0:
0x88: {  	s2 =	sld [smem:$0x3FD9]  }
0x89: {  	s3 =	sld [smem:$0x3FFE];
	_ =	sdelay $0x1  }
0x8a: {  	s1 =	srdreg.scid  }
0x8b: {  	s0 =	sand.u32 $0x1, s1  }
0x8c: {  	s17 =	sshll.u32 s0, $0xA;
	s2 =	sadd.s32 s3, s2  }
0x8d: {  	s2 =	sadd.s32 s2, s17  }
0x8e: {  	[smem:$0x3FBD] =	sst s2  }
0x8f: {  	_ = 	snop  }
0x90: {  	s2 =	sld [smem:$0x3FD0];
	(tm) =	ssettm $0x1  }
0x91: {  	s18 =	sld [smem:$0x3FFB];
	_ =	sdelay $0x3  }
0x92: {  	_ =	strace s18  }
0x93: {  	s3 =	sld [smem:$0x3FFC];
	_ =	sdelay $0x3  }
0x94: {  	_ =	strace s3  }
0x95: {  	s3 =	sld [smem:$0x3FFD];
	_ =	sdelay $0x3  }
0x96: {  	_ =	strace s3  }
0x97: {  	_ =	strace $0x8FFFFFFF  }
0x98: {  	s19 =	sld [smem:$0x3FDB];
	_ =	sdelay $0x1  }
0x99: {  	s4 =	simm.s32 $_scs_section_size  }
0x9a: {  	s5 =	simm.s32 $_size__tile_overlayer_lowered;
	s6 =	simm.s32 $_tile_overlayer_lowered  }
0x9b: {  	s22 =	simm.s32 $0x1BFF;
	s21 =	sshll.u32 s6, $0x1;
	s3 =	sadd.s32 s4, s19  }
0x9c: {  	s7 =	simm.s32 $0x0;
	s20 =	sshll.u32 s5, $0x1;
	s5 =	sadd.s32 s21, s3  }
0x9d: {  	[timem:s7], [sflag:s22] =	dma.local [hbm:s5], s20  }
0x9e: {  	_ =	swait.ge [sflag:s22], s20  }
0x9f: {  	s4 =	ssub.s32 $0x0, s20;
	[sflag:s22] =	ssyncset.done $0x0  }
0xa0: {  	[sflag:s22] =	ssyncadd.s32 s4;
	_ =	sdelay $0x1  }
0xa1: {  	s23 =	simm.s32 $0x1B8B  }
0xa2: {  	_ =	swait.ge [sflag:s23], $0x1  }
0xa3: {  	[sflag:s23] =	ssyncset.done $0x0  }
0xa4: {  	s25 =	simm.s32 $0x1B8E;
	s24 =	sld [smem:$0x3FFE];
	[sflag:s23] =	ssyncadd.s32 $0xFFFFFFFF  }
0xa5: {  	s26 =	simm.s32 $execute0_lowered;
	[smem:$0x3FD2] =	sst s25  }
0xa6: {  	s5 =	sshll.u32 s26, $0x1;
	_ =	strace $0x80000046;
	[dreg:$0x1] =	wrdreg $0xFFFFFFFF  }
0xa7: {  	s28 =	simm.s32 $_size_execute0_lowered;
	s3 =	sadd.s32 s3, s5;
	[dreg:$0x0] =	wrdreg $0x0  }
0xa8: {  	s5 =	sshll.u32 s28, $0x1;
	[dreg:$0x2] =	wrdreg s3  }
0xa9: {  	[dreg:$0x3] =	wrdreg s5  }
0xaa: {  	[dreg:$0x4] =	wrdreg $0xC0  }
0xab: {  	_ =	task [dreg:s7], $0x5FFFF  }
0xac: {  	[dreg:$0x1] =	wrdreg $0xFFFFFFFF  }
0xad: {  	[dreg:$0x0] =	wrdreg $0x60  }
0xae: {  	[dreg:$0x2] =	wrdreg s24  }
0xaf: {  	[dreg:$0x3] =	wrdreg s2  }
0xb0: {  	[dreg:$0x4] =	wrdreg $0x90000  }
0xb1: {  	[dreg:$0x5] =	wrdreg $0x1D0000  }
0xb2: {  	[dreg:$0x6] =	wrdreg $0x9  }
0xb3: {  	_ =	task.clear_ibuf [dreg:s7], $0x7FFFF;
	_ =	strace $0x90000046  }
0xb4: {  	s29 =	simm.s32 $0x9;
	_ =	strace $0x80000048  }
0xb5: {  	_ =	swait.ge [sflag:s29], $0x1  }
0xb6: {  	[sflag:s29] =	ssyncadd.s32 $0xFFFFFFFF  }
0xb7: {  	_ =	strace $0x90000048  }
0xb8: {  	_ =	sfence  }
0xb9: {  	s30 =	sld [smem:$0x0];
	_ =	sdelay $0x2  }
0xba: {  	s31 =	sshll.u32 s1, $0xD;
	s1 =	sshrl.u32 s1, $0x2  }
0xbb: {  	s3 =	sand.u32 $0x4000, s31;
	s1 =	sadd.s32 s1, s30  }
0xbc: {  	s0 =	sor.u32 s3, s0;
	s1 =	sshll.u32 s1, $0x11  }
0xbd: {  	s0 =	sor.u32 s1, s0  }
0xbe: {  	s0 =	sadd.s32 $0x8F2B, s0  }
0xbf: {  	[sflag:s0] =	ssyncadd.remote.s32 $0x1  }
0xc0: {  	_ =	sfence.sel $0xFFFF  }
0xc1: {  	[dreg:$0x0] =	wrdreg $0xFFFFFFFF;
	(pc) =	sbr.abs _section_cstart, $3  }
0xc2: {  	[dreg:$0x1] =	wrdreg $0xFFFFFFFF  }
0xc3: {  	_ =	task.clear_ibuf [dreg:s7], $0x2FFFF;
	_ =	strace $0x9FFFFFFF  }
0xc4: {  	(tm) =	ssettm $0x7FFFFFFF  }
0xc5: {  	_ =	shalt  }
tec
execute0_lowered:
.L_overlay_start_1:
0x0: {  	(tag) =	ssettag $0x1  }
0x1: {  	s0 =	rddreg [dreg:$0x0]  }
0x2: {  	s17 =	rddreg [dreg:$0x2]  }
0x3: {  	s18 =	rddreg [dreg:$0x3]  }
0x4: {  	s1 =	simm.s32 $0x0;
	s2 =	srdreg.scid;
	s29 =	simm.s32 $0xE0  }
0x5: {  	s31 =	simm.s32 $0x80A0;
	[smem:$0x7FF] =	sst s1;
	s2 =	sand.u32 $0x1, s2  }
0x6: {  	s6 =	sadd.s32 $0x1800, s0;
	s1 =	stileid.u32;
	s7 =	sadd.s32 $0x1A200, s0  }
0x7: {  	s8 =	sadd.s32 $0x15200, s0;
	s9 =	sadd.s32 $0x17A00, s0;
	s3 =	sadd.s32 $0x24000, s0  }
0x8: {  	s23 =	sadd.s32 $0xB43E, s0;
	s24 =	sadd.s32 $0x1507E, s0;
	s4 =	smul.u32 $0x140000, s2  }
0x9: {  	_ =	strace $0x80000047;
	s5 =	smul.u32 $0x14000, s1;
	[dreg:$0x5] =	wrdreg s3  }
0xa: {  	s11 =	smul.u32 $0x28000, s2;
	s10 =	sshll.u32 s2, $0x4;
	[dreg:$0xa] =	wrdreg s23  }
0xb: {  	s12 =	smul.u32 $0x2800, s1;
	s2 =	ssub.s32 $0x2, s2;
	[dreg:$0xb] =	wrdreg s24  }
0xc: {  	s28 =	smul.u32 $0xA000, s1;
	s10 =	sor.u32 s1, s10;
	s14 =	sshrl.u32 s2, $0x1  }
0xd: {  	s4 =	sadd.s32 s5, s4;
	s13 =	smul.u32 $0x70, s10;
	s11 =	sadd.s32 s12, s11  }
0xe: {  	s2 =	ssub.s32 s2, s14;
	s4 =	sshrl.u32 s4, $0x3;
	s11 =	sshrl.u32 s11, $0x3  }
0xf: {  	s2 =	smax.u32 s2, $0x1;
	s4 =	sadd.s32 s4, s0;
	s15 =	sshrl.u32 s13, $0x3  }
0x10: {  	s11 =	sadd.s32 s11, s0;
	s0 =	sadd.s32 $0x23E3E, s0;
	[dreg:$0xf] =	wrdreg s2  }
0x11: {  	s25 =	smul.u32 $0x50000, s1;
	s20 =	sadd.s32 s7, s15;
	[dreg:$0xc] =	wrdreg s0  }
0x12: {  	s3 =	sshrl.u32 s28, $0x2;
	s26 =	sadd.s32 $0x2E200, s4;
	[dreg:$0x7] =	wrdreg s20  }
0x13: {  	p0 =	sgt.u32 s10, $0x9;
	s30 =	sadd.s32 $0x24200, s11;
	[dreg:$0xd] =	wrdreg s26  }
0x14: {  	s4 =	sadd.s32 s5, s17;
	s5 =	sadd.s32 s3, s18;
	[dreg:$0xe] =	wrdreg s30  }
0x15: {  	s16 =	sadd.s32 $0x1C0, s15;
	s19 =	sadd.s32 s6, s15;
	[dreg:$0x11] =	wrdreg s5  }
0x16: {  	s11 =	sadd.s32 s12, s18;
	s21 =	sadd.s32 s6, s16;
	[dreg:$0x6] =	wrdreg s19  }
0x17: {  	s0 =	sshrl.u32 s25, $0x2;
	s22 =	sadd.s32 s7, s16;
	[dreg:$0x8] =	wrdreg s21  }
0x18: {  	s12 =	smul.u32 $0x280, s1;
	s0 =	sadd.s32 s0, s17;
	[dreg:$0x9] =	wrdreg s22  }
0x19: {  	s1 =	smov.u32 s18;
	s16 =	sor.u32 $0x4D000, s13;
	[dreg:$0x10] =	wrdreg s0  }
0x1a: {  	s13 =	sor.u32 $0x50, s12;
	s15 =	sadd.s32 $0xA0, s12;
	s23 =	sadd.s32 $0xF0, s12  }
0x1b: {  	s26 =	sadd.s32 $0x140, s12;
	s30 =	sadd.s32 $0x190, s12;
	s14 =	sshll.u32 s13, $0x7  }
0x1c: {  	s0 =	sshll.u32 s13, $0x4;
	s21 =	sshll.u32 s15, $0x7;
	s22 =	sshll.u32 s15, $0x4  }
0x1d: {  	s24 =	sshll.u32 s23, $0x7;
	s2 =	sshll.u32 s23, $0x4;
	s28 =	sshll.u32 s26, $0x7  }
0x1e: {  	s3 =	sshll.u32 s30, $0x7;
	s5 =	sshll.u32 s30, $0x4;
	s30 =	sor.u32 $0x60, s10  }
0x1f: {  	s13 =	sadd.s32 $0x1E0, s12;
	s20 =	sadd.s32 s14, s17;
	[smem:$0x7FD] =	sst s30  }
0x20: {  	s0 =	sadd.s32 s0, s18;
	s25 =	sadd.s32 s2, s18;
	[dreg:$0x12] =	wrdreg s20  }
0x21: {  	v57 =	vlaneseq.u32;
	s2 =	sadd.s32 s28, s17;
	s14 =	sadd.s32 $0x230, s12;
	[dreg:$0x13] =	wrdreg s0  }
0x22: {  	v2 =	vmul.u32 $0x10, v57;
	s15 =	sshll.u32 s13, $0x7;
	s28 =	sadd.s32 $0x9E00, s19;
	[dreg:$0x17] =	wrdreg s25  }
0x23: {  	v1 =	vmul.u32 $0xFFFFFFFF, v57;
	v0 =	vmul.u32 $0x8, v57;
	s0 =	sadd.s32 s21, s17;
	[dreg:$0x18] =	wrdreg s2;
	s20 =	sadd.s32 s15, s17  }
0x24: {  	[tilespmem:$0x1FFC0] =	vst v2;
	s2 =	sshll.u32 s13, $0x4;
	s21 =	sshll.u32 s14, $0x7;
	[smem:$0x7FC] =	sst s28  }
0x25: {  	v1 =	vadd.s32 $0x4E1A0, v1;
	[tilespmem:$0x1FFE0] =	vst v0;
	s25 =	sshrl.u32 s11, $0x3;
	s11 =	simm.s32 $0x7;
	[dreg:$0x14] =	wrdreg s0  }
0x26: {  	v52 =	vor.u32 $0x300, v0;
	[tilespmem:$0x1FF20] =	vst v1;
	s13 =	simm.s32 $0x70;
	s15 =	simm.s32 $0x9A0;
	[dreg:$0x1c] =	wrdreg s20  }
0x27: {  	v53 =	vor.u32 $0x600, v2;
	[tilespmem:$0x1FF30] =	vst v52;
	s0 =	sadd.s32 s22, s18;
	s22 =	sadd.s32 s2, s18;
	[smem:$0x7FA] =	sst s25  }
0x28: {  	v54 =	vor.u32 $0x301, v0;
	[tilespmem:$0x1FF40] =	vst v53;
	s23 =	sadd.s32 s21, s17;
	s20 =	simm.s32 $0x3;
	[dreg:$0x15] =	wrdreg s0  }
0x29: {  	v55 =	vor.u32 $0x601, v2;
	[tilespmem:$0x1FF50] =	vst v54;
	s21 =	simm.s32 $0x4;
	s0 =	sadd.s32 s24, s17;
	[dreg:$0x1d] =	wrdreg s22  }
0x2a: {  	v56 =	vor.u32 $0x302, v0;
	[tilespmem:$0x1FF60] =	vst v55;
	[dreg:$0x1e] =	wrdreg s23;
	s24 =	sshrl.u32 s4, $0x3;
	s22 =	simm.s32 $0x620  }
0x2b: {  	v59 =	vor.u32 $0x602, v2;
	[tilespmem:$0x1FF70] =	vst v56;
	s23 =	simm.s32 $0xD20;
	[dreg:$0x16] =	wrdreg s0;
	s0 =	sshll.u32 s26, $0x4  }
0x2c: {  	v60 =	vor.u32 $0x303, v0;
	[tilespmem:$0x1FF80] =	vst v59;
	s4 =	simm.s32 $0x0;
	[smem:$0x7F9] =	sst s24;
	s0 =	sadd.s32 s0, s18  }
.Ltmp0:
0x2d: {  	v61 =	vor.u32 $0x603, v2;
	[tilespmem:$0x1FF90] =	vst v60;
	[dreg:$0x19] =	wrdreg s0;
	s0 =	sadd.s32 s3, s17;
	(pc) =	sbr.rel .LBB2_1-.Ltmp0, $4  }
0x2e: {  	v62 =	vor.u32 $0x304, v0;
	[tilespmem:$0x1FFA0] =	vst v61;
	s26 =	sadd.s32 $0x9C40, s19;
	[dreg:$0x1a] =	wrdreg s0;
	s0 =	sadd.s32 s5, s18  }
0x2f: {  	v63 =	vor.u32 $0x604, v2;
	[tilespmem:$0x1FFB0] =	vst v62;
	s24 =	simm.s32 $0x87A0;
	[dreg:$0x1b] =	wrdreg s0;
	s0 =	sshll.u32 s14, $0x4  }
0x30: {  	v0 =	vor.u32 $0x305, v0;
	[tilespmem:$0x1FFD0] =	vst v63;
	[smem:$0x7FB] =	sst s26;
	s3 =	smov.u32 s17;
	s0 =	sadd.s32 s0, s18  }
0x31: {  	v58 =	vimm.f32 $0.0e+00;
	[tilespmem:$0x1FFF0] =	vst v0;
	s14 =	simm.s32 $0x2A0;
	[dreg:$0x1f] =	wrdreg s0;
	s0 =	simm.s32 $0x5  }
.LBB2_21:
0x32: {  	_ =	swait.ge [sflag:s0], $0x3800  }
0x33: {  	[sflag:s0] =	ssyncset.done $0x0  }
0x34: {  	[sflag:s0] =	ssyncadd.s32 $0xFFFFC800  }
0x35: {  	_ =	swait.ge [sflag:s0], $0x700  }
0x36: {  	[sflag:s0] =	ssyncset.done $0x0  }
0x37: {  	s2 =	simm.s32 @!p0 $0x6;
	[sflag:s0] =	ssyncadd.s32 $0xFFFFF900  }
0x38: {  	_ =	swait.ge @!p0 [sflag:s2], $0x3800  }
0x39: {  	[sflag:s2] =	ssyncset.done @!p0 $0x0  }
0x3a: {  	[sflag:s2] =	ssyncadd.s32 @!p0 $0xFFFFC800  }
0x3b: {  	_ =	swait.ge @!p0 [sflag:s2], $0x700  }
0x3c: {  	[sflag:s2] =	ssyncset.done @!p0 $0x0  }
0x3d: {  	[sflag:s2] =	ssyncadd.s32 @!p0 $0xFFFFF900  }
0x3e: {  	[bflag:$0x0] =	sbarrier.arrive $0xFFFF  }
0x3f: {  	s19 =	stileid.u32;
	s5 =	sld [smem:$0x7F9]  }
0x40: {  	s2 =	sshll.u32 s19, $0x6  }
0x41: {  	s11 =	simm.s32 $0x7;
	s2 =	sor.u32 $0x1C07, s2;
	s4 =	rddreg [dreg:$0xd]  }
0x42: {  	[hbm:s4], [sflag:s2] =	dma.local [spmem:s5], $0x2800  }
0x43: {  	_ =	swait.ge [sflag:s11], $0x2800  }
0x44: {  	s26 =	sld [smem:$0x7FA]  }
0x45: {  	[sflag:s11] =	ssyncset.done $0x0  }
0x46: {  	s25 =	rddreg [dreg:$0xe];
	[sflag:s11] =	ssyncadd.s32 $0xFFFFD800  }
0x47: {  	[hbm:s25], [sflag:s2] =	dma.local [spmem:s26], $0x500  }
0x48: {  	_ =	swait.ge [sflag:s11], $0x500  }
0x49: {  	s28 =	sld [smem:$0x7F8];
	_ =	sdelay $0x2  }
0x4a: {  	s30 =	rddreg [dreg:$0xf];
	s4 =	sadd.s32 $0x1, s28  }
0x4b: {  	p1 =	sne.s32 s4, s30  }
.Ltmp1:
0x4c: {  	_ = 	snop;
	(pc) =	sbr.rel @!p1 .LBB2_22-.Ltmp1, $3  }
0x4d: {  	_ =	sdelay $0x1  }
0x4e: {  	[sflag:s11] =	ssyncset.done $0x0  }
0x4f: {  	[sflag:s11] =	ssyncadd.s32 $0xFFFFFB00  }
.LBB2_1:
0x50: {  	[smem:$0x7F8] =	sst s4  }
0x51: {  	s2 =	simm.s32 $0x0;
	s30 =	rddreg [dreg:$0x5];
	s5 =	simm.s32 $0x8EA0  }
0x52: {  	[tilespmem:s5], [sflag:$0x7] =	stream.linear.gather [hbm4b:s30+s2], $0x10, $0x38;
	[tilespmem:$0x1F800] =	vst v63  }
0x53: {  	_ =	swait.ge [sflag:s11], $0x10  }
0x54: {  	[sflag:s11] =	ssyncset.done $0x0;
	s5 =	rddreg [dreg:$0x6]  }
0x55: {  	[sflag:s11] =	ssyncadd.s32 $0xFFFFFFF0;
	s11 =	sld [smem:$0x7FB]  }
0x56: {  	[tilespmem:s2], [sflag:$0x1] =	stream.linear.gather [hbm4b:s5+s2], $0x70, $0x38;
	[tilespmem:$0x1F800] =	vst v63  }
0x57: {  	s12 =	rddreg [dreg:$0x7]  }
0x58: {  	[tilespmem:s29], [sflag:$0x1] =	stream.linear.gather [hbm4b:s11+s2], $0x70, $0x38;
	[tilespmem:$0x1F800] =	vst v63  }
0x59: {  	s17 =	simm.s32 $0x1C0;
	s18 =	rddreg [dreg:$0x8]  }
0x5a: {  	[tilespmem:s17], [sflag:$0x1] =	stream.linear.gather [hbm4b:s12+s2], $0x70, $0x38;
	[tilespmem:$0x1F800] =	vst v63  }
0x5b: {  	s19 =	simm.s32 $0x8EB0;
	s25 =	sld [smem:$0x7FC]  }
0x5c: {  	[tilespmem:s19], [sflag:$0x2] =	stream.linear.gather [hbm4b:s18+s2], $0x70, $0x38;
	[tilespmem:$0x1F800] =	vst v63  }
0x5d: {  	s26 =	simm.s32 $0x8F20  }
0x5e: {  	[tilespmem:s26], [sflag:$0x2] =	stream.linear.gather [hbm4b:s25+s2], $0x70, $0x38;
	[tilespmem:$0x1F800] =	vst v63  }
0x5f: {  	s4 =	simm.s32 $0x10E0;
	s30 =	simm.s32 $0x8F90;
	s28 =	rddreg [dreg:$0x9]  }
0x60: {  	[tilespmem:s30], [sflag:$0x2] =	stream.linear.gather [hbm4b:s28+s2], $0x70, $0x38;
	[tilespmem:$0x1F800] =	vst v63  }
0x61: {  	[tilespmem:s4+$0xFFFFFFD0] =	vst v58  }
0x62: {  	[tilespmem:s4+$0xFFFFFFE0] =	vst v58  }
0x63: {  	[tilespmem:s4+$0xFFFFFFF0] =	vst v58  }
0x64: {  	[tilespmem:s4+$0x0] =	vst v58  }
0x65: {  	[tilespmem:s4+$0x10] =	vst v58  }
0x66: {  	[tilespmem:s4+$0x20] =	vst v58  }
0x67: {  	[tilespmem:s4+$0x30] =	vst v58  }
0x68: {  	s5 =	simm.s32 $0x0;
	s2 =	simm.s32 $0x40;
	[tilespmem:s4+$0xFFFFFFC0] =	vst v58  }
.LBB2_2:
0x69: {  	p1 =	sne.s32 s2, $0x1BC0;
	[tilespmem:s5+$0x80A0] =	vst v58;
	s4 =	sadd.s32 $0x80, s4  }
0x6a: {  	[tilespmem:s4+$0xFFFFFFD0] =	vst v58  }
0x6b: {  	[tilespmem:s4+$0xFFFFFFE0] =	vst v58  }
0x6c: {  	[tilespmem:s4+$0xFFFFFFF0] =	vst v58  }
.Ltmp2:
0x6d: {  	[tilespmem:s4+$0x0] =	vst v58;
	(pc) =	sbr.rel @p1 .LBB2_2-.Ltmp2, $4  }
0x6e: {  	[tilespmem:s4+$0x10] =	vst v58  }
0x6f: {  	[tilespmem:s4+$0x20] =	vst v58  }
0x70: {  	[tilespmem:s4+$0x30] =	vst v58  }
0x71: {  	s5 =	sshra.s32 s2, $0x2;
	s2 =	sadd.s32 $0x40, s2;
	[tilespmem:s4+$0xFFFFFFC0] =	vst v58  }
0x72: {  	[tilespmem:s5+$0x80A0] =	vst v58;
	s2 =	rddreg [dreg:$0x10];
	s4 =	simm.s32 $0x10A0  }
0x73: {  	[spmem:s2] =	stream.linear.scatter [tilespmem:s4], [sflag:$0x5], $0x2800, $0x38;
	[tilespmem:$0x1F800] =	vst v63  }
0x74: {  	s11 =	rddreg [dreg:$0x11]  }
0x75: {  	[spmem:s11] =	stream.linear.scatter [tilespmem:s31], [sflag:$0x6], $0x500, $0x38;
	[tilespmem:$0x1F800] =	vst v63  }
0x76: {  	s12 =	rddreg [dreg:$0x12]  }
0x77: {  	[spmem:s12] =	stream.linear.scatter [tilespmem:s4], [sflag:$0x5], $0x2800, $0x38;
	[tilespmem:$0x1F800] =	vst v63  }
0x78: {  	s17 =	rddreg [dreg:$0x13]  }
0x79: {  	[spmem:s17] =	stream.linear.scatter [tilespmem:s31], [sflag:$0x6], $0x500, $0x38;
	[tilespmem:$0x1F800] =	vst v63  }
0x7a: {  	s18 =	rddreg [dreg:$0x14]  }
0x7b: {  	[spmem:s18] =	stream.linear.scatter [tilespmem:s4], [sflag:$0x5], $0x2800, $0x38;
	[tilespmem:$0x1F800] =	vst v63  }
0x7c: {  	s19 =	rddreg [dreg:$0x15]  }
0x7d: {  	[spmem:s19] =	stream.linear.scatter [tilespmem:s31], [sflag:$0x6], $0x500, $0x38;
	[tilespmem:$0x1F800] =	vst v63  }
0x7e: {  	s25 =	rddreg [dreg:$0x16]  }
0x7f: {  	[spmem:s25] =	stream.linear.scatter [tilespmem:s4], [sflag:$0x5], $0x2800, $0x38;
	[tilespmem:$0x1F800] =	vst v63  }
0x80: {  	s26 =	rddreg [dreg:$0x17]  }
0x81: {  	[spmem:s26] =	stream.linear.scatter [tilespmem:s31], [sflag:$0x6], $0x500, $0x38;
	[tilespmem:$0x1F800] =	vst v63  }
0x82: {  	s30 =	rddreg [dreg:$0x18]  }
0x83: {  	[spmem:s30] =	stream.linear.scatter [tilespmem:s4], [sflag:$0x5], $0x2800, $0x38;
	[tilespmem:$0x1F800] =	vst v63  }
0x84: {  	s5 =	rddreg [dreg:$0x19]  }
0x85: {  	[spmem:s5] =	stream.linear.scatter [tilespmem:s31], [sflag:$0x6], $0x500, $0x38;
	[tilespmem:$0x1F800] =	vst v63  }
0x86: {  	s11 =	rddreg [dreg:$0x1a]  }
0x87: {  	[spmem:s11] =	stream.linear.scatter [tilespmem:s4], [sflag:$0x5], $0x2800, $0x38;
	[tilespmem:$0x1F800] =	vst v63  }
0x88: {  	s12 =	rddreg [dreg:$0x1b]  }
0x89: {  	[spmem:s12] =	stream.linear.scatter [tilespmem:s31], [sflag:$0x6], $0x500, $0x38;
	[tilespmem:$0x1F800] =	vst v63  }
0x8a: {  	s17 =	rddreg [dreg:$0x1c]  }
0x8b: {  	[spmem:s17] =	stream.linear.scatter [tilespmem:s4], [sflag:$0x5], $0x2800, $0x38;
	[tilespmem:$0x1F800] =	vst v63  }
0x8c: {  	s18 =	rddreg [dreg:$0x1d]  }
0x8d: {  	[spmem:s18] =	stream.linear.scatter [tilespmem:s31], [sflag:$0x6], $0x500, $0x38;
	[tilespmem:$0x1F800] =	vst v63  }
0x8e: {  	s19 =	rddreg [dreg:$0x1e]  }
0x8f: {  	[spmem:s19] =	stream.linear.scatter [tilespmem:s4], [sflag:$0x5], $0x2800, $0x38;
	[tilespmem:$0x1F800] =	vst v63  }
0x90: {  	s25 =	rddreg [dreg:$0x1f]  }
0x91: {  	[spmem:s25] =	stream.linear.scatter [tilespmem:s31], [sflag:$0x6], $0x500, $0x38;
	[tilespmem:$0x1F800] =	vst v63  }
0x92: {  	_ =	swait.ge [sflag:s0], $0x2800  }
0x93: {  	[sflag:s0] =	ssyncset.done $0x0  }
0x94: {  	s26 =	simm.s32 $0x6;
	[sflag:s0] =	ssyncadd.s32 $0xFFFFD800  }
0x95: {  	_ =	swait.ge [sflag:s26], $0x500  }
0x96: {  	[sflag:s26] =	ssyncset.done $0x0  }
0x97: {  	[sflag:s26] =	ssyncadd.s32 $0xFFFFFB00  }
0x98: {  	_ =	swait.ge [sflag:s0], $0x2800  }
0x99: {  	[sflag:s0] =	ssyncset.done $0x0  }
0x9a: {  	[sflag:s0] =	ssyncadd.s32 $0xFFFFD800  }
0x9b: {  	_ =	swait.ge [sflag:s26], $0x500  }
0x9c: {  	[sflag:s26] =	ssyncset.done $0x0  }
0x9d: {  	[sflag:s26] =	ssyncadd.s32 $0xFFFFFB00  }
0x9e: {  	_ =	swait.ge [sflag:s0], $0x2800  }
0x9f: {  	[sflag:s0] =	ssyncset.done $0x0  }
0xa0: {  	[sflag:s0] =	ssyncadd.s32 $0xFFFFD800  }
0xa1: {  	_ =	swait.ge [sflag:s26], $0x500  }
0xa2: {  	[sflag:s26] =	ssyncset.done $0x0  }
0xa3: {  	[sflag:s26] =	ssyncadd.s32 $0xFFFFFB00  }
0xa4: {  	_ =	swait.ge [sflag:s0], $0x2800  }
0xa5: {  	[sflag:s0] =	ssyncset.done $0x0  }
0xa6: {  	[sflag:s0] =	ssyncadd.s32 $0xFFFFD800  }
0xa7: {  	_ =	swait.ge [sflag:s26], $0x500  }
0xa8: {  	[sflag:s26] =	ssyncset.done $0x0  }
0xa9: {  	[sflag:s26] =	ssyncadd.s32 $0xFFFFFB00  }
0xaa: {  	_ =	swait.ge [sflag:s0], $0x2800  }
0xab: {  	[sflag:s0] =	ssyncset.done $0x0  }
0xac: {  	[sflag:s0] =	ssyncadd.s32 $0xFFFFD800  }
0xad: {  	_ =	swait.ge [sflag:s26], $0x500  }
0xae: {  	[sflag:s26] =	ssyncset.done $0x0  }
0xaf: {  	[sflag:s26] =	ssyncadd.s32 $0xFFFFFB00  }
0xb0: {  	_ =	swait.ge [sflag:s0], $0x2800  }
0xb1: {  	[sflag:s0] =	ssyncset.done $0x0  }
0xb2: {  	[sflag:s0] =	ssyncadd.s32 $0xFFFFD800  }
0xb3: {  	_ =	swait.ge [sflag:s26], $0x500  }
0xb4: {  	[sflag:s26] =	ssyncset.done $0x0  }
0xb5: {  	[sflag:s26] =	ssyncadd.s32 $0xFFFFFB00  }
0xb6: {  	_ =	swait.ge [sflag:s0], $0x2800  }
0xb7: {  	[sflag:s0] =	ssyncset.done $0x0  }
0xb8: {  	[sflag:s0] =	ssyncadd.s32 $0xFFFFD800  }
0xb9: {  	_ =	swait.ge [sflag:s26], $0x500  }
0xba: {  	[sflag:s26] =	ssyncset.done $0x0  }
0xbb: {  	[sflag:s26] =	ssyncadd.s32 $0xFFFFFB00  }
0xbc: {  	_ =	swait.ge [sflag:s0], $0x2800  }
0xbd: {  	[sflag:s0] =	ssyncset.done $0x0  }
0xbe: {  	[sflag:s0] =	ssyncadd.s32 $0xFFFFD800  }
0xbf: {  	_ =	swait.ge [sflag:s26], $0x500  }
0xc0: {  	[sflag:s26] =	ssyncset.done $0x0  }
0xc1: {  	[sflag:s26] =	ssyncadd.s32 $0xFFFFFB00  }
0xc2: {  	s30 =	simm.s32 $0x1;
	[bflag:$0x0] =	sbarrier.arrive $0xFFFF  }
0xc3: {  	_ =	swait.ge [sflag:s30], $0x70  }
0xc4: {  	[sflag:s30] =	ssyncset.done $0x0  }
0xc5: {  	[sflag:s30] =	ssyncadd.s32 $0xFFFFFF90  }
0xc6: {  	_ =	swait.ge [sflag:s30], $0x70  }
0xc7: {  	[sflag:s30] =	ssyncset.done $0x0  }
0xc8: {  	[sflag:s30] =	ssyncadd.s32 $0xFFFFFF90  }
0xc9: {  	_ =	swait.ge [sflag:s30], $0x70  }
0xca: {  	[sflag:s30] =	ssyncset.done $0x0  }
0xcb: {  	s28 =	simm.s32 $0x0;
	[sflag:s30] =	ssyncadd.s32 $0xFFFFFF90  }
0xcc: {  	[tilespmem:s14], [sflag:$0x3] =	stream.indirect.gather [hbm4b:s8+s13], $0x8, s28, s13, $0xb8;
	[tilespmem:$0x1F800] =	vst v63  }
.Ltmp3:
0xcd: {  	_ = 	snop;
	(pc) =	sbr.rel .LBB2_4-.Ltmp3, $4  }
0xce: {  	_ = 	snop  }
0xcf: {  	[tilespmem:s15], [sflag:$0x3] =	stream.indirect.gather [hbm4b:s9+s13], $0x8, s29, s13, $0xb8;
	[tilespmem:$0x1F800] =	vst v63  }
0xd0: {  	s2 =	rddreg [dreg:$0x1]  }
0xd1: {  	[tilespmem:s4], [sflag:$0x3] =	stream.indirect.gather [hbm4b:s2+s13], $0x80, s28, s13, $0xb8;
	[tilespmem:$0x1F800] =	vst v63  }
.LBB2_20:
0xd2: {  	s28 =	sadd.s32 $0x1, s28  }
0xd3: {  	p1 =	sne.s32 s28, $0x2D  }
.Ltmp4:
0xd4: {  	_ = 	snop;
	(pc) =	sbr.rel @!p1 .LBB2_21-.Ltmp4, $1  }
0xd5: {  	_ =	sdelay $0x3  }
.LBB2_4:
0xd6: {  	p2 =	seq.s32 s28, $0x0  }
0xd7: {  	s4 =	sshll.u32 s28, $0x6;
	s2 =	simm.s32 @!p2 $0x6  }
0xd8: {  	s5 =	sor.u32 s10, s4;
	_ =	swait.ge @!p2 [sflag:s2], $0x3800  }
0xd9: {  	s11 =	sor.u32 $0x20, s5;
	[sflag:s2] =	ssyncset.done @!p2 $0x0  }
0xda: {  	p1 =	sgt.u32 s11, $0xB28;
	[sflag:s2] =	ssyncadd.s32 @!p2 $0xFFFFC800  }
0xdb: {  	p3 =	sne.s32 @p1 s5, $0xB09;
	_ =	swait.ge @!p2 [sflag:s2], $0x700  }
0xdc: {  	p3 =	por p3, !p1;
	[sflag:s2] =	ssyncset.done @!p2 $0x0  }
0xdd: {  	[sflag:s2] =	ssyncadd.s32 @!p2 $0xFFFFF900;
	s2 =	simm.s32 @!p3 $0x2  }
0xde: {  	_ =	swait.ge @!p3 [sflag:s2], $0x10  }
0xdf: {  	[sflag:s2] =	ssyncset.done @!p3 $0x0  }
0xe0: {  	[sflag:s2] =	ssyncadd.s32 @!p3 $0xFFFFFFF0  }
0xe1: {  	_ =	swait.ge @!p3 [sflag:s2], $0x10  }
0xe2: {  	[sflag:s2] =	ssyncset.done @!p3 $0x0  }
0xe3: {  	[sflag:s2] =	ssyncadd.s32 @!p3 $0xFFFFFFF0  }
0xe4: {  	_ =	swait.ge @!p3 [sflag:s2], $0x10  }
0xe5: {  	[sflag:s2] =	ssyncset.done @!p3 $0x0  }
0xe6: {  	[sflag:s2] =	ssyncadd.s32 @!p3 $0xFFFFFFF0;
	s2 =	simm.s32 @!p1 $0x2  }
0xe7: {  	_ =	swait.ge @!p1 [sflag:s2], $0x70  }
0xe8: {  	[sflag:s2] =	ssyncset.done @!p1 $0x0  }
0xe9: {  	[sflag:s2] =	ssyncadd.s32 @!p1 $0xFFFFFF90  }
0xea: {  	_ =	swait.ge @!p1 [sflag:s2], $0x70  }
0xeb: {  	[sflag:s2] =	ssyncset.done @!p1 $0x0  }
0xec: {  	[sflag:s2] =	ssyncadd.s32 @!p1 $0xFFFFFF90  }
0xed: {  	_ =	swait.ge @!p1 [sflag:s2], $0x70  }
0xee: {  	[sflag:s2] =	ssyncset.done @!p1 $0x0  }
0xef: {  	s19 =	simm.s32 $0x8EC0;
	[sflag:s2] =	ssyncadd.s32 @!p1 $0xFFFFFF90  }
0xf0: {  	v1 =	vld [tilespmem:s19+$0x0]  }
0xf1: {  	v4 =	vld [tilespmem:s19+$0xFFFFFFF0];
	_ =	sdelay $0x2  }
0xf2: {  	s25 =	simm.s32 $0x80  }
0xf3: {  	s12 =	simm.s32 $0x8F30;
	[tilespmem:s25+$0x0] =	vst v1  }
0xf4: {  	[tilespmem:s25+$0xFFFFFFF0] =	vst v4;
	v1 =	vld [tilespmem:s12+$0x0]  }
0xf5: {  	v4 =	vld [tilespmem:s12+$0xFFFFFFF0]  }
0xf6: {  	s26 =	simm.s32 $0x8EE0  }
0xf7: {  	v5 =	vld [tilespmem:s26+$0x0]  }
0xf8: {  	s17 =	simm.s32 $0x160;
	v6 =	vld [tilespmem:s26+$0xFFFFFFF0]  }
0xf9: {  	s18 =	simm.s32 $0x8FA0;
	[tilespmem:s17+$0x0] =	vst v1  }
0xfa: {  	[tilespmem:s17+$0xFFFFFFF0] =	vst v4;
	v7 =	vld [tilespmem:s18+$0x0]  }
0xfb: {  	s26 =	simm.s32 $0xA0;
	v1 =	vld [tilespmem:s18+$0xFFFFFFF0]  }
0xfc: {  	[tilespmem:s26+$0x0] =	vst v5;
	s25 =	simm.s32 $0x8F50  }
0xfd: {  	[tilespmem:s26+$0xFFFFFFF0] =	vst v6;
	v4 =	vld [tilespmem:s25+$0x0]  }
0xfe: {  	s19 =	simm.s32 $0x240;
	v5 =	vld [tilespmem:s25+$0xFFFFFFF0]  }
0xff: {  	s30 =	simm.s32 $0x2;
	s2 =	simm.s32 $0x8F00;
	s12 =	sshll.u32 s28, $0x1;
	[tilespmem:s19+$0x0] =	vst v7  }
.LBB2_5:
0x100: {  	v6 =	vld [tilespmem:s2+$0x0];
	s30 =	sadd.s32 $0x2, s30;
	[tilespmem:s19+$0xFFFFFFF0] =	vst v1  }
0x101: {  	s17 =	sadd.s32 $0x20, s17;
	v7 =	vld [tilespmem:s2+$0xFFFFFFF0];
	p1 =	slt.u32 s30, $0x4  }
0x102: {  	s18 =	sadd.s32 $0x20, s18;
	[tilespmem:s17+$0x0] =	vst v4  }
0x103: {  	[tilespmem:s17+$0xFFFFFFF0] =	vst v5;
	v8 =	vld [tilespmem:s18+$0x0]  }
.Ltmp5:
0x104: {  	s26 =	sadd.s32 $0x20, s26;
	v1 =	vld [tilespmem:s18+$0xFFFFFFF0];
	(pc) =	sbr.rel @p1 .LBB2_5-.Ltmp5, $4  }
0x105: {  	s25 =	sadd.s32 $0x20, s25;
	[tilespmem:s26+$0x0] =	vst v6  }
0x106: {  	[tilespmem:s26+$0xFFFFFFF0] =	vst v7;
	v4 =	vld [tilespmem:s25+$0x0]  }
0x107: {  	s19 =	sadd.s32 $0x20, s19;
	v5 =	vld [tilespmem:s25+$0xFFFFFFF0]  }
0x108: {  	s2 =	sadd.s32 $0x20, s2;
	[tilespmem:s19+$0x0] =	vst v8  }
0x109: {  	_ = 	snop  }
0x10a: {  	s2 =	sadd.s32 $0x20, s17  }
0x10b: {  	s30 =	sadd.s32 $0x20, s18;
	[tilespmem:s2+$0x0] =	vst v4  }
0x10c: {  	[tilespmem:s2+$0xFFFFFFF0] =	vst v5;
	v4 =	vld [tilespmem:s30+$0x0]  }
0x10d: {  	v5 =	vld [tilespmem:s30+$0xFFFFFFF0];
	_ =	sdelay $0x2  }
0x10e: {  	[tilespmem:s19+$0xFFFFFFF0] =	vst v1;
	s17 =	sadd.s32 $0x20, s19  }
0x10f: {  	[tilespmem:s17+$0x0] =	vst v4  }
0x110: {  	[tilespmem:s17+$0xFFFFFFF0] =	vst v5  }
0x111: {  	v1 =	vld [tilespmem:$0x8F10]  }
0x112: {  	v4 =	vld [tilespmem:$0x8F80]  }
0x113: {  	v5 =	vld [tilespmem:$0x8FF0];
	_ =	sdelay $0x2  }
0x114: {  	[tilespmem:$0xD0] =	vst v1  }
0x115: {  	p1 =	sgt.u32 s11, $0xB29;
	[tilespmem:$0x1B0] =	vst v4  }
0x116: {  	s12 =	sadd.s32 $0x2, s12;
	s2 =	simm.s32 @!p1 $0x70;
	s17 =	simm.s32 @!p1 $0x620;
	[tilespmem:$0x290] =	vst v5  }
0x117: {  	[tilespmem:s17], [sflag:$0x4] =	stream.indirect.gather @!p1 [hbm4b:s8+s2], $0x8, s2, s2, $0xb8;
	[tilespmem:$0x1F800] =	vst v63  }
0x118: {  	p2 =	seq.s32 s28, $0x2C;
	s18 =	simm.s32 @!p1 $0xD20;
	s17 =	simm.s32 @!p1 $0x150  }
0x119: {  	[tilespmem:s18], [sflag:$0x4] =	stream.indirect.gather @!p1 [hbm4b:s9+s2], $0x8, s17, s2, $0xb8;
	[tilespmem:$0x1F800] =	vst v63  }
0x11a: {  	s17 =	sshll.u32 @!p2 s12, $0x5  }
0x11b: {  	s17 =	sor.u32 @!p2 s10, s17  }
0x11c: {  	p3 =	sgt.u32 @!p2 s17, $0xB28  }
0x11d: {  	p3 =	por p3, p2  }
0x11e: {  	s19 =	rddreg [dreg:$0x1];
	s18 =	simm.s32 @!p1 $0x48A0;
	s17 =	smul.u32 @!p3 $0x70, s17  }
0x11f: {  	[tilespmem:s18], [sflag:$0x4] =	stream.indirect.gather @!p1 [hbm4b:s19+s2], $0x80, s2, s2, $0xb8;
	[tilespmem:$0x1F800] =	vst v63  }
0x120: {  	s2 =	sshrl.u32 @!p3 s17, $0x3  }
0x121: {  	s18 =	simm.s32 @!p3 $0x0;
	s19 =	simm.s32 @!p3 $0x8EB0;
	s17 =	sadd.s32 @!p3 s6, s2  }
0x122: {  	[tilespmem:s19], [sflag:$0x2] =	stream.linear.gather @!p3 [hbm4b:s17+s18], $0x70, $0x38;
	[tilespmem:$0x1F800] =	vst v63  }
0x123: {  	s17 =	sadd.s32 @!p3 $0x9C40, s17;
	s19 =	simm.s32 @!p3 $0x8F20  }
0x124: {  	[tilespmem:s19], [sflag:$0x2] =	stream.linear.gather @!p3 [hbm4b:s17+s18], $0x70, $0x38;
	[tilespmem:$0x1F800] =	vst v63  }
0x125: {  	s2 =	sadd.s32 @!p3 s7, s2;
	s17 =	simm.s32 @!p3 $0x8F90  }
0x126: {  	[tilespmem:s17], [sflag:$0x2] =	stream.linear.gather @!p3 [hbm4b:s2+s18], $0x70, $0x38;
	[tilespmem:$0x1F800] =	vst v63  }
0x127: {  	_ =	swait.ge [sflag:s20], $0x380  }
0x128: {  	s18 =	simm.s32 $0x0;
	[sflag:s20] =	ssyncset.done $0x0  }
0x129: {  	v1 =	vor.u32 s18, v57;
	[sflag:s20] =	ssyncadd.s32 $0xFFFFFC80  }
0x12a: {  	v25 =	vshll.u32 v1, $0x3;
	_ =	swait.ge [sflag:s20], $0x380  }
0x12b: {  	[sflag:s20] =	ssyncset.done $0x0  }
0x12c: {  	[sflag:s20] =	ssyncadd.s32 $0xFFFFFC80  }
0x12d: {  	s19 =	simm.s32 $0x1D0;
	v23 =	vld [tilespmem:$0x8EA0]  }
0x12e: {  	v17 =	vld [tilespmem:s19+$0xFFFFFFF0]  }
0x12f: {  	v5 =	vld.idx.msk [tilespmem:v25+s14+$0x0], $0xffff  }
0x130: {  	v6 =	vld.idx.msk [tilespmem:v25+s15+$0x0], $0xffff  }
0x131: {  	s25 =	simm.s32 $0x10  }
0x132: {  	v7 =	vor.u32 s25, v57  }
0x133: {  	v4 =	vshll.u32 v7, $0x3;
	v8 =	vbroadcast v23, $0x0;
	_ =	sdelay $0x1  }
0x134: {  	v5 =	vadd.f32 v6, v5;
	v6 =	vmul.f32 v8, v17;
	_ =	sdelay $0x1  }
0x135: {  	v5 =	vadd.f32 v5, v6  }
0x136: {  	v10 =	vld.idx.msk [tilespmem:v4+s15+$0x0], $0xffff  }
0x137: {  	v18 =	vld [tilespmem:s19+$0x0];
	v9 =	vmul.f32 $2.000000030e-01, v5  }
0x138: {  	v6 =	vld.idx.msk [tilespmem:v4+s14+$0x0], $0xffff;
	vm0 =	vge.f32 v5, $0.0e+00  }
0x139: {  	v5 =	vsel vm0, v5, v9  }
0x13a: {  	v5 =	vmul.f32 $1.442695020e+00, v5;
	_ =	sdelay $0x1  }
0x13b: {  	(erf) = vpow2.f32 v5  }
0x13c: {  	v5 =	vadd.f32 v10, v6;
	v6 =	vmul.f32 v18, v8  }
0x13d: {  	s2 =	smul.u32 @!p2 $0x70, s5  }
0x13e: {  	v5 =	vadd.f32 v5, v6  }
0x13f: {  	s2 =	smov.u32 @p2 s16  }
0x140: {  	v0 =	vmov s2;
	v6 =	vmul.f32 $2.000000030e-01, v5  }
0x141: {  	v19 =	vshll.u32 v1, $0x4;
	v1 =	vadd.s32 v0, v1;
	vm0 =	vge.f32 v5, $0.0e+00  }
0x142: {  	v8 =	vor.u32 $0x1, v25;
	v5 =	vsel vm0, v5, v6  }
0x143: {  	v5 =	vmul.f32 $1.442695020e+00, v5  }
0x144: {  	vm1 =	vlt.u32 v1, $0x4E200;
	v1 =	vpop (erf)  }
0x145: {  	(erf) = vpow2.f32 v5;
	v1 =	vnsel vm1, $0x0, v1  }
0x146: {  	[tilespmem:v19+s31+$0x0] =	vst.idx.msk $0xffff, v1  }
0x147: {  	v1 =	vld.idx.msk [tilespmem:v8+s14+$0x0], $0xffff  }
0x148: {  	v5 =	vld.idx.msk [tilespmem:v8+s15+$0x0], $0xffff;
	_ =	sdelay $0x2  }
0x149: {  	v6 =	vshll.u32 v7, $0x4;
	v7 =	vadd.s32 v0, v7;
	v8 =	vbroadcast v23, $0x1  }
0x14a: {  	v9 =	vor.u32 $0x1, v4  }
0x14b: {  	v1 =	vadd.f32 v5, v1;
	v5 =	vmul.f32 v8, v17  }
0x14c: {  	vm0 =	vlt.u32 v7, $0x4E200;
	v7 =	vpop (erf)  }
0x14d: {  	v1 =	vadd.f32 v1, v5;
	v5 =	vnsel vm0, $0x0, v7  }
0x14e: {  	[tilespmem:v6+s31+$0x0] =	vst.idx.msk $0xffff, v5  }
0x14f: {  	v5 =	vmul.f32 $2.000000030e-01, v1;
	v7 =	vld.idx.msk [tilespmem:v9+s14+$0x0], $0xffff  }
0x150: {  	vm2 =	vge.f32 v1, $0.0e+00;
	v9 =	vld.idx.msk [tilespmem:v9+s15+$0x0], $0xffff  }
0x151: {  	v1 =	vsel vm2, v1, v5  }
0x152: {  	v1 =	vmul.f32 $1.442695020e+00, v1;
	_ =	sdelay $0x1  }
0x153: {  	(erf) = vpow2.f32 v1  }
0x154: {  	v1 =	vmul.f32 v18, v8;
	v5 =	vadd.f32 v9, v7;
	_ =	sdelay $0x1  }
0x155: {  	v1 =	vadd.f32 v5, v1;
	_ =	sdelay $0x1  }
0x156: {  	v5 =	vmul.f32 $2.000000030e-01, v1  }
0x157: {  	v7 =	vor.u32 $0x1, v19;
	vm2 =	vge.f32 v1, $0.0e+00  }
0x158: {  	v8 =	vor.u32 $0x2, v25;
	v1 =	vsel vm2, v1, v5  }
0x159: {  	v1 =	vmul.f32 $1.442695020e+00, v1  }
0x15a: {  	v5 =	vpop (erf)  }
0x15b: {  	(erf) = vpow2.f32 v1;
	v5 =	vnsel vm1, $0x0, v5  }
0x15c: {  	[tilespmem:v7+s31+$0x0] =	vst.idx.msk $0xffff, v5  }
0x15d: {  	v1 =	vld.idx.msk [tilespmem:v8+s14+$0x0], $0xffff  }
0x15e: {  	v5 =	vld.idx.msk [tilespmem:v8+s15+$0x0], $0xffff;
	_ =	sdelay $0x2  }
0x15f: {  	v7 =	vbroadcast v23, $0x2;
	v8 =	vor.u32 $0x1, v6  }
0x160: {  	v9 =	vor.u32 $0x2, v4  }
0x161: {  	v1 =	vadd.f32 v5, v1;
	v5 =	vmul.f32 v7, v17  }
0x162: {  	v10 =	vpop (erf)  }
0x163: {  	v1 =	vadd.f32 v1, v5;
	v5 =	vnsel vm0, $0x0, v10  }
0x164: {  	[tilespmem:v8+s31+$0x0] =	vst.idx.msk $0xffff, v5  }
0x165: {  	v8 =	vld.idx.msk [tilespmem:v9+s14+$0x0], $0xffff  }
0x166: {  	v5 =	vmul.f32 $2.000000030e-01, v1;
	v9 =	vld.idx.msk [tilespmem:v9+s15+$0x0], $0xffff  }
0x167: {  	vm2 =	vge.f32 v1, $0.0e+00  }
0x168: {  	v1 =	vsel vm2, v1, v5  }
0x169: {  	v1 =	vmul.f32 $1.442695020e+00, v1;
	_ =	sdelay $0x1  }
0x16a: {  	(erf) = vpow2.f32 v1;
	v1 =	vmul.f32 v18, v7;
	v5 =	vadd.f32 v9, v8;
	_ =	sdelay $0x1  }
0x16b: {  	s26 =	simm.s32 $0x20;
	v1 =	vadd.f32 v5, v1  }
0x16c: {  	v7 =	vor.u32 s26, v57  }
0x16d: {  	v22 =	vshll.u32 v7, $0x3;
	v5 =	vmul.f32 $2.000000030e-01, v1  }
0x16e: {  	vm2 =	vge.f32 v1, $0.0e+00  }
0x16f: {  	v8 =	vor.u32 $0x2, v19;
	v1 =	vsel vm2, v1, v5  }
0x170: {  	s5 =	simm.s32 $0x1F0;
	v21 =	vld [tilespmem:$0x8EA0];
	v9 =	vor.u32 $0x3, v25  }
0x171: {  	v20 =	vld [tilespmem:s5+$0xFFFFFFF0]  }
0x172: {  	vm1 =	vmmov vm1;
	v10 =	vld.idx.msk [tilespmem:v22+s14+$0x0], $0xffff;
	v5 =	vmul.f32 $1.442695020e+00, v1;
	v1 =	vpop (erf)  }
0x173: {  	v14 =	vld.idx.msk [tilespmem:v22+s15+$0x0], $0xffff;
	v12 =	vnsel vm1, $0x0, v1  }
0x174: {  	s30 =	simm.s32 $0x30;
	[tilespmem:v8+s31+$0x0] =	vst.idx.msk $0xffff, v12  }
0x175: {  	v11 =	vor.u32 s30, v57;
	(erf) = vpow2.f32 v5;
	v5 =	vld.idx.msk [tilespmem:v9+s14+$0x0], $0xffff  }
0x176: {  	v1 =	vshll.u32 v11, $0x3;
	v8 =	vld.idx.msk [tilespmem:v9+s15+$0x0], $0xffff;
	v9 =	vbroadcast v21, $0x0;
	_ =	sdelay $0x1  }
0x177: {  	v10 =	vadd.f32 v14, v10;
	v12 =	vmul.f32 v9, v20;
	_ =	sdelay $0x1  }
0x178: {  	v26 =	vld [tilespmem:s5+$0x0];
	v24 =	vbroadcast v23, $0x3;
	v10 =	vadd.f32 v10, v12  }
0x179: {  	v27 =	vor.u32 $0x2, v6;
	v14 =	vld.idx.msk [tilespmem:v1+s14+$0x0], $0xffff;
	v12 =	vor.u32 $0x3, v4  }
0x17a: {  	v28 =	vld.idx.msk [tilespmem:v1+s15+$0x0], $0xffff;
	v5 =	vadd.f32 v8, v5;
	v8 =	vmul.f32 v24, v17;
	v29 =	vmul.f32 $2.000000030e-01, v10  }
0x17b: {  	vm2 =	vge.f32 v10, $0.0e+00  }
0x17c: {  	vm4 =	vmmov vm0;
	v30 =	vpop (erf);
	v5 =	vadd.f32 v5, v8;
	v10 =	vsel vm2, v10, v29  }
0x17d: {  	v8 =	vnsel vm4, $0x0, v30;
	v10 =	vmul.f32 $1.442695020e+00, v10  }
0x17e: {  	v9 =	vmul.f32 v26, v9;
	[tilespmem:v27+s31+$0x0] =	vst.idx.msk $0xffff, v8;
	v8 =	vmul.f32 $2.000000030e-01, v5  }
0x17f: {  	v14 =	vadd.f32 v28, v14;
	v27 =	vld.idx.msk [tilespmem:v12+s14+$0x0], $0xffff;
	vm2 =	vge.f32 v5, $0.0e+00;
	(erf) = vpow2.f32 v10  }
0x180: {  	v12 =	vld.idx.msk [tilespmem:v12+s15+$0x0], $0xffff;
	v5 =	vsel vm2, v5, v8  }
0x181: {  	v8 =	vadd.f32 v14, v9;
	v5 =	vmul.f32 $1.442695020e+00, v5;
	_ =	sdelay $0x1  }
0x182: {  	(erf) = vpow2.f32 v5;
	v5 =	vmul.f32 $2.000000030e-01, v8  }
0x183: {  	v9 =	vmul.f32 v18, v24;
	v24 =	vshll.u32 v7, $0x4;
	vm2 =	vge.f32 v8, $0.0e+00  }
0x184: {  	v7 =	vadd.s32 v0, v7;
	v10 =	vadd.f32 v12, v27;
	v5 =	vsel vm2, v8, v5  }
0x185: {  	v5 =	vmul.f32 $1.442695020e+00, v5  }
0x186: {  	v8 =	vadd.f32 v10, v9  }
0x187: {  	v9 =	vor.u32 $0x1, v22;
	vm2 =	vlt.u32 v7, $0x4E200;
	(erf) = vpow2.f32 v5;
	v7 =	vpop (erf)  }
0x188: {  	v10 =	vor.u32 $0x3, v19;
	v5 =	vmul.f32 $2.000000030e-01, v8;
	v7 =	vnsel vm2, $0x0, v7  }
0x189: {  	v12 =	vor.u32 $0x4, v25;
	vm3 =	vge.f32 v8, $0.0e+00  }
0x18a: {  	v5 =	vsel vm3, v8, v5  }
0x18b: {  	v5 =	vmul.f32 $1.442695020e+00, v5;
	[tilespmem:v24+s31+$0x0] =	vst.idx.msk $0xffff, v7;
	v7 =	vpop (erf)  }
0x18c: {  	v8 =	vld.idx.msk [tilespmem:v9+s14+$0x0], $0xffff;
	v7 =	vnsel vm1, $0x0, v7  }
0x18d: {  	v14 =	vshll.u32 v11, $0x4;
	(erf) = vpow2.f32 v5;
	v5 =	vld.idx.msk [tilespmem:v9+s15+$0x0], $0xffff;
	[tilespmem:v10+s31+$0x0] =	vst.idx.msk $0xffff, v7;
	v10 =	vadd.s32 v0, v11  }
0x18e: {  	v7 =	vor.u32 $0x1, v1;
	v9 =	vld.idx.msk [tilespmem:v12+s14+$0x0], $0xffff;
	[tilespmem:$0x1FF10] =	vst v0  }
0x18f: {  	v11 =	vld.idx.msk [tilespmem:v12+s15+$0x0], $0xffff  }
0x190: {  	vm3 =	vlt.u32 v10, $0x4E200;
	v12 =	vbroadcast v21, $0x1;
	v10 =	vpop (erf)  }
0x191: {  	v10 =	vnsel vm3, $0x0, v10  }
0x192: {  	v5 =	vadd.f32 v5, v8;
	v8 =	vmul.f32 v12, v20;
	[tilespmem:v14+s31+$0x0] =	vst.idx.msk $0xffff, v10;
	v10 =	vbroadcast v23, $0x4  }
0x193: {  	v27 =	vor.u32 $0x3, v6;
	v29 =	vld.idx.msk [tilespmem:v7+s14+$0x0], $0xffff  }
0x194: {  	v7 =	vld.idx.msk [tilespmem:v7+s15+$0x0], $0xffff;
	v5 =	vadd.f32 v5, v8;
	v9 =	vadd.f32 v11, v9;
	v11 =	vmul.f32 v10, v17  }
0x195: {  	v28 =	vor.u32 $0x4, v4  }
0x196: {  	v9 =	vadd.f32 v9, v11;
	v11 =	vmul.f32 $2.000000030e-01, v5  }
0x197: {  	v8 =	vpop (erf);
	vm5 =	vge.f32 v5, $0.0e+00  }
0x198: {  	v12 =	vmul.f32 v26, v12;
	v8 =	vnsel vm4, $0x0, v8;
	v5 =	vsel vm5, v5, v11  }
0x199: {  	[tilespmem:v27+s31+$0x0] =	vst.idx.msk $0xffff, v8;
	v8 =	vmul.f32 $2.000000030e-01, v9;
	v7 =	vadd.f32 v7, v29;
	v5 =	vmul.f32 $1.442695020e+00, v5  }
0x19a: {  	v11 =	vld.idx.msk [tilespmem:v28+s14+$0x0], $0xffff;
	vm5 =	vge.f32 v9, $0.0e+00  }
0x19b: {  	v27 =	vld.idx.msk [tilespmem:v28+s15+$0x0], $0xffff;
	v8 =	vsel vm5, v9, v8;
	(erf) = vpow2.f32 v5;
	v5 =	vadd.f32 v7, v12  }
0x19c: {  	v8 =	vmul.f32 $1.442695020e+00, v8  }
0x19d: {  	v7 =	vmul.f32 $2.000000030e-01, v5  }
0x19e: {  	(erf) = vpow2.f32 v8;
	vm5 =	vge.f32 v5, $0.0e+00  }
0x19f: {  	v5 =	vsel vm5, v5, v7  }
0x1a0: {  	v8 =	vmul.f32 v18, v10;
	v9 =	vadd.f32 v27, v11;
	v5 =	vmul.f32 $1.442695020e+00, v5  }
0x1a1: {  	v49 =	vor.u32 $0x5, v4  }
0x1a2: {  	v7 =	vadd.f32 v9, v8;
	v8 =	vor.u32 $0x1, v24;
	(erf) = vpow2.f32 v5  }
0x1a3: {  	v43 =	vor.u32 $0x6, v4;
	v44 =	vor.u32 $0x5, v6;
	v9 =	vor.u32 $0x2, v22  }
0x1a4: {  	v40 =	vor.u32 $0x6, v6;
	v10 =	vmul.f32 $2.000000030e-01, v7;
	v5 =	vor.u32 $0x4, v19  }
0x1a5: {  	v13 =	vor.u32 $0x7, v6;
	v12 =	vor.u32 $0x5, v25;
	vm5 =	vge.f32 v7, $0.0e+00;
	v11 =	vpop (erf)  }
0x1a6: {  	v15 =	vor.u32 $0x8, v6;
	v7 =	vsel vm5, v7, v10;
	v11 =	vnsel vm2, $0x0, v11  }
0x1a7: {  	v16 =	vor.u32 $0x9, v6;
	v10 =	vor.u32 $0x4, v6;
	v6 =	vmul.f32 $1.442695020e+00, v7;
	v27 =	vpop (erf);
	[tilespmem:v8+s31+$0x0] =	vst.idx.msk $0xffff, v11  }
0x1a8: {  	v39 =	vor.u32 $0x7, v4;
	v11 =	vor.u32 $0x1, v14;
	v4 =	vnsel vm1, $0x0, v27;
	v8 =	vld.idx.msk [tilespmem:v9+s14+$0x0], $0xffff  }
0x1a9: {  	[tilespmem:v5+s31+$0x0] =	vst.idx.msk $0xffff, v4;
	v4 =	vld.idx.msk [tilespmem:v9+s15+$0x0], $0xffff;
	v5 =	vor.u32 $0x2, v1  }
0x1aa: {  	v7 =	vld.idx.msk [tilespmem:v12+s14+$0x0], $0xffff  }
0x1ab: {  	v33 =	vsel vm0, $0x3F800000, v58;
	vm0 =	vmmov vm1;
	(erf) = vpow2.f32 v6;
	v9 =	vld.idx.msk [tilespmem:v12+s15+$0x0], $0xffff;
	v6 =	vpop (erf)  }
0x1ac: {  	v47 =	vor.u32 $0x3, v1;
	v12 =	vbroadcast v21, $0x2;
	v6 =	vnsel vm3, $0x0, v6  }
0x1ad: {  	v45 =	vor.u32 $0x4, v1;
	v42 =	vor.u32 $0x5, v1;
	v37 =	vor.u32 $0x6, v1;
	[tilespmem:v11+s31+$0x0] =	vst.idx.msk $0xffff, v6  }
0x1ae: {  	v11 =	vbroadcast v23, $0x5;
	v4 =	vadd.f32 v4, v8;
	v6 =	vmul.f32 v12, v20;
	v8 =	vld.idx.msk [tilespmem:v5+s14+$0x0], $0xffff  }
0x1af: {  	v36 =	vor.u32 $0x7, v1;
	v48 =	vor.u32 $0x2, v14;
	v46 =	vor.u32 $0x3, v14;
	v5 =	vld.idx.msk [tilespmem:v5+s15+$0x0], $0xffff  }
0x1b0: {  	v7 =	vadd.f32 v9, v7;
	v9 =	vmul.f32 v11, v17;
	v1 =	vadd.f32 v4, v6  }
0x1b1: {  	v41 =	vor.u32 $0x4, v14;
	v38 =	vor.u32 $0x5, v14;
	v56 =	vor.u32 $0x6, v14  }
0x1b2: {  	v34 =	vor.u32 $0x8, v14;
	v4 =	vadd.f32 v7, v9;
	v6 =	vmul.f32 $2.000000030e-01, v1  }
0x1b3: {  	v35 =	vsel vm3, $0x3F800000, v58;
	v7 =	vmul.f32 v26, v12;
	vm1 =	vge.f32 v1, $0.0e+00  }
0x1b4: {  	v12 =	vpop (erf);
	v9 =	vmul.f32 $2.000000030e-01, v4;
	v1 =	vsel vm1, v1, v6;
	v5 =	vadd.f32 v5, v8  }
0x1b5: {  	vm1 =	vge.f32 v4, $0.0e+00;
	v6 =	vnsel vm4, $0x0, v12;
	v12 =	vmul.f32 $1.442695020e+00, v1  }
0x1b6: {  	v29 =	vor.u32 $0x7, v14;
	vm2 =	vmmov vm2;
	v1 =	vsel vm1, v4, v9  }
0x1b7: {  	[tilespmem:v10+s31+$0x0] =	vst.idx.msk $0xffff, v6;
	v6 =	vadd.f32 v5, v7;
	v5 =	vmul.f32 $1.442695020e+00, v1;
	(erf) = vpow2.f32 v12  }
0x1b8: {  	v14 =	vor.u32 $0x9, v14;
	v8 =	vmul.f32 v18, v11;
	vm1 =	vmmov vm4;
	v4 =	vld.idx.msk [tilespmem:v49+s15+$0x0], $0xffff  }
0x1b9: {  	s17 =	simm.s32 $0x2;
	s18 =	simm.s32 $0x50;
	v1 =	vld.idx.msk [tilespmem:v49+s14+$0x0], $0xffff;
	vm5 =	vge.f32 v6, $0.0e+00;
	v10 =	vmul.f32 $2.000000030e-01, v6;
	(erf) = vpow2.f32 v5  }
.LBB2_7:
0x1ba: {  	s2 =	sadd.s32 $0xFFFFFFF0, s18;
	v31 =	vld [tilespmem:$0x1FF10]  }
0x1bb: {  	v11 =	vor.u32 s2, v57  }
0x1bc: {  	v9 =	vshll.u32 v11, $0x3  }
0x1bd: {  	v51 =	vor.u32 $0x2, v24  }
0x1be: {  	v5 =	vor.u32 s18, v57;
	v53 =	vor.u32 $0x3, v22;
	s5 =	sadd.s32 $0x20, s5;
	v6 =	vsel vm5, v6, v10  }
0x1bf: {  	v50 =	vadd.f32 v4, v1;
	v10 =	vmul.f32 $1.442695020e+00, v6;
	v6 =	vld [tilespmem:s5+$0xFFFFFFF0];
	v1 =	vadd.s32 v31, v5  }
0x1c0: {  	vm4 =	vmmov vm3;
	v55 =	vor.u32 $0x5, v19;
	v54 =	vpop (erf);
	vm3 =	vlt.u32 v1, $0x4E200;
	v1 =	vld [tilespmem:$0x8EA0]  }
0x1c1: {  	v49 =	vmovc v18;
	v59 =	vor.u32 $0x6, v25;
	v30 =	vimm.f32 $0.0e+00;
	v61 =	vnsel vm2, $0x0, v54;
	v60 =	vld.idx.msk [tilespmem:v9+s14+$0x0], $0xffff  }
0x1c2: {  	v18 =	vmovc v26;
	v28 =	vbroadcast v21, $0x3;
	v26 =	vshll.u32 v5, $0x3;
	v7 =	vshll.u32 v5, $0x4;
	v62 =	vld.idx.msk [tilespmem:v9+s15+$0x0], $0xffff;
	[tilespmem:v51+s31+$0x0] =	vst.idx.msk $0xffff, v61  }
0x1c3: {  	[tilespmem:$0x1FEE0] =	vst v15;
	v52 =	vor.u32 $0x2, v26;
	(erf) = vpow2.f32 v10;
	v61 =	vadd.f32 v50, v8;
	v8 =	vpop (erf);
	v15 =	vld.idx.msk [tilespmem:v53+s14+$0x0], $0xffff  }
0x1c4: {  	[tilespmem:$0x1FED0] =	vst v13;
	v58 =	vor.u32 $0x3, v26;
	v12 =	vor.u32 $0x4, v26;
	v8 =	vnsel vm0, $0x0, v8;
	v2 =	vld.idx.msk [tilespmem:v53+s15+$0x0], $0xffff  }
0x1c5: {  	v0 =	vor.u32 $0x5, v26;
	v13 =	vor.u32 $0x6, v26;
	[tilespmem:v55+s31+$0x0] =	vst.idx.msk $0xffff, v8;
	v55 =	vmul.f32 $2.000000030e-01, v61  }
0x1c6: {  	v32 =	vor.u32 $0x9, v7;
	[tilespmem:$0x1FEC0] =	vst v0;
	vm5 =	vge.f32 v61, $0.0e+00;
	v0 =	vld.idx.msk [tilespmem:v59+s14+$0x0], $0xffff;
	v3 =	vbroadcast v1, $0x0  }
0x1c7: {  	v5 =	vor.u32 $0x1, v26;
	v59 =	vld.idx.msk [tilespmem:v59+s15+$0x0], $0xffff;
	v61 =	vsel vm5, v61, v55;
	v55 =	vsel vm3, $0x3F800000, v30  }
0x1c8: {  	[tilespmem:$0x1FF00] =	vst v32;
	v27 =	vld.idx.msk [tilespmem:v26+s15+$0x0], $0xffff;
	v30 =	vmul.f32 $1.442695020e+00, v61;
	v60 =	vadd.f32 v62, v60;
	v62 =	vmul.f32 v3, v6  }
0x1c9: {  	v32 =	vmovc v29;
	v29 =	vbroadcast v23, $0x6;
	v50 =	vmovc v16;
	v16 =	vld.idx.msk [tilespmem:v26+s14+$0x0], $0xffff;
	v8 =	vor.u32 $0x7, v26;
	v2 =	vadd.f32 v2, v15  }
0x1ca: {  	v26 =	vld [tilespmem:s5+$0x0];
	v15 =	vmul.f32 v28, v20;
	(erf) = vpow2.f32 v30;
	v60 =	vadd.f32 v60, v62  }
0x1cb: {  	v62 =	vmul.f32 v29, v17  }
0x1cc: {  	v61 =	vpop (erf);
	v2 =	vadd.f32 v2, v15;
	v0 =	vadd.f32 v59, v0;
	v30 =	vmul.f32 $2.000000030e-01, v60  }
0x1cd: {  	v61 =	vnsel vm4, $0x0, v61;
	vm5 =	vge.f32 v60, $0.0e+00  }
0x1ce: {  	[tilespmem:v48+s31+$0x0] =	vst.idx.msk $0xffff, v61;
	v0 =	vadd.f32 v0, v62;
	v30 =	vsel vm5, v60, v30;
	v60 =	vmul.f32 $2.000000030e-01, v2  }
0x1cf: {  	v3 =	vmul.f32 v26, v3;
	v15 =	vld.idx.msk [tilespmem:v47+s14+$0x0], $0xffff;
	vm5 =	vge.f32 v2, $0.0e+00;
	v30 =	vmul.f32 $1.442695020e+00, v30  }
0x1d0: {  	v61 =	vld.idx.msk [tilespmem:v47+s15+$0x0], $0xffff;
	v62 =	vadd.f32 v27, v16;
	v27 =	vmul.f32 $2.000000030e-01, v0;
	v2 =	vsel vm5, v2, v60  }
0x1d1: {  	vm5 =	vge.f32 v0, $0.0e+00;
	(erf) = vpow2.f32 v30;
	v2 =	vmul.f32 $1.442695020e+00, v2  }
0x1d2: {  	v3 =	vadd.f32 v62, v3;
	v0 =	vsel vm5, v0, v27  }
0x1d3: {  	v16 =	vpop (erf);
	v0 =	vmul.f32 $1.442695020e+00, v0;
	(erf) = vpow2.f32 v2  }
0x1d4: {  	v28 =	vmul.f32 v18, v28;
	v2 =	vnsel vm1, $0x0, v16;
	v16 =	vmul.f32 $2.000000030e-01, v3  }
0x1d5: {  	vm5 =	vge.f32 v3, $0.0e+00;
	v15 =	vadd.f32 v61, v15;
	[tilespmem:v44+s31+$0x0] =	vst.idx.msk $0xffff, v2;
	(erf) = vpow2.f32 v0  }
0x1d6: {  	v63 =	vor.u32 $0x5, v7;
	v2 =	vld.idx.msk [tilespmem:v43+s14+$0x0], $0xffff;
	v0 =	vsel vm5, v3, v16  }
0x1d7: {  	v44 =	vmovc v38;
	v38 =	vmovc v63;
	v63 =	vshll.u32 v11, $0x4;
	v3 =	vadd.f32 v15, v28;
	v15 =	vld.idx.msk [tilespmem:v43+s15+$0x0], $0xffff;
	v0 =	vmul.f32 $1.442695020e+00, v0  }
0x1d8: {  	v29 =	vmul.f32 v49, v29;
	v27 =	vadd.s32 v31, v11;
	v43 =	vmovc v37;
	v37 =	vmovc v13;
	v13 =	vor.u32 $0x1, v9  }
0x1d9: {  	v16 =	vmul.f32 $2.000000030e-01, v3;
	(erf) = vpow2.f32 v0;
	v0 =	vor.u32 $0x3, v24  }
0x1da: {  	vm5 =	vlt.u32 v27, $0x4E200;
	v27 =	vor.u32 $0x4, v22;
	vm6 =	vge.f32 v3, $0.0e+00;
	v11 =	vpop (erf)  }
0x1db: {  	v3 =	vsel vm6, v3, v16;
	v16 =	vor.u32 $0x6, v19;
	v28 =	vnsel vm5, $0x0, v11  }
0x1dc: {  	v3 =	vmul.f32 $1.442695020e+00, v3;
	v30 =	vadd.f32 v15, v2;
	[tilespmem:v63+s31+$0x0] =	vst.idx.msk $0xffff, v28;
	v11 =	vpop (erf);
	v28 =	vor.u32 $0x7, v25  }
0x1dd: {  	v15 =	vld.idx.msk [tilespmem:v13+s14+$0x0], $0xffff;
	v11 =	vnsel vm2, $0x0, v11  }
0x1de: {  	(erf) = vpow2.f32 v3;
	v3 =	vld.idx.msk [tilespmem:v13+s15+$0x0], $0xffff;
	v2 =	vpop (erf);
	[tilespmem:v0+s31+$0x0] =	vst.idx.msk $0xffff, v11;
	v0 =	vadd.f32 v30, v29  }
0x1df: {  	v25 =	vmov v22;
	v22 =	vmov v9;
	v2 =	vnsel vm0, $0x0, v2;
	v9 =	vld.idx.msk [tilespmem:v27+s14+$0x0], $0xffff  }
0x1e0: {  	v4 =	vor.u32 $0x1, v7;
	v57 =	vor.u32 $0x2, v7;
	v11 =	vld.idx.msk [tilespmem:v27+s15+$0x0], $0xffff;
	[tilespmem:v16+s31+$0x0] =	vst.idx.msk $0xffff, v2;
	v2 =	vmul.f32 $2.000000030e-01, v0  }
0x1e1: {  	[tilespmem:$0x1FEF0] =	vst v14;
	v14 =	vor.u32 $0x3, v7;
	v54 =	vor.u32 $0x4, v7;
	vm6 =	vge.f32 v0, $0.0e+00;
	v13 =	vld.idx.msk [tilespmem:v28+s14+$0x0], $0xffff  }
0x1e2: {  	v10 =	vor.u32 $0x6, v7;
	v51 =	vor.u32 $0x8, v7;
	v16 =	vpop (erf);
	v27 =	vld.idx.msk [tilespmem:v28+s15+$0x0], $0xffff;
	v0 =	vsel vm6, v0, v2  }
0x1e3: {  	v2 =	vnsel vm3, $0x0, v16;
	v16 =	vbroadcast v1, $0x1;
	v0 =	vmul.f32 $1.442695020e+00, v0  }
0x1e4: {  	v53 =	vor.u32 $0x7, v7;
	v28 =	vbroadcast v23, $0x7;
	[tilespmem:v7+s31+$0x0] =	vst.idx.msk $0xffff, v2;
	v7 =	vbroadcast v21, $0x4  }
0x1e5: {  	(erf) = vpow2.f32 v0;
	v0 =	vadd.f32 v3, v15;
	v3 =	vmul.f32 v16, v6  }
0x1e6: {  	v9 =	vadd.f32 v11, v9;
	v11 =	vmul.f32 v7, v20  }
0x1e7: {  	v2 =	vld.idx.msk [tilespmem:v5+s14+$0x0], $0xffff;
	v0 =	vadd.f32 v0, v3;
	v3 =	vadd.f32 v27, v13;
	v13 =	vmul.f32 v28, v17  }
0x1e8: {  	v23 =	vmov v21;
	v21 =	vmov v1;
	v5 =	vld.idx.msk [tilespmem:v5+s15+$0x0], $0xffff;
	v1 =	vadd.f32 v9, v11  }
0x1e9: {  	v15 =	vpop (erf);
	v16 =	vmul.f32 v26, v16;
	v11 =	vmul.f32 $2.000000030e-01, v0;
	v3 =	vadd.f32 v3, v13  }
0x1ea: {  	v9 =	vnsel vm4, $0x0, v15;
	vm6 =	vge.f32 v0, $0.0e+00;
	v13 =	vmul.f32 $2.000000030e-01, v1  }
0x1eb: {  	[tilespmem:v46+s31+$0x0] =	vst.idx.msk $0xffff, v9;
	v46 =	vmovc v14;
	v0 =	vsel vm6, v0, v11;
	vm6 =	vge.f32 v1, $0.0e+00;
	v14 =	vmul.f32 $2.000000030e-01, v3  }
0x1ec: {  	v15 =	vld.idx.msk [tilespmem:v45+s14+$0x0], $0xffff;
	v0 =	vmul.f32 $1.442695020e+00, v0;
	v1 =	vsel vm6, v1, v13;
	vm6 =	vge.f32 v3, $0.0e+00  }
0x1ed: {  	v2 =	vadd.f32 v5, v2;
	v11 =	vld.idx.msk [tilespmem:v45+s15+$0x0], $0xffff;
	v1 =	vmul.f32 $1.442695020e+00, v1;
	v3 =	vsel vm6, v3, v14  }
0x1ee: {  	v5 =	vpop (erf);
	(erf) = vpow2.f32 v0;
	v0 =	vmul.f32 $1.442695020e+00, v3  }
0x1ef: {  	v2 =	vadd.f32 v2, v16;
	(erf) = vpow2.f32 v1  }
0x1f0: {  	v3 =	vnsel vm1, $0x0, v5;
	(erf) = vpow2.f32 v0  }
0x1f1: {  	[tilespmem:v40+s31+$0x0] =	vst.idx.msk $0xffff, v3;
	v0 =	vmul.f32 $2.000000030e-01, v2  }
0x1f2: {  	v7 =	vmul.f32 v18, v7;
	vm6 =	vge.f32 v2, $0.0e+00;
	v3 =	vadd.f32 v11, v15;
	v1 =	vld.idx.msk [tilespmem:v39+s14+$0x0], $0xffff  }
0x1f3: {  	v5 =	vld.idx.msk [tilespmem:v39+s15+$0x0], $0xffff;
	v0 =	vsel vm6, v2, v0  }
0x1f4: {  	v2 =	vadd.f32 v3, v7;
	v3 =	vor.u32 $0x1, v63;
	v0 =	vmul.f32 $1.442695020e+00, v0  }
0x1f5: {  	v9 =	vmul.f32 v49, v28;
	v40 =	vmovc v56;
	v56 =	vmovc v10;
	v10 =	vor.u32 $0x2, v22;
	v7 =	vor.u32 $0x4, v24  }
0x1f6: {  	v39 =	vmovc v36;
	v36 =	vmovc v8;
	v8 =	vmul.f32 $2.000000030e-01, v2;
	(erf) = vpow2.f32 v0;
	v0 =	vor.u32 $0x7, v19  }
0x1f7: {  	v45 =	vmov v12;
	v13 =	vor.u32 $0x9, v19;
	vm6 =	vge.f32 v2, $0.0e+00;
	v11 =	vpop (erf)  }
0x1f8: {  	v2 =	vsel vm6, v2, v8;
	v1 =	vadd.f32 v5, v1;
	v14 =	vnsel vm5, $0x0, v11;
	v12 =	vpop (erf)  }
0x1f9: {  	v8 =	vor.u32 $0x8, v19;
	v2 =	vmul.f32 $1.442695020e+00, v2;
	[tilespmem:v3+s31+$0x0] =	vst.idx.msk $0xffff, v14;
	v3 =	vnsel vm2, $0x0, v12;
	v5 =	vpop (erf)  }
0x1fa: {  	v11 =	vor.u32 $0x5, v25;
	v1 =	vadd.f32 v1, v9;
	[tilespmem:v7+s31+$0x0] =	vst.idx.msk $0xffff, v3;
	v3 =	vnsel vm0, $0x0, v5  }
0x1fb: {  	v5 =	vld.idx.msk [tilespmem:v10+s14+$0x0], $0xffff;
	[tilespmem:v0+s31+$0x0] =	vst.idx.msk $0xffff, v3  }
0x1fc: {  	(erf) = vpow2.f32 v2;
	v2 =	vmul.f32 $2.000000030e-01, v1;
	v0 =	vimm.f32 $0.0e+00;
	v3 =	vld.idx.msk [tilespmem:v10+s15+$0x0], $0xffff  }
0x1fd: {  	vm6 =	vge.f32 v1, $0.0e+00;
	v0 =	vsel vm0, $0x3F800000, v0  }
0x1fe: {  	v7 =	vbroadcast v21, $0x2;
	v1 =	vsel vm6, v1, v2;
	[tilespmem:v8+s31+$0x0] =	vst.idx.msk $0xffff, v0  }
0x1ff: {  	v1 =	vmul.f32 $1.442695020e+00, v1;
	v0 =	vld.idx.msk [tilespmem:v11+s14+$0x0], $0xffff;
	[tilespmem:v13+s31+$0x0] =	vst.idx.msk $0xffff, v17;
	v17 =	vmov v20;
	v20 =	vmov v6;
	v6 =	vpop (erf)  }
0x200: {  	v2 =	vld.idx.msk [tilespmem:v11+s15+$0x0], $0xffff;
	v6 =	vnsel vm3, $0x0, v6  }
0x201: {  	(erf) = vpow2.f32 v1;
	v1 =	vadd.f32 v3, v5;
	v3 =	vmul.f32 v7, v20  }
0x202: {  	[tilespmem:v4+s31+$0x0] =	vst.idx.msk $0xffff, v6;
	v4 =	vbroadcast v23, $0x5  }
0x203: {  	v3 =	vadd.f32 v1, v3  }
0x204: {  	vm0 =	vmmov vm2;
	v5 =	vld.idx.msk [tilespmem:v52+s14+$0x0], $0xffff;
	v8 =	vmul.f32 v18, v4  }
0x205: {  	v6 =	vld.idx.msk [tilespmem:v52+s15+$0x0], $0xffff;
	v1 =	vmul.f32 v4, v17;
	v0 =	vadd.f32 v2, v0;
	v2 =	vpop (erf);
	v4 =	vmul.f32 $2.000000030e-01, v3  }
0x206: {  	vm2 =	vmmov vm5;
	v2 =	vnsel vm4, $0x0, v2;
	vm5 =	vge.f32 v3, $0.0e+00  }
0x207: {  	[tilespmem:v41+s31+$0x0] =	vst.idx.msk $0xffff, v2;
	v2 =	vsel vm5, v3, v4  }
0x208: {  	v2 =	vmul.f32 $1.442695020e+00, v2;
	_ =	sdelay $0x1  }
0x209: {  	v0 =	vadd.f32 v0, v1;
	v5 =	vadd.f32 v6, v5;
	v6 =	vpop (erf);
	(erf) = vpow2.f32 v2;
	v2 =	vld [tilespmem:$0x1FED0];
	_ =	sdelay $0x1  }
0x20a: {  	v3 =	vmul.f32 $2.000000030e-01, v0  }
0x20b: {  	vm5 =	vge.f32 v0, $0.0e+00  }
0x20c: {  	v0 =	vsel vm5, v0, v3  }
0x20d: {  	v1 =	vld.idx.msk [tilespmem:v42+s14+$0x0], $0xffff;
	v0 =	vmul.f32 $1.442695020e+00, v0  }
0x20e: {  	v4 =	vld.idx.msk [tilespmem:v42+s15+$0x0], $0xffff  }
0x20f: {  	v3 =	vnsel vm1, $0x0, v6;
	(erf) = vpow2.f32 v0;
	v0 =	vld [tilespmem:$0x1FEF0]  }
0x210: {  	[tilespmem:v2+s31+$0x0] =	vst.idx.msk $0xffff, v3;
	v2 =	vld [tilespmem:$0x1FEE0];
	_ =	sdelay $0x2  }
0x211: {  	s17 =	sadd.s32 $0x2, s17;
	v9 =	vld [tilespmem:$0x1FEC0]  }
0x212: {  	p3 =	slt.u32 s17, $0x4;
	v16 =	vmov v0;
	v0 =	vld [tilespmem:$0x1FF00]  }
.Ltmp6:
0x213: {  	v7 =	vmul.f32 v26, v7;
	(pc) =	sbr.rel @p3 .LBB2_7-.Ltmp6, $4  }
0x214: {  	v48 =	vmov v57;
	v57 =	vlaneseq.u32;
	v47 =	vmov v58  }
0x215: {  	v29 =	vmovc v53;
	v15 =	vmovc v34;
	v34 =	vmov v51;
	v19 =	vmov v24;
	v6 =	vadd.f32 v5, v7  }
0x216: {  	v24 =	vmovc v63;
	v13 =	vmovc v32;
	v41 =	vmov v54;
	v42 =	vmov v9;
	vm1 =	vmmov vm4;
	[tilespmem:v2+s31+$0x0] =	vst.idx.msk $0xffff, v33  }
0x217: {  	s18 =	sadd.s32 $0x20, s18;
	vm5 =	vge.f32 v6, $0.0e+00;
	v10 =	vmul.f32 $2.000000030e-01, v6;
	v14 =	vmovc v0;
	v33 =	vmovc v35;
	v35 =	vmov v55;
	[tilespmem:v50+s31+$0x0] =	vst.idx.msk $0xffff, v49  }
0x218: {  	_ = 	snop  }
0x219: {  	v0 =	vsel vm5, v6, v10  }
0x21a: {  	v0 =	vmul.f32 $1.442695020e+00, v0;
	_ =	sdelay $0x1  }
0x21b: {  	(erf) = vpow2.f32 v0;
	_ =	sdelay $0x1  }
0x21c: {  	v0 =	vor.u32 $0x2, v24  }
0x21d: {  	v2 =	vor.u32 $0x3, v22  }
0x21e: {  	v3 =	vor.u32 $0x5, v19  }
0x21f: {  	v5 =	vpop (erf);
	v6 =	vor.u32 $0x6, v25  }
0x220: {  	v5 =	vnsel vm2, $0x0, v5  }
0x221: {  	[tilespmem:v0+s31+$0x0] =	vst.idx.msk $0xffff, v5;
	v0 =	vpop (erf)  }
0x222: {  	v5 =	vld.idx.msk [tilespmem:v2+s14+$0x0], $0xffff;
	v0 =	vnsel vm0, $0x0, v0  }
0x223: {  	vm3 =	vmmov vm3;
	v1 =	vadd.f32 v4, v1;
	v2 =	vld.idx.msk [tilespmem:v2+s15+$0x0], $0xffff;
	[tilespmem:v3+s31+$0x0] =	vst.idx.msk $0xffff, v0;
	v3 =	vpop (erf)  }
0x224: {  	v0 =	vld.idx.msk [tilespmem:v6+s14+$0x0], $0xffff;
	v3 =	vnsel vm3, $0x0, v3  }
0x225: {  	v1 =	vadd.f32 v1, v8;
	v6 =	vld.idx.msk [tilespmem:v6+s15+$0x0], $0xffff;
	[tilespmem:v48+s31+$0x0] =	vst.idx.msk $0xffff, v3  }
0x226: {  	v3 =	vbroadcast v21, $0x3;
	v4 =	vld.idx.msk [tilespmem:v47+s14+$0x0], $0xffff  }
0x227: {  	v7 =	vbroadcast v23, $0x6;
	v9 =	vmul.f32 $2.000000030e-01, v1;
	v8 =	vld.idx.msk [tilespmem:v47+s15+$0x0], $0xffff  }
0x228: {  	vm4 =	vge.f32 v1, $0.0e+00;
	v2 =	vadd.f32 v2, v5;
	v5 =	vmul.f32 v3, v20  }
0x229: {  	v1 =	vsel vm4, v1, v9  }
0x22a: {  	v0 =	vadd.f32 v6, v0;
	v6 =	vmul.f32 v7, v17;
	v2 =	vadd.f32 v2, v5  }
0x22b: {  	v1 =	vmul.f32 $1.442695020e+00, v1;
	v3 =	vmul.f32 v26, v3  }
0x22c: {  	v0 =	vadd.f32 v0, v6;
	v4 =	vadd.f32 v8, v4;
	v5 =	vmul.f32 $2.000000030e-01, v2  }
0x22d: {  	(erf) = vpow2.f32 v1;
	vm9 =	vge.f32 v2, $0.0e+00  }
0x22e: {  	v2 =	vsel vm9, v2, v5;
	v3 =	vadd.f32 v4, v3;
	v4 =	vmul.f32 $2.000000030e-01, v0  }
0x22f: {  	vm10 =	vge.f32 v0, $0.0e+00;
	v1 =	vmul.f32 $1.442695020e+00, v2  }
0x230: {  	v0 =	vsel vm10, v0, v4;
	v2 =	vmul.f32 $2.000000030e-01, v3  }
0x231: {  	(erf) = vpow2.f32 v1;
	v0 =	vmul.f32 $1.442695020e+00, v0  }
0x232: {  	vm11 =	vge.f32 v3, $0.0e+00  }
0x233: {  	v1 =	vsel vm11, v3, v2;
	(erf) = vpow2.f32 v0;
	_ =	sdelay $0x1  }
0x234: {  	v0 =	vmul.f32 $1.442695020e+00, v1  }
0x235: {  	v1 =	vpop (erf)  }
0x236: {  	(erf) = vpow2.f32 v0;
	v0 =	vor.u32 $0x3, v24;
	v1 =	vnsel vm1, $0x0, v1;
	_ =	sdelay $0x2  }
0x237: {  	v2 =	vor.u32 $0x4, v22;
	[tilespmem:v44+s31+$0x0] =	vst.idx.msk $0xffff, v1;
	v1 =	vpop (erf)  }
0x238: {  	v3 =	vor.u32 $0x6, v19;
	v1 =	vnsel vm2, $0x0, v1  }
0x239: {  	v4 =	vor.u32 $0x7, v25;
	[tilespmem:v0+s31+$0x0] =	vst.idx.msk $0xffff, v1;
	v0 =	vpop (erf)  }
0x23a: {  	v5 =	vld.idx.msk [tilespmem:v43+s14+$0x0], $0xffff;
	v0 =	vnsel vm0, $0x0, v0  }
0x23b: {  	v6 =	vld.idx.msk [tilespmem:v43+s15+$0x0], $0xffff  }
0x23c: {  	v1 =	vld.idx.msk [tilespmem:v2+s14+$0x0], $0xffff  }
0x23d: {  	v2 =	vld.idx.msk [tilespmem:v2+s15+$0x0], $0xffff;
	[tilespmem:v3+s31+$0x0] =	vst.idx.msk $0xffff, v0;
	v0 =	vpop (erf)  }
0x23e: {  	v3 =	vld.idx.msk [tilespmem:v4+s14+$0x0], $0xffff;
	v0 =	vnsel vm3, $0x0, v0  }
0x23f: {  	[tilespmem:v46+s31+$0x0] =	vst.idx.msk $0xffff, v0;
	v0 =	vld.idx.msk [tilespmem:v4+s15+$0x0], $0xffff  }
0x240: {  	v5 =	vadd.f32 v6, v5;
	v4 =	vmul.f32 v18, v7  }
0x241: {  	v6 =	vld.idx.msk [tilespmem:v45+s14+$0x0], $0xffff  }
0x242: {  	v7 =	vbroadcast v21, $0x4;
	v8 =	vld.idx.msk [tilespmem:v45+s15+$0x0], $0xffff;
	v4 =	vadd.f32 v5, v4  }
0x243: {  	v1 =	vadd.f32 v2, v1;
	v5 =	vbroadcast v23, $0x7  }
0x244: {  	v2 =	vmul.f32 v7, v20;
	v0 =	vadd.f32 v0, v3;
	v3 =	vmul.f32 $2.000000030e-01, v4  }
0x245: {  	vm12 =	vge.f32 v4, $0.0e+00  }
0x246: {  	v1 =	vadd.f32 v1, v2;
	v2 =	vmul.f32 v5, v17;
	v3 =	vsel vm12, v4, v3  }
0x247: {  	v4 =	vadd.f32 v8, v6;
	v6 =	vmul.f32 v26, v7;
	v3 =	vmul.f32 $1.442695020e+00, v3  }
0x248: {  	v0 =	vadd.f32 v0, v2;
	v2 =	vmul.f32 $2.000000030e-01, v1  }
0x249: {  	vm13 =	vge.f32 v1, $0.0e+00;
	v4 =	vadd.f32 v4, v6;
	(erf) = vpow2.f32 v3  }
0x24a: {  	v1 =	vsel vm13, v1, v2;
	v3 =	vmul.f32 $2.000000030e-01, v0  }
0x24b: {  	v1 =	vmul.f32 $1.442695020e+00, v1;
	v2 =	vmul.f32 $2.000000030e-01, v4  }
0x24c: {  	vm14 =	vge.f32 v0, $0.0e+00;
	vm15 =	vge.f32 v4, $0.0e+00  }
0x24d: {  	v0 =	vsel vm14, v0, v3;
	(erf) = vpow2.f32 v1;
	v1 =	vsel vm15, v4, v2  }
0x24e: {  	v0 =	vmul.f32 $1.442695020e+00, v0;
	v1 =	vmul.f32 $1.442695020e+00, v1;
	_ =	sdelay $0x1  }
0x24f: {  	(erf) = vpow2.f32 v0  }
0x250: {  	(erf) = vpow2.f32 v1  }
0x251: {  	v1 =	vpop (erf)  }
0x252: {  	v0 =	vor.u32 $0x4, v24;
	v1 =	vnsel vm1, $0x0, v1  }
0x253: {  	v2 =	vor.u32 $0x5, v22;
	_ =	sdelay $0x1  }
0x254: {  	[tilespmem:v40+s31+$0x0] =	vst.idx.msk $0xffff, v1;
	v1 =	vpop (erf)  }
0x255: {  	v3 =	vld.idx.msk [tilespmem:v39+s14+$0x0], $0xffff;
	v1 =	vnsel vm2, $0x0, v1  }
0x256: {  	v4 =	vld.idx.msk [tilespmem:v39+s15+$0x0], $0xffff;
	[tilespmem:v0+s31+$0x0] =	vst.idx.msk $0xffff, v1  }
0x257: {  	v6 =	vpop (erf);
	v0 =	vld.idx.msk [tilespmem:v2+s14+$0x0], $0xffff  }
0x258: {  	v2 =	vld.idx.msk [tilespmem:v2+s15+$0x0], $0xffff;
	v1 =	vpop (erf)  }
0x259: {  	v1 =	vnsel vm3, $0x0, v1  }
0x25a: {  	[tilespmem:v41+s31+$0x0] =	vst.idx.msk $0xffff, v1  }
0x25b: {  	v7 =	vbroadcast v21, $0x5;
	v1 =	vld.idx.msk [tilespmem:v42+s14+$0x0], $0xffff  }
0x25c: {  	v5 =	vmul.f32 v18, v5;
	v3 =	vadd.f32 v4, v3;
	v8 =	vld.idx.msk [tilespmem:v42+s15+$0x0], $0xffff  }
0x25d: {  	v0 =	vadd.f32 v2, v0;
	v2 =	vmul.f32 v7, v20  }
0x25e: {  	v3 =	vadd.f32 v3, v5  }
0x25f: {  	v0 =	vadd.f32 v0, v2  }
0x260: {  	v4 =	vmul.f32 v26, v7;
	v2 =	vmul.f32 $2.000000030e-01, v3  }
0x261: {  	vm8 =	vge.f32 v3, $0.0e+00;
	v1 =	vadd.f32 v8, v1;
	v5 =	vmul.f32 $2.000000030e-01, v0  }
0x262: {  	v2 =	vsel vm8, v3, v2;
	vm9 =	vge.f32 v0, $0.0e+00  }
0x263: {  	v2 =	vmul.f32 $1.442695020e+00, v2;
	v1 =	vadd.f32 v1, v4;
	v0 =	vsel vm9, v0, v5  }
0x264: {  	v0 =	vmul.f32 $1.442695020e+00, v0  }
0x265: {  	(erf) = vpow2.f32 v2;
	v3 =	vmul.f32 $2.000000030e-01, v1  }
0x266: {  	vm10 =	vge.f32 v1, $0.0e+00;
	(erf) = vpow2.f32 v0  }
0x267: {  	v0 =	vsel vm10, v1, v3  }
0x268: {  	v0 =	vmul.f32 $1.442695020e+00, v0;
	_ =	sdelay $0x1  }
0x269: {  	(erf) = vpow2.f32 v0;
	_ =	sdelay $0x1  }
0x26a: {  	v0 =	vor.u32 $0x5, v24  }
0x26b: {  	v1 =	vor.u32 $0x6, v22  }
0x26c: {  	v2 =	vpop (erf)  }
0x26d: {  	vm11 =	vmmov vm2;
	v3 =	vpop (erf)  }
0x26e: {  	v3 =	vnsel vm11, $0x0, v3  }
0x26f: {  	[tilespmem:v0+s31+$0x0] =	vst.idx.msk $0xffff, v3  }
0x270: {  	v0 =	vld.idx.msk [tilespmem:v1+s14+$0x0], $0xffff  }
0x271: {  	vm3 =	vmmov vm3;
	v1 =	vld.idx.msk [tilespmem:v1+s15+$0x0], $0xffff;
	v3 =	vpop (erf)  }
0x272: {  	v3 =	vnsel vm3, $0x0, v3  }
0x273: {  	[tilespmem:v38+s31+$0x0] =	vst.idx.msk $0xffff, v3  }
0x274: {  	v4 =	vbroadcast v21, $0x6;
	v3 =	vld.idx.msk [tilespmem:v37+s14+$0x0], $0xffff  }
0x275: {  	v5 =	vld.idx.msk [tilespmem:v37+s15+$0x0], $0xffff  }
0x276: {  	v7 =	vmul.f32 v4, v20;
	v0 =	vadd.f32 v1, v0;
	_ =	sdelay $0x1  }
0x277: {  	v0 =	vadd.f32 v0, v7;
	_ =	sdelay $0x1  }
0x278: {  	v1 =	vmul.f32 v26, v4;
	v3 =	vadd.f32 v5, v3;
	v4 =	vmul.f32 $2.000000030e-01, v0  }
0x279: {  	vm12 =	vge.f32 v0, $0.0e+00  }
0x27a: {  	v1 =	vadd.f32 v3, v1;
	v0 =	vsel vm12, v0, v4  }
0x27b: {  	v0 =	vmul.f32 $1.442695020e+00, v0  }
0x27c: {  	v3 =	vmul.f32 $2.000000030e-01, v1  }
0x27d: {  	vm13 =	vge.f32 v1, $0.0e+00;
	(erf) = vpow2.f32 v0  }
0x27e: {  	v0 =	vsel vm13, v1, v3  }
0x27f: {  	v0 =	vmul.f32 $1.442695020e+00, v0;
	_ =	sdelay $0x1  }
0x280: {  	(erf) = vpow2.f32 v0;
	_ =	sdelay $0x1  }
0x281: {  	v0 =	vor.u32 $0x6, v24  }
0x282: {  	v1 =	vor.u32 $0x7, v22;
	_ =	sdelay $0x1  }
0x283: {  	v3 =	vpop (erf)  }
0x284: {  	v3 =	vnsel vm11, $0x0, v3  }
0x285: {  	[tilespmem:v0+s31+$0x0] =	vst.idx.msk $0xffff, v3  }
0x286: {  	v0 =	vld.idx.msk [tilespmem:v1+s14+$0x0], $0xffff  }
0x287: {  	v1 =	vld.idx.msk [tilespmem:v1+s15+$0x0], $0xffff;
	v3 =	vpop (erf)  }
0x288: {  	v3 =	vnsel vm3, $0x0, v3  }
0x289: {  	[tilespmem:v56+s31+$0x0] =	vst.idx.msk $0xffff, v3  }
0x28a: {  	v4 =	vbroadcast v21, $0x7;
	v3 =	vld.idx.msk [tilespmem:v36+s14+$0x0], $0xffff  }
0x28b: {  	v5 =	vld.idx.msk [tilespmem:v36+s15+$0x0], $0xffff  }
0x28c: {  	v0 =	vadd.f32 v1, v0;
	v1 =	vmul.f32 v4, v20;
	_ =	sdelay $0x1  }
0x28d: {  	v0 =	vadd.f32 v0, v1;
	_ =	sdelay $0x1  }
0x28e: {  	v1 =	vmul.f32 v26, v4;
	v3 =	vadd.f32 v5, v3;
	v4 =	vmul.f32 $2.000000030e-01, v0  }
0x28f: {  	vm14 =	vge.f32 v0, $0.0e+00  }
0x290: {  	v1 =	vadd.f32 v3, v1;
	v0 =	vsel vm14, v0, v4  }
0x291: {  	v0 =	vmul.f32 $1.442695020e+00, v0  }
0x292: {  	v3 =	vmul.f32 $2.000000030e-01, v1  }
0x293: {  	v4 =	vor.u32 $0x7, v19;
	vm15 =	vge.f32 v1, $0.0e+00;
	(erf) = vpow2.f32 v0  }
0x294: {  	v0 =	vsel vm15, v1, v3;
	v1 =	vor.u32 $0x8, v19  }
0x295: {  	v0 =	vmul.f32 $1.442695020e+00, v0  }
0x296: {  	v7 =	vimm.f32 $0.0e+00  }
0x297: {  	v3 =	vor.u32 $0x9, v19;
	(erf) = vpow2.f32 v0;
	v0 =	vnsel vm0, $0x0, v6  }
0x298: {  	[tilespmem:v4+s31+$0x0] =	vst.idx.msk $0xffff, v0;
	v0 =	vsel vm0, $0x3F800000, v7  }
0x299: {  	[tilespmem:v1+s31+$0x0] =	vst.idx.msk $0xffff, v0;
	v0 =	vor.u32 $0x7, v24;
	_ =	sdelay $0x2  }
0x29a: {  	v1 =	vnsel vm1, $0x0, v2;
	v2 =	vor.u32 $0x8, v24;
	[tilespmem:v3+s31+$0x0] =	vst.idx.msk $0xffff, v17;
	v3 =	vpop (erf)  }
0x29b: {  	[tilespmem:v13+s31+$0x0] =	vst.idx.msk $0xffff, v1;
	v1 =	vor.u32 $0x9, v24;
	v3 =	vnsel vm11, $0x0, v3  }
0x29c: {  	[tilespmem:v0+s31+$0x0] =	vst.idx.msk $0xffff, v3;
	v0 =	vsel vm11, $0x3F800000, v7  }
0x29d: {  	[tilespmem:v15+s31+$0x0] =	vst.idx.msk $0xffff, v33  }
0x29e: {  	[tilespmem:v16+s31+$0x0] =	vst.idx.msk $0xffff, v18  }
0x29f: {  	[tilespmem:v2+s31+$0x0] =	vst.idx.msk $0xffff, v0;
	v0 =	vpop (erf)  }
0x2a0: {  	[tilespmem:v1+s31+$0x0] =	vst.idx.msk $0xffff, v20;
	v0 =	vnsel vm3, $0x0, v0  }
0x2a1: {  	[tilespmem:v29+s31+$0x0] =	vst.idx.msk $0xffff, v0  }
0x2a2: {  	[tilespmem:v34+s31+$0x0] =	vst.idx.msk $0xffff, v35  }
0x2a3: {  	[tilespmem:v14+s31+$0x0] =	vst.idx.msk $0xffff, v26  }
0x2a4: {  	v3 =	vld [tilespmem:$0x1FF30];
	_ =	sdelay $0x5  }
0x2a5: {  	v0 =	vld [tilespmem:$0x220]  }
0x2a6: {  	v1 =	vld [tilespmem:$0x8EA0]  }
0x2a7: {  	v2 =	vld.idx.msk [tilespmem:v3+s14+$0x0], $0xffff  }
0x2a8: {  	v3 =	vld.idx.msk [tilespmem:v3+s15+$0x0], $0xffff;
	_ =	sdelay $0x2  }
0x2a9: {  	v4 =	vbroadcast v1, $0x0;
	_ =	sdelay $0x1  }
0x2aa: {  	v2 =	vadd.f32 v3, v2;
	v3 =	vmul.f32 v4, v0;
	_ =	sdelay $0x1  }
0x2ab: {  	v2 =	vadd.f32 v2, v3;
	_ =	sdelay $0x1  }
0x2ac: {  	v3 =	vmul.f32 $2.000000030e-01, v2  }
0x2ad: {  	vm7 =	vge.f32 v2, $0.0e+00  }
0x2ae: {  	v2 =	vsel vm7, v2, v3  }
0x2af: {  	v2 =	vmul.f32 $1.442695020e+00, v2  }
0x2b0: {  	v3 =	vld [tilespmem:$0x1FF10]  }
0x2b1: {  	(erf) = vpow2.f32 v2;
	v2 =	vld [tilespmem:$0x1FF20];
	_ =	sdelay $0x4  }
0x2b2: {  	vm8 =	vlt.u32 v3, v2;
	v3 =	vld [tilespmem:$0x1FF40];
	_ =	sdelay $0x5  }
0x2b3: {  	v2 =	vpop (erf)  }
0x2b4: {  	v2 =	vnsel vm8, $0x0, v2  }
0x2b5: {  	[tilespmem:v3+s31+$0x0] =	vst.idx.msk $0xffff, v2;
	v3 =	vld [tilespmem:$0x1FF50];
	_ =	sdelay $0x7  }
0x2b6: {  	v2 =	vld.idx.msk [tilespmem:v3+s14+$0x0], $0xffff  }
0x2b7: {  	v3 =	vld.idx.msk [tilespmem:v3+s15+$0x0], $0xffff;
	_ =	sdelay $0x2  }
0x2b8: {  	v4 =	vbroadcast v1, $0x1;
	_ =	sdelay $0x1  }
0x2b9: {  	v2 =	vadd.f32 v3, v2;
	v3 =	vmul.f32 v4, v0;
	_ =	sdelay $0x1  }
0x2ba: {  	v2 =	vadd.f32 v2, v3;
	_ =	sdelay $0x1  }
0x2bb: {  	v3 =	vmul.f32 $2.000000030e-01, v2  }
0x2bc: {  	vm9 =	vge.f32 v2, $0.0e+00  }
0x2bd: {  	v2 =	vsel vm9, v2, v3  }
0x2be: {  	v2 =	vmul.f32 $1.442695020e+00, v2;
	_ =	sdelay $0x1  }
0x2bf: {  	(erf) = vpow2.f32 v2;
	_ =	sdelay $0x2  }
0x2c0: {  	v3 =	vld [tilespmem:$0x1FF60];
	_ =	sdelay $0x5  }
0x2c1: {  	v2 =	vpop (erf)  }
0x2c2: {  	v2 =	vnsel vm8, $0x0, v2  }
0x2c3: {  	[tilespmem:v3+s31+$0x0] =	vst.idx.msk $0xffff, v2;
	v3 =	vld [tilespmem:$0x1FF70];
	_ =	sdelay $0x7  }
0x2c4: {  	v2 =	vld.idx.msk [tilespmem:v3+s14+$0x0], $0xffff  }
0x2c5: {  	v3 =	vld.idx.msk [tilespmem:v3+s15+$0x0], $0xffff;
	_ =	sdelay $0x2  }
0x2c6: {  	v4 =	vbroadcast v1, $0x2;
	_ =	sdelay $0x1  }
0x2c7: {  	v2 =	vadd.f32 v3, v2;
	v3 =	vmul.f32 v4, v0;
	_ =	sdelay $0x1  }
0x2c8: {  	v2 =	vadd.f32 v2, v3;
	_ =	sdelay $0x1  }
0x2c9: {  	v3 =	vmul.f32 $2.000000030e-01, v2  }
0x2ca: {  	vm10 =	vge.f32 v2, $0.0e+00  }
0x2cb: {  	v2 =	vsel vm10, v2, v3  }
0x2cc: {  	v2 =	vmul.f32 $1.442695020e+00, v2;
	_ =	sdelay $0x1  }
0x2cd: {  	(erf) = vpow2.f32 v2;
	_ =	sdelay $0x2  }
0x2ce: {  	v3 =	vld [tilespmem:$0x1FF80];
	_ =	sdelay $0x5  }
0x2cf: {  	v2 =	vpop (erf)  }
0x2d0: {  	v2 =	vnsel vm8, $0x0, v2  }
0x2d1: {  	[tilespmem:v3+s31+$0x0] =	vst.idx.msk $0xffff, v2;
	v3 =	vld [tilespmem:$0x1FF90];
	_ =	sdelay $0x7  }
0x2d2: {  	v2 =	vld.idx.msk [tilespmem:v3+s14+$0x0], $0xffff  }
0x2d3: {  	v3 =	vld.idx.msk [tilespmem:v3+s15+$0x0], $0xffff;
	_ =	sdelay $0x2  }
0x2d4: {  	v4 =	vbroadcast v1, $0x3;
	_ =	sdelay $0x1  }
0x2d5: {  	v2 =	vadd.f32 v3, v2;
	v3 =	vmul.f32 v4, v0;
	_ =	sdelay $0x1  }
0x2d6: {  	v2 =	vadd.f32 v2, v3;
	_ =	sdelay $0x1  }
0x2d7: {  	v3 =	vmul.f32 $2.000000030e-01, v2  }
0x2d8: {  	vm11 =	vge.f32 v2, $0.0e+00  }
0x2d9: {  	v2 =	vsel vm11, v2, v3  }
0x2da: {  	v2 =	vmul.f32 $1.442695020e+00, v2;
	_ =	sdelay $0x1  }
0x2db: {  	(erf) = vpow2.f32 v2;
	_ =	sdelay $0x2  }
0x2dc: {  	v3 =	vld [tilespmem:$0x1FFA0];
	_ =	sdelay $0x5  }
0x2dd: {  	v2 =	vpop (erf)  }
0x2de: {  	v2 =	vnsel vm8, $0x0, v2  }
0x2df: {  	[tilespmem:v3+s31+$0x0] =	vst.idx.msk $0xffff, v2;
	v3 =	vld [tilespmem:$0x1FFB0];
	_ =	sdelay $0x7  }
0x2e0: {  	v2 =	vld.idx.msk [tilespmem:v3+s14+$0x0], $0xffff  }
0x2e1: {  	v3 =	vld.idx.msk [tilespmem:v3+s15+$0x0], $0xffff;
	_ =	sdelay $0x2  }
0x2e2: {  	v4 =	vbroadcast v1, $0x4;
	_ =	sdelay $0x1  }
0x2e3: {  	v2 =	vadd.f32 v3, v2;
	v3 =	vmul.f32 v4, v0;
	_ =	sdelay $0x1  }
0x2e4: {  	v2 =	vadd.f32 v2, v3;
	_ =	sdelay $0x1  }
0x2e5: {  	v3 =	vmul.f32 $2.000000030e-01, v2  }
0x2e6: {  	vm12 =	vge.f32 v2, $0.0e+00  }
0x2e7: {  	v2 =	vsel vm12, v2, v3  }
0x2e8: {  	v2 =	vmul.f32 $1.442695020e+00, v2;
	_ =	sdelay $0x1  }
0x2e9: {  	(erf) = vpow2.f32 v2;
	_ =	sdelay $0x2  }
0x2ea: {  	v3 =	vld [tilespmem:$0x1FFD0];
	_ =	sdelay $0x5  }
0x2eb: {  	v2 =	vpop (erf)  }
0x2ec: {  	v2 =	vnsel vm8, $0x0, v2  }
0x2ed: {  	[tilespmem:v3+s31+$0x0] =	vst.idx.msk $0xffff, v2;
	v3 =	vld [tilespmem:$0x1FFF0];
	_ =	sdelay $0x7  }
0x2ee: {  	v2 =	vld.idx.msk [tilespmem:v3+s14+$0x0], $0xffff  }
0x2ef: {  	v3 =	vld.idx.msk [tilespmem:v3+s15+$0x0], $0xffff;
	_ =	sdelay $0x2  }
0x2f0: {  	v4 =	vbroadcast v1, $0x5;
	_ =	sdelay $0x1  }
0x2f1: {  	v2 =	vadd.f32 v3, v2;
	v3 =	vmul.f32 v4, v0;
	_ =	sdelay $0x1  }
0x2f2: {  	v2 =	vadd.f32 v2, v3;
	_ =	sdelay $0x1  }
0x2f3: {  	v3 =	vmul.f32 $2.000000030e-01, v2  }
0x2f4: {  	vm13 =	vge.f32 v2, $0.0e+00  }
0x2f5: {  	v2 =	vsel vm13, v2, v3  }
0x2f6: {  	v2 =	vmul.f32 $1.442695020e+00, v2;
	_ =	sdelay $0x1  }
0x2f7: {  	(erf) = vpow2.f32 v2  }
0x2f8: {  	v6 =	vld [tilespmem:$0x1FFC0]  }
0x2f9: {  	v5 =	vld [tilespmem:$0x1FFE0];
	_ =	sdelay $0x3  }
0x2fa: {  	v17 =	vor.u32 $0x605, v6  }
0x2fb: {  	v16 =	vor.u32 $0x306, v5;
	_ =	sdelay $0x1  }
0x2fc: {  	v2 =	vpop (erf)  }
0x2fd: {  	v2 =	vnsel vm8, $0x0, v2  }
0x2fe: {  	[tilespmem:v17+s31+$0x0] =	vst.idx.msk $0xffff, v2  }
0x2ff: {  	v2 =	vld.idx.msk [tilespmem:v16+s14+$0x0], $0xffff  }
0x300: {  	v3 =	vld.idx.msk [tilespmem:v16+s15+$0x0], $0xffff;
	_ =	sdelay $0x2  }
0x301: {  	v4 =	vbroadcast v1, $0x6;
	_ =	sdelay $0x1  }
0x302: {  	v2 =	vadd.f32 v3, v2;
	v3 =	vmul.f32 v4, v0;
	_ =	sdelay $0x1  }
0x303: {  	v2 =	vadd.f32 v2, v3;
	_ =	sdelay $0x1  }
0x304: {  	v3 =	vmul.f32 $2.000000030e-01, v2  }
0x305: {  	vm14 =	vge.f32 v2, $0.0e+00  }
0x306: {  	v2 =	vsel vm14, v2, v3  }
0x307: {  	v2 =	vmul.f32 $1.442695020e+00, v2;
	_ =	sdelay $0x1  }
0x308: {  	(erf) = vpow2.f32 v2;
	_ =	sdelay $0x5  }
0x309: {  	v19 =	vor.u32 $0x606, v6  }
0x30a: {  	v18 =	vor.u32 $0x307, v5;
	_ =	sdelay $0x1  }
0x30b: {  	v2 =	vpop (erf)  }
0x30c: {  	v2 =	vnsel vm8, $0x0, v2  }
0x30d: {  	[tilespmem:v19+s31+$0x0] =	vst.idx.msk $0xffff, v2  }
0x30e: {  	v2 =	vld.idx.msk [tilespmem:v18+s14+$0x0], $0xffff  }
0x30f: {  	v3 =	vld.idx.msk [tilespmem:v18+s15+$0x0], $0xffff;
	_ =	sdelay $0x2  }
0x310: {  	v1 =	vbroadcast v1, $0x7;
	_ =	sdelay $0x1  }
0x311: {  	v1 =	vmul.f32 v1, v0;
	v2 =	vadd.f32 v3, v2;
	_ =	sdelay $0x1  }
0x312: {  	v1 =	vadd.f32 v2, v1;
	_ =	sdelay $0x1  }
0x313: {  	v2 =	vmul.f32 $2.000000030e-01, v1  }
0x314: {  	vm15 =	vge.f32 v1, $0.0e+00  }
0x315: {  	v1 =	vsel vm15, v1, v2  }
0x316: {  	v1 =	vmul.f32 $1.442695020e+00, v1;
	_ =	sdelay $0x1  }
0x317: {  	(erf) = vpow2.f32 v1;
	_ =	sdelay $0x5  }
0x318: {  	v22 =	vor.u32 $0x607, v6  }
0x319: {  	v20 =	vor.u32 $0x608, v6  }
0x31a: {  	v21 =	vor.u32 $0x609, v6  }
0x31b: {  	v1 =	vpop (erf)  }
0x31c: {  	v1 =	vnsel vm8, $0x0, v1  }
0x31d: {  	[tilespmem:v22+s31+$0x0] =	vst.idx.msk $0xffff, v1;
	v1 =	vsel vm8, $0x3F800000, v7  }
0x31e: {  	[tilespmem:v20+s31+$0x0] =	vst.idx.msk $0xffff, v1  }
0x31f: {  	[tilespmem:v21+s31+$0x0] =	vst.idx.msk $0xffff, v0  }
0x320: {  	_ =	swait.ge [sflag:s20], $0x3800  }
0x321: {  	[sflag:s20] =	ssyncset.done $0x0  }
0x322: {  	s2 =	simm.s32 $0x80C0;
	[sflag:s20] =	ssyncadd.s32 $0xFFFFC800  }
0x323: {  	v0 =	vld [tilespmem:s2+$0x10]  }
0x324: {  	s5 =	simm.s32 $0x11A0;
	v1 =	vld [tilespmem:s2+$0xFFFFFFF0]  }
0x325: {  	v2 =	vld [tilespmem:s5+$0xF0]  }
0x326: {  	v3 =	vld [tilespmem:s2+$0x0]  }
0x327: {  	v4 =	vld [tilespmem:s2+$0xFFFFFFE0]  }
0x328: {  	v5 =	vld [tilespmem:s5+$0xFFFFFF00]  }
0x329: {  	v6 =	vld [tilespmem:s5+$0xFFFFFF10];
	v8 =	vbroadcast v0, $0x0  }
0x32a: {  	v10 =	vld [tilespmem:s5+$0xFFFFFF20];
	v7 =	vbroadcast v0, $0x7;
	v9 =	vbroadcast v1, $0x0  }
0x32b: {  	v13 =	vld [tilespmem:s5+$0xFFFFFF30];
	v11 =	vbroadcast v1, $0x1;
	v12 =	vbroadcast v1, $0x2  }
0x32c: {  	v14 =	vld [tilespmem:s5+$0xFFFFFF40];
	v15 =	vbroadcast v1, $0x4;
	v23 =	vbroadcast v4, $0x0  }
0x32d: {  	v24 =	vld [tilespmem:s5+$0xFFFFFF50];
	v25 =	vbroadcast v4, $0x1;
	v26 =	vbroadcast v4, $0x2  }
0x32e: {  	v27 =	vld [tilespmem:s5+$0xFFFFFF60];
	v28 =	vbroadcast v4, $0x3;
	v29 =	vbroadcast v4, $0x4  }
0x32f: {  	v30 =	vld [tilespmem:s5+$0xFFFFFF70];
	v31 =	vbroadcast v4, $0x5;
	v32 =	vbroadcast v1, $0x6  }
0x330: {  	v59 =	vld [tilespmem:s5+$0x60];
	v60 =	vbroadcast v3, $0x6;
	v63 =	vbroadcast v0, $0x1  }
0x331: {  	v61 =	vld [tilespmem:s5+$0x70];
	v2 =	vmul.f32 v2, v7;
	v7 =	vbroadcast v1, $0x3  }
0x332: {  	v5 =	vmul.f32 v23, v5;
	v13 =	vmul.f32 v13, v28;
	v28 =	vld [tilespmem:s5+$0xFFFFFFA0]  }
0x333: {  	v62 =	vld [tilespmem:s5+$0x80];
	v6 =	vmul.f32 v6, v25;
	v10 =	vmul.f32 v10, v26  }
0x334: {  	v23 =	vld [tilespmem:s5+$0xFFFFFF80];
	v26 =	vbroadcast v4, $0x6;
	v4 =	vbroadcast v4, $0x7  }
0x335: {  	v29 =	vmul.f32 v14, v29;
	v14 =	vld [tilespmem:s5+$0xFFFFFFB0];
	v24 =	vmul.f32 v24, v31  }
0x336: {  	v25 =	vld [tilespmem:s5+$0xFFFFFF90];
	v26 =	vmul.f32 v27, v26;
	v27 =	vbroadcast v1, $0x5;
	[tilespmem:s5+$0xF0] =	vst v2  }
0x337: {  	v4 =	vmul.f32 v30, v4;
	[tilespmem:s5+$0xFFFFFF00] =	vst v5;
	v56 =	vmul.f32 v28, v12;
	v12 =	vld [tilespmem:s5+$0xFFFFFFF0]  }
0x338: {  	v31 =	vld [tilespmem:s5+$0xFFFFFFC0];
	v1 =	vbroadcast v1, $0x7;
	v2 =	vbroadcast v3, $0x0;
	[tilespmem:s5+$0xFFFFFF10] =	vst v6  }
0x339: {  	v30 =	vld [tilespmem:s5+$0xFFFFFFD0];
	v5 =	vbroadcast v3, $0x1;
	v6 =	vbroadcast v3, $0x2;
	[tilespmem:s5+$0xFFFFFF20] =	vst v10  }
0x33a: {  	v10 =	vbroadcast v3, $0x3;
	[tilespmem:s5+$0xFFFFFF30] =	vst v13;
	v58 =	vmul.f32 v14, v7;
	v7 =	vld [tilespmem:s5+$0x0]  }
0x33b: {  	v13 =	vbroadcast v3, $0x4;
	[tilespmem:s5+$0xFFFFFF40] =	vst v29;
	v29 =	vbroadcast v3, $0x5;
	v28 =	vld [tilespmem:s5+$0x10]  }
0x33c: {  	v3 =	vbroadcast v3, $0x7;
	v12 =	vmul.f32 v12, v1;
	v1 =	vld [tilespmem:s5+$0x40]  }
0x33d: {  	v23 =	vmul.f32 v9, v23;
	v15 =	vmul.f32 v31, v15;
	v31 =	vld [tilespmem:s5+$0x30]  }
0x33e: {  	[tilespmem:s5+$0xFFFFFF70] =	vst v4;
	v4 =	vbroadcast v0, $0x5;
	v9 =	vld [tilespmem:s5+$0xFFFFFFE0];
	v25 =	vmul.f32 v25, v11  }
0x33f: {  	v11 =	vmul.f32 v30, v27;
	v30 =	vld [tilespmem:s5+$0x20];
	[tilespmem:s5+$0xFFFFFF80] =	vst v23;
	v23 =	vmul.f32 v61, v3  }
0x340: {  	[tilespmem:s5+$0xFFFFFF90] =	vst v25;
	v25 =	vmul.f32 v8, v62;
	v14 =	vmul.f32 v2, v7;
	v2 =	vld [tilespmem:s5+$0x50]  }
0x341: {  	[tilespmem:s5+$0xFFFFFF60] =	vst v26;
	v8 =	vbroadcast v0, $0x6;
	v26 =	vmul.f32 v1, v13;
	v13 =	vld [tilespmem:s5+$0x90]  }
0x342: {  	v27 =	vmul.f32 v28, v5;
	v28 =	vmul.f32 v31, v10;
	v31 =	vld [tilespmem:s5+$0xA0]  }
0x343: {  	[tilespmem:s5+$0xFFFFFF50] =	vst v24;
	v9 =	vmul.f32 v9, v32;
	v7 =	vbroadcast v0, $0x2;
	v32 =	vld [tilespmem:s5+$0xB0]  }
0x344: {  	v33 =	vld [tilespmem:s5+$0xC0];
	[tilespmem:s5+$0xFFFFFFA0] =	vst v56;
	v5 =	vbroadcast v0, $0x3;
	v10 =	vmul.f32 v59, v60  }
0x345: {  	[tilespmem:s5+$0xFFFFFFB0] =	vst v58;
	v24 =	vmul.f32 v30, v6;
	v6 =	vbroadcast v0, $0x4;
	v1 =	vld [tilespmem:s5+$0xD0]  }
0x346: {  	s18 =	simm.s32 $0x0;
	s19 =	simm.s32 $0x8100;
	s17 =	simm.s32 $0x11A0;
	v34 =	vld [tilespmem:s5+$0xE0];
	[tilespmem:s5+$0xFFFFFFC0] =	vst v15;
	v58 =	vimm.f32 $0.0e+00;
	v30 =	vmul.f32 v2, v29;
	v29 =	vmul.f32 v13, v63  }
.LBB2_9:
0x347: {  	v0 =	vld [tilespmem:s19+$0x10];
	s18 =	sadd.s32 $0x4, s18;
	[tilespmem:s5+$0xFFFFFFD0] =	vst v11;
	v2 =	vmul.f32 v31, v7  }
0x348: {  	s5 =	sadd.s32 $0x200, s5;
	v3 =	vld [tilespmem:s19+$0xFFFFFFF0];
	p3 =	slt.u32 s18, $0x6C;
	[tilespmem:s17+$0xFFFFFFE0] =	vst v9;
	v5 =	vmul.f32 v32, v5  }
0x349: {  	v7 =	vld [tilespmem:s5+$0xF0];
	[tilespmem:s17+$0xFFFFFFF0] =	vst v12;
	v6 =	vmul.f32 v33, v6  }
0x34a: {  	v9 =	vld [tilespmem:s19+$0x0];
	[tilespmem:s17+$0x0] =	vst v14;
	v4 =	vmul.f32 v1, v4  }
0x34b: {  	v11 =	vld [tilespmem:s19+$0xFFFFFFE0];
	[tilespmem:s17+$0x10] =	vst v27;
	v8 =	vmul.f32 v34, v8  }
0x34c: {  	v12 =	vld [tilespmem:s5+$0xFFFFFF00];
	v1 =	vbroadcast v0, $0x0;
	v13 =	vbroadcast v0, $0x7;
	[tilespmem:s17+$0x20] =	vst v24  }
0x34d: {  	v14 =	vld [tilespmem:s5+$0xFFFFFF10];
	v15 =	vbroadcast v3, $0x0;
	v24 =	vbroadcast v3, $0x1;
	[tilespmem:s17+$0x30] =	vst v28  }
0x34e: {  	v28 =	vbroadcast v3, $0x2;
	v27 =	vld [tilespmem:s5+$0xFFFFFF20];
	v7 =	vmul.f32 v7, v13;
	[tilespmem:s17+$0x40] =	vst v26  }
0x34f: {  	v31 =	vbroadcast v3, $0x4;
	v26 =	vbroadcast v3, $0x3;
	v13 =	vld [tilespmem:s5+$0xFFFFFF30];
	[tilespmem:s17+$0x50] =	vst v30  }
0x350: {  	v30 =	vbroadcast v11, $0x0;
	v32 =	vbroadcast v11, $0x1;
	v33 =	vld [tilespmem:s5+$0xFFFFFF40];
	[tilespmem:s5+$0xF0] =	vst v7  }
0x351: {  	v34 =	vbroadcast v11, $0x2;
	v35 =	vbroadcast v11, $0x3;
	v36 =	vld [tilespmem:s5+$0xFFFFFF50];
	[tilespmem:s17+$0x60] =	vst v10  }
0x352: {  	v37 =	vbroadcast v11, $0x5;
	v10 =	vbroadcast v11, $0x4;
	v38 =	vld [tilespmem:s5+$0xFFFFFF60];
	[tilespmem:s17+$0x70] =	vst v23  }
0x353: {  	v23 =	vbroadcast v11, $0x6;
	v11 =	vbroadcast v11, $0x7;
	v39 =	vld [tilespmem:s5+$0xFFFFFF70];
	[tilespmem:s17+$0x80] =	vst v25  }
0x354: {  	v40 =	vbroadcast v3, $0x5;
	v41 =	vbroadcast v3, $0x6;
	v25 =	vld [tilespmem:s5+$0xFFFFFF80];
	[tilespmem:s17+$0x90] =	vst v29  }
0x355: {  	v3 =	vbroadcast v3, $0x7;
	v42 =	vbroadcast v9, $0x0;
	v29 =	vld [tilespmem:s5+$0xFFFFFF90];
	[tilespmem:s17+$0xA0] =	vst v2  }
0x356: {  	v43 =	vbroadcast v9, $0x1;
	v44 =	vbroadcast v9, $0x2;
	v2 =	vld [tilespmem:s5+$0xFFFFFFA0];
	[tilespmem:s17+$0xB0] =	vst v5  }
0x357: {  	v46 =	vbroadcast v9, $0x3;
	v47 =	vbroadcast v9, $0x4;
	v45 =	vld [tilespmem:s5+$0xFFFFFFB0];
	[tilespmem:s17+$0xC0] =	vst v6  }
0x358: {  	v49 =	vbroadcast v9, $0x5;
	v50 =	vbroadcast v9, $0x6;
	v48 =	vld [tilespmem:s5+$0xFFFFFFC0];
	[tilespmem:s17+$0xD0] =	vst v4  }
0x359: {  	v53 =	vbroadcast v0, $0x1;
	v52 =	vbroadcast v9, $0x7;
	v51 =	vld [tilespmem:s5+$0xFFFFFFD0];
	[tilespmem:s17+$0xE0] =	vst v8;
	s17 =	smov.u32 s5  }
0x35a: {  	v7 =	vbroadcast v0, $0x2;
	v5 =	vbroadcast v0, $0x3;
	v9 =	vld [tilespmem:s5+$0xFFFFFFE0]  }
0x35b: {  	v6 =	vbroadcast v0, $0x4;
	v4 =	vbroadcast v0, $0x5;
	v54 =	vld [tilespmem:s5+$0xFFFFFFF0]  }
0x35c: {  	v12 =	vmul.f32 v30, v12;
	v8 =	vbroadcast v0, $0x6;
	v30 =	vld [tilespmem:s5+$0x0]  }
0x35d: {  	v0 =	vmul.f32 v14, v32;
	v14 =	vmul.f32 v27, v34;
	v27 =	vld [tilespmem:s5+$0x10]  }
0x35e: {  	v10 =	vmul.f32 v33, v10;
	[tilespmem:s5+$0xFFFFFF00] =	vst v12;
	v12 =	vmul.f32 v13, v35;
	v13 =	vld [tilespmem:s5+$0x20]  }
0x35f: {  	v23 =	vmul.f32 v38, v23;
	[tilespmem:s5+$0xFFFFFF10] =	vst v0;
	v0 =	vmul.f32 v36, v37;
	v32 =	vld [tilespmem:s5+$0x30]  }
0x360: {  	v33 =	vmul.f32 v39, v11;
	v15 =	vmul.f32 v15, v25;
	[tilespmem:s5+$0xFFFFFF20] =	vst v14;
	v25 =	vld [tilespmem:s5+$0x40]  }
0x361: {  	v29 =	vmul.f32 v29, v24;
	v2 =	vmul.f32 v2, v28;
	[tilespmem:s5+$0xFFFFFF30] =	vst v12;
	v34 =	vld [tilespmem:s5+$0x50]  }
0x362: {  	v35 =	vmul.f32 v45, v26;
	v36 =	vmul.f32 v48, v31;
	[tilespmem:s5+$0xFFFFFF40] =	vst v10;
	v10 =	vld [tilespmem:s5+$0x60]  }
0x363: {  	v11 =	vmul.f32 v51, v40;
	v9 =	vmul.f32 v9, v41;
	[tilespmem:s5+$0xFFFFFF50] =	vst v0;
	v0 =	vld [tilespmem:s5+$0x70]  }
0x364: {  	v12 =	vmul.f32 v54, v3;
	v14 =	vmul.f32 v42, v30;
	[tilespmem:s5+$0xFFFFFF60] =	vst v23;
	v3 =	vld [tilespmem:s5+$0x80]  }
0x365: {  	v27 =	vmul.f32 v27, v43;
	v24 =	vmul.f32 v13, v44;
	[tilespmem:s5+$0xFFFFFF70] =	vst v33;
	v13 =	vld [tilespmem:s5+$0x90]  }
.Ltmp7:
0x366: {  	v28 =	vmul.f32 v32, v46;
	v26 =	vmul.f32 v25, v47;
	[tilespmem:s5+$0xFFFFFF80] =	vst v15;
	v31 =	vld [tilespmem:s5+$0xA0];
	(pc) =	sbr.rel @p3 .LBB2_9-.Ltmp7, $4  }
0x367: {  	v30 =	vmul.f32 v34, v49;
	[tilespmem:s5+$0xFFFFFF90] =	vst v29;
	v10 =	vmul.f32 v10, v50;
	v32 =	vld [tilespmem:s5+$0xB0]  }
0x368: {  	[tilespmem:s5+$0xFFFFFFA0] =	vst v2;
	v23 =	vmul.f32 v0, v52;
	v33 =	vld [tilespmem:s5+$0xC0]  }
0x369: {  	[tilespmem:s5+$0xFFFFFFB0] =	vst v35;
	v25 =	vmul.f32 v1, v3;
	v1 =	vld [tilespmem:s5+$0xD0]  }
0x36a: {  	s19 =	sadd.s32 $0x40, s19;
	[tilespmem:s5+$0xFFFFFFC0] =	vst v36;
	v29 =	vmul.f32 v13, v53;
	v34 =	vld [tilespmem:s5+$0xE0]  }
0x36b: {  	[tilespmem:s5+$0xFFFFFFD0] =	vst v11  }
0x36c: {  	[tilespmem:s17+$0x0] =	vst v14  }
0x36d: {  	[tilespmem:s17+$0x10] =	vst v27  }
0x36e: {  	[tilespmem:s17+$0x20] =	vst v24  }
0x36f: {  	[tilespmem:s17+$0x30] =	vst v28  }
0x370: {  	[tilespmem:s17+$0x40] =	vst v26  }
0x371: {  	[tilespmem:s17+$0x50] =	vst v30  }
0x372: {  	[tilespmem:s17+$0x60] =	vst v10  }
0x373: {  	[tilespmem:s17+$0x70] =	vst v23  }
0x374: {  	[tilespmem:s17+$0x80] =	vst v25  }
0x375: {  	[tilespmem:s17+$0xFFFFFFE0] =	vst v9  }
0x376: {  	v0 =	vmul.f32 v31, v7;
	[tilespmem:s17+$0xFFFFFFF0] =	vst v12  }
0x377: {  	v2 =	vmul.f32 v32, v5;
	[tilespmem:s17+$0x90] =	vst v29  }
0x378: {  	v3 =	vmul.f32 v33, v6;
	[tilespmem:s17+$0xA0] =	vst v0  }
0x379: {  	v62 =	vmul.f32 v1, v4;
	[tilespmem:s17+$0xB0] =	vst v2  }
0x37a: {  	v63 =	vmul.f32 v34, v8;
	[tilespmem:s17+$0xC0] =	vst v3  }
.Ltmp8:
0x37b: {  	[tilespmem:s17+$0xD0] =	vst v62;
	(pc) =	sbr.rel @p2 .LBB2_14-.Ltmp8, $4  }
0x37c: {  	s2 =	simm.s32 $0x10A0;
	[tilespmem:s17+$0xE0] =	vst v63  }
0x37d: {  	[spmem:s3] =	stream.indirect.scatter.add.f32 [tilespmem:s2], [sflag:$0x5], $0x80, s29, s13, $0xb8;
	[tilespmem:$0x1F800] =	vst v63  }
0x37e: {  	_ = 	snop  }
0x37f: {  	[spmem:s1] =	stream.indirect.scatter.add.f32 [tilespmem:s31], [sflag:$0x5], $0x10, s29, s13, $0xb8;
	[tilespmem:$0x1F800] =	vst v63  }
0x380: {  	_ =	swait.ge [sflag:s0], $0x3800  }
0x381: {  	[sflag:s0] =	ssyncset.done $0x0  }
0x382: {  	s2 =	sshll.u32 s12, $0x5;
	[sflag:s0] =	ssyncadd.s32 $0xFFFFC800  }
0x383: {  	s5 =	sor.u32 s10, s2;
	_ =	swait.ge [sflag:s0], $0x700  }
0x384: {  	p2 =	sgt.u32 s5, $0xB28;
	[sflag:s0] =	ssyncset.done $0x0  }
0x385: {  	s2 =	simm.s32 @!p2 $0x2;
	[sflag:s0] =	ssyncadd.s32 $0xFFFFF900  }
0x386: {  	_ =	swait.ge @!p2 [sflag:s2], $0x70  }
0x387: {  	[sflag:s2] =	ssyncset.done @!p2 $0x0  }
0x388: {  	[sflag:s2] =	ssyncadd.s32 @!p2 $0xFFFFFF90  }
0x389: {  	_ =	swait.ge @!p2 [sflag:s2], $0x70  }
0x38a: {  	[sflag:s2] =	ssyncset.done @!p2 $0x0  }
0x38b: {  	[sflag:s2] =	ssyncadd.s32 @!p2 $0xFFFFFF90  }
0x38c: {  	_ =	swait.ge @!p2 [sflag:s2], $0x70  }
0x38d: {  	[sflag:s2] =	ssyncset.done @!p2 $0x0  }
0x38e: {  	s19 =	simm.s32 $0x8EC0;
	[sflag:s2] =	ssyncadd.s32 @!p2 $0xFFFFFF90  }
0x38f: {  	v0 =	vld [tilespmem:s19+$0x0]  }
0x390: {  	v1 =	vld [tilespmem:s19+$0xFFFFFFF0];
	_ =	sdelay $0x2  }
0x391: {  	s25 =	simm.s32 $0x10  }
0x392: {  	s26 =	simm.s32 $0x8F30;
	[tilespmem:s25+$0x0] =	vst v0  }
0x393: {  	[tilespmem:s25+$0xFFFFFFF0] =	vst v1;
	v0 =	vld [tilespmem:s26+$0x0]  }
0x394: {  	v1 =	vld [tilespmem:s26+$0xFFFFFFF0]  }
0x395: {  	s30 =	simm.s32 $0x8EE0  }
0x396: {  	v2 =	vld [tilespmem:s30+$0x0]  }
0x397: {  	s12 =	simm.s32 $0xF0;
	v3 =	vld [tilespmem:s30+$0xFFFFFFF0]  }
0x398: {  	s17 =	simm.s32 $0x8FA0;
	[tilespmem:s12+$0x0] =	vst v0  }
0x399: {  	[tilespmem:s12+$0xFFFFFFF0] =	vst v1;
	v0 =	vld [tilespmem:s17+$0x0]  }
0x39a: {  	s19 =	simm.s32 $0x30;
	v1 =	vld [tilespmem:s17+$0xFFFFFFF0]  }
0x39b: {  	[tilespmem:s19+$0x0] =	vst v2;
	s25 =	simm.s32 $0x8F50  }
0x39c: {  	[tilespmem:s19+$0xFFFFFFF0] =	vst v3;
	v5 =	vld [tilespmem:s25+$0x0]  }
0x39d: {  	s18 =	simm.s32 $0x1D0;
	v4 =	vld [tilespmem:s25+$0xFFFFFFF0]  }
0x39e: {  	s2 =	simm.s32 $0x8F00;
	s26 =	simm.s32 $0x2;
	[tilespmem:s18+$0x0] =	vst v0  }
.LBB2_12:
0x39f: {  	v0 =	vld [tilespmem:s2+$0x0];
	s26 =	sadd.s32 $0x2, s26;
	[tilespmem:s18+$0xFFFFFFF0] =	vst v1  }
0x3a0: {  	s12 =	sadd.s32 $0x20, s12;
	v2 =	vld [tilespmem:s2+$0xFFFFFFF0];
	p2 =	slt.u32 s26, $0x4  }
0x3a1: {  	s17 =	sadd.s32 $0x20, s17;
	[tilespmem:s12+$0x0] =	vst v5  }
0x3a2: {  	[tilespmem:s12+$0xFFFFFFF0] =	vst v4;
	v3 =	vld [tilespmem:s17+$0x0]  }
.Ltmp9:
0x3a3: {  	s19 =	sadd.s32 $0x20, s19;
	v1 =	vld [tilespmem:s17+$0xFFFFFFF0];
	(pc) =	sbr.rel @p2 .LBB2_12-.Ltmp9, $4  }
0x3a4: {  	s25 =	sadd.s32 $0x20, s25;
	[tilespmem:s19+$0x0] =	vst v0  }
0x3a5: {  	[tilespmem:s19+$0xFFFFFFF0] =	vst v2;
	v5 =	vld [tilespmem:s25+$0x0]  }
0x3a6: {  	s18 =	sadd.s32 $0x20, s18;
	v4 =	vld [tilespmem:s25+$0xFFFFFFF0]  }
0x3a7: {  	s2 =	sadd.s32 $0x20, s2;
	[tilespmem:s18+$0x0] =	vst v3  }
0x3a8: {  	_ = 	snop  }
0x3a9: {  	s2 =	sadd.s32 $0x20, s12  }
0x3aa: {  	s25 =	sadd.s32 $0x20, s17;
	[tilespmem:s2+$0x0] =	vst v5  }
0x3ab: {  	[tilespmem:s2+$0xFFFFFFF0] =	vst v4;
	v0 =	vld [tilespmem:s25+$0x0]  }
0x3ac: {  	v2 =	vld [tilespmem:s25+$0xFFFFFFF0];
	_ =	sdelay $0x2  }
0x3ad: {  	[tilespmem:s18+$0xFFFFFFF0] =	vst v1;
	s26 =	sadd.s32 $0x20, s18  }
0x3ae: {  	[tilespmem:s26+$0x0] =	vst v0  }
0x3af: {  	[tilespmem:s26+$0xFFFFFFF0] =	vst v2  }
0x3b0: {  	v0 =	vld [tilespmem:$0x8F10]  }
0x3b1: {  	v1 =	vld [tilespmem:$0x8F80]  }
0x3b2: {  	v2 =	vld [tilespmem:$0x8FF0];
	_ =	sdelay $0x2  }
0x3b3: {  	[tilespmem:$0x60] =	vst v0  }
0x3b4: {  	p2 =	sgt.u32 s5, $0xB29;
	[tilespmem:$0x140] =	vst v1  }
0x3b5: {  	s5 =	simm.s32 @!p2 $0x0;
	s12 =	simm.s32 @!p2 $0x2A0;
	s2 =	simm.s32 @!p2 $0x70;
	[tilespmem:$0x220] =	vst v2  }
0x3b6: {  	[tilespmem:s12], [sflag:$0x3] =	stream.indirect.gather @!p2 [hbm4b:s8+s2], $0x8, s5, s2, $0xb8;
	[tilespmem:$0x1F800] =	vst v63  }
0x3b7: {  	s17 =	simm.s32 @!p2 $0x9A0;
	s30 =	sld [smem:$0x7FD];
	s12 =	simm.s32 @!p2 $0xE0  }
0x3b8: {  	[tilespmem:s17], [sflag:$0x3] =	stream.indirect.gather @!p2 [hbm4b:s9+s2], $0x8, s12, s2, $0xb8;
	[tilespmem:$0x1F800] =	vst v63  }
0x3b9: {  	s12 =	simm.s32 @!p2 $0x10A0;
	s17 =	rddreg [dreg:$0x1]  }
0x3ba: {  	[tilespmem:s12], [sflag:$0x3] =	stream.indirect.gather @!p2 [hbm4b:s17+s2], $0x80, s5, s2, $0xb8;
	[tilespmem:$0x1F800] =	vst v63  }
0x3bb: {  	s2 =	sadd.s32 s30, s4  }
0x3bc: {  	p2 =	sgt.u32 s2, $0xB28  }
0x3bd: {  	p3 =	sne.s32 @p2 s2, $0xB29  }
0x3be: {  	p3 =	por p3, !p2  }
0x3bf: {  	s12 =	rddreg [dreg:$0xa];
	s4 =	simm.s32 @!p3 $0x0;
	s5 =	simm.s32 @!p3 $0x8EB0  }
0x3c0: {  	[tilespmem:s5], [sflag:$0x2] =	stream.linear.gather @!p3 [hbm4b:s12+s4], $0x10, $0x38;
	[tilespmem:$0x1F800] =	vst v63  }
0x3c1: {  	s2 =	smul.u32 @!p2 $0x70, s2;
	s5 =	simm.s32 @!p3 $0x8F20;
	s12 =	rddreg [dreg:$0xb]  }
0x3c2: {  	[tilespmem:s5], [sflag:$0x2] =	stream.linear.gather @!p3 [hbm4b:s12+s4], $0x10, $0x38;
	[tilespmem:$0x1F800] =	vst v63  }
0x3c3: {  	s2 =	sshrl.u32 @!p2 s2, $0x3;
	s5 =	simm.s32 @!p3 $0x8F90;
	s12 =	rddreg [dreg:$0xc]  }
0x3c4: {  	[tilespmem:s5], [sflag:$0x2] =	stream.linear.gather @!p3 [hbm4b:s12+s4], $0x10, $0x38;
	[tilespmem:$0x1F800] =	vst v63  }
0x3c5: {  	s4 =	sadd.s32 @!p2 s6, s2;
	s5 =	simm.s32 @!p2 $0x0;
	s12 =	simm.s32 @!p2 $0x8EB0  }
0x3c6: {  	[tilespmem:s12], [sflag:$0x2] =	stream.linear.gather @!p2 [hbm4b:s4+s5], $0x70, $0x38;
	[tilespmem:$0x1F800] =	vst v63  }
0x3c7: {  	s4 =	sadd.s32 @!p2 $0x9C40, s4;
	s12 =	simm.s32 @!p2 $0x8F20  }
0x3c8: {  	[tilespmem:s12], [sflag:$0x2] =	stream.linear.gather @!p2 [hbm4b:s4+s5], $0x70, $0x38;
	[tilespmem:$0x1F800] =	vst v63  }
0x3c9: {  	s2 =	sadd.s32 @!p2 s7, s2;
	s4 =	simm.s32 @!p2 $0x8F90  }
0x3ca: {  	[tilespmem:s4], [sflag:$0x2] =	stream.linear.gather @!p2 [hbm4b:s2+s5], $0x70, $0x38;
	[tilespmem:$0x1F800] =	vst v63  }
.LBB2_14:
.Ltmp10:
0x3cb: {  	(pc) =	sbr.rel @p1 .LBB2_20-.Ltmp10, $1  }
0x3cc: {  	_ =	sdelay $0x3  }
0x3cd: {  	[tilespmem:$0x1FE40] =	vst v22  }
0x3ce: {  	[tilespmem:$0x1FE50] =	vst v21  }
0x3cf: {  	[tilespmem:$0x1FE60] =	vst v20  }
0x3d0: {  	[tilespmem:$0x1FE70] =	vst v19  }
0x3d1: {  	[tilespmem:$0x1FE80] =	vst v18  }
0x3d2: {  	[tilespmem:$0x1FE90] =	vst v17  }
0x3d3: {  	[tilespmem:$0x1FEA0] =	vst v16  }
0x3d4: {  	_ =	swait.ge [sflag:s21], $0x380  }
0x3d5: {  	s2 =	simm.s32 $0x0;
	[sflag:s21] =	ssyncset.done $0x0  }
0x3d6: {  	v0 =	vor.u32 s2, v57;
	[sflag:s21] =	ssyncadd.s32 $0xFFFFFC80  }
0x3d7: {  	v32 =	vshll.u32 v0, $0x3;
	_ =	swait.ge [sflag:s21], $0x380  }
0x3d8: {  	[sflag:s21] =	ssyncset.done $0x0  }
0x3d9: {  	[sflag:s21] =	ssyncadd.s32 $0xFFFFFC80  }
0x3da: {  	s4 =	simm.s32 $0x240;
	v30 =	vld [tilespmem:$0x8EA0]  }
0x3db: {  	v24 =	vld [tilespmem:s4+$0xFFFFFFF0]  }
0x3dc: {  	v1 =	vld.idx.msk [tilespmem:v32+s22+$0x0], $0xffff  }
0x3dd: {  	v2 =	vld.idx.msk [tilespmem:v32+s23+$0x0], $0xffff  }
0x3de: {  	s5 =	simm.s32 $0x10  }
0x3df: {  	v5 =	vor.u32 s5, v57  }
0x3e0: {  	v4 =	vshll.u32 v5, $0x3;
	v3 =	vbroadcast v30, $0x0;
	_ =	sdelay $0x1  }
0x3e1: {  	v1 =	vadd.f32 v2, v1;
	v2 =	vmul.f32 v3, v24;
	_ =	sdelay $0x1  }
0x3e2: {  	v25 =	vld [tilespmem:s4+$0x0];
	v1 =	vadd.f32 v1, v2  }
0x3e3: {  	v6 =	vld.idx.msk [tilespmem:v4+s22+$0x0], $0xffff  }
0x3e4: {  	v7 =	vld.idx.msk [tilespmem:v4+s23+$0x0], $0xffff;
	v2 =	vmul.f32 $2.000000030e-01, v1  }
0x3e5: {  	vm0 =	vge.f32 v1, $0.0e+00  }
0x3e6: {  	v1 =	vsel vm0, v1, v2  }
0x3e7: {  	v1 =	vmul.f32 $1.442695020e+00, v1;
	_ =	sdelay $0x1  }
0x3e8: {  	v2 =	vmul.f32 v25, v3;
	(erf) = vpow2.f32 v1;
	v1 =	vadd.f32 v7, v6;
	_ =	sdelay $0x1  }
0x3e9: {  	v1 =	vadd.f32 v1, v2  }
0x3ea: {  	s25 =	smul.u32 $0x70, s11  }
0x3eb: {  	v2 =	vmul.f32 $2.000000030e-01, v1  }
0x3ec: {  	v16 =	vmov s25;
	vm0 =	vge.f32 v1, $0.0e+00  }
0x3ed: {  	v26 =	vshll.u32 v0, $0x4;
	v1 =	vsel vm0, v1, v2;
	v2 =	vadd.s32 s2, v16  }
0x3ee: {  	v0 =	vor.u32 $0x1, v32  }
0x3ef: {  	v1 =	vmul.f32 $1.442695020e+00, v1  }
0x3f0: {  	vm1 =	vlt.u32 v2, $0x4E200;
	v2 =	vpop (erf)  }
0x3f1: {  	(erf) = vpow2.f32 v1;
	v2 =	vnsel vm1, $0x0, v2  }
0x3f2: {  	[tilespmem:v26+s24+$0x0] =	vst.idx.msk $0xffff, v2  }
0x3f3: {  	v1 =	vld.idx.msk [tilespmem:v0+s22+$0x0], $0xffff  }
0x3f4: {  	v0 =	vld.idx.msk [tilespmem:v0+s23+$0x0], $0xffff;
	_ =	sdelay $0x2  }
0x3f5: {  	v3 =	vadd.s32 s5, v16;
	v6 =	vshll.u32 v5, $0x4;
	v2 =	vbroadcast v30, $0x1  }
0x3f6: {  	v5 =	vor.u32 $0x1, v4  }
0x3f7: {  	vm0 =	vlt.u32 v3, $0x4E200;
	v0 =	vadd.f32 v0, v1;
	v1 =	vmul.f32 v2, v24  }
0x3f8: {  	vm2 =	vmmov vm0;
	v3 =	vpop (erf)  }
0x3f9: {  	v0 =	vadd.f32 v0, v1;
	v1 =	vnsel vm2, $0x0, v3  }
0x3fa: {  	[tilespmem:v6+s24+$0x0] =	vst.idx.msk $0xffff, v1  }
0x3fb: {  	v1 =	vmul.f32 $2.000000030e-01, v0;
	v3 =	vld.idx.msk [tilespmem:v5+s22+$0x0], $0xffff  }
0x3fc: {  	vm3 =	vge.f32 v0, $0.0e+00;
	v5 =	vld.idx.msk [tilespmem:v5+s23+$0x0], $0xffff  }
0x3fd: {  	v0 =	vsel vm3, v0, v1  }
0x3fe: {  	v0 =	vmul.f32 $1.442695020e+00, v0;
	_ =	sdelay $0x1  }
0x3ff: {  	(erf) = vpow2.f32 v0  }
0x400: {  	v0 =	vmul.f32 v25, v2;
	v1 =	vadd.f32 v5, v3;
	_ =	sdelay $0x1  }
0x401: {  	v0 =	vadd.f32 v1, v0;
	_ =	sdelay $0x1  }
0x402: {  	v1 =	vmul.f32 $2.000000030e-01, v0  }
0x403: {  	v2 =	vor.u32 $0x1, v26;
	vm3 =	vge.f32 v0, $0.0e+00  }
0x404: {  	v3 =	vor.u32 $0x2, v32;
	v0 =	vsel vm3, v0, v1  }
0x405: {  	v0 =	vmul.f32 $1.442695020e+00, v0  }
0x406: {  	v1 =	vpop (erf)  }
0x407: {  	(erf) = vpow2.f32 v0;
	v1 =	vnsel vm1, $0x0, v1  }
0x408: {  	[tilespmem:v2+s24+$0x0] =	vst.idx.msk $0xffff, v1  }
0x409: {  	v0 =	vld.idx.msk [tilespmem:v3+s22+$0x0], $0xffff  }
0x40a: {  	v1 =	vld.idx.msk [tilespmem:v3+s23+$0x0], $0xffff;
	_ =	sdelay $0x2  }
0x40b: {  	v2 =	vbroadcast v30, $0x2;
	v3 =	vor.u32 $0x1, v6  }
0x40c: {  	v5 =	vor.u32 $0x2, v4  }
0x40d: {  	v0 =	vadd.f32 v1, v0;
	v1 =	vmul.f32 v2, v24  }
0x40e: {  	v7 =	vpop (erf)  }
0x40f: {  	v0 =	vadd.f32 v0, v1;
	v1 =	vnsel vm2, $0x0, v7  }
0x410: {  	[tilespmem:v3+s24+$0x0] =	vst.idx.msk $0xffff, v1  }
0x411: {  	v1 =	vmul.f32 $2.000000030e-01, v0;
	v3 =	vld.idx.msk [tilespmem:v5+s22+$0x0], $0xffff  }
0x412: {  	vm3 =	vge.f32 v0, $0.0e+00;
	v5 =	vld.idx.msk [tilespmem:v5+s23+$0x0], $0xffff  }
0x413: {  	v0 =	vsel vm3, v0, v1  }
0x414: {  	v0 =	vmul.f32 $1.442695020e+00, v0;
	_ =	sdelay $0x1  }
0x415: {  	(erf) = vpow2.f32 v0  }
0x416: {  	v0 =	vmul.f32 v25, v2;
	v1 =	vadd.f32 v5, v3  }
0x417: {  	s26 =	simm.s32 $0x20  }
0x418: {  	v2 =	vor.u32 s26, v57;
	v0 =	vadd.f32 v1, v0  }
0x419: {  	v29 =	vshll.u32 v2, $0x3  }
0x41a: {  	v1 =	vmul.f32 $2.000000030e-01, v0  }
0x41b: {  	v3 =	vor.u32 $0x2, v26;
	vm3 =	vge.f32 v0, $0.0e+00  }
0x41c: {  	v28 =	vld [tilespmem:$0x8EA0];
	s4 =	simm.s32 $0x260;
	v5 =	vor.u32 $0x3, v32;
	v0 =	vsel vm3, v0, v1  }
0x41d: {  	v27 =	vld [tilespmem:s4+$0xFFFFFFF0];
	v0 =	vmul.f32 $1.442695020e+00, v0  }
0x41e: {  	vm1 =	vmmov vm1;
	v7 =	vld.idx.msk [tilespmem:v29+s22+$0x0], $0xffff;
	v1 =	vpop (erf)  }
0x41f: {  	s30 =	simm.s32 $0x30;
	v10 =	vld.idx.msk [tilespmem:v29+s23+$0x0], $0xffff;
	(erf) = vpow2.f32 v0;
	v9 =	vnsel vm1, $0x0, v1  }
0x420: {  	v8 =	vor.u32 s30, v57;
	[tilespmem:v3+s24+$0x0] =	vst.idx.msk $0xffff, v9  }
0x421: {  	v1 =	vshll.u32 v8, $0x3;
	v0 =	vld.idx.msk [tilespmem:v5+s22+$0x0], $0xffff  }
0x422: {  	v3 =	vld.idx.msk [tilespmem:v5+s23+$0x0], $0xffff;
	v5 =	vbroadcast v28, $0x0;
	_ =	sdelay $0x1  }
0x423: {  	v7 =	vadd.f32 v10, v7;
	v9 =	vmul.f32 v5, v27  }
0x424: {  	v33 =	vld [tilespmem:s4+$0x0];
	v11 =	vbroadcast v30, $0x3;
	v12 =	vor.u32 $0x2, v6  }
0x425: {  	v10 =	vld.idx.msk [tilespmem:v1+s22+$0x0], $0xffff;
	v7 =	vadd.f32 v7, v9;
	v9 =	vor.u32 $0x3, v4  }
0x426: {  	v13 =	vld.idx.msk [tilespmem:v1+s23+$0x0], $0xffff;
	v0 =	vadd.f32 v3, v0;
	v3 =	vmul.f32 v11, v24  }
0x427: {  	vm4 =	vmmov vm2;
	v14 =	vmul.f32 $2.000000030e-01, v7;
	v15 =	vpop (erf)  }
0x428: {  	vm2 =	vge.f32 v7, $0.0e+00;
	v0 =	vadd.f32 v0, v3;
	v3 =	vnsel vm4, $0x0, v15  }
0x429: {  	v7 =	vsel vm2, v7, v14;
	[tilespmem:v12+s24+$0x0] =	vst.idx.msk $0xffff, v3  }
0x42a: {  	v3 =	vmul.f32 $2.000000030e-01, v0;
	v7 =	vmul.f32 $1.442695020e+00, v7;
	v12 =	vld.idx.msk [tilespmem:v9+s22+$0x0], $0xffff  }
0x42b: {  	v5 =	vmul.f32 v33, v5;
	v10 =	vadd.f32 v13, v10;
	vm2 =	vge.f32 v0, $0.0e+00;
	v9 =	vld.idx.msk [tilespmem:v9+s23+$0x0], $0xffff  }
0x42c: {  	v0 =	vsel vm2, v0, v3;
	(erf) = vpow2.f32 v7  }
0x42d: {  	v3 =	vadd.f32 v10, v5;
	v0 =	vmul.f32 $1.442695020e+00, v0;
	_ =	sdelay $0x1  }
0x42e: {  	(erf) = vpow2.f32 v0;
	v0 =	vmul.f32 $2.000000030e-01, v3  }
0x42f: {  	v5 =	vmul.f32 v25, v11;
	vm2 =	vge.f32 v3, $0.0e+00;
	v7 =	vadd.f32 v9, v12  }
0x430: {  	v0 =	vsel vm2, v3, v0  }
0x431: {  	v3 =	vadd.f32 v7, v5;
	v5 =	vadd.s32 s26, v16;
	v0 =	vmul.f32 $1.442695020e+00, v0;
	_ =	sdelay $0x1  }
0x432: {  	v31 =	vshll.u32 v2, $0x4;
	(erf) = vpow2.f32 v0;
	v0 =	vmul.f32 $2.000000030e-01, v3  }
0x433: {  	v2 =	vor.u32 $0x1, v29;
	vm2 =	vlt.u32 v5, $0x4E200;
	vm3 =	vge.f32 v3, $0.0e+00;
	v5 =	vpop (erf)  }
0x434: {  	v7 =	vor.u32 $0x3, v26;
	v0 =	vsel vm3, v3, v0;
	v3 =	vnsel vm2, $0x0, v5;
	_ =	sdelay $0x1  }
0x435: {  	v9 =	vor.u32 $0x4, v32  }
0x436: {  	[tilespmem:v31+s24+$0x0] =	vst.idx.msk $0xffff, v3;
	v3 =	vpop (erf)  }
0x437: {  	v0 =	vmul.f32 $1.442695020e+00, v0;
	v3 =	vnsel vm1, $0x0, v3  }
0x438: {  	v5 =	vld.idx.msk [tilespmem:v2+s22+$0x0], $0xffff;
	[tilespmem:v7+s24+$0x0] =	vst.idx.msk $0xffff, v3  }
0x439: {  	v8 =	vshll.u32 v8, $0x4;
	(erf) = vpow2.f32 v0;
	v0 =	vld.idx.msk [tilespmem:v2+s23+$0x0], $0xffff;
	[tilespmem:$0x1FEB0] =	vst v16  }
0x43a: {  	v2 =	vadd.s32 s30, v16;
	v3 =	vor.u32 $0x1, v1;
	v7 =	vld.idx.msk [tilespmem:v9+s22+$0x0], $0xffff  }
0x43b: {  	vm5 =	vlt.u32 v2, $0x4E200;
	v2 =	vld.idx.msk [tilespmem:v9+s23+$0x0], $0xffff  }
0x43c: {  	v10 =	vbroadcast v28, $0x1;
	vm3 =	vmmov vm5;
	v9 =	vpop (erf)  }
0x43d: {  	v9 =	vnsel vm3, $0x0, v9  }
0x43e: {  	v0 =	vadd.f32 v0, v5;
	v5 =	vmul.f32 v10, v27;
	[tilespmem:v8+s24+$0x0] =	vst.idx.msk $0xffff, v9;
	v9 =	vbroadcast v30, $0x4  }
0x43f: {  	v11 =	vor.u32 $0x3, v6;
	v12 =	vor.u32 $0x4, v4;
	v13 =	vld.idx.msk [tilespmem:v3+s22+$0x0], $0xffff  }
0x440: {  	v3 =	vld.idx.msk [tilespmem:v3+s23+$0x0], $0xffff;
	v0 =	vadd.f32 v0, v5;
	v2 =	vadd.f32 v2, v7;
	v7 =	vmul.f32 v9, v24;
	_ =	sdelay $0x1  }
0x441: {  	v5 =	vpop (erf);
	v2 =	vadd.f32 v2, v7;
	v7 =	vmul.f32 $2.000000030e-01, v0  }
0x442: {  	vm6 =	vge.f32 v0, $0.0e+00;
	v5 =	vnsel vm4, $0x0, v5  }
0x443: {  	v10 =	vmul.f32 v33, v10;
	[tilespmem:v11+s24+$0x0] =	vst.idx.msk $0xffff, v5;
	v5 =	vmul.f32 $2.000000030e-01, v2;
	v0 =	vsel vm6, v0, v7  }
0x444: {  	v3 =	vadd.f32 v3, v13;
	v11 =	vld.idx.msk [tilespmem:v12+s23+$0x0], $0xffff;
	vm6 =	vge.f32 v2, $0.0e+00;
	v0 =	vmul.f32 $1.442695020e+00, v0  }
0x445: {  	v7 =	vld.idx.msk [tilespmem:v12+s22+$0x0], $0xffff;
	v2 =	vsel vm6, v2, v5  }
0x446: {  	v2 =	vmul.f32 $1.442695020e+00, v2;
	(erf) = vpow2.f32 v0;
	v0 =	vadd.f32 v3, v10;
	_ =	sdelay $0x1  }
0x447: {  	(erf) = vpow2.f32 v2;
	v2 =	vmul.f32 $2.000000030e-01, v0  }
0x448: {  	vm6 =	vge.f32 v0, $0.0e+00  }
0x449: {  	v3 =	vmul.f32 v25, v9;
	v5 =	vadd.f32 v11, v7;
	v0 =	vsel vm6, v0, v2  }
0x44a: {  	v0 =	vmul.f32 $1.442695020e+00, v0  }
0x44b: {  	v2 =	vadd.f32 v5, v3;
	v3 =	vor.u32 $0x1, v31  }
0x44c: {  	v5 =	vor.u32 $0x2, v29;
	(erf) = vpow2.f32 v0  }
0x44d: {  	v7 =	vmul.f32 $2.000000030e-01, v2;
	v0 =	vor.u32 $0x4, v26  }
0x44e: {  	v10 =	vor.u32 $0x5, v32;
	vm6 =	vge.f32 v2, $0.0e+00;
	v9 =	vpop (erf)  }
0x44f: {  	v50 =	vor.u32 $0x6, v4;
	v2 =	vsel vm6, v2, v7;
	v7 =	vnsel vm2, $0x0, v9  }
0x450: {  	v46 =	vor.u32 $0x7, v4;
	v51 =	vor.u32 $0x5, v6;
	v47 =	vor.u32 $0x6, v6;
	v12 =	vpop (erf);
	[tilespmem:v3+s24+$0x0] =	vst.idx.msk $0xffff, v7  }
0x451: {  	v55 =	vor.u32 $0x2, v8;
	v2 =	vmul.f32 $1.442695020e+00, v2;
	v3 =	vnsel vm1, $0x0, v12;
	v7 =	vld.idx.msk [tilespmem:v5+s22+$0x0], $0xffff  }
0x452: {  	v54 =	vor.u32 $0x3, v1;
	v11 =	vor.u32 $0x5, v4;
	v4 =	vor.u32 $0x1, v8;
	[tilespmem:v0+s24+$0x0] =	vst.idx.msk $0xffff, v3;
	v0 =	vld.idx.msk [tilespmem:v5+s23+$0x0], $0xffff  }
0x453: {  	v53 =	vor.u32 $0x3, v8;
	v15 =	vor.u32 $0x9, v6;
	v3 =	vor.u32 $0x2, v1;
	v5 =	vld.idx.msk [tilespmem:v10+s22+$0x0], $0xffff  }
0x454: {  	v14 =	vor.u32 $0x8, v6;
	v9 =	vor.u32 $0x4, v6;
	v12 =	vor.u32 $0x7, v6;
	v6 =	vld.idx.msk [tilespmem:v10+s23+$0x0], $0xffff  }
0x455: {  	v52 =	vor.u32 $0x4, v1;
	v48 =	vor.u32 $0x4, v8;
	(erf) = vpow2.f32 v2;
	v2 =	vpop (erf)  }
0x456: {  	v49 =	vor.u32 $0x5, v1;
	v10 =	vbroadcast v28, $0x2;
	v2 =	vnsel vm3, $0x0, v2  }
0x457: {  	v45 =	vor.u32 $0x5, v8;
	v44 =	vor.u32 $0x6, v1;
	[tilespmem:v4+s24+$0x0] =	vst.idx.msk $0xffff, v2;
	v2 =	vbroadcast v30, $0x5  }
0x458: {  	v42 =	vor.u32 $0x6, v8;
	v0 =	vadd.f32 v0, v7;
	v4 =	vmul.f32 v10, v27;
	v7 =	vld.idx.msk [tilespmem:v3+s22+$0x0], $0xffff  }
0x459: {  	v43 =	vor.u32 $0x7, v1;
	v3 =	vld.idx.msk [tilespmem:v3+s23+$0x0], $0xffff;
	v5 =	vadd.f32 v6, v5;
	v6 =	vmul.f32 v2, v24  }
0x45a: {  	v40 =	vor.u32 $0x7, v8;
	v59 =	vor.u32 $0x8, v8;
	v0 =	vadd.f32 v0, v4  }
0x45b: {  	v39 =	vor.u32 $0x9, v8;
	v41 =	vsel vm5, $0x3F800000, v58;
	v1 =	vadd.f32 v5, v6  }
0x45c: {  	v13 =	vsel vm0, $0x3F800000, v58;
	vm0 =	vmmov vm1;
	v4 =	vmul.f32 $2.000000030e-01, v0  }
0x45d: {  	v5 =	vmul.f32 v33, v10;
	vm1 =	vge.f32 v0, $0.0e+00;
	v6 =	vmul.f32 $2.000000030e-01, v1  }
0x45e: {  	v8 =	vpop (erf);
	v0 =	vsel vm1, v0, v4;
	v3 =	vadd.f32 v3, v7;
	vm1 =	vge.f32 v1, $0.0e+00  }
0x45f: {  	v4 =	vnsel vm4, $0x0, v8;
	v0 =	vmul.f32 $1.442695020e+00, v0;
	v1 =	vsel vm1, v1, v6  }
0x460: {  	vm2 =	vmmov vm2;
	[tilespmem:v9+s24+$0x0] =	vst.idx.msk $0xffff, v4;
	v6 =	vadd.f32 v3, v5;
	v3 =	vmul.f32 $1.442695020e+00, v1  }
0x461: {  	v8 =	vmul.f32 v25, v2;
	vm1 =	vmmov vm4;
	v4 =	vld.idx.msk [tilespmem:v11+s23+$0x0], $0xffff;
	(erf) = vpow2.f32 v0  }
0x462: {  	s11 =	simm.s32 $0x50;
	s5 =	simm.s32 $0x2;
	v1 =	vld.idx.msk [tilespmem:v11+s22+$0x0], $0xffff;
	vm4 =	vge.f32 v6, $0.0e+00;
	v10 =	vmul.f32 $2.000000030e-01, v6;
	(erf) = vpow2.f32 v3  }
.LBB2_16:
0x463: {  	v38 =	vld [tilespmem:$0x1FEB0];
	_ =	sdelay $0x1  }
0x464: {  	s12 =	sadd.s32 $0xFFFFFFF0, s11  }
0x465: {  	v11 =	vor.u32 s12, v57  }
0x466: {  	v0 =	vor.u32 s11, v57;
	v9 =	vshll.u32 v11, $0x3  }
0x467: {  	v7 =	vshll.u32 v0, $0x4;
	v2 =	vadd.s32 s11, v38  }
0x468: {  	vm5 =	vlt.u32 v2, $0x4E200;
	v2 =	vshll.u32 v0, $0x3;
	v0 =	vor.u32 $0x2, v31  }
0x469: {  	[tilespmem:$0x1FE20] =	vst v15;
	v3 =	vadd.f32 v4, v1;
	v15 =	vor.u32 $0x3, v29;
	v1 =	vld [tilespmem:$0x8EA0];
	v4 =	vsel vm4, v6, v10  }
0x46a: {  	v10 =	vmul.f32 $1.442695020e+00, v4  }
0x46b: {  	v37 =	vor.u32 $0x5, v26;
	v35 =	vpop (erf);
	v20 =	vld.idx.msk [tilespmem:v9+s22+$0x0], $0xffff  }
0x46c: {  	s4 =	sadd.s32 $0x20, s4;
	v19 =	vor.u32 $0x6, v32;
	v57 =	vnsel vm2, $0x0, v35;
	(erf) = vpow2.f32 v10;
	v21 =	vld.idx.msk [tilespmem:v9+s23+$0x0], $0xffff  }
0x46d: {  	v36 =	vimm.f32 $0.0e+00;
	v6 =	vld [tilespmem:s4+$0xFFFFFFF0];
	v35 =	vbroadcast v28, $0x3;
	[tilespmem:v0+s24+$0x0] =	vst.idx.msk $0xffff, v57  }
0x46e: {  	v23 =	vor.u32 $0x9, v7;
	v34 =	vbroadcast v1, $0x0;
	v0 =	vadd.f32 v3, v8;
	v3 =	vpop (erf);
	v18 =	vld.idx.msk [tilespmem:v15+s22+$0x0], $0xffff  }
0x46f: {  	[tilespmem:$0x1FDF0] =	vst v12;
	v5 =	vor.u32 $0x1, v2;
	v58 =	vor.u32 $0x2, v2;
	v3 =	vnsel vm0, $0x0, v3;
	v15 =	vld.idx.msk [tilespmem:v15+s23+$0x0], $0xffff  }
0x470: {  	v17 =	vor.u32 $0x3, v2;
	v12 =	vor.u32 $0x4, v2;
	[tilespmem:v37+s24+$0x0] =	vst.idx.msk $0xffff, v3;
	v3 =	vmul.f32 $2.000000030e-01, v0  }
0x471: {  	[tilespmem:$0x1FE30] =	vst v23;
	v61 =	vor.u32 $0x5, v2;
	vm4 =	vge.f32 v0, $0.0e+00;
	v37 =	vadd.f32 v21, v20;
	v23 =	vld.idx.msk [tilespmem:v19+s22+$0x0], $0xffff  }
0x472: {  	v62 =	vsel vm5, $0x3F800000, v36;
	v36 =	vbroadcast v30, $0x6;
	v19 =	vld.idx.msk [tilespmem:v19+s23+$0x0], $0xffff;
	v0 =	vsel vm4, v0, v3  }
0x473: {  	v16 =	vor.u32 $0x6, v2;
	v21 =	vmul.f32 v34, v6;
	v0 =	vmul.f32 $1.442695020e+00, v0  }
0x474: {  	v56 =	vmovc v25;
	v25 =	vmovc v33;
	v8 =	vor.u32 $0x7, v2;
	v3 =	vld.idx.msk [tilespmem:v2+s22+$0x0], $0xffff;
	vm4 =	vmmov vm3;
	v15 =	vadd.f32 v15, v18  }
0x475: {  	v2 =	vld.idx.msk [tilespmem:v2+s23+$0x0], $0xffff;
	v18 =	vmul.f32 v35, v27;
	(erf) = vpow2.f32 v0;
	v0 =	vadd.f32 v37, v21;
	v37 =	vpop (erf)  }
0x476: {  	v33 =	vld [tilespmem:s4+$0x0];
	v21 =	vmul.f32 v25, v35;
	v35 =	vmul.f32 v36, v24;
	v20 =	vnsel vm4, $0x0, v37  }
0x477: {  	[tilespmem:$0x1FE00] =	vst v13;
	v15 =	vadd.f32 v15, v18;
	v18 =	vadd.f32 v19, v23;
	v37 =	vmul.f32 $2.000000030e-01, v0  }
0x478: {  	v13 =	vor.u32 $0x2, v7;
	vm3 =	vmmov vm5;
	[tilespmem:v55+s24+$0x0] =	vst.idx.msk $0xffff, v20;
	vm5 =	vge.f32 v0, $0.0e+00  }
0x479: {  	v55 =	vmovc v13;
	v19 =	vld.idx.msk [tilespmem:v54+s22+$0x0], $0xffff;
	v13 =	vmul.f32 $2.000000030e-01, v15;
	v18 =	vadd.f32 v18, v35;
	v0 =	vsel vm5, v0, v37  }
0x47a: {  	v2 =	vadd.f32 v2, v3;
	v37 =	vld.idx.msk [tilespmem:v54+s23+$0x0], $0xffff;
	vm5 =	vge.f32 v15, $0.0e+00;
	v0 =	vmul.f32 $1.442695020e+00, v0  }
0x47b: {  	v3 =	vmul.f32 v33, v34;
	v54 =	vmovc v17;
	v17 =	vsel vm5, v15, v13;
	v15 =	vmul.f32 $2.000000030e-01, v18  }
0x47c: {  	vm5 =	vge.f32 v18, $0.0e+00;
	(erf) = vpow2.f32 v0;
	v0 =	vmul.f32 $1.442695020e+00, v17  }
0x47d: {  	v2 =	vadd.f32 v2, v3;
	v3 =	vsel vm5, v18, v15  }
0x47e: {  	v13 =	vpop (erf);
	(erf) = vpow2.f32 v0;
	v0 =	vmul.f32 $1.442695020e+00, v3  }
0x47f: {  	v15 =	vadd.f32 v37, v19;
	v3 =	vnsel vm1, $0x0, v13;
	v13 =	vmul.f32 $2.000000030e-01, v2  }
0x480: {  	vm5 =	vge.f32 v2, $0.0e+00;
	[tilespmem:v51+s24+$0x0] =	vst.idx.msk $0xffff, v3;
	(erf) = vpow2.f32 v0  }
0x481: {  	v3 =	vld.idx.msk [tilespmem:v50+s22+$0x0], $0xffff;
	v0 =	vsel vm5, v2, v13;
	v2 =	vadd.f32 v15, v21  }
0x482: {  	v11 =	vshll.u32 v11, $0x4;
	v13 =	vld.idx.msk [tilespmem:v50+s23+$0x0], $0xffff;
	v0 =	vmul.f32 $1.442695020e+00, v0  }
0x483: {  	v20 =	vmul.f32 v56, v36;
	v50 =	vmovc v44;
	v44 =	vmovc v16;
	v15 =	vor.u32 $0x1, v9;
	v16 =	vmul.f32 $2.000000030e-01, v2  }
0x484: {  	v36 =	vadd.s32 s12, v38;
	(erf) = vpow2.f32 v0;
	v0 =	vor.u32 $0x3, v31  }
0x485: {  	v18 =	vor.u32 $0x4, v29;
	vm5 =	vlt.u32 v36, $0x4E200;
	vm6 =	vge.f32 v2, $0.0e+00;
	v17 =	vpop (erf)  }
0x486: {  	v2 =	vsel vm6, v2, v16;
	v37 =	vnsel vm5, $0x0, v17;
	v17 =	vor.u32 $0x6, v26  }
0x487: {  	v38 =	vor.u32 $0x7, v32;
	v2 =	vmul.f32 $1.442695020e+00, v2;
	v36 =	vadd.f32 v13, v3;
	[tilespmem:v11+s24+$0x0] =	vst.idx.msk $0xffff, v37;
	v16 =	vpop (erf)  }
0x488: {  	v13 =	vld.idx.msk [tilespmem:v15+s22+$0x0], $0xffff;
	v16 =	vnsel vm2, $0x0, v16  }
0x489: {  	(erf) = vpow2.f32 v2;
	v2 =	vld.idx.msk [tilespmem:v15+s23+$0x0], $0xffff;
	[tilespmem:v0+s24+$0x0] =	vst.idx.msk $0xffff, v16;
	v0 =	vadd.f32 v36, v20;
	v3 =	vpop (erf)  }
0x48a: {  	[tilespmem:$0x1FE10] =	vst v14;
	v32 =	vmov v29;
	v29 =	vmov v9;
	v9 =	vld.idx.msk [tilespmem:v18+s22+$0x0], $0xffff;
	v3 =	vnsel vm0, $0x0, v3  }
0x48b: {  	v63 =	vor.u32 $0x1, v7;
	v14 =	vor.u32 $0x3, v7;
	v15 =	vld.idx.msk [tilespmem:v18+s23+$0x0], $0xffff;
	[tilespmem:v17+s24+$0x0] =	vst.idx.msk $0xffff, v3;
	v3 =	vmul.f32 $2.000000030e-01, v0  }
0x48c: {  	v4 =	vor.u32 $0x4, v7;
	v22 =	vor.u32 $0x5, v7;
	vm6 =	vge.f32 v0, $0.0e+00;
	v16 =	vld.idx.msk [tilespmem:v38+s22+$0x0], $0xffff  }
0x48d: {  	v60 =	vor.u32 $0x7, v7;
	v10 =	vor.u32 $0x6, v7;
	v37 =	vld.idx.msk [tilespmem:v38+s23+$0x0], $0xffff;
	v17 =	vpop (erf);
	v0 =	vsel vm6, v0, v3  }
0x48e: {  	v3 =	vnsel vm3, $0x0, v17;
	v0 =	vmul.f32 $1.442695020e+00, v0;
	v17 =	vbroadcast v1, $0x1  }
0x48f: {  	v57 =	vor.u32 $0x8, v7;
	v38 =	vbroadcast v30, $0x7;
	[tilespmem:v7+s24+$0x0] =	vst.idx.msk $0xffff, v3;
	v7 =	vbroadcast v28, $0x4  }
0x490: {  	(erf) = vpow2.f32 v0;
	v0 =	vadd.f32 v2, v13;
	v2 =	vmul.f32 v17, v6  }
0x491: {  	v9 =	vadd.f32 v15, v9;
	v15 =	vmul.f32 v7, v27  }
0x492: {  	v3 =	vld.idx.msk [tilespmem:v5+s22+$0x0], $0xffff;
	v0 =	vadd.f32 v0, v2;
	v2 =	vadd.f32 v37, v16;
	v16 =	vmul.f32 v38, v24  }
0x493: {  	v30 =	vmov v28;
	v28 =	vmov v1;
	v5 =	vld.idx.msk [tilespmem:v5+s23+$0x0], $0xffff;
	v13 =	vpop (erf);
	v1 =	vadd.f32 v9, v15  }
0x494: {  	v9 =	vnsel vm4, $0x0, v13;
	v13 =	vmul.f32 $2.000000030e-01, v0;
	v2 =	vadd.f32 v2, v16  }
0x495: {  	v17 =	vmul.f32 v33, v17;
	vm6 =	vge.f32 v0, $0.0e+00;
	v15 =	vmul.f32 $2.000000030e-01, v1  }
0x496: {  	[tilespmem:v53+s24+$0x0] =	vst.idx.msk $0xffff, v9;
	v53 =	vmovc v14;
	v0 =	vsel vm6, v0, v13;
	vm6 =	vge.f32 v1, $0.0e+00;
	v14 =	vmul.f32 $2.000000030e-01, v2  }
0x497: {  	v16 =	vld.idx.msk [tilespmem:v52+s22+$0x0], $0xffff;
	v0 =	vmul.f32 $1.442695020e+00, v0;
	v1 =	vsel vm6, v1, v15;
	vm6 =	vge.f32 v2, $0.0e+00  }
0x498: {  	v3 =	vadd.f32 v5, v3;
	v13 =	vld.idx.msk [tilespmem:v52+s23+$0x0], $0xffff;
	v1 =	vmul.f32 $1.442695020e+00, v1;
	v2 =	vsel vm6, v2, v14  }
0x499: {  	v5 =	vpop (erf);
	(erf) = vpow2.f32 v0;
	v0 =	vmul.f32 $1.442695020e+00, v2  }
0x49a: {  	v3 =	vadd.f32 v3, v17;
	(erf) = vpow2.f32 v1  }
0x49b: {  	v2 =	vnsel vm1, $0x0, v5;
	(erf) = vpow2.f32 v0  }
0x49c: {  	[tilespmem:v47+s24+$0x0] =	vst.idx.msk $0xffff, v2;
	v0 =	vmul.f32 $2.000000030e-01, v3  }
0x49d: {  	v7 =	vmul.f32 v25, v7;
	vm6 =	vge.f32 v3, $0.0e+00;
	v2 =	vadd.f32 v13, v16;
	v1 =	vld.idx.msk [tilespmem:v46+s22+$0x0], $0xffff  }
0x49e: {  	v5 =	vld.idx.msk [tilespmem:v46+s23+$0x0], $0xffff;
	v0 =	vsel vm6, v3, v0  }
0x49f: {  	v2 =	vadd.f32 v2, v7;
	v3 =	vor.u32 $0x1, v11;
	v0 =	vmul.f32 $1.442695020e+00, v0  }
0x4a0: {  	v9 =	vmul.f32 v56, v38;
	v47 =	vmovc v42;
	v42 =	vmovc v10;
	v10 =	vor.u32 $0x2, v29;
	v7 =	vor.u32 $0x4, v31  }
0x4a1: {  	v46 =	vmovc v43;
	v43 =	vmovc v8;
	v8 =	vmul.f32 $2.000000030e-01, v2;
	(erf) = vpow2.f32 v0;
	v0 =	vor.u32 $0x7, v26  }
0x4a2: {  	v52 =	vmov v12;
	v14 =	vor.u32 $0x9, v26;
	vm6 =	vge.f32 v2, $0.0e+00;
	v12 =	vpop (erf)  }
0x4a3: {  	v2 =	vsel vm6, v2, v8;
	v1 =	vadd.f32 v5, v1;
	v15 =	vnsel vm5, $0x0, v12;
	v13 =	vpop (erf)  }
0x4a4: {  	v8 =	vor.u32 $0x8, v26;
	v2 =	vmul.f32 $1.442695020e+00, v2;
	[tilespmem:v3+s24+$0x0] =	vst.idx.msk $0xffff, v15;
	v3 =	vnsel vm2, $0x0, v13;
	v5 =	vpop (erf)  }
0x4a5: {  	v12 =	vor.u32 $0x5, v32;
	v1 =	vadd.f32 v1, v9;
	[tilespmem:v7+s24+$0x0] =	vst.idx.msk $0xffff, v3;
	v3 =	vnsel vm0, $0x0, v5  }
0x4a6: {  	v5 =	vld.idx.msk [tilespmem:v10+s22+$0x0], $0xffff;
	[tilespmem:v0+s24+$0x0] =	vst.idx.msk $0xffff, v3  }
0x4a7: {  	(erf) = vpow2.f32 v2;
	v2 =	vmul.f32 $2.000000030e-01, v1;
	v0 =	vimm.f32 $0.0e+00;
	v3 =	vld.idx.msk [tilespmem:v10+s23+$0x0], $0xffff  }
0x4a8: {  	vm6 =	vge.f32 v1, $0.0e+00;
	v0 =	vsel vm0, $0x3F800000, v0  }
0x4a9: {  	v1 =	vsel vm6, v1, v2;
	[tilespmem:v8+s24+$0x0] =	vst.idx.msk $0xffff, v0  }
0x4aa: {  	v7 =	vbroadcast v28, $0x2;
	v1 =	vmul.f32 $1.442695020e+00, v1;
	v0 =	vld.idx.msk [tilespmem:v12+s22+$0x0], $0xffff;
	[tilespmem:v14+s24+$0x0] =	vst.idx.msk $0xffff, v24  }
0x4ab: {  	v24 =	vmov v27;
	v27 =	vmov v6;
	v2 =	vld.idx.msk [tilespmem:v12+s23+$0x0], $0xffff  }
0x4ac: {  	v6 =	vpop (erf);
	(erf) = vpow2.f32 v1;
	v1 =	vadd.f32 v3, v5;
	v3 =	vmul.f32 v7, v27;
	_ =	sdelay $0x1  }
0x4ad: {  	v3 =	vadd.f32 v1, v3  }
0x4ae: {  	vm0 =	vmmov vm2;
	v6 =	vnsel vm3, $0x0, v6  }
0x4af: {  	vm2 =	vmmov vm5;
	[tilespmem:v63+s24+$0x0] =	vst.idx.msk $0xffff, v6;
	v0 =	vadd.f32 v2, v0;
	v2 =	vpop (erf);
	v10 =	vmul.f32 $2.000000030e-01, v3  }
0x4b0: {  	v6 =	vbroadcast v30, $0x5;
	v5 =	vld.idx.msk [tilespmem:v58+s22+$0x0], $0xffff;
	v2 =	vnsel vm4, $0x0, v2;
	vm5 =	vge.f32 v3, $0.0e+00  }
0x4b1: {  	v9 =	vld.idx.msk [tilespmem:v58+s23+$0x0], $0xffff;
	[tilespmem:v48+s24+$0x0] =	vst.idx.msk $0xffff, v2;
	v2 =	vsel vm5, v3, v10  }
0x4b2: {  	v2 =	vmul.f32 $1.442695020e+00, v2  }
0x4b3: {  	v8 =	vmul.f32 v25, v6  }
0x4b4: {  	v1 =	vmul.f32 v6, v24;
	v6 =	vpop (erf);
	(erf) = vpow2.f32 v2;
	v2 =	vld [tilespmem:$0x1FDF0];
	_ =	sdelay $0x1  }
0x4b5: {  	v0 =	vadd.f32 v0, v1;
	_ =	sdelay $0x1  }
0x4b6: {  	v3 =	vmul.f32 $2.000000030e-01, v0  }
0x4b7: {  	vm5 =	vge.f32 v0, $0.0e+00  }
0x4b8: {  	v1 =	vld.idx.msk [tilespmem:v49+s22+$0x0], $0xffff;
	v0 =	vsel vm5, v0, v3  }
0x4b9: {  	v48 =	vmov v4;
	v4 =	vld.idx.msk [tilespmem:v49+s23+$0x0], $0xffff;
	v3 =	vnsel vm1, $0x0, v6;
	v0 =	vmul.f32 $1.442695020e+00, v0  }
0x4ba: {  	[tilespmem:v2+s24+$0x0] =	vst.idx.msk $0xffff, v3;
	v3 =	vld [tilespmem:$0x1FE10]  }
0x4bb: {  	(erf) = vpow2.f32 v0;
	v0 =	vld [tilespmem:$0x1FE20];
	_ =	sdelay $0x1  }
0x4bc: {  	v2 =	vld [tilespmem:$0x1FE00];
	_ =	sdelay $0x4  }
0x4bd: {  	s5 =	sadd.s32 $0x2, s5;
	[tilespmem:v3+s24+$0x0] =	vst.idx.msk $0xffff, v2  }
0x4be: {  	p1 =	slt.u32 s5, $0x4;
	[tilespmem:v0+s24+$0x0] =	vst.idx.msk $0xffff, v56;
	v0 =	vld [tilespmem:$0x1FE30]  }
.Ltmp11:
0x4bf: {  	v7 =	vmul.f32 v33, v7;
	v5 =	vadd.f32 v9, v5;
	(pc) =	sbr.rel @p1 .LBB2_16-.Ltmp11, $4  }
0x4c0: {  	v51 =	vmov v45;
	v45 =	vmov v22;
	v26 =	vmov v31  }
0x4c1: {  	v31 =	vmovc v11;
	v13 =	vmovc v41;
	v41 =	vmov v62;
	v15 =	vmov v39;
	v6 =	vadd.f32 v5, v7  }
0x4c2: {  	v14 =	vmovc v59;
	v59 =	vmovc v57;
	v57 =	vlaneseq.u32;
	v12 =	vmov v40;
	v40 =	vmov v60  }
0x4c3: {  	s11 =	sadd.s32 $0x20, s11;
	v49 =	vmovc v61;
	vm1 =	vmmov vm4;
	vm4 =	vge.f32 v6, $0.0e+00;
	v10 =	vmul.f32 $2.000000030e-01, v6;
	v39 =	vmovc v0  }
0x4c4: {  	_ = 	snop  }
0x4c5: {  	v0 =	vsel vm4, v6, v10  }
0x4c6: {  	v0 =	vmul.f32 $1.442695020e+00, v0;
	_ =	sdelay $0x1  }
0x4c7: {  	(erf) = vpow2.f32 v0;
	v0 =	vor.u32 $0x2, v31  }
0x4c8: {  	v2 =	vor.u32 $0x3, v29  }
0x4c9: {  	v3 =	vor.u32 $0x5, v26  }
0x4ca: {  	v5 =	vpop (erf);
	v6 =	vor.u32 $0x6, v32  }
0x4cb: {  	v5 =	vnsel vm2, $0x0, v5  }
0x4cc: {  	[tilespmem:v0+s24+$0x0] =	vst.idx.msk $0xffff, v5;
	v0 =	vpop (erf)  }
0x4cd: {  	v5 =	vld.idx.msk [tilespmem:v2+s22+$0x0], $0xffff;
	v0 =	vnsel vm0, $0x0, v0  }
0x4ce: {  	v1 =	vadd.f32 v4, v1;
	v2 =	vld.idx.msk [tilespmem:v2+s23+$0x0], $0xffff;
	[tilespmem:v3+s24+$0x0] =	vst.idx.msk $0xffff, v0  }
0x4cf: {  	v3 =	vld.idx.msk [tilespmem:v6+s22+$0x0], $0xffff  }
0x4d0: {  	vm3 =	vmmov vm3;
	v1 =	vadd.f32 v1, v8;
	v4 =	vld.idx.msk [tilespmem:v6+s23+$0x0], $0xffff;
	v0 =	vpop (erf)  }
0x4d1: {  	v6 =	vbroadcast v28, $0x3;
	v0 =	vnsel vm3, $0x0, v0  }
0x4d2: {  	v8 =	vbroadcast v30, $0x6;
	v9 =	vmul.f32 $2.000000030e-01, v1;
	[tilespmem:v55+s24+$0x0] =	vst.idx.msk $0xffff, v0  }
0x4d3: {  	vm8 =	vge.f32 v1, $0.0e+00;
	v2 =	vadd.f32 v2, v5;
	v5 =	vmul.f32 v6, v27;
	v0 =	vld.idx.msk [tilespmem:v54+s22+$0x0], $0xffff  }
0x4d4: {  	v1 =	vsel vm8, v1, v9;
	v7 =	vld.idx.msk [tilespmem:v54+s23+$0x0], $0xffff  }
0x4d5: {  	v2 =	vadd.f32 v2, v5;
	v3 =	vadd.f32 v4, v3;
	v4 =	vmul.f32 v8, v24  }
0x4d6: {  	v1 =	vmul.f32 $1.442695020e+00, v1  }
0x4d7: {  	v5 =	vmul.f32 v33, v6;
	v6 =	vmul.f32 $2.000000030e-01, v2;
	v3 =	vadd.f32 v3, v4  }
0x4d8: {  	(erf) = vpow2.f32 v1;
	vm9 =	vge.f32 v2, $0.0e+00  }
0x4d9: {  	v0 =	vadd.f32 v7, v0;
	v2 =	vsel vm9, v2, v6;
	v4 =	vmul.f32 $2.000000030e-01, v3  }
0x4da: {  	vm10 =	vge.f32 v3, $0.0e+00;
	v1 =	vmul.f32 $1.442695020e+00, v2  }
0x4db: {  	v0 =	vadd.f32 v0, v5;
	v2 =	vsel vm10, v3, v4  }
0x4dc: {  	(erf) = vpow2.f32 v1;
	v1 =	vmul.f32 $1.442695020e+00, v2  }
0x4dd: {  	v3 =	vmul.f32 $2.000000030e-01, v0  }
0x4de: {  	vm11 =	vge.f32 v0, $0.0e+00;
	(erf) = vpow2.f32 v1  }
0x4df: {  	v0 =	vsel vm11, v0, v3  }
0x4e0: {  	v0 =	vmul.f32 $1.442695020e+00, v0  }
0x4e1: {  	v1 =	vpop (erf)  }
0x4e2: {  	v1 =	vnsel vm1, $0x0, v1;
	(erf) = vpow2.f32 v0;
	v0 =	vor.u32 $0x3, v31;
	_ =	sdelay $0x2  }
0x4e3: {  	v2 =	vor.u32 $0x4, v29;
	[tilespmem:v51+s24+$0x0] =	vst.idx.msk $0xffff, v1;
	v1 =	vpop (erf)  }
0x4e4: {  	v3 =	vor.u32 $0x6, v26;
	v1 =	vnsel vm2, $0x0, v1  }
0x4e5: {  	v4 =	vor.u32 $0x7, v32;
	v5 =	vld.idx.msk [tilespmem:v50+s22+$0x0], $0xffff;
	[tilespmem:v0+s24+$0x0] =	vst.idx.msk $0xffff, v1;
	v0 =	vpop (erf)  }
0x4e6: {  	v6 =	vld.idx.msk [tilespmem:v50+s23+$0x0], $0xffff;
	v0 =	vnsel vm0, $0x0, v0;
	_ =	sdelay $0x1  }
0x4e7: {  	v1 =	vld.idx.msk [tilespmem:v2+s22+$0x0], $0xffff  }
0x4e8: {  	v2 =	vld.idx.msk [tilespmem:v2+s23+$0x0], $0xffff;
	[tilespmem:v3+s24+$0x0] =	vst.idx.msk $0xffff, v0;
	v0 =	vpop (erf)  }
0x4e9: {  	v3 =	vld.idx.msk [tilespmem:v4+s22+$0x0], $0xffff;
	v0 =	vnsel vm3, $0x0, v0  }
0x4ea: {  	v5 =	vadd.f32 v6, v5;
	v4 =	vld.idx.msk [tilespmem:v4+s23+$0x0], $0xffff;
	[tilespmem:v53+s24+$0x0] =	vst.idx.msk $0xffff, v0;
	v0 =	vmul.f32 v25, v8  }
0x4eb: {  	v7 =	vbroadcast v28, $0x4;
	v6 =	vld.idx.msk [tilespmem:v52+s22+$0x0], $0xffff  }
0x4ec: {  	v8 =	vld.idx.msk [tilespmem:v52+s23+$0x0], $0xffff;
	v0 =	vadd.f32 v5, v0  }
0x4ed: {  	v1 =	vadd.f32 v2, v1;
	v2 =	vmul.f32 v7, v27  }
0x4ee: {  	v5 =	vbroadcast v30, $0x7;
	v9 =	vmul.f32 $2.000000030e-01, v0  }
0x4ef: {  	v3 =	vadd.f32 v4, v3;
	vm12 =	vge.f32 v0, $0.0e+00  }
0x4f0: {  	v1 =	vadd.f32 v1, v2;
	v4 =	vmul.f32 v5, v24;
	v0 =	vsel vm12, v0, v9  }
0x4f1: {  	v2 =	vmul.f32 v33, v7;
	v6 =	vadd.f32 v8, v6;
	v0 =	vmul.f32 $1.442695020e+00, v0  }
0x4f2: {  	v3 =	vadd.f32 v3, v4;
	v4 =	vmul.f32 $2.000000030e-01, v1  }
0x4f3: {  	vm13 =	vge.f32 v1, $0.0e+00;
	v2 =	vadd.f32 v6, v2;
	(erf) = vpow2.f32 v0  }
0x4f4: {  	v1 =	vsel vm13, v1, v4;
	v0 =	vmul.f32 $2.000000030e-01, v3  }
0x4f5: {  	v1 =	vmul.f32 $1.442695020e+00, v1;
	v4 =	vmul.f32 $2.000000030e-01, v2  }
0x4f6: {  	vm14 =	vge.f32 v3, $0.0e+00;
	vm15 =	vge.f32 v2, $0.0e+00  }
0x4f7: {  	v0 =	vsel vm14, v3, v0;
	(erf) = vpow2.f32 v1;
	v1 =	vsel vm15, v2, v4  }
0x4f8: {  	v0 =	vmul.f32 $1.442695020e+00, v0;
	v1 =	vmul.f32 $1.442695020e+00, v1;
	_ =	sdelay $0x1  }
0x4f9: {  	(erf) = vpow2.f32 v0  }
0x4fa: {  	(erf) = vpow2.f32 v1  }
0x4fb: {  	v1 =	vpop (erf)  }
0x4fc: {  	v0 =	vor.u32 $0x4, v31;
	v1 =	vnsel vm1, $0x0, v1  }
0x4fd: {  	v2 =	vor.u32 $0x5, v29;
	_ =	sdelay $0x1  }
0x4fe: {  	[tilespmem:v47+s24+$0x0] =	vst.idx.msk $0xffff, v1;
	v1 =	vpop (erf)  }
0x4ff: {  	v3 =	vld.idx.msk [tilespmem:v46+s22+$0x0], $0xffff;
	v1 =	vnsel vm2, $0x0, v1  }
0x500: {  	v4 =	vld.idx.msk [tilespmem:v46+s23+$0x0], $0xffff;
	[tilespmem:v0+s24+$0x0] =	vst.idx.msk $0xffff, v1  }
0x501: {  	v6 =	vpop (erf);
	v0 =	vld.idx.msk [tilespmem:v2+s22+$0x0], $0xffff  }
0x502: {  	v2 =	vld.idx.msk [tilespmem:v2+s23+$0x0], $0xffff;
	v1 =	vpop (erf)  }
0x503: {  	v1 =	vnsel vm3, $0x0, v1  }
0x504: {  	[tilespmem:v48+s24+$0x0] =	vst.idx.msk $0xffff, v1  }
0x505: {  	v7 =	vbroadcast v28, $0x5;
	v1 =	vld.idx.msk [tilespmem:v49+s22+$0x0], $0xffff  }
0x506: {  	v5 =	vmul.f32 v25, v5;
	v3 =	vadd.f32 v4, v3;
	v8 =	vld.idx.msk [tilespmem:v49+s23+$0x0], $0xffff  }
0x507: {  	v0 =	vadd.f32 v2, v0;
	v2 =	vmul.f32 v7, v27  }
0x508: {  	v3 =	vadd.f32 v3, v5  }
0x509: {  	v0 =	vadd.f32 v0, v2  }
0x50a: {  	v4 =	vmul.f32 v33, v7;
	v2 =	vmul.f32 $2.000000030e-01, v3  }
0x50b: {  	vm8 =	vge.f32 v3, $0.0e+00;
	v1 =	vadd.f32 v8, v1;
	v5 =	vmul.f32 $2.000000030e-01, v0  }
0x50c: {  	v2 =	vsel vm8, v3, v2;
	vm9 =	vge.f32 v0, $0.0e+00  }
0x50d: {  	v2 =	vmul.f32 $1.442695020e+00, v2;
	v1 =	vadd.f32 v1, v4;
	v0 =	vsel vm9, v0, v5  }
0x50e: {  	v0 =	vmul.f32 $1.442695020e+00, v0  }
0x50f: {  	(erf) = vpow2.f32 v2;
	v3 =	vmul.f32 $2.000000030e-01, v1  }
0x510: {  	vm10 =	vge.f32 v1, $0.0e+00;
	(erf) = vpow2.f32 v0  }
0x511: {  	v0 =	vsel vm10, v1, v3  }
0x512: {  	v0 =	vmul.f32 $1.442695020e+00, v0;
	_ =	sdelay $0x1  }
0x513: {  	(erf) = vpow2.f32 v0;
	_ =	sdelay $0x1  }
0x514: {  	v0 =	vor.u32 $0x5, v31  }
0x515: {  	v1 =	vor.u32 $0x6, v29  }
0x516: {  	v2 =	vpop (erf)  }
0x517: {  	vm11 =	vmmov vm2;
	v3 =	vpop (erf)  }
0x518: {  	v3 =	vnsel vm11, $0x0, v3  }
0x519: {  	[tilespmem:v0+s24+$0x0] =	vst.idx.msk $0xffff, v3  }
0x51a: {  	v0 =	vld.idx.msk [tilespmem:v1+s22+$0x0], $0xffff  }
0x51b: {  	vm3 =	vmmov vm3;
	v1 =	vld.idx.msk [tilespmem:v1+s23+$0x0], $0xffff;
	v3 =	vpop (erf)  }
0x51c: {  	v3 =	vnsel vm3, $0x0, v3  }
0x51d: {  	[tilespmem:v45+s24+$0x0] =	vst.idx.msk $0xffff, v3  }
0x51e: {  	v4 =	vbroadcast v28, $0x6;
	v3 =	vld.idx.msk [tilespmem:v44+s22+$0x0], $0xffff  }
0x51f: {  	v5 =	vld.idx.msk [tilespmem:v44+s23+$0x0], $0xffff  }
0x520: {  	v7 =	vmul.f32 v4, v27;
	v0 =	vadd.f32 v1, v0;
	_ =	sdelay $0x1  }
0x521: {  	v0 =	vadd.f32 v0, v7;
	_ =	sdelay $0x1  }
0x522: {  	v1 =	vmul.f32 v33, v4;
	v3 =	vadd.f32 v5, v3;
	v4 =	vmul.f32 $2.000000030e-01, v0  }
0x523: {  	vm12 =	vge.f32 v0, $0.0e+00  }
0x524: {  	v1 =	vadd.f32 v3, v1;
	v0 =	vsel vm12, v0, v4  }
0x525: {  	v0 =	vmul.f32 $1.442695020e+00, v0  }
0x526: {  	v3 =	vmul.f32 $2.000000030e-01, v1  }
0x527: {  	vm13 =	vge.f32 v1, $0.0e+00;
	(erf) = vpow2.f32 v0  }
0x528: {  	v0 =	vsel vm13, v1, v3  }
0x529: {  	v0 =	vmul.f32 $1.442695020e+00, v0;
	_ =	sdelay $0x1  }
0x52a: {  	(erf) = vpow2.f32 v0;
	_ =	sdelay $0x1  }
0x52b: {  	v0 =	vor.u32 $0x6, v31  }
0x52c: {  	v1 =	vor.u32 $0x7, v29;
	_ =	sdelay $0x1  }
0x52d: {  	v3 =	vpop (erf)  }
0x52e: {  	v3 =	vnsel vm11, $0x0, v3  }
0x52f: {  	[tilespmem:v0+s24+$0x0] =	vst.idx.msk $0xffff, v3  }
0x530: {  	v0 =	vld.idx.msk [tilespmem:v1+s22+$0x0], $0xffff  }
0x531: {  	v1 =	vld.idx.msk [tilespmem:v1+s23+$0x0], $0xffff;
	v3 =	vpop (erf)  }
0x532: {  	v3 =	vnsel vm3, $0x0, v3  }
0x533: {  	[tilespmem:v42+s24+$0x0] =	vst.idx.msk $0xffff, v3  }
0x534: {  	v4 =	vbroadcast v28, $0x7;
	v3 =	vld.idx.msk [tilespmem:v43+s22+$0x0], $0xffff  }
0x535: {  	v5 =	vld.idx.msk [tilespmem:v43+s23+$0x0], $0xffff  }
0x536: {  	v0 =	vadd.f32 v1, v0;
	v1 =	vmul.f32 v4, v27;
	_ =	sdelay $0x1  }
0x537: {  	v0 =	vadd.f32 v0, v1;
	_ =	sdelay $0x1  }
0x538: {  	v1 =	vmul.f32 v33, v4;
	v3 =	vadd.f32 v5, v3;
	v4 =	vmul.f32 $2.000000030e-01, v0  }
0x539: {  	vm14 =	vge.f32 v0, $0.0e+00  }
0x53a: {  	v1 =	vadd.f32 v3, v1;
	v0 =	vsel vm14, v0, v4  }
0x53b: {  	v0 =	vmul.f32 $1.442695020e+00, v0  }
0x53c: {  	v3 =	vmul.f32 $2.000000030e-01, v1  }
0x53d: {  	v4 =	vor.u32 $0x7, v26;
	vm15 =	vge.f32 v1, $0.0e+00;
	(erf) = vpow2.f32 v0  }
0x53e: {  	v0 =	vsel vm15, v1, v3;
	v1 =	vor.u32 $0x8, v26  }
0x53f: {  	v0 =	vmul.f32 $1.442695020e+00, v0  }
0x540: {  	v5 =	vimm.f32 $0.0e+00  }
0x541: {  	v3 =	vor.u32 $0x9, v26;
	(erf) = vpow2.f32 v0;
	v0 =	vnsel vm0, $0x0, v6  }
0x542: {  	[tilespmem:v4+s24+$0x0] =	vst.idx.msk $0xffff, v0;
	v0 =	vsel vm0, $0x3F800000, v5  }
0x543: {  	[tilespmem:v1+s24+$0x0] =	vst.idx.msk $0xffff, v0;
	v0 =	vor.u32 $0x7, v31;
	_ =	sdelay $0x2  }
0x544: {  	v1 =	vnsel vm1, $0x0, v2;
	v2 =	vor.u32 $0x8, v31;
	[tilespmem:v3+s24+$0x0] =	vst.idx.msk $0xffff, v24;
	v3 =	vpop (erf)  }
0x545: {  	[tilespmem:v12+s24+$0x0] =	vst.idx.msk $0xffff, v1;
	v1 =	vor.u32 $0x9, v31;
	v3 =	vnsel vm11, $0x0, v3  }
0x546: {  	[tilespmem:v0+s24+$0x0] =	vst.idx.msk $0xffff, v3;
	v0 =	vsel vm11, $0x3F800000, v5  }
0x547: {  	[tilespmem:v14+s24+$0x0] =	vst.idx.msk $0xffff, v13  }
0x548: {  	[tilespmem:v15+s24+$0x0] =	vst.idx.msk $0xffff, v25  }
0x549: {  	[tilespmem:v2+s24+$0x0] =	vst.idx.msk $0xffff, v0;
	v0 =	vpop (erf)  }
0x54a: {  	[tilespmem:v1+s24+$0x0] =	vst.idx.msk $0xffff, v27;
	v0 =	vnsel vm3, $0x0, v0  }
0x54b: {  	[tilespmem:v40+s24+$0x0] =	vst.idx.msk $0xffff, v0  }
0x54c: {  	[tilespmem:v59+s24+$0x0] =	vst.idx.msk $0xffff, v41  }
0x54d: {  	[tilespmem:v39+s24+$0x0] =	vst.idx.msk $0xffff, v33  }
0x54e: {  	v3 =	vld [tilespmem:$0x1FF30];
	_ =	sdelay $0x5  }
0x54f: {  	v0 =	vld [tilespmem:$0x290]  }
0x550: {  	v1 =	vld [tilespmem:$0x8EA0]  }
0x551: {  	v2 =	vld.idx.msk [tilespmem:v3+s22+$0x0], $0xffff  }
0x552: {  	v3 =	vld.idx.msk [tilespmem:v3+s23+$0x0], $0xffff;
	_ =	sdelay $0x2  }
0x553: {  	v4 =	vbroadcast v1, $0x0;
	_ =	sdelay $0x1  }
0x554: {  	v2 =	vadd.f32 v3, v2;
	v3 =	vmul.f32 v4, v0;
	_ =	sdelay $0x1  }
0x555: {  	v2 =	vadd.f32 v2, v3;
	_ =	sdelay $0x1  }
0x556: {  	v3 =	vmul.f32 $2.000000030e-01, v2  }
0x557: {  	vm7 =	vge.f32 v2, $0.0e+00  }
0x558: {  	v2 =	vsel vm7, v2, v3  }
0x559: {  	v2 =	vmul.f32 $1.442695020e+00, v2  }
0x55a: {  	v3 =	vld [tilespmem:$0x1FEB0]  }
0x55b: {  	(erf) = vpow2.f32 v2;
	v2 =	vld [tilespmem:$0x1FF20];
	_ =	sdelay $0x4  }
0x55c: {  	vm8 =	vlt.u32 v3, v2;
	v3 =	vld [tilespmem:$0x1FF40];
	_ =	sdelay $0x5  }
0x55d: {  	v2 =	vpop (erf)  }
0x55e: {  	v2 =	vnsel vm8, $0x0, v2  }
0x55f: {  	[tilespmem:v3+s24+$0x0] =	vst.idx.msk $0xffff, v2;
	v3 =	vld [tilespmem:$0x1FF50];
	_ =	sdelay $0x7  }
0x560: {  	v2 =	vld.idx.msk [tilespmem:v3+s22+$0x0], $0xffff  }
0x561: {  	v3 =	vld.idx.msk [tilespmem:v3+s23+$0x0], $0xffff;
	_ =	sdelay $0x2  }
0x562: {  	v4 =	vbroadcast v1, $0x1;
	_ =	sdelay $0x1  }
0x563: {  	v2 =	vadd.f32 v3, v2;
	v3 =	vmul.f32 v4, v0;
	_ =	sdelay $0x1  }
0x564: {  	v2 =	vadd.f32 v2, v3;
	_ =	sdelay $0x1  }
0x565: {  	v3 =	vmul.f32 $2.000000030e-01, v2  }
0x566: {  	vm9 =	vge.f32 v2, $0.0e+00  }
0x567: {  	v2 =	vsel vm9, v2, v3  }
0x568: {  	v2 =	vmul.f32 $1.442695020e+00, v2;
	_ =	sdelay $0x1  }
0x569: {  	(erf) = vpow2.f32 v2;
	_ =	sdelay $0x2  }
0x56a: {  	v3 =	vld [tilespmem:$0x1FF60];
	_ =	sdelay $0x5  }
0x56b: {  	v2 =	vpop (erf)  }
0x56c: {  	v2 =	vnsel vm8, $0x0, v2  }
0x56d: {  	[tilespmem:v3+s24+$0x0] =	vst.idx.msk $0xffff, v2;
	v3 =	vld [tilespmem:$0x1FF70];
	_ =	sdelay $0x7  }
0x56e: {  	v2 =	vld.idx.msk [tilespmem:v3+s22+$0x0], $0xffff  }
0x56f: {  	v3 =	vld.idx.msk [tilespmem:v3+s23+$0x0], $0xffff;
	_ =	sdelay $0x2  }
0x570: {  	v4 =	vbroadcast v1, $0x2;
	_ =	sdelay $0x1  }
0x571: {  	v2 =	vadd.f32 v3, v2;
	v3 =	vmul.f32 v4, v0;
	_ =	sdelay $0x1  }
0x572: {  	v2 =	vadd.f32 v2, v3;
	_ =	sdelay $0x1  }
0x573: {  	v3 =	vmul.f32 $2.000000030e-01, v2  }
0x574: {  	vm10 =	vge.f32 v2, $0.0e+00  }
0x575: {  	v2 =	vsel vm10, v2, v3  }
0x576: {  	v2 =	vmul.f32 $1.442695020e+00, v2;
	_ =	sdelay $0x1  }
0x577: {  	(erf) = vpow2.f32 v2;
	_ =	sdelay $0x2  }
0x578: {  	v3 =	vld [tilespmem:$0x1FF80];
	_ =	sdelay $0x5  }
0x579: {  	v2 =	vpop (erf)  }
0x57a: {  	v2 =	vnsel vm8, $0x0, v2  }
0x57b: {  	[tilespmem:v3+s24+$0x0] =	vst.idx.msk $0xffff, v2;
	v3 =	vld [tilespmem:$0x1FF90];
	_ =	sdelay $0x7  }
0x57c: {  	v2 =	vld.idx.msk [tilespmem:v3+s22+$0x0], $0xffff  }
0x57d: {  	v3 =	vld.idx.msk [tilespmem:v3+s23+$0x0], $0xffff;
	_ =	sdelay $0x2  }
0x57e: {  	v4 =	vbroadcast v1, $0x3;
	_ =	sdelay $0x1  }
0x57f: {  	v2 =	vadd.f32 v3, v2;
	v3 =	vmul.f32 v4, v0;
	_ =	sdelay $0x1  }
0x580: {  	v2 =	vadd.f32 v2, v3;
	_ =	sdelay $0x1  }
0x581: {  	v3 =	vmul.f32 $2.000000030e-01, v2  }
0x582: {  	vm11 =	vge.f32 v2, $0.0e+00  }
0x583: {  	v2 =	vsel vm11, v2, v3  }
0x584: {  	v2 =	vmul.f32 $1.442695020e+00, v2;
	_ =	sdelay $0x1  }
0x585: {  	(erf) = vpow2.f32 v2;
	_ =	sdelay $0x2  }
0x586: {  	v3 =	vld [tilespmem:$0x1FFA0];
	_ =	sdelay $0x5  }
0x587: {  	v2 =	vpop (erf)  }
0x588: {  	v2 =	vnsel vm8, $0x0, v2  }
0x589: {  	[tilespmem:v3+s24+$0x0] =	vst.idx.msk $0xffff, v2;
	v3 =	vld [tilespmem:$0x1FFB0];
	_ =	sdelay $0x7  }
0x58a: {  	v2 =	vld.idx.msk [tilespmem:v3+s22+$0x0], $0xffff  }
0x58b: {  	v3 =	vld.idx.msk [tilespmem:v3+s23+$0x0], $0xffff;
	_ =	sdelay $0x2  }
0x58c: {  	v4 =	vbroadcast v1, $0x4;
	_ =	sdelay $0x1  }
0x58d: {  	v2 =	vadd.f32 v3, v2;
	v3 =	vmul.f32 v4, v0;
	_ =	sdelay $0x1  }
0x58e: {  	v2 =	vadd.f32 v2, v3;
	_ =	sdelay $0x1  }
0x58f: {  	v3 =	vmul.f32 $2.000000030e-01, v2  }
0x590: {  	vm12 =	vge.f32 v2, $0.0e+00  }
0x591: {  	v2 =	vsel vm12, v2, v3  }
0x592: {  	v2 =	vmul.f32 $1.442695020e+00, v2;
	_ =	sdelay $0x1  }
0x593: {  	(erf) = vpow2.f32 v2;
	_ =	sdelay $0x2  }
0x594: {  	v3 =	vld [tilespmem:$0x1FFD0];
	_ =	sdelay $0x5  }
0x595: {  	v2 =	vpop (erf)  }
0x596: {  	v2 =	vnsel vm8, $0x0, v2  }
0x597: {  	[tilespmem:v3+s24+$0x0] =	vst.idx.msk $0xffff, v2;
	v3 =	vld [tilespmem:$0x1FFF0];
	_ =	sdelay $0x7  }
0x598: {  	v2 =	vld.idx.msk [tilespmem:v3+s22+$0x0], $0xffff  }
0x599: {  	v3 =	vld.idx.msk [tilespmem:v3+s23+$0x0], $0xffff;
	_ =	sdelay $0x2  }
0x59a: {  	v4 =	vbroadcast v1, $0x5;
	_ =	sdelay $0x1  }
0x59b: {  	v2 =	vadd.f32 v3, v2;
	v3 =	vmul.f32 v4, v0;
	_ =	sdelay $0x1  }
0x59c: {  	v2 =	vadd.f32 v2, v3;
	_ =	sdelay $0x1  }
0x59d: {  	v3 =	vmul.f32 $2.000000030e-01, v2  }
0x59e: {  	vm13 =	vge.f32 v2, $0.0e+00  }
0x59f: {  	v2 =	vsel vm13, v2, v3  }
0x5a0: {  	v2 =	vmul.f32 $1.442695020e+00, v2;
	_ =	sdelay $0x1  }
0x5a1: {  	(erf) = vpow2.f32 v2;
	_ =	sdelay $0x2  }
0x5a2: {  	v3 =	vld [tilespmem:$0x1FE90];
	_ =	sdelay $0x5  }
0x5a3: {  	v2 =	vpop (erf)  }
0x5a4: {  	v2 =	vnsel vm8, $0x0, v2  }
0x5a5: {  	[tilespmem:v3+s24+$0x0] =	vst.idx.msk $0xffff, v2;
	v3 =	vld [tilespmem:$0x1FEA0];
	_ =	sdelay $0x7  }
0x5a6: {  	v2 =	vld.idx.msk [tilespmem:v3+s22+$0x0], $0xffff  }
0x5a7: {  	v3 =	vld.idx.msk [tilespmem:v3+s23+$0x0], $0xffff;
	_ =	sdelay $0x2  }
0x5a8: {  	v4 =	vbroadcast v1, $0x6;
	_ =	sdelay $0x1  }
0x5a9: {  	v2 =	vadd.f32 v3, v2;
	v3 =	vmul.f32 v4, v0;
	_ =	sdelay $0x1  }
0x5aa: {  	v2 =	vadd.f32 v2, v3;
	_ =	sdelay $0x1  }
0x5ab: {  	v3 =	vmul.f32 $2.000000030e-01, v2  }
0x5ac: {  	vm14 =	vge.f32 v2, $0.0e+00  }
0x5ad: {  	v2 =	vsel vm14, v2, v3  }
0x5ae: {  	v2 =	vmul.f32 $1.442695020e+00, v2;
	_ =	sdelay $0x1  }
0x5af: {  	(erf) = vpow2.f32 v2;
	_ =	sdelay $0x2  }
0x5b0: {  	v3 =	vld [tilespmem:$0x1FE70];
	_ =	sdelay $0x5  }
0x5b1: {  	v2 =	vpop (erf)  }
0x5b2: {  	v2 =	vnsel vm8, $0x0, v2  }
0x5b3: {  	[tilespmem:v3+s24+$0x0] =	vst.idx.msk $0xffff, v2;
	v3 =	vld [tilespmem:$0x1FE80];
	_ =	sdelay $0x7  }
0x5b4: {  	v2 =	vld.idx.msk [tilespmem:v3+s22+$0x0], $0xffff  }
0x5b5: {  	v3 =	vld.idx.msk [tilespmem:v3+s23+$0x0], $0xffff;
	_ =	sdelay $0x2  }
0x5b6: {  	v1 =	vbroadcast v1, $0x7;
	_ =	sdelay $0x1  }
0x5b7: {  	v1 =	vmul.f32 v1, v0;
	v2 =	vadd.f32 v3, v2;
	_ =	sdelay $0x1  }
0x5b8: {  	v1 =	vadd.f32 v2, v1;
	_ =	sdelay $0x1  }
0x5b9: {  	v2 =	vmul.f32 $2.000000030e-01, v1  }
0x5ba: {  	vm15 =	vge.f32 v1, $0.0e+00  }
0x5bb: {  	v1 =	vsel vm15, v1, v2  }
0x5bc: {  	v1 =	vmul.f32 $1.442695020e+00, v1;
	_ =	sdelay $0x1  }
0x5bd: {  	(erf) = vpow2.f32 v1;
	_ =	sdelay $0x2  }
0x5be: {  	v2 =	vld [tilespmem:$0x1FE40];
	_ =	sdelay $0x5  }
0x5bf: {  	v1 =	vpop (erf)  }
0x5c0: {  	v1 =	vnsel vm8, $0x0, v1  }
0x5c1: {  	[tilespmem:v2+s24+$0x0] =	vst.idx.msk $0xffff, v1;
	v2 =	vld [tilespmem:$0x1FE60];
	_ =	sdelay $0x6  }
0x5c2: {  	v1 =	vsel vm8, $0x3F800000, v5  }
0x5c3: {  	[tilespmem:v2+s24+$0x0] =	vst.idx.msk $0xffff, v1;
	v1 =	vld [tilespmem:$0x1FE50];
	_ =	sdelay $0x7  }
0x5c4: {  	[tilespmem:v1+s24+$0x0] =	vst.idx.msk $0xffff, v0  }
0x5c5: {  	_ =	swait.ge [sflag:s21], $0x3800  }
0x5c6: {  	[sflag:s21] =	ssyncset.done $0x0  }
0x5c7: {  	s2 =	simm.s32 $0x87C0;
	[sflag:s21] =	ssyncadd.s32 $0xFFFFC800  }
0x5c8: {  	v0 =	vld [tilespmem:s2+$0x10]  }
0x5c9: {  	s4 =	simm.s32 $0x49A0;
	v1 =	vld [tilespmem:s2+$0xFFFFFFF0]  }
0x5ca: {  	v2 =	vld [tilespmem:s4+$0xF0]  }
0x5cb: {  	v3 =	vld [tilespmem:s2+$0x0]  }
0x5cc: {  	v4 =	vld [tilespmem:s2+$0xFFFFFFE0]  }
0x5cd: {  	v5 =	vld [tilespmem:s4+$0xFFFFFF00]  }
0x5ce: {  	v6 =	vld [tilespmem:s4+$0xFFFFFF10];
	v10 =	vbroadcast v0, $0x0  }
0x5cf: {  	v9 =	vld [tilespmem:s4+$0xFFFFFF20];
	v7 =	vbroadcast v0, $0x7;
	v8 =	vbroadcast v1, $0x0  }
0x5d0: {  	v13 =	vld [tilespmem:s4+$0xFFFFFF30];
	v11 =	vbroadcast v1, $0x1;
	v12 =	vbroadcast v1, $0x2  }
0x5d1: {  	v15 =	vld [tilespmem:s4+$0xFFFFFF40];
	v14 =	vbroadcast v1, $0x3;
	v16 =	vbroadcast v1, $0x4  }
0x5d2: {  	v18 =	vld [tilespmem:s4+$0xFFFFFF50];
	v17 =	vbroadcast v4, $0x0;
	v19 =	vbroadcast v4, $0x1  }
0x5d3: {  	v21 =	vld [tilespmem:s4+$0xFFFFFF60];
	v20 =	vbroadcast v4, $0x2;
	v22 =	vbroadcast v4, $0x3  }
0x5d4: {  	v24 =	vld [tilespmem:s4+$0xFFFFFF70];
	v23 =	vbroadcast v4, $0x4;
	v25 =	vbroadcast v4, $0x5  }
0x5d5: {  	v27 =	vld [tilespmem:s4+$0xFFFFFF80];
	v26 =	vbroadcast v4, $0x6;
	v28 =	vbroadcast v4, $0x7  }
0x5d6: {  	v30 =	vld [tilespmem:s4+$0xFFFFFF90];
	v29 =	vbroadcast v1, $0x5;
	v31 =	vbroadcast v1, $0x6  }
0x5d7: {  	v63 =	vld [tilespmem:s4+$0xFFFFFFA0];
	v32 =	vbroadcast v1, $0x7;
	v34 =	vbroadcast v3, $0x0  }
0x5d8: {  	v36 =	vld [tilespmem:s4+$0xFFFFFFB0];
	v35 =	vbroadcast v3, $0x1;
	v37 =	vbroadcast v3, $0x2  }
0x5d9: {  	v52 =	vld [tilespmem:s4+$0xFFFFFFC0];
	v38 =	vbroadcast v3, $0x3;
	v53 =	vbroadcast v3, $0x4  }
0x5da: {  	v55 =	vld [tilespmem:s4+$0xFFFFFFD0];
	v54 =	vbroadcast v3, $0x5;
	v56 =	vbroadcast v3, $0x6  }
0x5db: {  	v58 =	vld [tilespmem:s4+$0xFFFFFFE0];
	v59 =	vbroadcast v0, $0x1;
	v4 =	vbroadcast v0, $0x3  }
0x5dc: {  	v60 =	vld [tilespmem:s4+$0xFFFFFFF0];
	v1 =	vbroadcast v0, $0x5;
	v2 =	vmul.f32 v2, v7  }
0x5dd: {  	v61 =	vld [tilespmem:s4+$0x0];
	v7 =	vbroadcast v0, $0x2;
	v17 =	vmul.f32 v17, v5  }
0x5de: {  	v62 =	vld [tilespmem:s4+$0x10];
	v5 =	vbroadcast v0, $0x4;
	v9 =	vmul.f32 v9, v20;
	[tilespmem:s4+$0xF0] =	vst v2  }
0x5df: {  	v8 =	vmul.f32 v8, v27;
	v12 =	vmul.f32 v63, v12;
	v63 =	vld [tilespmem:s4+$0x90];
	[tilespmem:s4+$0xFFFFFF00] =	vst v17  }
0x5e0: {  	v11 =	vmul.f32 v30, v11;
	v2 =	vmul.f32 v6, v19;
	v17 =	vld [tilespmem:s4+$0x20];
	[tilespmem:s4+$0xFFFFFF20] =	vst v9  }
0x5e1: {  	v6 =	vbroadcast v0, $0x6;
	v0 =	vmul.f32 v13, v22;
	v9 =	vld [tilespmem:s4+$0x40];
	[tilespmem:s4+$0xFFFFFF80] =	vst v8  }
0x5e2: {  	v13 =	vmul.f32 v15, v23;
	v23 =	vmul.f32 v55, v29;
	v29 =	vld [tilespmem:s4+$0x80];
	[tilespmem:s4+$0xFFFFFF90] =	vst v11  }
0x5e3: {  	v3 =	vbroadcast v3, $0x7;
	v27 =	vmul.f32 v36, v14;
	[tilespmem:s4+$0xFFFFFF10] =	vst v2;
	v2 =	vld [tilespmem:s4+$0x30]  }
0x5e4: {  	v20 =	vmul.f32 v62, v35;
	v15 =	vmul.f32 v18, v25;
	[tilespmem:s4+$0xFFFFFF30] =	vst v0;
	v0 =	vld [tilespmem:s4+$0x50]  }
0x5e5: {  	v18 =	vmul.f32 v21, v26;
	v19 =	vmul.f32 v24, v28;
	[tilespmem:s4+$0xFFFFFF40] =	vst v13;
	v13 =	vld [tilespmem:s4+$0x60]  }
0x5e6: {  	v28 =	vmul.f32 v52, v16;
	v22 =	vmul.f32 v58, v31;
	[tilespmem:s4+$0xFFFFFF50] =	vst v15;
	v15 =	vld [tilespmem:s4+$0x70]  }
0x5e7: {  	v21 =	vmul.f32 v60, v32;
	v24 =	vld [tilespmem:s4+$0xA0];
	[tilespmem:s4+$0xFFFFFF70] =	vst v19;
	v19 =	vmul.f32 v34, v61  }
0x5e8: {  	v25 =	vld [tilespmem:s4+$0xB0];
	[tilespmem:s4+$0xFFFFFF60] =	vst v18;
	v18 =	vmul.f32 v17, v37;
	v16 =	vmul.f32 v9, v53  }
0x5e9: {  	[tilespmem:s4+$0xFFFFFFA0] =	vst v12;
	v26 =	vld [tilespmem:s4+$0xC0];
	v12 =	vmul.f32 v10, v29;
	v10 =	vmul.f32 v63, v59  }
0x5ea: {  	[tilespmem:s4+$0xFFFFFFB0] =	vst v27;
	v8 =	vld [tilespmem:s4+$0xD0];
	v17 =	vmul.f32 v2, v38;
	v14 =	vmul.f32 v0, v54  }
0x5eb: {  	s11 =	simm.s32 $0x0;
	s12 =	simm.s32 $0x8800;
	s5 =	simm.s32 $0x49A0;
	v27 =	vld [tilespmem:s4+$0xE0];
	v58 =	vimm.f32 $0.0e+00;
	[tilespmem:s4+$0xFFFFFFC0] =	vst v28;
	v11 =	vmul.f32 v13, v56;
	v9 =	vmul.f32 v15, v3  }
.LBB2_18:
0x5ec: {  	v0 =	vld [tilespmem:s12+$0x10];
	s11 =	sadd.s32 $0x4, s11;
	[tilespmem:s4+$0xFFFFFFD0] =	vst v23;
	v2 =	vmul.f32 v24, v7  }
0x5ed: {  	s4 =	sadd.s32 $0x200, s4;
	v3 =	vld [tilespmem:s12+$0xFFFFFFF0];
	p1 =	slt.u32 s11, $0x6C;
	[tilespmem:s5+$0xFFFFFFE0] =	vst v22;
	v4 =	vmul.f32 v25, v4  }
0x5ee: {  	v7 =	vld [tilespmem:s4+$0xF0];
	[tilespmem:s5+$0xFFFFFFF0] =	vst v21;
	v5 =	vmul.f32 v26, v5  }
0x5ef: {  	v13 =	vld [tilespmem:s12+$0x0];
	[tilespmem:s5+$0x0] =	vst v19;
	v1 =	vmul.f32 v8, v1  }
0x5f0: {  	v15 =	vld [tilespmem:s12+$0xFFFFFFE0];
	[tilespmem:s5+$0x10] =	vst v20;
	v6 =	vmul.f32 v27, v6  }
0x5f1: {  	v19 =	vld [tilespmem:s4+$0xFFFFFF00];
	v8 =	vbroadcast v0, $0x0;
	v20 =	vbroadcast v0, $0x7;
	[tilespmem:s5+$0x20] =	vst v18  }
0x5f2: {  	v18 =	vld [tilespmem:s4+$0xFFFFFF10];
	v21 =	vbroadcast v3, $0x0;
	v22 =	vbroadcast v3, $0x1;
	[tilespmem:s5+$0x30] =	vst v17  }
0x5f3: {  	v23 =	vbroadcast v3, $0x2;
	v17 =	vld [tilespmem:s4+$0xFFFFFF20];
	v7 =	vmul.f32 v7, v20;
	[tilespmem:s5+$0x40] =	vst v16  }
0x5f4: {  	v24 =	vbroadcast v3, $0x4;
	v20 =	vbroadcast v3, $0x3;
	v16 =	vld [tilespmem:s4+$0xFFFFFF30];
	[tilespmem:s5+$0x50] =	vst v14  }
0x5f5: {  	v14 =	vbroadcast v15, $0x0;
	v25 =	vbroadcast v15, $0x1;
	v26 =	vld [tilespmem:s4+$0xFFFFFF40];
	[tilespmem:s4+$0xF0] =	vst v7  }
0x5f6: {  	v27 =	vbroadcast v15, $0x2;
	v28 =	vbroadcast v15, $0x3;
	v29 =	vld [tilespmem:s4+$0xFFFFFF50];
	[tilespmem:s5+$0x60] =	vst v11  }
0x5f7: {  	v30 =	vbroadcast v15, $0x5;
	v11 =	vbroadcast v15, $0x4;
	v31 =	vld [tilespmem:s4+$0xFFFFFF60];
	[tilespmem:s5+$0x70] =	vst v9  }
0x5f8: {  	v9 =	vbroadcast v15, $0x6;
	v15 =	vbroadcast v15, $0x7;
	v32 =	vld [tilespmem:s4+$0xFFFFFF70];
	[tilespmem:s5+$0x80] =	vst v12  }
0x5f9: {  	v33 =	vbroadcast v3, $0x5;
	v34 =	vbroadcast v3, $0x6;
	v12 =	vld [tilespmem:s4+$0xFFFFFF80];
	[tilespmem:s5+$0x90] =	vst v10  }
0x5fa: {  	v3 =	vbroadcast v3, $0x7;
	v35 =	vbroadcast v13, $0x0;
	v10 =	vld [tilespmem:s4+$0xFFFFFF90];
	[tilespmem:s5+$0xA0] =	vst v2  }
0x5fb: {  	v36 =	vbroadcast v13, $0x1;
	v37 =	vbroadcast v13, $0x2;
	v2 =	vld [tilespmem:s4+$0xFFFFFFA0];
	[tilespmem:s5+$0xB0] =	vst v4  }
0x5fc: {  	v39 =	vbroadcast v13, $0x3;
	v40 =	vbroadcast v13, $0x4;
	v38 =	vld [tilespmem:s4+$0xFFFFFFB0];
	[tilespmem:s5+$0xC0] =	vst v5  }
0x5fd: {  	v42 =	vbroadcast v13, $0x5;
	v43 =	vbroadcast v13, $0x6;
	v41 =	vld [tilespmem:s4+$0xFFFFFFC0];
	[tilespmem:s5+$0xD0] =	vst v1  }
0x5fe: {  	v45 =	vbroadcast v0, $0x1;
	v13 =	vbroadcast v13, $0x7;
	v44 =	vld [tilespmem:s4+$0xFFFFFFD0];
	[tilespmem:s5+$0xE0] =	vst v6;
	s5 =	smov.u32 s4  }
0x5ff: {  	v7 =	vbroadcast v0, $0x2;
	v4 =	vbroadcast v0, $0x3;
	v46 =	vld [tilespmem:s4+$0xFFFFFFE0]  }
0x600: {  	v5 =	vbroadcast v0, $0x4;
	v1 =	vbroadcast v0, $0x5;
	v47 =	vld [tilespmem:s4+$0xFFFFFFF0]  }
0x601: {  	v14 =	vmul.f32 v14, v19;
	v6 =	vbroadcast v0, $0x6;
	v19 =	vld [tilespmem:s4+$0x0]  }
0x602: {  	v17 =	vmul.f32 v17, v27;
	v0 =	vmul.f32 v18, v25;
	v18 =	vld [tilespmem:s4+$0x10]  }
0x603: {  	v11 =	vmul.f32 v26, v11;
	[tilespmem:s4+$0xFFFFFF00] =	vst v14;
	v14 =	vmul.f32 v16, v28;
	v16 =	vld [tilespmem:s4+$0x20]  }
0x604: {  	v9 =	vmul.f32 v31, v9;
	[tilespmem:s4+$0xFFFFFF10] =	vst v0;
	v0 =	vmul.f32 v29, v30;
	v25 =	vld [tilespmem:s4+$0x30]  }
0x605: {  	v15 =	vmul.f32 v32, v15;
	v12 =	vmul.f32 v21, v12;
	[tilespmem:s4+$0xFFFFFF20] =	vst v17;
	v26 =	vld [tilespmem:s4+$0x40]  }
0x606: {  	v10 =	vmul.f32 v10, v22;
	v2 =	vmul.f32 v2, v23;
	[tilespmem:s4+$0xFFFFFF30] =	vst v14;
	v14 =	vld [tilespmem:s4+$0x50]  }
0x607: {  	v27 =	vmul.f32 v38, v20;
	v28 =	vmul.f32 v41, v24;
	[tilespmem:s4+$0xFFFFFF40] =	vst v11;
	v11 =	vld [tilespmem:s4+$0x60]  }
0x608: {  	v23 =	vmul.f32 v44, v33;
	v22 =	vmul.f32 v46, v34;
	[tilespmem:s4+$0xFFFFFF50] =	vst v0;
	v0 =	vld [tilespmem:s4+$0x70]  }
0x609: {  	v21 =	vmul.f32 v47, v3;
	v19 =	vmul.f32 v35, v19;
	[tilespmem:s4+$0xFFFFFF60] =	vst v9;
	v3 =	vld [tilespmem:s4+$0x80]  }
0x60a: {  	v20 =	vmul.f32 v18, v36;
	v18 =	vmul.f32 v16, v37;
	[tilespmem:s4+$0xFFFFFF70] =	vst v15;
	v15 =	vld [tilespmem:s4+$0x90]  }
.Ltmp12:
0x60b: {  	v17 =	vmul.f32 v25, v39;
	v16 =	vmul.f32 v26, v40;
	[tilespmem:s4+$0xFFFFFF80] =	vst v12;
	v24 =	vld [tilespmem:s4+$0xA0];
	(pc) =	sbr.rel @p1 .LBB2_18-.Ltmp12, $4  }
0x60c: {  	v14 =	vmul.f32 v14, v42;
	[tilespmem:s4+$0xFFFFFF90] =	vst v10;
	v11 =	vmul.f32 v11, v43;
	v25 =	vld [tilespmem:s4+$0xB0]  }
0x60d: {  	[tilespmem:s4+$0xFFFFFFA0] =	vst v2;
	v9 =	vmul.f32 v0, v13;
	v26 =	vld [tilespmem:s4+$0xC0]  }
0x60e: {  	[tilespmem:s4+$0xFFFFFFB0] =	vst v27;
	v12 =	vmul.f32 v8, v3;
	v8 =	vld [tilespmem:s4+$0xD0]  }
0x60f: {  	s12 =	sadd.s32 $0x40, s12;
	[tilespmem:s4+$0xFFFFFFC0] =	vst v28;
	v10 =	vmul.f32 v15, v45;
	v27 =	vld [tilespmem:s4+$0xE0]  }
0x610: {  	[tilespmem:s4+$0xFFFFFFD0] =	vst v23  }
0x611: {  	[tilespmem:s5+$0x0] =	vst v19  }
0x612: {  	[tilespmem:s5+$0x10] =	vst v20  }
0x613: {  	[tilespmem:s5+$0x20] =	vst v18  }
0x614: {  	[tilespmem:s5+$0x30] =	vst v17  }
0x615: {  	[tilespmem:s5+$0x40] =	vst v16  }
0x616: {  	[tilespmem:s5+$0x50] =	vst v14  }
0x617: {  	[tilespmem:s5+$0x60] =	vst v11  }
0x618: {  	[tilespmem:s5+$0x70] =	vst v9  }
0x619: {  	[tilespmem:s5+$0x80] =	vst v12  }
0x61a: {  	[tilespmem:s5+$0xFFFFFFE0] =	vst v22  }
0x61b: {  	v0 =	vmul.f32 v24, v7;
	[tilespmem:s5+$0xFFFFFFF0] =	vst v21  }
0x61c: {  	v2 =	vmul.f32 v25, v4;
	[tilespmem:s5+$0x90] =	vst v10  }
0x61d: {  	v3 =	vmul.f32 v26, v5;
	[tilespmem:s5+$0xA0] =	vst v0  }
0x61e: {  	v62 =	vmul.f32 v8, v1;
	[tilespmem:s5+$0xB0] =	vst v2  }
0x61f: {  	v63 =	vmul.f32 v27, v6;
	[tilespmem:s5+$0xC0] =	vst v3  }
.Ltmp13:
0x620: {  	[tilespmem:s5+$0xD0] =	vst v62;
	(pc) =	sbr.rel .LBB2_20-.Ltmp13, $4  }
0x621: {  	s2 =	simm.s32 $0x150;
	s30 =	simm.s32 $0x48A0;
	[tilespmem:s5+$0xE0] =	vst v63  }
0x622: {  	[spmem:s3] =	stream.indirect.scatter.add.f32 [tilespmem:s30], [sflag:$0x6], $0x80, s2, s13, $0xb8;
	[tilespmem:$0x1F800] =	vst v63  }
0x623: {  	_ = 	snop  }
0x624: {  	[spmem:s1] =	stream.indirect.scatter.add.f32 [tilespmem:s24], [sflag:$0x6], $0x10, s2, s13, $0xb8;
	[tilespmem:$0x1F800] =	vst v63  }
.LBB2_22:
0x625: {  	_ =	sfence.sel $0x180000  }
0x626: {  	[bflag:$0x0] =	sbarrier.arrive $0xFFFF  }
0x627: {  	_ =	strace $0x90000047  }
0x628: {  	s0 =	stileid.u32;
	[bflag:$0x2] =	sbarrier.arrive $0xFFFF  }
0x629: {  	p0 =	sne.s32 s0, $0x0;
	s0 =	rddreg [dreg:$0x4]  }
0x62a: {  	s0 =	sadd.s32 @!p0 $0x100000, s0  }
0x62b: {  	[sflag:s0] =	ssyncadd.tile.s32 @!p0 $0x1;
	_ =	shalt  }
.Lfunc_end2:
_tile_overlayer_lowered:
.L_overlay_start_2:
0x62c: {  	(tag) =	ssettag $0x2  }
0x62d: {  	s0 =	rddreg [dreg:$0x0];
	s2 =	stileid.u32  }
0x62e: {  	s1 =	rddreg [dreg:$0x1];
	p0 =	sne.s32 s2, $0x0  }
0x62f: {  	s3 =	rddreg [dreg:$0x2];
	[bflag:$0x3] =	sbarrier.arrive $0xFFFF;
	s2 =	simm.s32 @!p0 $0x1C07  }
0x630: {  	[timem:s3], [sflag:s2] =	dma.local @!p0 [hbm:s0], s1  }
0x631: {  	s0 =	simm.s32 @!p0 $0x7  }
0x632: {  	_ =	swait.ge @!p0 [sflag:s0], s1  }
0x633: {  	s1 =	ssub.s32 @!p0 $0x0, s1;
	[sflag:s0] =	ssyncset.done @!p0 $0x0  }
0x634: {  	[sflag:s0] =	ssyncadd.s32 @!p0 s1  }
0x635: {  	[bflag:$0x3] =	sbarrier.arrive $0xFFFF  }
0x636: {  	_ =	shalt  }

</sc_bundles>
